<compile_context>
chip_gen: v7x
topology: tpu7x:2x2x1
jax: 0.10.2.dev20260603
libtpu: 0.0.44.dev20260713+nightly
codegen_flags: <defaults>
</compile_context>

<pallas_src>
import functools
import math

import jax
import jax.numpy as jnp
from jax import lax
from jax.experimental import pallas as pl
from jax.experimental.pallas import tpu as pltpu
from jax.experimental.pallas import tpu_sc as plsc

B = 16
L = 2048
NB = 6
EMB = 64
NH = 16
TMAX = 1500.0

N = NB * L
NPAD = 16384
NROW = NPAD // 128
BIG = 9999999.0
PADKEY = 1.0e10
LOG2N = 14

TOK = 2048
NT = N // TOK


GRP = 4


def _sort_body(t_ref, m_ref, ms_ref, idx_ref):
    tv = t_ref[...]
    mv = m_ref[...]
    r = lax.broadcasted_iota(jnp.int32, (GRP, NROW, 128), 1)
    c = lax.broadcasted_iota(jnp.int32, (GRP, NROW, 128), 2)
    j = r * 128 + c

    key = jnp.concatenate(
        [jnp.where(mv > 0.0, tv, BIG),
         jnp.full((GRP, NROW - N // 128, 128), PADKEY, jnp.float32)], axis=1)
    idx = jnp.where(j < N, (j % NB) * L + j // NB, j)

    for k in range(1, LOG2N + 1):
        ksize = 1 << k
        for s in range(k - 1, -1, -1):
            d = 1 << s
            if d < 128:
                perm = c ^ d

                def xorshuf(A, perm=perm):
                    return jnp.take_along_axis(A, perm, axis=2)
            else:
                dr = d // 128
                bit = (r & dr) != 0

                def xorshuf(A, bit=bit, sh=dr):
                    return jnp.where(bit, jnp.roll(A, sh, axis=1),
                                     jnp.roll(A, -sh, axis=1))

            pk = xorshuf(key)
            pi = xorshuf(idx)
            a_lt_b = (key < pk) | ((key == pk) & (idx < pi))
            up = (j & ksize) == 0
            i_low = (j & d) == 0
            want_min = up == i_low
            take = a_lt_b ^ want_min
            key = jnp.where(take, pk, key)
            idx = jnp.where(take, pi, idx)

    idx_ref[...] = idx
    ms_ref[...] = jnp.where(key < 5.0e6, 1.0, 0.0)


def _film_body(t_ref, x_ref, i_ref, W_ref, o_ref):
    trow = t_ref[0, 0]
    xrow = x_ref[0, 0]
    band = i_ref[0, 0] >> 11
    sub = lax.broadcasted_iota(jnp.int32, (2 * NH, TOK), 0)
    hv = ((sub % NH) + 1).astype(jnp.float32) * (2.0 * math.pi / TMAX)
    th = trow * hv
    F = jnp.sin(th + jnp.where(sub < NH, 0.0, 0.5 * math.pi))
    bsub = lax.broadcasted_iota(jnp.int32, (8, TOK), 0)
    oh = (band == bsub).astype(jnp.float32)
    Fbig = jnp.concatenate(
        [F * (band == i).astype(jnp.float32) for i in range(NB)] + [oh],
        axis=0)
    big = jnp.dot(W_ref[...], Fbig, preferred_element_type=jnp.float32)
    outT = xrow * big[2 * EMB:, :] * big[:EMB, :] + big[EMB:2 * EMB, :]
    o_ref[0] = outT.T


def _sc_gather(xf, tf, idxf):
    info = plsc.get_sparse_core_info()
    nw = info.num_cores * info.num_subcores
    per_w = (B * N) // nw
    steps = per_w // 16
    mesh = plsc.VectorSubcoreMesh(core_axis_name="c", subcore_axis_name="s")
    sds = jax.ShapeDtypeStruct((B * N,), jnp.float32)

    @functools.partial(
        pl.kernel, mesh=mesh,
        compiler_params=pltpu.CompilerParams(needs_layout_passes=False),
        out_type=[sds, sds],
        scratch_types=[
            pltpu.VMEM((N,), jnp.float32),
            pltpu.VMEM((N,), jnp.float32),
            pltpu.VMEM((per_w,), jnp.int32),
            pltpu.VMEM((per_w,), jnp.float32),
            pltpu.VMEM((per_w,), jnp.float32),
        ],
    )
    def k(x_hbm, t_hbm, idx_hbm, ox_hbm, ot_hbm, xtab, ttab, idx_v, ox_v, ot_v):
        wid = lax.axis_index("s") * info.num_cores + lax.axis_index("c")
        row = wid // 2
        base = wid * per_w
        pltpu.sync_copy(x_hbm.at[pl.ds(row * N, N)], xtab)
        pltpu.sync_copy(t_hbm.at[pl.ds(row * N, N)], ttab)
        pltpu.sync_copy(idx_hbm.at[pl.ds(base, per_w)], idx_v)

        @plsc.parallel_loop(0, steps, unroll=8)
        def body(i):
            iv = idx_v[pl.ds(i * 16, 16)]
            ivl = (iv & (L - 1)) * NB + (iv >> 11)
            ox_v[pl.ds(i * 16, 16)] = plsc.load_gather(xtab, [ivl])
            ot_v[pl.ds(i * 16, 16)] = plsc.load_gather(ttab, [ivl])
        pltpu.sync_copy(ox_v, ox_hbm.at[pl.ds(base, per_w)])
        pltpu.sync_copy(ot_v, ot_hbm.at[pl.ds(base, per_w)])

    return k(xf, tf, idxf)


def kernel(x, t, mask, lin_w, a, b, w, v):
    tt = t.reshape(B, N // 128, 128)
    xx = x.reshape(B, N)
    mm = mask.reshape(B, N // 128, 128)

    in_blk = pl.BlockSpec((GRP, N // 128, 128), lambda bb: (bb, 0, 0))
    blk = pl.BlockSpec((GRP, NROW, 128), lambda bb: (bb, 0, 0))
    f32 = jnp.float32
    ms, idxs = pl.pallas_call(
        _sort_body,
        grid=(B // GRP,),
        in_specs=[in_blk, in_blk],
        out_specs=[blk, blk],
        out_shape=[
            jax.ShapeDtypeStruct((B, NROW, 128), f32),
            jax.ShapeDtypeStruct((B, NROW, 128), jnp.int32),
        ],
    )(tt, mm)

    ms2 = ms.reshape(B, NPAD)[:, :N]
    is2 = idxs.reshape(B, NPAD)[:, :N]

    xg, tg = _sc_gather(xx.reshape(B * N), t.reshape(B * N),
                        is2.reshape(B * N))
    xs2 = xg.reshape(B, N)
    ts2 = tg.reshape(B, N)

    Wg = jnp.concatenate([a, w], axis=1)
    Wb = jnp.concatenate([b, v], axis=1)
    Wcat = jnp.concatenate([Wg, Wb], axis=2)
    WcatT = Wcat.transpose(0, 2, 1)
    Whoriz = jnp.concatenate(list(WcatT), axis=1)
    lwT = lin_w[:, :, 0].T
    Wbig = jnp.zeros((3 * EMB, 200), f32)
    Wbig = Wbig.at[:2 * EMB, :192].set(Whoriz)
    Wbig = Wbig.at[2 * EMB:, 192:192 + NB].set(lwT)

    tok_blk = pl.BlockSpec((1, 1, 1, TOK), lambda bb, tb: (bb, tb, 0, 0))
    x_out = pl.pallas_call(
        _film_body,
        grid=(B, NT),
        in_specs=[
            tok_blk, tok_blk, tok_blk,
            pl.BlockSpec((3 * EMB, 200), lambda bb, tb: (0, 0)),
        ],
        out_specs=pl.BlockSpec((1, TOK, EMB), lambda bb, tb: (bb, tb, 0)),
        out_shape=jax.ShapeDtypeStruct((B, N, EMB), f32),
    )(ts2.reshape(B, NT, 1, TOK), xs2.reshape(B, NT, 1, TOK),
      is2.reshape(B, NT, 1, TOK), Wbig)

    return (x_out, ms2[..., None], ts2[..., None])

# --- scband reference (transcript-rebuilt; emitter-appended) ---
"""Pipeline reference for scband-time-handler-11673721111219 (READ-ONLY COPY).

The authoritative reference and input builder live on the scoring server;
editing this copy changes nothing except your own understanding.
"""

import jax, jax.numpy as jnp
import numpy as np

B = 16
L = 2048
NB = 6
EMB = 64
NH = 16
TMAX = 1500.0


def setup_inputs(seed: int = 0) -> dict:
    key = jax.random.key(seed)
    ks = jax.random.split(key, 9)
    x = jax.random.normal(ks[0], (B, L, NB), dtype=jnp.float32)
    # observation times in [0, Tmax)
    t = jax.random.uniform(ks[1], (B, L, NB), dtype=jnp.float32) * TMAX
    # binary validity mask (float, as in the original usage)
    mask = jax.random.randint(ks[2], (B, L, NB), 0, 2).astype(jnp.float32)
    # per-band TimeFilmModified parameters (clones -> independent params per band)
    lin_w = jax.random.normal(ks[3], (NB, EMB, 1), dtype=jnp.float32) * 0.1  # Linear(input_size=1, EMB, bias=False) weight
    a = jax.random.normal(ks[4], (NB, NH, EMB), dtype=jnp.float32) * 0.1    # sin -> gamma
    b = jax.random.normal(ks[5], (NB, NH, EMB), dtype=jnp.float32) * 0.1    # sin -> beta
    w = jax.random.normal(ks[6], (NB, NH, EMB), dtype=jnp.float32) * 0.1    # cos -> gamma
    v = jax.random.normal(ks[7], (NB, NH, EMB), dtype=jnp.float32) * 0.1    # cos -> beta
    return {"x": x, "t": t, "mask": mask, "lin_w": lin_w, "a": a, "b": b, "w": w, "v": v}


def reference(x, t, mask, lin_w, a, b, w, v):
    harm = jnp.arange(1, NH + 1, dtype=jnp.float32) * 2.0 * np.pi / TMAX  # [NH]
    x_mod = []
    t_mod = []
    m_mod = []
    for i in range(x.shape[-1]):
        xb = x[..., i:i + 1]        # [B, L, 1]
        tb = t[..., i:i + 1]        # [B, L, 1]
        mb = mask[..., i:i + 1]     # [B, L, 1]
        th = tb * harm              # [B, L, NH] broadcast of time harmonics
        s = jnp.sin(th)
        c = jnp.cos(th)
        gamma = s @ a[i] + c @ w[i]   # [B, L, EMB]
        beta = s @ b[i] + c @ v[i]    # [B, L, EMB]
        proj = xb @ lin_w[i].T        # [B, L, 1] @ [1, EMB] -> [B, L, EMB]
        x_mod.append(proj * gamma + beta)  # FiLM modulation (TimeFilmModified)
        t_mod.append(tb)
        m_mod.append(mb)
    x_cat = jnp.concatenate(x_mod, axis=1)   # [B, NB*L, EMB]
    t_cat = jnp.concatenate(t_mod, axis=1)   # [B, NB*L, 1]
    m_cat = jnp.concatenate(m_mod, axis=1)   # [B, NB*L, 1]
    keys_ = t_cat * m_cat + (1.0 - m_cat) * 9999999.0
    indexes = jnp.argsort(keys_, axis=1)     # [B, NB*L, 1]
    x_out = jnp.take_along_axis(x_cat, jnp.broadcast_to(indexes, x_cat.shape), axis=1)
    m_out = jnp.take_along_axis(m_cat, indexes, axis=1)
    t_out = jnp.take_along_axis(t_cat, indexes, axis=1)
    return (x_out, m_out, t_out)

if __name__ == "__main__":
    import jax
    _d = setup_inputs()
    print(jax.jit(kernel)(*tuple(_d.values())))

</pallas_src>

<mosaic_0001>
#map = affine_map<(d0, d1) -> (0)>
module attributes {stable_mosaic.version = 14 : i64} {
  func.func @k(%arg0: i32, %arg1: i32, %arg2: memref<196608xf32, #tpu.memory_space<hbm>>, %arg3: memref<196608xf32, #tpu.memory_space<hbm>>, %arg4: memref<196608xi32, #tpu.memory_space<hbm>>, %arg5: memref<196608xf32, #tpu.memory_space<hbm>>, %arg6: memref<196608xf32, #tpu.memory_space<hbm>>, %arg7: memref<12288xf32, #tpu.memory_space<vmem>>, %arg8: memref<12288xf32, #tpu.memory_space<vmem>>, %arg9: memref<6144xi32, #tpu.memory_space<vmem>>, %arg10: memref<6144xf32, #tpu.memory_space<vmem>>, %arg11: memref<6144xf32, #tpu.memory_space<vmem>>) attributes {dimension_semantics = [#tpu.dimension_semantics<core_parallel>, #tpu.dimension_semantics<subcore_parallel>], iteration_bounds = array<i64: 2, 16>, scalar_prefetch = 0 : i64, scratch_operands = 5 : i64, tpu.core_type = #tpu.core_type<sc_vector_subcore>, window_params = [{transform_indices = #map}, {transform_indices = #map}, {transform_indices = #map}, {transform_indices = #map}, {transform_indices = #map}]} {
    %mul3A = arith.constant 2 : i32
    %mul3A_0 = arith.muli %arg1, %mul3A : i32
    %add3A = arith.addi %mul3A_0, %arg0 : i32
    %jit3A = arith.constant 2 : i32
    %div3A = arith.divsi %add3A, %jit3A : i32
    %sign3A = arith.constant 0 : i32
    %sign3A_1 = arith.cmpi sgt, %add3A, %sign3A : i32
    %sign3A_2 = arith.extui %sign3A_1 : i1 to i32
    %sign3A_3 = arith.constant 0 : i32
    %sign3A_4 = arith.cmpi slt, %add3A, %sign3A_3 : i32
    %sign3A_5 = arith.extui %sign3A_4 : i1 to i32
    %sign3A_6 = arith.subi %sign3A_2, %sign3A_5 : i32
    %sign3A_7 = arith.constant 0 : i32
    %sign3A_8 = arith.cmpi sgt, %jit3A, %sign3A_7 : i32
    %sign3A_9 = arith.extui %sign3A_8 : i1 to i32
    %sign3A_10 = arith.constant 0 : i32
    %sign3A_11 = arith.cmpi slt, %jit3A, %sign3A_10 : i32
    %sign3A_12 = arith.extui %sign3A_11 : i1 to i32
    %sign3A_13 = arith.subi %sign3A_9, %sign3A_12 : i32
    %ne3A = arith.cmpi ne, %sign3A_6, %sign3A_13 : i32
    %rem3A = arith.remsi %add3A, %jit3A : i32
    %ne3A_14 = arith.constant 0 : i32
    %ne3A_15 = arith.cmpi ne, %rem3A, %ne3A_14 : i32
    %and3A = arith.andi %ne3A, %ne3A_15 : i1
    %sub3A = arith.constant 1 : i32
    %sub3A_16 = arith.subi %div3A, %sub3A : i32
    %select_n3A = arith.select %and3A, %sub3A_16, %div3A : i32
    %mul3A_17 = arith.constant 6144 : i32
    %mul3A_18 = arith.muli %add3A, %mul3A_17 : i32
    %mul3A_19 = arith.constant 12288 : i32
    %mul3A_20 = arith.muli %select_n3A, %mul3A_19 : i32
    "tpu.region"() ({
      %run_scoped3A = tpu.sem_alloc : memref<!tpu.dma_semaphore, #tpu.memory_space<semaphore_mem>>
      %dma_start3A = tpu.memref_slice %arg2[%mul3A_20] : memref<196608xf32, #tpu.memory_space<hbm>> -> memref<12288xf32, #tpu.memory_space<hbm>>
      %dma_start3A_25 = tpu.memref_slice %arg2[%mul3A_20] : memref<196608xf32, #tpu.memory_space<hbm>> -> memref<12288xf32, #tpu.memory_space<hbm>>
      tpu.enqueue_dma source(%dma_start3A_25 : memref<12288xf32, #tpu.memory_space<hbm>>) target(%arg7 : memref<12288xf32, #tpu.memory_space<vmem>>) target_semaphore(%run_scoped3A : memref<!tpu.dma_semaphore, #tpu.memory_space<semaphore_mem>>)
      %dma_wait3A = tpu.memref_slice %arg2[%mul3A_20] : memref<196608xf32, #tpu.memory_space<hbm>> -> memref<12288xf32, #tpu.memory_space<hbm>>
      %dma_wait3A_26 = tpu.memref_slice %arg2[%mul3A_20] : memref<196608xf32, #tpu.memory_space<hbm>> -> memref<12288xf32, #tpu.memory_space<hbm>>
      tpu.wait_dma2 semaphore(%run_scoped3A : memref<!tpu.dma_semaphore, #tpu.memory_space<semaphore_mem>>) src(%dma_wait3A_26 : memref<12288xf32, #tpu.memory_space<hbm>>) dst(%arg7 : memref<12288xf32, #tpu.memory_space<vmem>>)
      tpu.yield
    }) : () -> ()
    %mul3A_21 = arith.constant 12288 : i32
    %mul3A_22 = arith.muli %select_n3A, %mul3A_21 : i32
    "tpu.region"() ({
      %run_scoped3A = tpu.sem_alloc : memref<!tpu.dma_semaphore, #tpu.memory_space<semaphore_mem>>
      %dma_start3A = tpu.memref_slice %arg3[%mul3A_22] : memref<196608xf32, #tpu.memory_space<hbm>> -> memref<12288xf32, #tpu.memory_space<hbm>>
      %dma_start3A_25 = tpu.memref_slice %arg3[%mul3A_22] : memref<196608xf32, #tpu.memory_space<hbm>> -> memref<12288xf32, #tpu.memory_space<hbm>>
      tpu.enqueue_dma source(%dma_start3A_25 : memref<12288xf32, #tpu.memory_space<hbm>>) target(%arg8 : memref<12288xf32, #tpu.memory_space<vmem>>) target_semaphore(%run_scoped3A : memref<!tpu.dma_semaphore, #tpu.memory_space<semaphore_mem>>)
      %dma_wait3A = tpu.memref_slice %arg3[%mul3A_22] : memref<196608xf32, #tpu.memory_space<hbm>> -> memref<12288xf32, #tpu.memory_space<hbm>>
      %dma_wait3A_26 = tpu.memref_slice %arg3[%mul3A_22] : memref<196608xf32, #tpu.memory_space<hbm>> -> memref<12288xf32, #tpu.memory_space<hbm>>
      tpu.wait_dma2 semaphore(%run_scoped3A : memref<!tpu.dma_semaphore, #tpu.memory_space<semaphore_mem>>) src(%dma_wait3A_26 : memref<12288xf32, #tpu.memory_space<hbm>>) dst(%arg8 : memref<12288xf32, #tpu.memory_space<vmem>>)
      tpu.yield
    }) : () -> ()
    "tpu.region"() ({
      %run_scoped3A = tpu.sem_alloc : memref<!tpu.dma_semaphore, #tpu.memory_space<semaphore_mem>>
      %dma_start3A = tpu.memref_slice %arg4[%mul3A_18] : memref<196608xi32, #tpu.memory_space<hbm>> -> memref<6144xi32, #tpu.memory_space<hbm>>
      %dma_start3A_25 = tpu.memref_slice %arg4[%mul3A_18] : memref<196608xi32, #tpu.memory_space<hbm>> -> memref<6144xi32, #tpu.memory_space<hbm>>
      tpu.enqueue_dma source(%dma_start3A_25 : memref<6144xi32, #tpu.memory_space<hbm>>) target(%arg9 : memref<6144xi32, #tpu.memory_space<vmem>>) target_semaphore(%run_scoped3A : memref<!tpu.dma_semaphore, #tpu.memory_space<semaphore_mem>>)
      %dma_wait3A = tpu.memref_slice %arg4[%mul3A_18] : memref<196608xi32, #tpu.memory_space<hbm>> -> memref<6144xi32, #tpu.memory_space<hbm>>
      %dma_wait3A_26 = tpu.memref_slice %arg4[%mul3A_18] : memref<196608xi32, #tpu.memory_space<hbm>> -> memref<6144xi32, #tpu.memory_space<hbm>>
      tpu.wait_dma2 semaphore(%run_scoped3A : memref<!tpu.dma_semaphore, #tpu.memory_space<semaphore_mem>>) src(%dma_wait3A_26 : memref<6144xi32, #tpu.memory_space<hbm>>) dst(%arg9 : memref<6144xi32, #tpu.memory_space<vmem>>)
      tpu.yield
    }) : () -> ()
    %parallel_loop3A = arith.constant 0 : i32
    %parallel_loop3A_23 = arith.constant 384 : i32
    %parallel_loop3A_24 = arith.constant 1 : i32
    scf.for %parallel_loop3A_25 = %parallel_loop3A to %parallel_loop3A_23 step %parallel_loop3A_24  : i32 {
      %parallel_loop3A_26 = arith.constant 16 : i32
      %parallel_loop3A_27 = arith.muli %parallel_loop3A_25, %parallel_loop3A_26 : i32
      %parallel_loop3A_28 = arith.index_cast %parallel_loop3A_27 : i32 to index
      %parallel_loop3A_29 = tpu.vector_load %arg9[%parallel_loop3A_28] {strides = array<i32>} : memref<6144xi32, #tpu.memory_space<vmem>>, vector<16xi32>,
      %parallel_loop3A_30 = arith.constant 2047 : i32
      %parallel_loop3A_31 = vector.broadcast %parallel_loop3A_30 : i32 to vector<16xi32>
      %parallel_loop3A_32 = arith.andi %parallel_loop3A_29, %parallel_loop3A_31 : vector<16xi32>
      %parallel_loop3A_33 = arith.constant 6 : i32
      %parallel_loop3A_34 = vector.broadcast %parallel_loop3A_33 : i32 to vector<16xi32>
      %parallel_loop3A_35 = arith.muli %parallel_loop3A_32, %parallel_loop3A_34 : vector<16xi32>
      %parallel_loop3A_36 = arith.constant 11 : i32
      %parallel_loop3A_37 = vector.broadcast %parallel_loop3A_36 : i32 to vector<16xi32>
      %parallel_loop3A_38 = arith.shrsi %parallel_loop3A_29, %parallel_loop3A_37 : vector<16xi32>
      %parallel_loop3A_39 = arith.addi %parallel_loop3A_35, %parallel_loop3A_38 : vector<16xi32>
      %parallel_loop3A_40 = tpu.vector_load_idx %arg7[%parallel_loop3A_39] : memref<12288xf32, #tpu.memory_space<vmem>>[vector<16xi32>], vector<16xf32>,
      %parallel_loop3A_41 = arith.constant 16 : i32
      %parallel_loop3A_42 = arith.muli %parallel_loop3A_25, %parallel_loop3A_41 : i32
      %parallel_loop3A_43 = arith.index_cast %parallel_loop3A_42 : i32 to index
      %parallel_loop3A_44 = tpu.vector_load %arg10[%parallel_loop3A_43] {strides = array<i32>} : memref<6144xf32, #tpu.memory_space<vmem>>, vector<16xf32>,
      tpu.vector_store %arg10[%parallel_loop3A_43], %parallel_loop3A_40 {strides = array<i32>} : memref<6144xf32, #tpu.memory_space<vmem>>, vector<16xf32>,
      %parallel_loop3A_45 = tpu.vector_load_idx %arg8[%parallel_loop3A_39] : memref<12288xf32, #tpu.memory_space<vmem>>[vector<16xi32>], vector<16xf32>,
      %parallel_loop3A_46 = arith.constant 16 : i32
      %parallel_loop3A_47 = arith.muli %parallel_loop3A_25, %parallel_loop3A_46 : i32
      %parallel_loop3A_48 = arith.index_cast %parallel_loop3A_47 : i32 to index
      %parallel_loop3A_49 = tpu.vector_load %arg11[%parallel_loop3A_48] {strides = array<i32>} : memref<6144xf32, #tpu.memory_space<vmem>>, vector<16xf32>,
      tpu.vector_store %arg11[%parallel_loop3A_48], %parallel_loop3A_45 {strides = array<i32>} : memref<6144xf32, #tpu.memory_space<vmem>>, vector<16xf32>,
    } {sc.loop_unroll_factor = 8 : i64, sc.parallel_access}
    "tpu.region"() ({
      %run_scoped3A = tpu.sem_alloc : memref<!tpu.dma_semaphore, #tpu.memory_space<semaphore_mem>>
      %dma_start3A = tpu.memref_slice %arg5[%mul3A_18] : memref<196608xf32, #tpu.memory_space<hbm>> -> memref<6144xf32, #tpu.memory_space<hbm>>
      %dma_start3A_25 = tpu.memref_slice %arg5[%mul3A_18] : memref<196608xf32, #tpu.memory_space<hbm>> -> memref<6144xf32, #tpu.memory_space<hbm>>
      tpu.enqueue_dma source(%arg10 : memref<6144xf32, #tpu.memory_space<vmem>>) target(%dma_start3A_25 : memref<6144xf32, #tpu.memory_space<hbm>>) target_semaphore(%run_scoped3A : memref<!tpu.dma_semaphore, #tpu.memory_space<semaphore_mem>>)
      %dma_wait3A = tpu.memref_slice %arg5[%mul3A_18] : memref<196608xf32, #tpu.memory_space<hbm>> -> memref<6144xf32, #tpu.memory_space<hbm>>
      %dma_wait3A_26 = tpu.memref_slice %arg5[%mul3A_18] : memref<196608xf32, #tpu.memory_space<hbm>> -> memref<6144xf32, #tpu.memory_space<hbm>>
      tpu.wait_dma2 semaphore(%run_scoped3A : memref<!tpu.dma_semaphore, #tpu.memory_space<semaphore_mem>>) src(%arg10 : memref<6144xf32, #tpu.memory_space<vmem>>) dst(%dma_wait3A_26 : memref<6144xf32, #tpu.memory_space<hbm>>)
      tpu.yield
    }) : () -> ()
    "tpu.region"() ({
      %run_scoped3A = tpu.sem_alloc : memref<!tpu.dma_semaphore, #tpu.memory_space<semaphore_mem>>
      %dma_start3A = tpu.memref_slice %arg6[%mul3A_18] : memref<196608xf32, #tpu.memory_space<hbm>> -> memref<6144xf32, #tpu.memory_space<hbm>>
      %dma_start3A_25 = tpu.memref_slice %arg6[%mul3A_18] : memref<196608xf32, #tpu.memory_space<hbm>> -> memref<6144xf32, #tpu.memory_space<hbm>>
      tpu.enqueue_dma source(%arg11 : memref<6144xf32, #tpu.memory_space<vmem>>) target(%dma_start3A_25 : memref<6144xf32, #tpu.memory_space<hbm>>) target_semaphore(%run_scoped3A : memref<!tpu.dma_semaphore, #tpu.memory_space<semaphore_mem>>)
      %dma_wait3A = tpu.memref_slice %arg6[%mul3A_18] : memref<196608xf32, #tpu.memory_space<hbm>> -> memref<6144xf32, #tpu.memory_space<hbm>>
      %dma_wait3A_26 = tpu.memref_slice %arg6[%mul3A_18] : memref<196608xf32, #tpu.memory_space<hbm>> -> memref<6144xf32, #tpu.memory_space<hbm>>
      tpu.wait_dma2 semaphore(%run_scoped3A : memref<!tpu.dma_semaphore, #tpu.memory_space<semaphore_mem>>) src(%arg11 : memref<6144xf32, #tpu.memory_space<vmem>>) dst(%dma_wait3A_26 : memref<6144xf32, #tpu.memory_space<hbm>>)
      tpu.yield
    }) : () -> ()
    return
  }
}

module attributes {stable_mosaic.version = 14 : i64} {
  func.func @_sort_body(%arg0: i32, %arg1: memref<4x96x128xf32, #tpu.memory_space<vmem>>, %arg2: memref<4x96x128xf32, #tpu.memory_space<vmem>>, %arg3: memref<4x128x128xf32, #tpu.memory_space<vmem>>, %arg4: memref<4x128x128xi32, #tpu.memory_space<vmem>>) attributes {dimension_semantics = [#tpu.dimension_semantics<arbitrary>], iteration_bounds = array<i64: 4>, scalar_prefetch = 0 : i64, scratch_operands = 0 : i64, tpu.core_type = #tpu.core_type<tc>, window_params = [{transform_indices = @transform_0, window_bounds = array<i64: 4, 96, 128>}, {transform_indices = @transform_1, window_bounds = array<i64: 4, 96, 128>}, {transform_indices = @transform_2, window_bounds = array<i64: 4, 128, 128>}, {transform_indices = @transform_3, window_bounds = array<i64: 4, 128, 128>}]} {
    %get3A = arith.constant 0 : index
    %get3A_0 = arith.constant 0 : index
    %get3A_1 = arith.constant 0 : index
    %get3A_2 = vector.load %arg1[%get3A, %get3A_0, %get3A_1] : memref<4x96x128xf32, #tpu.memory_space<vmem>>, vector<4x96x128xf32>
    %get3A_3 = arith.constant 0 : index
    %get3A_4 = arith.constant 0 : index
    %get3A_5 = arith.constant 0 : index
    %get3A_6 = vector.load %arg2[%get3A_3, %get3A_4, %get3A_5] : memref<4x96x128xf32, #tpu.memory_space<vmem>>, vector<4x96x128xf32>
    %iota3A = tpu.iota {dimensions = array<i32: 1>} : vector<4x128x128xi32>
    %iota3A_7 = tpu.iota {dimensions = array<i32: 2>} : vector<4x128x128xi32>
    %mul3A = arith.constant 128 : i32
    %mul3A_8 = vector.broadcast %mul3A : i32 to vector<4x128x128xi32>
    %mul3A_9 = arith.muli %iota3A, %mul3A_8 : vector<4x128x128xi32>
    %add3A = arith.addi %mul3A_9, %iota3A_7 : vector<4x128x128xi32>
    %gt3A = arith.constant 0.000000e+00 : f32
    %gt3A_10 = vector.broadcast %gt3A : f32 to vector<4x96x128xf32>
    %gt3A_11 = arith.cmpf ogt, %get3A_6, %gt3A_10 : vector<4x96x128xf32>
    %jit3A = arith.constant 0x4B18967F : f32
    %broadcast_in_dim3A = vector.broadcast %jit3A : f32 to vector<4x96x128xf32>
    %select_n3A = arith.select %gt3A_11, %get3A_2, %broadcast_in_dim3A : vector<4x96x128xi1>, vector<4x96x128xf32>
    %broadcast_in_dim3A_12 = arith.constant 1.000000e+10 : f32
    %broadcast_in_dim3A_13 = vector.broadcast %broadcast_in_dim3A_12 : f32 to vector<4x32x128xf32>
    %concatenate3A = tpu.concatenate %select_n3A, %broadcast_in_dim3A_13 in 1 : vector<4x96x128xf32>, vector<4x32x128xf32> -> vector<4x128x128xf32>
    %lt3A = arith.constant 12288 : i32
    %lt3A_14 = vector.broadcast %lt3A : i32 to vector<4x128x128xi32>
    %lt3A_15 = arith.cmpi slt, %add3A, %lt3A_14 : vector<4x128x128xi32>
    %jit3A_16 = arith.constant 6 : i32
    %eq3A = arith.constant 0 : i32
    %eq3A_17 = arith.cmpi eq, %jit3A_16, %eq3A : i32
    %jit3A_18 = arith.constant 1 : i32
    %select_n3A_19 = arith.select %eq3A_17, %jit3A_18, %jit3A_16 : i32
    %rem3A = vector.broadcast %select_n3A_19 : i32 to vector<4x128x128xi32>
    %rem3A_20 = arith.remsi %add3A, %rem3A : vector<4x128x128xi32>
    %ne3A = arith.constant 0 : i32
    %ne3A_21 = vector.broadcast %ne3A : i32 to vector<4x128x128xi32>
    %ne3A_22 = arith.cmpi ne, %rem3A_20, %ne3A_21 : vector<4x128x128xi32>
    %lt3A_23 = arith.constant 0 : i32
    %lt3A_24 = vector.broadcast %lt3A_23 : i32 to vector<4x128x128xi32>
    %lt3A_25 = arith.cmpi slt, %rem3A_20, %lt3A_24 : vector<4x128x128xi32>
    %lt3A_26 = arith.constant 0 : i32
    %lt3A_27 = arith.cmpi slt, %select_n3A_19, %lt3A_26 : i32
    %ne3A_28 = vector.broadcast %lt3A_27 : i1 to vector<4x128x128xi1>
    %ne3A_29 = vector.broadcast %ne3A_28 : vector<4x128x128xi1> to vector<4x128x128xi1>
    %ne3A_30 = arith.xori %lt3A_25, %ne3A_29 : vector<4x128x128xi1>
    %and3A = arith.andi %ne3A_30, %ne3A_22 : vector<4x128x128xi1>
    %add3A_31 = vector.broadcast %select_n3A_19 : i32 to vector<4x128x128xi32>
    %add3A_32 = arith.addi %rem3A_20, %add3A_31 : vector<4x128x128xi32>
    %select_n3A_33 = arith.select %and3A, %add3A_32, %rem3A_20 : vector<4x128x128xi1>, vector<4x128x128xi32>
    %mul3A_34 = arith.constant 2048 : i32
    %mul3A_35 = vector.broadcast %mul3A_34 : i32 to vector<4x128x128xi32>
    %mul3A_36 = arith.muli %select_n3A_33, %mul3A_35 : vector<4x128x128xi32>
    %jit3A_37 = arith.constant 6 : i32
    %div3A = vector.broadcast %jit3A_37 : i32 to vector<4x128x128xi32>
    %div3A_38 = arith.divsi %add3A, %div3A : vector<4x128x128xi32>
    %sign3A = arith.constant 0 : i32
    %sign3A_39 = vector.broadcast %sign3A : i32 to vector<4x128x128xi32>
    %sign3A_40 = arith.cmpi sgt, %add3A, %sign3A_39 : vector<4x128x128xi32>
    %sign3A_41 = arith.extui %sign3A_40 : vector<4x128x128xi1> to vector<4x128x128xi32>
    %sign3A_42 = arith.constant 0 : i32
    %sign3A_43 = vector.broadcast %sign3A_42 : i32 to vector<4x128x128xi32>
    %sign3A_44 = arith.cmpi slt, %add3A, %sign3A_43 : vector<4x128x128xi32>
    %sign3A_45 = arith.extui %sign3A_44 : vector<4x128x128xi1> to vector<4x128x128xi32>
    %sign3A_46 = arith.subi %sign3A_41, %sign3A_45 : vector<4x128x128xi32>
    %sign3A_47 = arith.constant 0 : i32
    %sign3A_48 = arith.cmpi sgt, %jit3A_37, %sign3A_47 : i32
    %sign3A_49 = arith.extui %sign3A_48 : i1 to i32
    %sign3A_50 = arith.constant 0 : i32
    %sign3A_51 = arith.cmpi slt, %jit3A_37, %sign3A_50 : i32
    %sign3A_52 = arith.extui %sign3A_51 : i1 to i32
    %sign3A_53 = arith.subi %sign3A_49, %sign3A_52 : i32
    %ne3A_54 = vector.broadcast %sign3A_53 : i32 to vector<4x128x128xi32>
    %ne3A_55 = arith.cmpi ne, %sign3A_46, %ne3A_54 : vector<4x128x128xi32>
    %rem3A_56 = vector.broadcast %jit3A_37 : i32 to vector<4x128x128xi32>
    %rem3A_57 = arith.remsi %add3A, %rem3A_56 : vector<4x128x128xi32>
    %ne3A_58 = arith.constant 0 : i32
    %ne3A_59 = vector.broadcast %ne3A_58 : i32 to vector<4x128x128xi32>
    %ne3A_60 = arith.cmpi ne, %rem3A_57, %ne3A_59 : vector<4x128x128xi32>
    %and3A_61 = arith.andi %ne3A_55, %ne3A_60 : vector<4x128x128xi1>
    %sub3A = arith.constant 1 : i32
    %sub3A_62 = vector.broadcast %sub3A : i32 to vector<4x128x128xi32>
    %sub3A_63 = arith.subi %div3A_38, %sub3A_62 : vector<4x128x128xi32>
    %select_n3A_64 = arith.select %and3A_61, %sub3A_63, %div3A_38 : vector<4x128x128xi1>, vector<4x128x128xi32>
    %add3A_65 = arith.addi %mul3A_36, %select_n3A_64 : vector<4x128x128xi32>
    %select_n3A_66 = arith.select %lt3A_15, %add3A_65, %add3A : vector<4x128x128xi1>, vector<4x128x128xi32>
    %xor3A = arith.constant 1 : i32
    %xor3A_67 = vector.broadcast %xor3A : i32 to vector<4x128x128xi32>
    %xor3A_68 = arith.xori %iota3A_7, %xor3A_67 : vector<4x128x128xi32>
    %lt3A_69 = arith.constant 0 : i32
    %lt3A_70 = vector.broadcast %lt3A_69 : i32 to vector<4x128x128xi32>
    %lt3A_71 = arith.cmpi slt, %xor3A_68, %lt3A_70 : vector<4x128x128xi32>
    %add3A_72 = arith.constant 128 : i32
    %add3A_73 = vector.broadcast %add3A_72 : i32 to vector<4x128x128xi32>
    %add3A_74 = arith.addi %xor3A_68, %add3A_73 : vector<4x128x128xi32>
    %select_n3A_75 = arith.select %lt3A_71, %add3A_74, %xor3A_68 : vector<4x128x128xi1>, vector<4x128x128xi32>
    %reshape3A = vector.shape_cast %select_n3A_75 : vector<4x128x128xi32> to vector<4x128x128x1xi32>
    %gather3A = vector.shape_cast %reshape3A : vector<4x128x128x1xi32> to vector<4x128x128xi32>
    %gather3A_76 = tpu.dynamic_gather %concatenate3A[%gather3A] in [2] : vector<4x128x128xf32>, vector<4x128x128xi32> -> vector<4x128x128xf32>
    %lt3A_77 = arith.constant 0 : i32
    %lt3A_78 = vector.broadcast %lt3A_77 : i32 to vector<4x128x128xi32>
    %lt3A_79 = arith.cmpi slt, %xor3A_68, %lt3A_78 : vector<4x128x128xi32>
    %add3A_80 = arith.constant 128 : i32
    %add3A_81 = vector.broadcast %add3A_80 : i32 to vector<4x128x128xi32>
    %add3A_82 = arith.addi %xor3A_68, %add3A_81 : vector<4x128x128xi32>
    %select_n3A_83 = arith.select %lt3A_79, %add3A_82, %xor3A_68 : vector<4x128x128xi1>, vector<4x128x128xi32>
    %reshape3A_84 = vector.shape_cast %select_n3A_83 : vector<4x128x128xi32> to vector<4x128x128x1xi32>
    %gather3A_85 = vector.shape_cast %reshape3A_84 : vector<4x128x128x1xi32> to vector<4x128x128xi32>
    %gather3A_86 = tpu.dynamic_gather %select_n3A_66[%gather3A_85] in [2] : vector<4x128x128xi32>, vector<4x128x128xi32> -> vector<4x128x128xi32>
    %lt3A_87 = arith.cmpf olt, %concatenate3A, %gather3A_76 : vector<4x128x128xf32>
    %eq3A_88 = arith.cmpf oeq, %concatenate3A, %gather3A_76 : vector<4x128x128xf32>
    %lt3A_89 = arith.cmpi slt, %select_n3A_66, %gather3A_86 : vector<4x128x128xi32>
    %and3A_90 = arith.andi %eq3A_88, %lt3A_89 : vector<4x128x128xi1>
    %or3A = arith.ori %lt3A_87, %and3A_90 : vector<4x128x128xi1>
    %and3A_91 = arith.constant 2 : i32
    %and3A_92 = vector.broadcast %and3A_91 : i32 to vector<4x128x128xi32>
    %and3A_93 = arith.andi %add3A, %and3A_92 : vector<4x128x128xi32>
    %eq3A_94 = arith.constant 0 : i32
    %eq3A_95 = vector.broadcast %eq3A_94 : i32 to vector<4x128x128xi32>
    %eq3A_96 = arith.cmpi eq, %and3A_93, %eq3A_95 : vector<4x128x128xi32>
    %and3A_97 = arith.constant 1 : i32
    %and3A_98 = vector.broadcast %and3A_97 : i32 to vector<4x128x128xi32>
    %and3A_99 = arith.andi %add3A, %and3A_98 : vector<4x128x128xi32>
    %eq3A_100 = arith.constant 0 : i32
    %eq3A_101 = vector.broadcast %eq3A_100 : i32 to vector<4x128x128xi32>
    %eq3A_102 = arith.cmpi eq, %and3A_99, %eq3A_101 : vector<4x128x128xi32>
    %eq3A_103 = arith.xori %eq3A_96, %eq3A_102 : vector<4x128x128xi1>
    %eq3A_104 = arith.constant dense<true> : vector<4x128x128xi1>
    %eq3A_105 = arith.xori %eq3A_103, %eq3A_104 : vector<4x128x128xi1>
    %xor3A_106 = arith.xori %or3A, %eq3A_105 : vector<4x128x128xi1>
    %select_n3A_107 = arith.select %xor3A_106, %gather3A_76, %concatenate3A : vector<4x128x128xi1>, vector<4x128x128xf32>
    %select_n3A_108 = arith.select %xor3A_106, %gather3A_86, %select_n3A_66 : vector<4x128x128xi1>, vector<4x128x128xi32>
    %xor3A_109 = arith.constant 2 : i32
    %xor3A_110 = vector.broadcast %xor3A_109 : i32 to vector<4x128x128xi32>
    %xor3A_111 = arith.xori %iota3A_7, %xor3A_110 : vector<4x128x128xi32>
    %lt3A_112 = arith.constant 0 : i32
    %lt3A_113 = vector.broadcast %lt3A_112 : i32 to vector<4x128x128xi32>
    %lt3A_114 = arith.cmpi slt, %xor3A_111, %lt3A_113 : vector<4x128x128xi32>
    %add3A_115 = arith.constant 128 : i32
    %add3A_116 = vector.broadcast %add3A_115 : i32 to vector<4x128x128xi32>
    %add3A_117 = arith.addi %xor3A_111, %add3A_116 : vector<4x128x128xi32>
    %select_n3A_118 = arith.select %lt3A_114, %add3A_117, %xor3A_111 : vector<4x128x128xi1>, vector<4x128x128xi32>
    %reshape3A_119 = vector.shape_cast %select_n3A_118 : vector<4x128x128xi32> to vector<4x128x128x1xi32>
    %gather3A_120 = vector.shape_cast %reshape3A_119 : vector<4x128x128x1xi32> to vector<4x128x128xi32>
    %gather3A_121 = tpu.dynamic_gather %select_n3A_107[%gather3A_120] in [2] : vector<4x128x128xf32>, vector<4x128x128xi32> -> vector<4x128x128xf32>
    %lt3A_122 = arith.constant 0 : i32
    %lt3A_123 = vector.broadcast %lt3A_122 : i32 to vector<4x128x128xi32>
    %lt3A_124 = arith.cmpi slt, %xor3A_111, %lt3A_123 : vector<4x128x128xi32>
    %add3A_125 = arith.constant 128 : i32
    %add3A_126 = vector.broadcast %add3A_125 : i32 to vector<4x128x128xi32>
    %add3A_127 = arith.addi %xor3A_111, %add3A_126 : vector<4x128x128xi32>
    %select_n3A_128 = arith.select %lt3A_124, %add3A_127, %xor3A_111 : vector<4x128x128xi1>, vector<4x128x128xi32>
    %reshape3A_129 = vector.shape_cast %select_n3A_128 : vector<4x128x128xi32> to vector<4x128x128x1xi32>
    %gather3A_130 = vector.shape_cast %reshape3A_129 : vector<4x128x128x1xi32> to vector<4x128x128xi32>
    %gather3A_131 = tpu.dynamic_gather %select_n3A_108[%gather3A_130] in [2] : vector<4x128x128xi32>, vector<4x128x128xi32> -> vector<4x128x128xi32>
    %lt3A_132 = arith.cmpf olt, %select_n3A_107, %gather3A_121 : vector<4x128x128xf32>
    %eq3A_133 = arith.cmpf oeq, %select_n3A_107, %gather3A_121 : vector<4x128x128xf32>
    %lt3A_134 = arith.cmpi slt, %select_n3A_108, %gather3A_131 : vector<4x128x128xi32>
    %and3A_135 = arith.andi %eq3A_133, %lt3A_134 : vector<4x128x128xi1>
    %or3A_136 = arith.ori %lt3A_132, %and3A_135 : vector<4x128x128xi1>
    %and3A_137 = arith.constant 4 : i32
    %and3A_138 = vector.broadcast %and3A_137 : i32 to vector<4x128x128xi32>
    %and3A_139 = arith.andi %add3A, %and3A_138 : vector<4x128x128xi32>
    %eq3A_140 = arith.constant 0 : i32
    %eq3A_141 = vector.broadcast %eq3A_140 : i32 to vector<4x128x128xi32>
    %eq3A_142 = arith.cmpi eq, %and3A_139, %eq3A_141 : vector<4x128x128xi32>
    %and3A_143 = arith.constant 2 : i32
    %and3A_144 = vector.broadcast %and3A_143 : i32 to vector<4x128x128xi32>
    %and3A_145 = arith.andi %add3A, %and3A_144 : vector<4x128x128xi32>
    %eq3A_146 = arith.constant 0 : i32
    %eq3A_147 = vector.broadcast %eq3A_146 : i32 to vector<4x128x128xi32>
    %eq3A_148 = arith.cmpi eq, %and3A_145, %eq3A_147 : vector<4x128x128xi32>
    %eq3A_149 = arith.xori %eq3A_142, %eq3A_148 : vector<4x128x128xi1>
    %eq3A_150 = arith.constant dense<true> : vector<4x128x128xi1>
    %eq3A_151 = arith.xori %eq3A_149, %eq3A_150 : vector<4x128x128xi1>
    %xor3A_152 = arith.xori %or3A_136, %eq3A_151 : vector<4x128x128xi1>
    %select_n3A_153 = arith.select %xor3A_152, %gather3A_121, %select_n3A_107 : vector<4x128x128xi1>, vector<4x128x128xf32>
    %select_n3A_154 = arith.select %xor3A_152, %gather3A_131, %select_n3A_108 : vector<4x128x128xi1>, vector<4x128x128xi32>
    %xor3A_155 = arith.constant 1 : i32
    %xor3A_156 = vector.broadcast %xor3A_155 : i32 to vector<4x128x128xi32>
    %xor3A_157 = arith.xori %iota3A_7, %xor3A_156 : vector<4x128x128xi32>
    %lt3A_158 = arith.constant 0 : i32
    %lt3A_159 = vector.broadcast %lt3A_158 : i32 to vector<4x128x128xi32>
    %lt3A_160 = arith.cmpi slt, %xor3A_157, %lt3A_159 : vector<4x128x128xi32>
    %add3A_161 = arith.constant 128 : i32
    %add3A_162 = vector.broadcast %add3A_161 : i32 to vector<4x128x128xi32>
    %add3A_163 = arith.addi %xor3A_157, %add3A_162 : vector<4x128x128xi32>
    %select_n3A_164 = arith.select %lt3A_160, %add3A_163, %xor3A_157 : vector<4x128x128xi1>, vector<4x128x128xi32>
    %reshape3A_165 = vector.shape_cast %select_n3A_164 : vector<4x128x128xi32> to vector<4x128x128x1xi32>
    %gather3A_166 = vector.shape_cast %reshape3A_165 : vector<4x128x128x1xi32> to vector<4x128x128xi32>
    %gather3A_167 = tpu.dynamic_gather %select_n3A_153[%gather3A_166] in [2] : vector<4x128x128xf32>, vector<4x128x128xi32> -> vector<4x128x128xf32>
    %lt3A_168 = arith.constant 0 : i32
    %lt3A_169 = vector.broadcast %lt3A_168 : i32 to vector<4x128x128xi32>
    %lt3A_170 = arith.cmpi slt, %xor3A_157, %lt3A_169 : vector<4x128x128xi32>
    %add3A_171 = arith.constant 128 : i32
    %add3A_172 = vector.broadcast %add3A_171 : i32 to vector<4x128x128xi32>
    %add3A_173 = arith.addi %xor3A_157, %add3A_172 : vector<4x128x128xi32>
    %select_n3A_174 = arith.select %lt3A_170, %add3A_173, %xor3A_157 : vector<4x128x128xi1>, vector<4x128x128xi32>
    %reshape3A_175 = vector.shape_cast %select_n3A_174 : vector<4x128x128xi32> to vector<4x128x128x1xi32>
    %gather3A_176 = vector.shape_cast %reshape3A_175 : vector<4x128x128x1xi32> to vector<4x128x128xi32>
    %gather3A_177 = tpu.dynamic_gather %select_n3A_154[%gather3A_176] in [2] : vector<4x128x128xi32>, vector<4x128x128xi32> -> vector<4x128x128xi32>
    %lt3A_178 = arith.cmpf olt, %select_n3A_153, %gather3A_167 : vector<4x128x128xf32>
    %eq3A_179 = arith.cmpf oeq, %select_n3A_153, %gather3A_167 : vector<4x128x128xf32>
    %lt3A_180 = arith.cmpi slt, %select_n3A_154, %gather3A_177 : vector<4x128x128xi32>
    %and3A_181 = arith.andi %eq3A_179, %lt3A_180 : vector<4x128x128xi1>
    %or3A_182 = arith.ori %lt3A_178, %and3A_181 : vector<4x128x128xi1>
    %and3A_183 = arith.constant 4 : i32
    %and3A_184 = vector.broadcast %and3A_183 : i32 to vector<4x128x128xi32>
    %and3A_185 = arith.andi %add3A, %and3A_184 : vector<4x128x128xi32>
    %eq3A_186 = arith.constant 0 : i32
    %eq3A_187 = vector.broadcast %eq3A_186 : i32 to vector<4x128x128xi32>
    %eq3A_188 = arith.cmpi eq, %and3A_185, %eq3A_187 : vector<4x128x128xi32>
    %and3A_189 = arith.constant 1 : i32
    %and3A_190 = vector.broadcast %and3A_189 : i32 to vector<4x128x128xi32>
    %and3A_191 = arith.andi %add3A, %and3A_190 : vector<4x128x128xi32>
    %eq3A_192 = arith.constant 0 : i32
    %eq3A_193 = vector.broadcast %eq3A_192 : i32 to vector<4x128x128xi32>
    %eq3A_194 = arith.cmpi eq, %and3A_191, %eq3A_193 : vector<4x128x128xi32>
    %eq3A_195 = arith.xori %eq3A_188, %eq3A_194 : vector<4x128x128xi1>
    %eq3A_196 = arith.constant dense<true> : vector<4x128x128xi1>
    %eq3A_197 = arith.xori %eq3A_195, %eq3A_196 : vector<4x128x128xi1>
    %xor3A_198 = arith.xori %or3A_182, %eq3A_197 : vector<4x128x128xi1>
    %select_n3A_199 = arith.select %xor3A_198, %gather3A_167, %select_n3A_153 : vector<4x128x128xi1>, vector<4x128x128xf32>
    %select_n3A_200 = arith.select %xor3A_198, %gather3A_177, %select_n3A_154 : vector<4x128x128xi1>, vector<4x128x128xi32>
    %xor3A_201 = arith.constant 4 : i32
    %xor3A_202 = vector.broadcast %xor3A_201 : i32 to vector<4x128x128xi32>
    %xor3A_203 = arith.xori %iota3A_7, %xor3A_202 : vector<4x128x128xi32>
    %lt3A_204 = arith.constant 0 : i32
    %lt3A_205 = vector.broadcast %lt3A_204 : i32 to vector<4x128x128xi32>
    %lt3A_206 = arith.cmpi slt, %xor3A_203, %lt3A_205 : vector<4x128x128xi32>
    %add3A_207 = arith.constant 128 : i32
    %add3A_208 = vector.broadcast %add3A_207 : i32 to vector<4x128x128xi32>
    %add3A_209 = arith.addi %xor3A_203, %add3A_208 : vector<4x128x128xi32>
    %select_n3A_210 = arith.select %lt3A_206, %add3A_209, %xor3A_203 : vector<4x128x128xi1>, vector<4x128x128xi32>
    %reshape3A_211 = vector.shape_cast %select_n3A_210 : vector<4x128x128xi32> to vector<4x128x128x1xi32>
    %gather3A_212 = vector.shape_cast %reshape3A_211 : vector<4x128x128x1xi32> to vector<4x128x128xi32>
    %gather3A_213 = tpu.dynamic_gather %select_n3A_199[%gather3A_212] in [2] : vector<4x128x128xf32>, vector<4x128x128xi32> -> vector<4x128x128xf32>
    %lt3A_214 = arith.constant 0 : i32
    %lt3A_215 = vector.broadcast %lt3A_214 : i32 to vector<4x128x128xi32>
    %lt3A_216 = arith.cmpi slt, %xor3A_203, %lt3A_215 : vector<4x128x128xi32>
    %add3A_217 = arith.constant 128 : i32
    %add3A_218 = vector.broadcast %add3A_217 : i32 to vector<4x128x128xi32>
    %add3A_219 = arith.addi %xor3A_203, %add3A_218 : vector<4x128x128xi32>
    %select_n3A_220 = arith.select %lt3A_216, %add3A_219, %xor3A_203 : vector<4x128x128xi1>, vector<4x128x128xi32>
    %reshape3A_221 = vector.shape_cast %select_n3A_220 : vector<4x128x128xi32> to vector<4x128x128x1xi32>
    %gather3A_222 = vector.shape_cast %reshape3A_221 : vector<4x128x128x1xi32> to vector<4x128x128xi32>
    %gather3A_223 = tpu.dynamic_gather %select_n3A_200[%gather3A_222] in [2] : vector<4x128x128xi32>, vector<4x128x128xi32> -> vector<4x128x128xi32>
    %lt3A_224 = arith.cmpf olt, %select_n3A_199, %gather3A_213 : vector<4x128x128xf32>
    %eq3A_225 = arith.cmpf oeq, %select_n3A_199, %gather3A_213 : vector<4x128x128xf32>
    %lt3A_226 = arith.cmpi slt, %select_n3A_200, %gather3A_223 : vector<4x128x128xi32>
    %and3A_227 = arith.andi %eq3A_225, %lt3A_226 : vector<4x128x128xi1>
    %or3A_228 = arith.ori %lt3A_224, %and3A_227 : vector<4x128x128xi1>
    %and3A_229 = arith.constant 8 : i32
    %and3A_230 = vector.broadcast %and3A_229 : i32 to vector<4x128x128xi32>
    %and3A_231 = arith.andi %add3A, %and3A_230 : vector<4x128x128xi32>
    %eq3A_232 = arith.constant 0 : i32
    %eq3A_233 = vector.broadcast %eq3A_232 : i32 to vector<4x128x128xi32>
    %eq3A_234 = arith.cmpi eq, %and3A_231, %eq3A_233 : vector<4x128x128xi32>
    %and3A_235 = arith.constant 4 : i32
    %and3A_236 = vector.broadcast %and3A_235 : i32 to vector<4x128x128xi32>
    %and3A_237 = arith.andi %add3A, %and3A_236 : vector<4x128x128xi32>
    %eq3A_238 = arith.constant 0 : i32
    %eq3A_239 = vector.broadcast %eq3A_238 : i32 to vector<4x128x128xi32>
    %eq3A_240 = arith.cmpi eq, %and3A_237, %eq3A_239 : vector<4x128x128xi32>
    %eq3A_241 = arith.xori %eq3A_234, %eq3A_240 : vector<4x128x128xi1>
    %eq3A_242 = arith.constant dense<true> : vector<4x128x128xi1>
    %eq3A_243 = arith.xori %eq3A_241, %eq3A_242 : vector<4x128x128xi1>
    %xor3A_244 = arith.xori %or3A_228, %eq3A_243 : vector<4x128x128xi1>
    %select_n3A_245 = arith.select %xor3A_244, %gather3A_213, %select_n3A_199 : vector<4x128x128xi1>, vector<4x128x128xf32>
    %select_n3A_246 = arith.select %xor3A_244, %gather3A_223, %select_n3A_200 : vector<4x128x128xi1>, vector<4x128x128xi32>
    %xor3A_247 = arith.constant 2 : i32
    %xor3A_248 = vector.broadcast %xor3A_247 : i32 to vector<4x128x128xi32>
    %xor3A_249 = arith.xori %iota3A_7, %xor3A_248 : vector<4x128x128xi32>
    %lt3A_250 = arith.constant 0 : i32
    %lt3A_251 = vector.broadcast %lt3A_250 : i32 to vector<4x128x128xi32>
    %lt3A_252 = arith.cmpi slt, %xor3A_249, %lt3A_251 : vector<4x128x128xi32>
    %add3A_253 = arith.constant 128 : i32
    %add3A_254 = vector.broadcast %add3A_253 : i32 to vector<4x128x128xi32>
    %add3A_255 = arith.addi %xor3A_249, %add3A_254 : vector<4x128x128xi32>
    %select_n3A_256 = arith.select %lt3A_252, %add3A_255, %xor3A_249 : vector<4x128x128xi1>, vector<4x128x128xi32>
    %reshape3A_257 = vector.shape_cast %select_n3A_256 : vector<4x128x128xi32> to vector<4x128x128x1xi32>
    %gather3A_258 = vector.shape_cast %reshape3A_257 : vector<4x128x128x1xi32> to vector<4x128x128xi32>
    %gather3A_259 = tpu.dynamic_gather %select_n3A_245[%gather3A_258] in [2] : vector<4x128x128xf32>, vector<4x128x128xi32> -> vector<4x128x128xf32>
    %lt3A_260 = arith.constant 0 : i32
    %lt3A_261 = vector.broadcast %lt3A_260 : i32 to vector<4x128x128xi32>
    %lt3A_262 = arith.cmpi slt, %xor3A_249, %lt3A_261 : vector<4x128x128xi32>
    %add3A_263 = arith.constant 128 : i32
    %add3A_264 = vector.broadcast %add3A_263 : i32 to vector<4x128x128xi32>
    %add3A_265 = arith.addi %xor3A_249, %add3A_264 : vector<4x128x128xi32>
    %select_n3A_266 = arith.select %lt3A_262, %add3A_265, %xor3A_249 : vector<4x128x128xi1>, vector<4x128x128xi32>
    %reshape3A_267 = vector.shape_cast %select_n3A_266 : vector<4x128x128xi32> to vector<4x128x128x1xi32>
    %gather3A_268 = vector.shape_cast %reshape3A_267 : vector<4x128x128x1xi32> to vector<4x128x128xi32>
    %gather3A_269 = tpu.dynamic_gather %select_n3A_246[%gather3A_268] in [2] : vector<4x128x128xi32>, vector<4x128x128xi32> -> vector<4x128x128xi32>
    %lt3A_270 = arith.cmpf olt, %select_n3A_245, %gather3A_259 : vector<4x128x128xf32>
    %eq3A_271 = arith.cmpf oeq, %select_n3A_245, %gather3A_259 : vector<4x128x128xf32>
    %lt3A_272 = arith.cmpi slt, %select_n3A_246, %gather3A_269 : vector<4x128x128xi32>
    %and3A_273 = arith.andi %eq3A_271, %lt3A_272 : vector<4x128x128xi1>
    %or3A_274 = arith.ori %lt3A_270, %and3A_273 : vector<4x128x128xi1>
    %and3A_275 = arith.constant 8 : i32
    %and3A_276 = vector.broadcast %and3A_275 : i32 to vector<4x128x128xi32>
    %and3A_277 = arith.andi %add3A, %and3A_276 : vector<4x128x128xi32>
    %eq3A_278 = arith.constant 0 : i32
    %eq3A_279 = vector.broadcast %eq3A_278 : i32 to vector<4x128x128xi32>
    %eq3A_280 = arith.cmpi eq, %and3A_277, %eq3A_279 : vector<4x128x128xi32>
    %and3A_281 = arith.constant 2 : i32
    %and3A_282 = vector.broadcast %and3A_281 : i32 to vector<4x128x128xi32>
    %and3A_283 = arith.andi %add3A, %and3A_282 : vector<4x128x128xi32>
    %eq3A_284 = arith.constant 0 : i32
    %eq3A_285 = vector.broadcast %eq3A_284 : i32 to vector<4x128x128xi32>
    %eq3A_286 = arith.cmpi eq, %and3A_283, %eq3A_285 : vector<4x128x128xi32>
    %eq3A_287 = arith.xori %eq3A_280, %eq3A_286 : vector<4x128x128xi1>
    %eq3A_288 = arith.constant dense<true> : vector<4x128x128xi1>
    %eq3A_289 = arith.xori %eq3A_287, %eq3A_288 : vector<4x128x128xi1>
    %xor3A_290 = arith.xori %or3A_274, %eq3A_289 : vector<4x128x128xi1>
    %select_n3A_291 = arith.select %xor3A_290, %gather3A_259, %select_n3A_245 : vector<4x128x128xi1>, vector<4x128x128xf32>
    %select_n3A_292 = arith.select %xor3A_290, %gather3A_269, %select_n3A_246 : vector<4x128x128xi1>, vector<4x128x128xi32>
    %xor3A_293 = arith.constant 1 : i32
    %xor3A_294 = vector.broadcast %xor3A_293 : i32 to vector<4x128x128xi32>
    %xor3A_295 = arith.xori %iota3A_7, %xor3A_294 : vector<4x128x128xi32>
    %lt3A_296 = arith.constant 0 : i32
    %lt3A_297 = vector.broadcast %lt3A_296 : i32 to vector<4x128x128xi32>
    %lt3A_298 = arith.cmpi slt, %xor3A_295, %lt3A_297 : vector<4x128x128xi32>
    %add3A_299 = arith.constant 128 : i32
    %add3A_300 = vector.broadcast %add3A_299 : i32 to vector<4x128x128xi32>
    %add3A_301 = arith.addi %xor3A_295, %add3A_300 : vector<4x128x128xi32>
    %select_n3A_302 = arith.select %lt3A_298, %add3A_301, %xor3A_295 : vector<4x128x128xi1>, vector<4x128x128xi32>
    %reshape3A_303 = vector.shape_cast %select_n3A_302 : vector<4x128x128xi32> to vector<4x128x128x1xi32>
    %gather3A_304 = vector.shape_cast %reshape3A_303 : vector<4x128x128x1xi32> to vector<4x128x128xi32>
    %gather3A_305 = tpu.dynamic_gather %select_n3A_291[%gather3A_304] in [2] : vector<4x128x128xf32>, vector<4x128x128xi32> -> vector<4x128x128xf32>
    %lt3A_306 = arith.constant 0 : i32
    %lt3A_307 = vector.broadcast %lt3A_306 : i32 to vector<4x128x128xi32>
    %lt3A_308 = arith.cmpi slt, %xor3A_295, %lt3A_307 : vector<4x128x128xi32>
    %add3A_309 = arith.constant 128 : i32
    %add3A_310 = vector.broadcast %add3A_309 : i32 to vector<4x128x128xi32>
    %add3A_311 = arith.addi %xor3A_295, %add3A_310 : vector<4x128x128xi32>
    %select_n3A_312 = arith.select %lt3A_308, %add3A_311, %xor3A_295 : vector<4x128x128xi1>, vector<4x128x128xi32>
    %reshape3A_313 = vector.shape_cast %select_n3A_312 : vector<4x128x128xi32> to vector<4x128x128x1xi32>
    %gather3A_314 = vector.shape_cast %reshape3A_313 : vector<4x128x128x1xi32> to vector<4x128x128xi32>
    %gather3A_315 = tpu.dynamic_gather %select_n3A_292[%gather3A_314] in [2] : vector<4x128x128xi32>, vector<4x128x128xi32> -> vector<4x128x128xi32>
    %lt3A_316 = arith.cmpf olt, %select_n3A_291, %gather3A_305 : vector<4x128x128xf32>
    %eq3A_317 = arith.cmpf oeq, %select_n3A_291, %gather3A_305 : vector<4x128x128xf32>
    %lt3A_318 = arith.cmpi slt, %select_n3A_292, %gather3A_315 : vector<4x128x128xi32>
    %and3A_319 = arith.andi %eq3A_317, %lt3A_318 : vector<4x128x128xi1>
    %or3A_320 = arith.ori %lt3A_316, %and3A_319 : vector<4x128x128xi1>
    %and3A_321 = arith.constant 8 : i32
    %and3A_322 = vector.broadcast %and3A_321 : i32 to vector<4x128x128xi32>
    %and3A_323 = arith.andi %add3A, %and3A_322 : vector<4x128x128xi32>
    %eq3A_324 = arith.constant 0 : i32
    %eq3A_325 = vector.broadcast %eq3A_324 : i32 to vector<4x128x128xi32>
    %eq3A_326 = arith.cmpi eq, %and3A_323, %eq3A_325 : vector<4x128x128xi32>
    %and3A_327 = arith.constant 1 : i32
    %and3A_328 = vector.broadcast %and3A_327 : i32 to vector<4x128x128xi32>
    %and3A_329 = arith.andi %add3A, %and3A_328 : vector<4x128x128xi32>
    %eq3A_330 = arith.constant 0 : i32
    %eq3A_331 = vector.broadcast %eq3A_330 : i32 to vector<4x128x128xi32>
    %eq3A_332 = arith.cmpi eq, %and3A_329, %eq3A_331 : vector<4x128x128xi32>
    %eq3A_333 = arith.xori %eq3A_326, %eq3A_332 : vector<4x128x128xi1>
    %eq3A_334 = arith.constant dense<true> : vector<4x128x128xi1>
    %eq3A_335 = arith.xori %eq3A_333, %eq3A_334 : vector<4x128x128xi1>
    %xor3A_336 = arith.xori %or3A_320, %eq3A_335 : vector<4x128x128xi1>
    %select_n3A_337 = arith.select %xor3A_336, %gather3A_305, %select_n3A_291 : vector<4x128x128xi1>, vector<4x128x128xf32>
    %select_n3A_338 = arith.select %xor3A_336, %gather3A_315, %select_n3A_292 : vector<4x128x128xi1>, vector<4x128x128xi32>
    %xor3A_339 = arith.constant 8 : i32
    %xor3A_340 = vector.broadcast %xor3A_339 : i32 to vector<4x128x128xi32>
    %xor3A_341 = arith.xori %iota3A_7, %xor3A_340 : vector<4x128x128xi32>
    %lt3A_342 = arith.constant 0 : i32
    %lt3A_343 = vector.broadcast %lt3A_342 : i32 to vector<4x128x128xi32>
    %lt3A_344 = arith.cmpi slt, %xor3A_341, %lt3A_343 : vector<4x128x128xi32>
    %add3A_345 = arith.constant 128 : i32
    %add3A_346 = vector.broadcast %add3A_345 : i32 to vector<4x128x128xi32>
    %add3A_347 = arith.addi %xor3A_341, %add3A_346 : vector<4x128x128xi32>
    %select_n3A_348 = arith.select %lt3A_344, %add3A_347, %xor3A_341 : vector<4x128x128xi1>, vector<4x128x128xi32>
    %reshape3A_349 = vector.shape_cast %select_n3A_348 : vector<4x128x128xi32> to vector<4x128x128x1xi32>
    %gather3A_350 = vector.shape_cast %reshape3A_349 : vector<4x128x128x1xi32> to vector<4x128x128xi32>
    %gather3A_351 = tpu.dynamic_gather %select_n3A_337[%gather3A_350] in [2] : vector<4x128x128xf32>, vector<4x128x128xi32> -> vector<4x128x128xf32>
    %lt3A_352 = arith.constant 0 : i32
    %lt3A_353 = vector.broadcast %lt3A_352 : i32 to vector<4x128x128xi32>
    %lt3A_354 = arith.cmpi slt, %xor3A_341, %lt3A_353 : vector<4x128x128xi32>
    %add3A_355 = arith.constant 128 : i32
    %add3A_356 = vector.broadcast %add3A_355 : i32 to vector<4x128x128xi32>
    %add3A_357 = arith.addi %xor3A_341, %add3A_356 : vector<4x128x128xi32>
    %select_n3A_358 = arith.select %lt3A_354, %add3A_357, %xor3A_341 : vector<4x128x128xi1>, vector<4x128x128xi32>
    %reshape3A_359 = vector.shape_cast %select_n3A_358 : vector<4x128x128xi32> to vector<4x128x128x1xi32>
    %gather3A_360 = vector.shape_cast %reshape3A_359 : vector<4x128x128x1xi32> to vector<4x128x128xi32>
    %gather3A_361 = tpu.dynamic_gather %select_n3A_338[%gather3A_360] in [2] : vector<4x128x128xi32>, vector<4x128x128xi32> -> vector<4x128x128xi32>
    %lt3A_362 = arith.cmpf olt, %select_n3A_337, %gather3A_351 : vector<4x128x128xf32>
    %eq3A_363 = arith.cmpf oeq, %select_n3A_337, %gather3A_351 : vector<4x128x128xf32>
    %lt3A_364 = arith.cmpi slt, %select_n3A_338, %gather3A_361 : vector<4x128x128xi32>
    %and3A_365 = arith.andi %eq3A_363, %lt3A_364 : vector<4x128x128xi1>
    %or3A_366 = arith.ori %lt3A_362, %and3A_365 : vector<4x128x128xi1>
    %and3A_367 = arith.constant 16 : i32
    %and3A_368 = vector.broadcast %and3A_367 : i32 to vector<4x128x128xi32>
    %and3A_369 = arith.andi %add3A, %and3A_368 : vector<4x128x128xi32>
    %eq3A_370 = arith.constant 0 : i32
    %eq3A_371 = vector.broadcast %eq3A_370 : i32 to vector<4x128x128xi32>
    %eq3A_372 = arith.cmpi eq, %and3A_369, %eq3A_371 : vector<4x128x128xi32>
    %and3A_373 = arith.constant 8 : i32
    %and3A_374 = vector.broadcast %and3A_373 : i32 to vector<4x128x128xi32>
    %and3A_375 = arith.andi %add3A, %and3A_374 : vector<4x128x128xi32>
    %eq3A_376 = arith.constant 0 : i32
    %eq3A_377 = vector.broadcast %eq3A_376 : i32 to vector<4x128x128xi32>
    %eq3A_378 = arith.cmpi eq, %and3A_375, %eq3A_377 : vector<4x128x128xi32>
    %eq3A_379 = arith.xori %eq3A_372, %eq3A_378 : vector<4x128x128xi1>
    %eq3A_380 = arith.constant dense<true> : vector<4x128x128xi1>
    %eq3A_381 = arith.xori %eq3A_379, %eq3A_380 : vector<4x128x128xi1>
    %xor3A_382 = arith.xori %or3A_366, %eq3A_381 : vector<4x128x128xi1>
    %select_n3A_383 = arith.select %xor3A_382, %gather3A_351, %select_n3A_337 : vector<4x128x128xi1>, vector<4x128x128xf32>
    %select_n3A_384 = arith.select %xor3A_382, %gather3A_361, %select_n3A_338 : vector<4x128x128xi1>, vector<4x128x128xi32>
    %xor3A_385 = arith.constant 4 : i32
    %xor3A_386 = vector.broadcast %xor3A_385 : i32 to vector<4x128x128xi32>
    %xor3A_387 = arith.xori %iota3A_7, %xor3A_386 : vector<4x128x128xi32>
    %lt3A_388 = arith.constant 0 : i32
    %lt3A_389 = vector.broadcast %lt3A_388 : i32 to vector<4x128x128xi32>
    %lt3A_390 = arith.cmpi slt, %xor3A_387, %lt3A_389 : vector<4x128x128xi32>
    %add3A_391 = arith.constant 128 : i32
    %add3A_392 = vector.broadcast %add3A_391 : i32 to vector<4x128x128xi32>
    %add3A_393 = arith.addi %xor3A_387, %add3A_392 : vector<4x128x128xi32>
    %select_n3A_394 = arith.select %lt3A_390, %add3A_393, %xor3A_387 : vector<4x128x128xi1>, vector<4x128x128xi32>
    %reshape3A_395 = vector.shape_cast %select_n3A_394 : vector<4x128x128xi32> to vector<4x128x128x1xi32>
    %gather3A_396 = vector.shape_cast %reshape3A_395 : vector<4x128x128x1xi32> to vector<4x128x128xi32>
    %gather3A_397 = tpu.dynamic_gather %select_n3A_383[%gather3A_396] in [2] : vector<4x128x128xf32>, vector<4x128x128xi32> -> vector<4x128x128xf32>
    %lt3A_398 = arith.constant 0 : i32
    %lt3A_399 = vector.broadcast %lt3A_398 : i32 to vector<4x128x128xi32>
    %lt3A_400 = arith.cmpi slt, %xor3A_387, %lt3A_399 : vector<4x128x128xi32>
    %add3A_401 = arith.constant 128 : i32
    %add3A_402 = vector.broadcast %add3A_401 : i32 to vector<4x128x128xi32>
    %add3A_403 = arith.addi %xor3A_387, %add3A_402 : vector<4x128x128xi32>
    %select_n3A_404 = arith.select %lt3A_400, %add3A_403, %xor3A_387 : vector<4x128x128xi1>, vector<4x128x128xi32>
    %reshape3A_405 = vector.shape_cast %select_n3A_404 : vector<4x128x128xi32> to vector<4x128x128x1xi32>
    %gather3A_406 = vector.shape_cast %reshape3A_405 : vector<4x128x128x1xi32> to vector<4x128x128xi32>
    %gather3A_407 = tpu.dynamic_gather %select_n3A_384[%gather3A_406] in [2] : vector<4x128x128xi32>, vector<4x128x128xi32> -> vector<4x128x128xi32>
    %lt3A_408 = arith.cmpf olt, %select_n3A_383, %gather3A_397 : vector<4x128x128xf32>
    %eq3A_409 = arith.cmpf oeq, %select_n3A_383, %gather3A_397 : vector<4x128x128xf32>
    %lt3A_410 = arith.cmpi slt, %select_n3A_384, %gather3A_407 : vector<4x128x128xi32>
    %and3A_411 = arith.andi %eq3A_409, %lt3A_410 : vector<4x128x128xi1>
    %or3A_412 = arith.ori %lt3A_408, %and3A_411 : vector<4x128x128xi1>
    %and3A_413 = arith.constant 16 : i32
    %and3A_414 = vector.broadcast %and3A_413 : i32 to vector<4x128x128xi32>
    %and3A_415 = arith.andi %add3A, %and3A_414 : vector<4x128x128xi32>
    %eq3A_416 = arith.constant 0 : i32
    %eq3A_417 = vector.broadcast %eq3A_416 : i32 to vector<4x128x128xi32>
    %eq3A_418 = arith.cmpi eq, %and3A_415, %eq3A_417 : vector<4x128x128xi32>
    %and3A_419 = arith.constant 4 : i32
    %and3A_420 = vector.broadcast %and3A_419 : i32 to vector<4x128x128xi32>
    %and3A_421 = arith.andi %add3A, %and3A_420 : vector<4x128x128xi32>
    %eq3A_422 = arith.constant 0 : i32
    %eq3A_423 = vector.broadcast %eq3A_422 : i32 to vector<4x128x128xi32>
    %eq3A_424 = arith.cmpi eq, %and3A_421, %eq3A_423 : vector<4x128x128xi32>
    %eq3A_425 = arith.xori %eq3A_418, %eq3A_424 : vector<4x128x128xi1>
    %eq3A_426 = arith.constant dense<true> : vector<4x128x128xi1>
    %eq3A_427 = arith.xori %eq3A_425, %eq3A_426 : vector<4x128x128xi1>
    %xor3A_428 = arith.xori %or3A_412, %eq3A_427 : vector<4x128x128xi1>
    %select_n3A_429 = arith.select %xor3A_428, %gather3A_397, %select_n3A_383 : vector<4x128x128xi1>, vector<4x128x128xf32>
    %select_n3A_430 = arith.select %xor3A_428, %gather3A_407, %select_n3A_384 : vector<4x128x128xi1>, vector<4x128x128xi32>
    %xor3A_431 = arith.constant 2 : i32
    %xor3A_432 = vector.broadcast %xor3A_431 : i32 to vector<4x128x128xi32>
    %xor3A_433 = arith.xori %iota3A_7, %xor3A_432 : vector<4x128x128xi32>
    %lt3A_434 = arith.constant 0 : i32
    %lt3A_435 = vector.broadcast %lt3A_434 : i32 to vector<4x128x128xi32>
    %lt3A_436 = arith.cmpi slt, %xor3A_433, %lt3A_435 : vector<4x128x128xi32>
    %add3A_437 = arith.constant 128 : i32
    %add3A_438 = vector.broadcast %add3A_437 : i32 to vector<4x128x128xi32>
    %add3A_439 = arith.addi %xor3A_433, %add3A_438 : vector<4x128x128xi32>
    %select_n3A_440 = arith.select %lt3A_436, %add3A_439, %xor3A_433 : vector<4x128x128xi1>, vector<4x128x128xi32>
    %reshape3A_441 = vector.shape_cast %select_n3A_440 : vector<4x128x128xi32> to vector<4x128x128x1xi32>
    %gather3A_442 = vector.shape_cast %reshape3A_441 : vector<4x128x128x1xi32> to vector<4x128x128xi32>
    %gather3A_443 = tpu.dynamic_gather %select_n3A_429[%gather3A_442] in [2] : vector<4x128x128xf32>, vector<4x128x128xi32> -> vector<4x128x128xf32>
    %lt3A_444 = arith.constant 0 : i32
    %lt3A_445 = vector.broadcast %lt3A_444 : i32 to vector<4x128x128xi32>
    %lt3A_446 = arith.cmpi slt, %xor3A_433, %lt3A_445 : vector<4x128x128xi32>
    %add3A_447 = arith.constant 128 : i32
    %add3A_448 = vector.broadcast %add3A_447 : i32 to vector<4x128x128xi32>
    %add3A_449 = arith.addi %xor3A_433, %add3A_448 : vector<4x128x128xi32>
    %select_n3A_450 = arith.select %lt3A_446, %add3A_449, %xor3A_433 : vector<4x128x128xi1>, vector<4x128x128xi32>
    %reshape3A_451 = vector.shape_cast %select_n3A_450 : vector<4x128x128xi32> to vector<4x128x128x1xi32>
    %gather3A_452 = vector.shape_cast %reshape3A_451 : vector<4x128x128x1xi32> to vector<4x128x128xi32>
    %gather3A_453 = tpu.dynamic_gather %select_n3A_430[%gather3A_452] in [2] : vector<4x128x128xi32>, vector<4x128x128xi32> -> vector<4x128x128xi32>
    %lt3A_454 = arith.cmpf olt, %select_n3A_429, %gather3A_443 : vector<4x128x128xf32>
    %eq3A_455 = arith.cmpf oeq, %select_n3A_429, %gather3A_443 : vector<4x128x128xf32>
    %lt3A_456 = arith.cmpi slt, %select_n3A_430, %gather3A_453 : vector<4x128x128xi32>
    %and3A_457 = arith.andi %eq3A_455, %lt3A_456 : vector<4x128x128xi1>
    %or3A_458 = arith.ori %lt3A_454, %and3A_457 : vector<4x128x128xi1>
    %and3A_459 = arith.constant 16 : i32
    %and3A_460 = vector.broadcast %and3A_459 : i32 to vector<4x128x128xi32>
    %and3A_461 = arith.andi %add3A, %and3A_460 : vector<4x128x128xi32>
    %eq3A_462 = arith.constant 0 : i32
    %eq3A_463 = vector.broadcast %eq3A_462 : i32 to vector<4x128x128xi32>
    %eq3A_464 = arith.cmpi eq, %and3A_461, %eq3A_463 : vector<4x128x128xi32>
    %and3A_465 = arith.constant 2 : i32
    %and3A_466 = vector.broadcast %and3A_465 : i32 to vector<4x128x128xi32>
    %and3A_467 = arith.andi %add3A, %and3A_466 : vector<4x128x128xi32>
    %eq3A_468 = arith.constant 0 : i32
    %eq3A_469 = vector.broadcast %eq3A_468 : i32 to vector<4x128x128xi32>
    %eq3A_470 = arith.cmpi eq, %and3A_467, %eq3A_469 : vector<4x128x128xi32>
    %eq3A_471 = arith.xori %eq3A_464, %eq3A_470 : vector<4x128x128xi1>
    %eq3A_472 = arith.constant dense<true> : vector<4x128x128xi1>
    %eq3A_473 = arith.xori %eq3A_471, %eq3A_472 : vector<4x128x128xi1>
    %xor3A_474 = arith.xori %or3A_458, %eq3A_473 : vector<4x128x128xi1>
    %select_n3A_475 = arith.select %xor3A_474, %gather3A_443, %select_n3A_429 : vector<4x128x128xi1>, vector<4x128x128xf32>
    %select_n3A_476 = arith.select %xor3A_474, %gather3A_453, %select_n3A_430 : vector<4x128x128xi1>, vector<4x128x128xi32>
    %xor3A_477 = arith.constant 1 : i32
    %xor3A_478 = vector.broadcast %xor3A_477 : i32 to vector<4x128x128xi32>
    %xor3A_479 = arith.xori %iota3A_7, %xor3A_478 : vector<4x128x128xi32>
    %lt3A_480 = arith.constant 0 : i32
    %lt3A_481 = vector.broadcast %lt3A_480 : i32 to vector<4x128x128xi32>
    %lt3A_482 = arith.cmpi slt, %xor3A_479, %lt3A_481 : vector<4x128x128xi32>
    %add3A_483 = arith.constant 128 : i32
    %add3A_484 = vector.broadcast %add3A_483 : i32 to vector<4x128x128xi32>
    %add3A_485 = arith.addi %xor3A_479, %add3A_484 : vector<4x128x128xi32>
    %select_n3A_486 = arith.select %lt3A_482, %add3A_485, %xor3A_479 : vector<4x128x128xi1>, vector<4x128x128xi32>
    %reshape3A_487 = vector.shape_cast %select_n3A_486 : vector<4x128x128xi32> to vector<4x128x128x1xi32>
    %gather3A_488 = vector.shape_cast %reshape3A_487 : vector<4x128x128x1xi32> to vector<4x128x128xi32>
    %gather3A_489 = tpu.dynamic_gather %select_n3A_475[%gather3A_488] in [2] : vector<4x128x128xf32>, vector<4x128x128xi32> -> vector<4x128x128xf32>
    %lt3A_490 = arith.constant 0 : i32
    %lt3A_491 = vector.broadcast %lt3A_490 : i32 to vector<4x128x128xi32>
    %lt3A_492 = arith.cmpi slt, %xor3A_479, %lt3A_491 : vector<4x128x128xi32>
    %add3A_493 = arith.constant 128 : i32
    %add3A_494 = vector.broadcast %add3A_493 : i32 to vector<4x128x128xi32>
    %add3A_495 = arith.addi %xor3A_479, %add3A_494 : vector<4x128x128xi32>
    %select_n3A_496 = arith.select %lt3A_492, %add3A_495, %xor3A_479 : vector<4x128x128xi1>, vector<4x128x128xi32>
    %reshape3A_497 = vector.shape_cast %select_n3A_496 : vector<4x128x128xi32> to vector<4x128x128x1xi32>
    %gather3A_498 = vector.shape_cast %reshape3A_497 : vector<4x128x128x1xi32> to vector<4x128x128xi32>
    %gather3A_499 = tpu.dynamic_gather %select_n3A_476[%gather3A_498] in [2] : vector<4x128x128xi32>, vector<4x128x128xi32> -> vector<4x128x128xi32>
    %lt3A_500 = arith.cmpf olt, %select_n3A_475, %gather3A_489 : vector<4x128x128xf32>
    %eq3A_501 = arith.cmpf oeq, %select_n3A_475, %gather3A_489 : vector<4x128x128xf32>
    %lt3A_502 = arith.cmpi slt, %select_n3A_476, %gather3A_499 : vector<4x128x128xi32>
    %and3A_503 = arith.andi %eq3A_501, %lt3A_502 : vector<4x128x128xi1>
    %or3A_504 = arith.ori %lt3A_500, %and3A_503 : vector<4x128x128xi1>
    %and3A_505 = arith.constant 16 : i32
    %and3A_506 = vector.broadcast %and3A_505 : i32 to vector<4x128x128xi32>
    %and3A_507 = arith.andi %add3A, %and3A_506 : vector<4x128x128xi32>
    %eq3A_508 = arith.constant 0 : i32
    %eq3A_509 = vector.broadcast %eq3A_508 : i32 to vector<4x128x128xi32>
    %eq3A_510 = arith.cmpi eq, %and3A_507, %eq3A_509 : vector<4x128x128xi32>
    %and3A_511 = arith.constant 1 : i32
    %and3A_512 = vector.broadcast %and3A_511 : i32 to vector<4x128x128xi32>
    %and3A_513 = arith.andi %add3A, %and3A_512 : vector<4x128x128xi32>
    %eq3A_514 = arith.constant 0 : i32
    %eq3A_515 = vector.broadcast %eq3A_514 : i32 to vector<4x128x128xi32>
    %eq3A_516 = arith.cmpi eq, %and3A_513, %eq3A_515 : vector<4x128x128xi32>
    %eq3A_517 = arith.xori %eq3A_510, %eq3A_516 : vector<4x128x128xi1>
    %eq3A_518 = arith.constant dense<true> : vector<4x128x128xi1>
    %eq3A_519 = arith.xori %eq3A_517, %eq3A_518 : vector<4x128x128xi1>
    %xor3A_520 = arith.xori %or3A_504, %eq3A_519 : vector<4x128x128xi1>
    %select_n3A_521 = arith.select %xor3A_520, %gather3A_489, %select_n3A_475 : vector<4x128x128xi1>, vector<4x128x128xf32>
    %select_n3A_522 = arith.select %xor3A_520, %gather3A_499, %select_n3A_476 : vector<4x128x128xi1>, vector<4x128x128xi32>
    %xor3A_523 = arith.constant 16 : i32
    %xor3A_524 = vector.broadcast %xor3A_523 : i32 to vector<4x128x128xi32>
    %xor3A_525 = arith.xori %iota3A_7, %xor3A_524 : vector<4x128x128xi32>
    %lt3A_526 = arith.constant 0 : i32
    %lt3A_527 = vector.broadcast %lt3A_526 : i32 to vector<4x128x128xi32>
    %lt3A_528 = arith.cmpi slt, %xor3A_525, %lt3A_527 : vector<4x128x128xi32>
    %add3A_529 = arith.constant 128 : i32
    %add3A_530 = vector.broadcast %add3A_529 : i32 to vector<4x128x128xi32>
    %add3A_531 = arith.addi %xor3A_525, %add3A_530 : vector<4x128x128xi32>
    %select_n3A_532 = arith.select %lt3A_528, %add3A_531, %xor3A_525 : vector<4x128x128xi1>, vector<4x128x128xi32>
    %reshape3A_533 = vector.shape_cast %select_n3A_532 : vector<4x128x128xi32> to vector<4x128x128x1xi32>
    %gather3A_534 = vector.shape_cast %reshape3A_533 : vector<4x128x128x1xi32> to vector<4x128x128xi32>
    %gather3A_535 = tpu.dynamic_gather %select_n3A_521[%gather3A_534] in [2] : vector<4x128x128xf32>, vector<4x128x128xi32> -> vector<4x128x128xf32>
    %lt3A_536 = arith.constant 0 : i32
    %lt3A_537 = vector.broadcast %lt3A_536 : i32 to vector<4x128x128xi32>
    %lt3A_538 = arith.cmpi slt, %xor3A_525, %lt3A_537 : vector<4x128x128xi32>
    %add3A_539 = arith.constant 128 : i32
    %add3A_540 = vector.broadcast %add3A_539 : i32 to vector<4x128x128xi32>
    %add3A_541 = arith.addi %xor3A_525, %add3A_540 : vector<4x128x128xi32>
    %select_n3A_542 = arith.select %lt3A_538, %add3A_541, %xor3A_525 : vector<4x128x128xi1>, vector<4x128x128xi32>
    %reshape3A_543 = vector.shape_cast %select_n3A_542 : vector<4x128x128xi32> to vector<4x128x128x1xi32>
    %gather3A_544 = vector.shape_cast %reshape3A_543 : vector<4x128x128x1xi32> to vector<4x128x128xi32>
    %gather3A_545 = tpu.dynamic_gather %select_n3A_522[%gather3A_544] in [2] : vector<4x128x128xi32>, vector<4x128x128xi32> -> vector<4x128x128xi32>
    %lt3A_546 = arith.cmpf olt, %select_n3A_521, %gather3A_535 : vector<4x128x128xf32>
    %eq3A_547 = arith.cmpf oeq, %select_n3A_521, %gather3A_535 : vector<4x128x128xf32>
    %lt3A_548 = arith.cmpi slt, %select_n3A_522, %gather3A_545 : vector<4x128x128xi32>
    %and3A_549 = arith.andi %eq3A_547, %lt3A_548 : vector<4x128x128xi1>
    %or3A_550 = arith.ori %lt3A_546, %and3A_549 : vector<4x128x128xi1>
    %and3A_551 = arith.constant 32 : i32
    %and3A_552 = vector.broadcast %and3A_551 : i32 to vector<4x128x128xi32>
    %and3A_553 = arith.andi %add3A, %and3A_552 : vector<4x128x128xi32>
    %eq3A_554 = arith.constant 0 : i32
    %eq3A_555 = vector.broadcast %eq3A_554 : i32 to vector<4x128x128xi32>
    %eq3A_556 = arith.cmpi eq, %and3A_553, %eq3A_555 : vector<4x128x128xi32>
    %and3A_557 = arith.constant 16 : i32
    %and3A_558 = vector.broadcast %and3A_557 : i32 to vector<4x128x128xi32>
    %and3A_559 = arith.andi %add3A, %and3A_558 : vector<4x128x128xi32>
    %eq3A_560 = arith.constant 0 : i32
    %eq3A_561 = vector.broadcast %eq3A_560 : i32 to vector<4x128x128xi32>
    %eq3A_562 = arith.cmpi eq, %and3A_559, %eq3A_561 : vector<4x128x128xi32>
    %eq3A_563 = arith.xori %eq3A_556, %eq3A_562 : vector<4x128x128xi1>
    %eq3A_564 = arith.constant dense<true> : vector<4x128x128xi1>
    %eq3A_565 = arith.xori %eq3A_563, %eq3A_564 : vector<4x128x128xi1>
    %xor3A_566 = arith.xori %or3A_550, %eq3A_565 : vector<4x128x128xi1>
    %select_n3A_567 = arith.select %xor3A_566, %gather3A_535, %select_n3A_521 : vector<4x128x128xi1>, vector<4x128x128xf32>
    %select_n3A_568 = arith.select %xor3A_566, %gather3A_545, %select_n3A_522 : vector<4x128x128xi1>, vector<4x128x128xi32>
    %xor3A_569 = arith.constant 8 : i32
    %xor3A_570 = vector.broadcast %xor3A_569 : i32 to vector<4x128x128xi32>
    %xor3A_571 = arith.xori %iota3A_7, %xor3A_570 : vector<4x128x128xi32>
    %lt3A_572 = arith.constant 0 : i32
    %lt3A_573 = vector.broadcast %lt3A_572 : i32 to vector<4x128x128xi32>
    %lt3A_574 = arith.cmpi slt, %xor3A_571, %lt3A_573 : vector<4x128x128xi32>
    %add3A_575 = arith.constant 128 : i32
    %add3A_576 = vector.broadcast %add3A_575 : i32 to vector<4x128x128xi32>
    %add3A_577 = arith.addi %xor3A_571, %add3A_576 : vector<4x128x128xi32>
    %select_n3A_578 = arith.select %lt3A_574, %add3A_577, %xor3A_571 : vector<4x128x128xi1>, vector<4x128x128xi32>
    %reshape3A_579 = vector.shape_cast %select_n3A_578 : vector<4x128x128xi32> to vector<4x128x128x1xi32>
    %gather3A_580 = vector.shape_cast %reshape3A_579 : vector<4x128x128x1xi32> to vector<4x128x128xi32>
    %gather3A_581 = tpu.dynamic_gather %select_n3A_567[%gather3A_580] in [2] : vector<4x128x128xf32>, vector<4x128x128xi32> -> vector<4x128x128xf32>
    %lt3A_582 = arith.constant 0 : i32
    %lt3A_583 = vector.broadcast %lt3A_582 : i32 to vector<4x128x128xi32>
    %lt3A_584 = arith.cmpi slt, %xor3A_571, %lt3A_583 : vector<4x128x128xi32>
    %add3A_585 = arith.constant 128 : i32
    %add3A_586 = vector.broadcast %add3A_585 : i32 to vector<4x128x128xi32>
    %add3A_587 = arith.addi %xor3A_571, %add3A_586 : vector<4x128x128xi32>
    %select_n3A_588 = arith.select %lt3A_584, %add3A_587, %xor3A_571 : vector<4x128x128xi1>, vector<4x128x128xi32>
    %reshape3A_589 = vector.shape_cast %select_n3A_588 : vector<4x128x128xi32> to vector<4x128x128x1xi32>
    %gather3A_590 = vector.shape_cast %reshape3A_589 : vector<4x128x128x1xi32> to vector<4x128x128xi32>
    %gather3A_591 = tpu.dynamic_gather %select_n3A_568[%gather3A_590] in [2] : vector<4x128x128xi32>, vector<4x128x128xi32> -> vector<4x128x128xi32>
    %lt3A_592 = arith.cmpf olt, %select_n3A_567, %gather3A_581 : vector<4x128x128xf32>
    %eq3A_593 = arith.cmpf oeq, %select_n3A_567, %gather3A_581 : vector<4x128x128xf32>
    %lt3A_594 = arith.cmpi slt, %select_n3A_568, %gather3A_591 : vector<4x128x128xi32>
    %and3A_595 = arith.andi %eq3A_593, %lt3A_594 : vector<4x128x128xi1>
    %or3A_596 = arith.ori %lt3A_592, %and3A_595 : vector<4x128x128xi1>
    %and3A_597 = arith.constant 32 : i32
    %and3A_598 = vector.broadcast %and3A_597 : i32 to vector<4x128x128xi32>
    %and3A_599 = arith.andi %add3A, %and3A_598 : vector<4x128x128xi32>
    %eq3A_600 = arith.constant 0 : i32
    %eq3A_601 = vector.broadcast %eq3A_600 : i32 to vector<4x128x128xi32>
    %eq3A_602 = arith.cmpi eq, %and3A_599, %eq3A_601 : vector<4x128x128xi32>
    %and3A_603 = arith.constant 8 : i32
    %and3A_604 = vector.broadcast %and3A_603 : i32 to vector<4x128x128xi32>
    %and3A_605 = arith.andi %add3A, %and3A_604 : vector<4x128x128xi32>
    %eq3A_606 = arith.constant 0 : i32
    %eq3A_607 = vector.broadcast %eq3A_606 : i32 to vector<4x128x128xi32>
    %eq3A_608 = arith.cmpi eq, %and3A_605, %eq3A_607 : vector<4x128x128xi32>
    %eq3A_609 = arith.xori %eq3A_602, %eq3A_608 : vector<4x128x128xi1>
    %eq3A_610 = arith.constant dense<true> : vector<4x128x128xi1>
    %eq3A_611 = arith.xori %eq3A_609, %eq3A_610 : vector<4x128x128xi1>
    %xor3A_612 = arith.xori %or3A_596, %eq3A_611 : vector<4x128x128xi1>
    %select_n3A_613 = arith.select %xor3A_612, %gather3A_581, %select_n3A_567 : vector<4x128x128xi1>, vector<4x128x128xf32>
    %select_n3A_614 = arith.select %xor3A_612, %gather3A_591, %select_n3A_568 : vector<4x128x128xi1>, vector<4x128x128xi32>
    %xor3A_615 = arith.constant 4 : i32
    %xor3A_616 = vector.broadcast %xor3A_615 : i32 to vector<4x128x128xi32>
    %xor3A_617 = arith.xori %iota3A_7, %xor3A_616 : vector<4x128x128xi32>
    %lt3A_618 = arith.constant 0 : i32
    %lt3A_619 = vector.broadcast %lt3A_618 : i32 to vector<4x128x128xi32>
    %lt3A_620 = arith.cmpi slt, %xor3A_617, %lt3A_619 : vector<4x128x128xi32>
    %add3A_621 = arith.constant 128 : i32
    %add3A_622 = vector.broadcast %add3A_621 : i32 to vector<4x128x128xi32>
    %add3A_623 = arith.addi %xor3A_617, %add3A_622 : vector<4x128x128xi32>
    %select_n3A_624 = arith.select %lt3A_620, %add3A_623, %xor3A_617 : vector<4x128x128xi1>, vector<4x128x128xi32>
    %reshape3A_625 = vector.shape_cast %select_n3A_624 : vector<4x128x128xi32> to vector<4x128x128x1xi32>
    %gather3A_626 = vector.shape_cast %reshape3A_625 : vector<4x128x128x1xi32> to vector<4x128x128xi32>
    %gather3A_627 = tpu.dynamic_gather %select_n3A_613[%gather3A_626] in [2] : vector<4x128x128xf32>, vector<4x128x128xi32> -> vector<4x128x128xf32>
    %lt3A_628 = arith.constant 0 : i32
    %lt3A_629 = vector.broadcast %lt3A_628 : i32 to vector<4x128x128xi32>
    %lt3A_630 = arith.cmpi slt, %xor3A_617, %lt3A_629 : vector<4x128x128xi32>
    %add3A_631 = arith.constant 128 : i32
    %add3A_632 = vector.broadcast %add3A_631 : i32 to vector<4x128x128xi32>
    %add3A_633 = arith.addi %xor3A_617, %add3A_632 : vector<4x128x128xi32>
    %select_n3A_634 = arith.select %lt3A_630, %add3A_633, %xor3A_617 : vector<4x128x128xi1>, vector<4x128x128xi32>
    %reshape3A_635 = vector.shape_cast %select_n3A_634 : vector<4x128x128xi32> to vector<4x128x128x1xi32>
    %gather3A_636 = vector.shape_cast %reshape3A_635 : vector<4x128x128x1xi32> to vector<4x128x128xi32>
    %gather3A_637 = tpu.dynamic_gather %select_n3A_614[%gather3A_636] in [2] : vector<4x128x128xi32>, vector<4x128x128xi32> -> vector<4x128x128xi32>
    %lt3A_638 = arith.cmpf olt, %select_n3A_613, %gather3A_627 : vector<4x128x128xf32>
    %eq3A_639 = arith.cmpf oeq, %select_n3A_613, %gather3A_627 : vector<4x128x128xf32>
    %lt3A_640 = arith.cmpi slt, %select_n3A_614, %gather3A_637 : vector<4x128x128xi32>
    %and3A_641 = arith.andi %eq3A_639, %lt3A_640 : vector<4x128x128xi1>
    %or3A_642 = arith.ori %lt3A_638, %and3A_641 : vector<4x128x128xi1>
    %and3A_643 = arith.constant 32 : i32
    %and3A_644 = vector.broadcast %and3A_643 : i32 to vector<4x128x128xi32>
    %and3A_645 = arith.andi %add3A, %and3A_644 : vector<4x128x128xi32>
    %eq3A_646 = arith.constant 0 : i32
    %eq3A_647 = vector.broadcast %eq3A_646 : i32 to vector<4x128x128xi32>
    %eq3A_648 = arith.cmpi eq, %and3A_645, %eq3A_647 : vector<4x128x128xi32>
    %and3A_649 = arith.constant 4 : i32
    %and3A_650 = vector.broadcast %and3A_649 : i32 to vector<4x128x128xi32>
    %and3A_651 = arith.andi %add3A, %and3A_650 : vector<4x128x128xi32>
    %eq3A_652 = arith.constant 0 : i32
    %eq3A_653 = vector.broadcast %eq3A_652 : i32 to vector<4x128x128xi32>
    %eq3A_654 = arith.cmpi eq, %and3A_651, %eq3A_653 : vector<4x128x128xi32>
    %eq3A_655 = arith.xori %eq3A_648, %eq3A_654 : vector<4x128x128xi1>
    %eq3A_656 = arith.constant dense<true> : vector<4x128x128xi1>
    %eq3A_657 = arith.xori %eq3A_655, %eq3A_656 : vector<4x128x128xi1>
    %xor3A_658 = arith.xori %or3A_642, %eq3A_657 : vector<4x128x128xi1>
    %select_n3A_659 = arith.select %xor3A_658, %gather3A_627, %select_n3A_613 : vector<4x128x128xi1>, vector<4x128x128xf32>
    %select_n3A_660 = arith.select %xor3A_658, %gather3A_637, %select_n3A_614 : vector<4x128x128xi1>, vector<4x128x128xi32>
    %xor3A_661 = arith.constant 2 : i32
    %xor3A_662 = vector.broadcast %xor3A_661 : i32 to vector<4x128x128xi32>
    %xor3A_663 = arith.xori %iota3A_7, %xor3A_662 : vector<4x128x128xi32>
    %lt3A_664 = arith.constant 0 : i32
    %lt3A_665 = vector.broadcast %lt3A_664 : i32 to vector<4x128x128xi32>
    %lt3A_666 = arith.cmpi slt, %xor3A_663, %lt3A_665 : vector<4x128x128xi32>
    %add3A_667 = arith.constant 128 : i32
    %add3A_668 = vector.broadcast %add3A_667 : i32 to vector<4x128x128xi32>
    %add3A_669 = arith.addi %xor3A_663, %add3A_668 : vector<4x128x128xi32>
    %select_n3A_670 = arith.select %lt3A_666, %add3A_669, %xor3A_663 : vector<4x128x128xi1>, vector<4x128x128xi32>
    %reshape3A_671 = vector.shape_cast %select_n3A_670 : vector<4x128x128xi32> to vector<4x128x128x1xi32>
    %gather3A_672 = vector.shape_cast %reshape3A_671 : vector<4x128x128x1xi32> to vector<4x128x128xi32>
    %gather3A_673 = tpu.dynamic_gather %select_n3A_659[%gather3A_672] in [2] : vector<4x128x128xf32>, vector<4x128x128xi32> -> vector<4x128x128xf32>
    %lt3A_674 = arith.constant 0 : i32
    %lt3A_675 = vector.broadcast %lt3A_674 : i32 to vector<4x128x128xi32>
    %lt3A_676 = arith.cmpi slt, %xor3A_663, %lt3A_675 : vector<4x128x128xi32>
    %add3A_677 = arith.constant 128 : i32
    %add3A_678 = vector.broadcast %add3A_677 : i32 to vector<4x128x128xi32>
    %add3A_679 = arith.addi %xor3A_663, %add3A_678 : vector<4x128x128xi32>
    %select_n3A_680 = arith.select %lt3A_676, %add3A_679, %xor3A_663 : vector<4x128x128xi1>, vector<4x128x128xi32>
    %reshape3A_681 = vector.shape_cast %select_n3A_680 : vector<4x128x128xi32> to vector<4x128x128x1xi32>
    %gather3A_682 = vector.shape_cast %reshape3A_681 : vector<4x128x128x1xi32> to vector<4x128x128xi32>
    %gather3A_683 = tpu.dynamic_gather %select_n3A_660[%gather3A_682] in [2] : vector<4x128x128xi32>, vector<4x128x128xi32> -> vector<4x128x128xi32>
    %lt3A_684 = arith.cmpf olt, %select_n3A_659, %gather3A_673 : vector<4x128x128xf32>
    %eq3A_685 = arith.cmpf oeq, %select_n3A_659, %gather3A_673 : vector<4x128x128xf32>
    %lt3A_686 = arith.cmpi slt, %select_n3A_660, %gather3A_683 : vector<4x128x128xi32>
    %and3A_687 = arith.andi %eq3A_685, %lt3A_686 : vector<4x128x128xi1>
    %or3A_688 = arith.ori %lt3A_684, %and3A_687 : vector<4x128x128xi1>
    %and3A_689 = arith.constant 32 : i32
    %and3A_690 = vector.broadcast %and3A_689 : i32 to vector<4x128x128xi32>
    %and3A_691 = arith.andi %add3A, %and3A_690 : vector<4x128x128xi32>
    %eq3A_692 = arith.constant 0 : i32
    %eq3A_693 = vector.broadcast %eq3A_692 : i32 to vector<4x128x128xi32>
    %eq3A_694 = arith.cmpi eq, %and3A_691, %eq3A_693 : vector<4x128x128xi32>
    %and3A_695 = arith.constant 2 : i32
    %and3A_696 = vector.broadcast %and3A_695 : i32 to vector<4x128x128xi32>
    %and3A_697 = arith.andi %add3A, %and3A_696 : vector<4x128x128xi32>
    %eq3A_698 = arith.constant 0 : i32
    %eq3A_699 = vector.broadcast %eq3A_698 : i32 to vector<4x128x128xi32>
    %eq3A_700 = arith.cmpi eq, %and3A_697, %eq3A_699 : vector<4x128x128xi32>
    %eq3A_701 = arith.xori %eq3A_694, %eq3A_700 : vector<4x128x128xi1>
    %eq3A_702 = arith.constant dense<true> : vector<4x128x128xi1>
    %eq3A_703 = arith.xori %eq3A_701, %eq3A_702 : vector<4x128x128xi1>
    %xor3A_704 = arith.xori %or3A_688, %eq3A_703 : vector<4x128x128xi1>
    %select_n3A_705 = arith.select %xor3A_704, %gather3A_673, %select_n3A_659 : vector<4x128x128xi1>, vector<4x128x128xf32>
    %select_n3A_706 = arith.select %xor3A_704, %gather3A_683, %select_n3A_660 : vector<4x128x128xi1>, vector<4x128x128xi32>
    %xor3A_707 = arith.constant 1 : i32
    %xor3A_708 = vector.broadcast %xor3A_707 : i32 to vector<4x128x128xi32>
    %xor3A_709 = arith.xori %iota3A_7, %xor3A_708 : vector<4x128x128xi32>
    %lt3A_710 = arith.constant 0 : i32
    %lt3A_711 = vector.broadcast %lt3A_710 : i32 to vector<4x128x128xi32>
    %lt3A_712 = arith.cmpi slt, %xor3A_709, %lt3A_711 : vector<4x128x128xi32>
    %add3A_713 = arith.constant 128 : i32
    %add3A_714 = vector.broadcast %add3A_713 : i32 to vector<4x128x128xi32>
    %add3A_715 = arith.addi %xor3A_709, %add3A_714 : vector<4x128x128xi32>
    %select_n3A_716 = arith.select %lt3A_712, %add3A_715, %xor3A_709 : vector<4x128x128xi1>, vector<4x128x128xi32>
    %reshape3A_717 = vector.shape_cast %select_n3A_716 : vector<4x128x128xi32> to vector<4x128x128x1xi32>
    %gather3A_718 = vector.shape_cast %reshape3A_717 : vector<4x128x128x1xi32> to vector<4x128x128xi32>
    %gather3A_719 = tpu.dynamic_gather %select_n3A_705[%gather3A_718] in [2] : vector<4x128x128xf32>, vector<4x128x128xi32> -> vector<4x128x128xf32>
    %lt3A_720 = arith.constant 0 : i32
    %lt3A_721 = vector.broadcast %lt3A_720 : i32 to vector<4x128x128xi32>
    %lt3A_722 = arith.cmpi slt, %xor3A_709, %lt3A_721 : vector<4x128x128xi32>
    %add3A_723 = arith.constant 128 : i32
    %add3A_724 = vector.broadcast %add3A_723 : i32 to vector<4x128x128xi32>
    %add3A_725 = arith.addi %xor3A_709, %add3A_724 : vector<4x128x128xi32>
    %select_n3A_726 = arith.select %lt3A_722, %add3A_725, %xor3A_709 : vector<4x128x128xi1>, vector<4x128x128xi32>
    %reshape3A_727 = vector.shape_cast %select_n3A_726 : vector<4x128x128xi32> to vector<4x128x128x1xi32>
    %gather3A_728 = vector.shape_cast %reshape3A_727 : vector<4x128x128x1xi32> to vector<4x128x128xi32>
    %gather3A_729 = tpu.dynamic_gather %select_n3A_706[%gather3A_728] in [2] : vector<4x128x128xi32>, vector<4x128x128xi32> -> vector<4x128x128xi32>
    %lt3A_730 = arith.cmpf olt, %select_n3A_705, %gather3A_719 : vector<4x128x128xf32>
    %eq3A_731 = arith.cmpf oeq, %select_n3A_705, %gather3A_719 : vector<4x128x128xf32>
    %lt3A_732 = arith.cmpi slt, %select_n3A_706, %gather3A_729 : vector<4x128x128xi32>
    %and3A_733 = arith.andi %eq3A_731, %lt3A_732 : vector<4x128x128xi1>
    %or3A_734 = arith.ori %lt3A_730, %and3A_733 : vector<4x128x128xi1>
    %and3A_735 = arith.constant 32 : i32
    %and3A_736 = vector.broadcast %and3A_735 : i32 to vector<4x128x128xi32>
    %and3A_737 = arith.andi %add3A, %and3A_736 : vector<4x128x128xi32>
    %eq3A_738 = arith.constant 0 : i32
    %eq3A_739 = vector.broadcast %eq3A_738 : i32 to vector<4x128x128xi32>
    %eq3A_740 = arith.cmpi eq, %and3A_737, %eq3A_739 : vector<4x128x128xi32>
    %and3A_741 = arith.constant 1 : i32
    %and3A_742 = vector.broadcast %and3A_741 : i32 to vector<4x128x128xi32>
    %and3A_743 = arith.andi %add3A, %and3A_742 : vector<4x128x128xi32>
    %eq3A_744 = arith.constant 0 : i32
    %eq3A_745 = vector.broadcast %eq3A_744 : i32 to vector<4x128x128xi32>
    %eq3A_746 = arith.cmpi eq, %and3A_743, %eq3A_745 : vector<4x128x128xi32>
    %eq3A_747 = arith.xori %eq3A_740, %eq3A_746 : vector<4x128x128xi1>
    %eq3A_748 = arith.constant dense<true> : vector<4x128x128xi1>
    %eq3A_749 = arith.xori %eq3A_747, %eq3A_748 : vector<4x128x128xi1>
    %xor3A_750 = arith.xori %or3A_734, %eq3A_749 : vector<4x128x128xi1>
    %select_n3A_751 = arith.select %xor3A_750, %gather3A_719, %select_n3A_705 : vector<4x128x128xi1>, vector<4x128x128xf32>
    %select_n3A_752 = arith.select %xor3A_750, %gather3A_729, %select_n3A_706 : vector<4x128x128xi1>, vector<4x128x128xi32>
    %xor3A_753 = arith.constant 32 : i32
    %xor3A_754 = vector.broadcast %xor3A_753 : i32 to vector<4x128x128xi32>
    %xor3A_755 = arith.xori %iota3A_7, %xor3A_754 : vector<4x128x128xi32>
    %lt3A_756 = arith.constant 0 : i32
    %lt3A_757 = vector.broadcast %lt3A_756 : i32 to vector<4x128x128xi32>
    %lt3A_758 = arith.cmpi slt, %xor3A_755, %lt3A_757 : vector<4x128x128xi32>
    %add3A_759 = arith.constant 128 : i32
    %add3A_760 = vector.broadcast %add3A_759 : i32 to vector<4x128x128xi32>
    %add3A_761 = arith.addi %xor3A_755, %add3A_760 : vector<4x128x128xi32>
    %select_n3A_762 = arith.select %lt3A_758, %add3A_761, %xor3A_755 : vector<4x128x128xi1>, vector<4x128x128xi32>
    %reshape3A_763 = vector.shape_cast %select_n3A_762 : vector<4x128x128xi32> to vector<4x128x128x1xi32>
    %gather3A_764 = vector.shape_cast %reshape3A_763 : vector<4x128x128x1xi32> to vector<4x128x128xi32>
    %gather3A_765 = tpu.dynamic_gather %select_n3A_751[%gather3A_764] in [2] : vector<4x128x128xf32>, vector<4x128x128xi32> -> vector<4x128x128xf32>
    %lt3A_766 = arith.constant 0 : i32
    %lt3A_767 = vector.broadcast %lt3A_766 : i32 to vector<4x128x128xi32>
    %lt3A_768 = arith.cmpi slt, %xor3A_755, %lt3A_767 : vector<4x128x128xi32>
    %add3A_769 = arith.constant 128 : i32
    %add3A_770 = vector.broadcast %add3A_769 : i32 to vector<4x128x128xi32>
    %add3A_771 = arith.addi %xor3A_755, %add3A_770 : vector<4x128x128xi32>
    %select_n3A_772 = arith.select %lt3A_768, %add3A_771, %xor3A_755 : vector<4x128x128xi1>, vector<4x128x128xi32>
    %reshape3A_773 = vector.shape_cast %select_n3A_772 : vector<4x128x128xi32> to vector<4x128x128x1xi32>
    %gather3A_774 = vector.shape_cast %reshape3A_773 : vector<4x128x128x1xi32> to vector<4x128x128xi32>
    %gather3A_775 = tpu.dynamic_gather %select_n3A_752[%gather3A_774] in [2] : vector<4x128x128xi32>, vector<4x128x128xi32> -> vector<4x128x128xi32>
    %lt3A_776 = arith.cmpf olt, %select_n3A_751, %gather3A_765 : vector<4x128x128xf32>
    %eq3A_777 = arith.cmpf oeq, %select_n3A_751, %gather3A_765 : vector<4x128x128xf32>
    %lt3A_778 = arith.cmpi slt, %select_n3A_752, %gather3A_775 : vector<4x128x128xi32>
    %and3A_779 = arith.andi %eq3A_777, %lt3A_778 : vector<4x128x128xi1>
    %or3A_780 = arith.ori %lt3A_776, %and3A_779 : vector<4x128x128xi1>
    %and3A_781 = arith.constant 64 : i32
    %and3A_782 = vector.broadcast %and3A_781 : i32 to vector<4x128x128xi32>
    %and3A_783 = arith.andi %add3A, %and3A_782 : vector<4x128x128xi32>
    %eq3A_784 = arith.constant 0 : i32
    %eq3A_785 = vector.broadcast %eq3A_784 : i32 to vector<4x128x128xi32>
    %eq3A_786 = arith.cmpi eq, %and3A_783, %eq3A_785 : vector<4x128x128xi32>
    %and3A_787 = arith.constant 32 : i32
    %and3A_788 = vector.broadcast %and3A_787 : i32 to vector<4x128x128xi32>
    %and3A_789 = arith.andi %add3A, %and3A_788 : vector<4x128x128xi32>
    %eq3A_790 = arith.constant 0 : i32
    %eq3A_791 = vector.broadcast %eq3A_790 : i32 to vector<4x128x128xi32>
    %eq3A_792 = arith.cmpi eq, %and3A_789, %eq3A_791 : vector<4x128x128xi32>
    %eq3A_793 = arith.xori %eq3A_786, %eq3A_792 : vector<4x128x128xi1>
    %eq3A_794 = arith.constant dense<true> : vector<4x128x128xi1>
    %eq3A_795 = arith.xori %eq3A_793, %eq3A_794 : vector<4x128x128xi1>
    %xor3A_796 = arith.xori %or3A_780, %eq3A_795 : vector<4x128x128xi1>
    %select_n3A_797 = arith.select %xor3A_796, %gather3A_765, %select_n3A_751 : vector<4x128x128xi1>, vector<4x128x128xf32>
    %select_n3A_798 = arith.select %xor3A_796, %gather3A_775, %select_n3A_752 : vector<4x128x128xi1>, vector<4x128x128xi32>
    %xor3A_799 = arith.constant 16 : i32
    %xor3A_800 = vector.broadcast %xor3A_799 : i32 to vector<4x128x128xi32>
    %xor3A_801 = arith.xori %iota3A_7, %xor3A_800 : vector<4x128x128xi32>
    %lt3A_802 = arith.constant 0 : i32
    %lt3A_803 = vector.broadcast %lt3A_802 : i32 to vector<4x128x128xi32>
    %lt3A_804 = arith.cmpi slt, %xor3A_801, %lt3A_803 : vector<4x128x128xi32>
    %add3A_805 = arith.constant 128 : i32
    %add3A_806 = vector.broadcast %add3A_805 : i32 to vector<4x128x128xi32>
    %add3A_807 = arith.addi %xor3A_801, %add3A_806 : vector<4x128x128xi32>
    %select_n3A_808 = arith.select %lt3A_804, %add3A_807, %xor3A_801 : vector<4x128x128xi1>, vector<4x128x128xi32>
    %reshape3A_809 = vector.shape_cast %select_n3A_808 : vector<4x128x128xi32> to vector<4x128x128x1xi32>
    %gather3A_810 = vector.shape_cast %reshape3A_809 : vector<4x128x128x1xi32> to vector<4x128x128xi32>
    %gather3A_811 = tpu.dynamic_gather %select_n3A_797[%gather3A_810] in [2] : vector<4x128x128xf32>, vector<4x128x128xi32> -> vector<4x128x128xf32>
    %lt3A_812 = arith.constant 0 : i32
    %lt3A_813 = vector.broadcast %lt3A_812 : i32 to vector<4x128x128xi32>
    %lt3A_814 = arith.cmpi slt, %xor3A_801, %lt3A_813 : vector<4x128x128xi32>
    %add3A_815 = arith.constant 128 : i32
    %add3A_816 = vector.broadcast %add3A_815 : i32 to vector<4x128x128xi32>
    %add3A_817 = arith.addi %xor3A_801, %add3A_816 : vector<4x128x128xi32>
    %select_n3A_818 = arith.select %lt3A_814, %add3A_817, %xor3A_801 : vector<4x128x128xi1>, vector<4x128x128xi32>
    %reshape3A_819 = vector.shape_cast %select_n3A_818 : vector<4x128x128xi32> to vector<4x128x128x1xi32>
    %gather3A_820 = vector.shape_cast %reshape3A_819 : vector<4x128x128x1xi32> to vector<4x128x128xi32>
    %gather3A_821 = tpu.dynamic_gather %select_n3A_798[%gather3A_820] in [2] : vector<4x128x128xi32>, vector<4x128x128xi32> -> vector<4x128x128xi32>
    %lt3A_822 = arith.cmpf olt, %select_n3A_797, %gather3A_811 : vector<4x128x128xf32>
    %eq3A_823 = arith.cmpf oeq, %select_n3A_797, %gather3A_811 : vector<4x128x128xf32>
    %lt3A_824 = arith.cmpi slt, %select_n3A_798, %gather3A_821 : vector<4x128x128xi32>
    %and3A_825 = arith.andi %eq3A_823, %lt3A_824 : vector<4x128x128xi1>
    %or3A_826 = arith.ori %lt3A_822, %and3A_825 : vector<4x128x128xi1>
    %and3A_827 = arith.constant 64 : i32
    %and3A_828 = vector.broadcast %and3A_827 : i32 to vector<4x128x128xi32>
    %and3A_829 = arith.andi %add3A, %and3A_828 : vector<4x128x128xi32>
    %eq3A_830 = arith.constant 0 : i32
    %eq3A_831 = vector.broadcast %eq3A_830 : i32 to vector<4x128x128xi32>
    %eq3A_832 = arith.cmpi eq, %and3A_829, %eq3A_831 : vector<4x128x128xi32>
    %and3A_833 = arith.constant 16 : i32
    %and3A_834 = vector.broadcast %and3A_833 : i32 to vector<4x128x128xi32>
    %and3A_835 = arith.andi %add3A, %and3A_834 : vector<4x128x128xi32>
    %eq3A_836 = arith.constant 0 : i32
    %eq3A_837 = vector.broadcast %eq3A_836 : i32 to vector<4x128x128xi32>
    %eq3A_838 = arith.cmpi eq, %and3A_835, %eq3A_837 : vector<4x128x128xi32>
    %eq3A_839 = arith.xori %eq3A_832, %eq3A_838 : vector<4x128x128xi1>
    %eq3A_840 = arith.constant dense<true> : vector<4x128x128xi1>
    %eq3A_841 = arith.xori %eq3A_839, %eq3A_840 : vector<4x128x128xi1>
    %xor3A_842 = arith.xori %or3A_826, %eq3A_841 : vector<4x128x128xi1>
    %select_n3A_843 = arith.select %xor3A_842, %gather3A_811, %select_n3A_797 : vector<4x128x128xi1>, vector<4x128x128xf32>
    %select_n3A_844 = arith.select %xor3A_842, %gather3A_821, %select_n3A_798 : vector<4x128x128xi1>, vector<4x128x128xi32>
    %xor3A_845 = arith.constant 8 : i32
    %xor3A_846 = vector.broadcast %xor3A_845 : i32 to vector<4x128x128xi32>
    %xor3A_847 = arith.xori %iota3A_7, %xor3A_846 : vector<4x128x128xi32>
    %lt3A_848 = arith.constant 0 : i32
    %lt3A_849 = vector.broadcast %lt3A_848 : i32 to vector<4x128x128xi32>
    %lt3A_850 = arith.cmpi slt, %xor3A_847, %lt3A_849 : vector<4x128x128xi32>
    %add3A_851 = arith.constant 128 : i32
    %add3A_852 = vector.broadcast %add3A_851 : i32 to vector<4x128x128xi32>
    %add3A_853 = arith.addi %xor3A_847, %add3A_852 : vector<4x128x128xi32>
    %select_n3A_854 = arith.select %lt3A_850, %add3A_853, %xor3A_847 : vector<4x128x128xi1>, vector<4x128x128xi32>
    %reshape3A_855 = vector.shape_cast %select_n3A_854 : vector<4x128x128xi32> to vector<4x128x128x1xi32>
    %gather3A_856 = vector.shape_cast %reshape3A_855 : vector<4x128x128x1xi32> to vector<4x128x128xi32>
    %gather3A_857 = tpu.dynamic_gather %select_n3A_843[%gather3A_856] in [2] : vector<4x128x128xf32>, vector<4x128x128xi32> -> vector<4x128x128xf32>
    %lt3A_858 = arith.constant 0 : i32
    %lt3A_859 = vector.broadcast %lt3A_858 : i32 to vector<4x128x128xi32>
    %lt3A_860 = arith.cmpi slt, %xor3A_847, %lt3A_859 : vector<4x128x128xi32>
    %add3A_861 = arith.constant 128 : i32
    %add3A_862 = vector.broadcast %add3A_861 : i32 to vector<4x128x128xi32>
    %add3A_863 = arith.addi %xor3A_847, %add3A_862 : vector<4x128x128xi32>
    %select_n3A_864 = arith.select %lt3A_860, %add3A_863, %xor3A_847 : vector<4x128x128xi1>, vector<4x128x128xi32>
    %reshape3A_865 = vector.shape_cast %select_n3A_864 : vector<4x128x128xi32> to vector<4x128x128x1xi32>
    %gather3A_866 = vector.shape_cast %reshape3A_865 : vector<4x128x128x1xi32> to vector<4x128x128xi32>
    %gather3A_867 = tpu.dynamic_gather %select_n3A_844[%gather3A_866] in [2] : vector<4x128x128xi32>, vector<4x128x128xi32> -> vector<4x128x128xi32>
    %lt3A_868 = arith.cmpf olt, %select_n3A_843, %gather3A_857 : vector<4x128x128xf32>
    %eq3A_869 = arith.cmpf oeq, %select_n3A_843, %gather3A_857 : vector<4x128x128xf32>
    %lt3A_870 = arith.cmpi slt, %select_n3A_844, %gather3A_867 : vector<4x128x128xi32>
    %and3A_871 = arith.andi %eq3A_869, %lt3A_870 : vector<4x128x128xi1>
    %or3A_872 = arith.ori %lt3A_868, %and3A_871 : vector<4x128x128xi1>
    %and3A_873 = arith.constant 64 : i32
    %and3A_874 = vector.broadcast %and3A_873 : i32 to vector<4x128x128xi32>
    %and3A_875 = arith.andi %add3A, %and3A_874 : vector<4x128x128xi32>
    %eq3A_876 = arith.constant 0 : i32
    %eq3A_877 = vector.broadcast %eq3A_876 : i32 to vector<4x128x128xi32>
    %eq3A_878 = arith.cmpi eq, %and3A_875, %eq3A_877 : vector<4x128x128xi32>
    %and3A_879 = arith.constant 8 : i32
    %and3A_880 = vector.broadcast %and3A_879 : i32 to vector<4x128x128xi32>
    %and3A_881 = arith.andi %add3A, %and3A_880 : vector<4x128x128xi32>
    %eq3A_882 = arith.constant 0 : i32
    %eq3A_883 = vector.broadcast %eq3A_882 : i32 to vector<4x128x128xi32>
    %eq3A_884 = arith.cmpi eq, %and3A_881, %eq3A_883 : vector<4x128x128xi32>
    %eq3A_885 = arith.xori %eq3A_878, %eq3A_884 : vector<4x128x128xi1>
    %eq3A_886 = arith.constant dense<true> : vector<4x128x128xi1>
    %eq3A_887 = arith.xori %eq3A_885, %eq3A_886 : vector<4x128x128xi1>
    %xor3A_888 = arith.xori %or3A_872, %eq3A_887 : vector<4x128x128xi1>
    %select_n3A_889 = arith.select %xor3A_888, %gather3A_857, %select_n3A_843 : vector<4x128x128xi1>, vector<4x128x128xf32>
    %select_n3A_890 = arith.select %xor3A_888, %gather3A_867, %select_n3A_844 : vector<4x128x128xi1>, vector<4x128x128xi32>
    %xor3A_891 = arith.constant 4 : i32
    %xor3A_892 = vector.broadcast %xor3A_891 : i32 to vector<4x128x128xi32>
    %xor3A_893 = arith.xori %iota3A_7, %xor3A_892 : vector<4x128x128xi32>
    %lt3A_894 = arith.constant 0 : i32
    %lt3A_895 = vector.broadcast %lt3A_894 : i32 to vector<4x128x128xi32>
    %lt3A_896 = arith.cmpi slt, %xor3A_893, %lt3A_895 : vector<4x128x128xi32>
    %add3A_897 = arith.constant 128 : i32
    %add3A_898 = vector.broadcast %add3A_897 : i32 to vector<4x128x128xi32>
    %add3A_899 = arith.addi %xor3A_893, %add3A_898 : vector<4x128x128xi32>
    %select_n3A_900 = arith.select %lt3A_896, %add3A_899, %xor3A_893 : vector<4x128x128xi1>, vector<4x128x128xi32>
    %reshape3A_901 = vector.shape_cast %select_n3A_900 : vector<4x128x128xi32> to vector<4x128x128x1xi32>
    %gather3A_902 = vector.shape_cast %reshape3A_901 : vector<4x128x128x1xi32> to vector<4x128x128xi32>
    %gather3A_903 = tpu.dynamic_gather %select_n3A_889[%gather3A_902] in [2] : vector<4x128x128xf32>, vector<4x128x128xi32> -> vector<4x128x128xf32>
    %lt3A_904 = arith.constant 0 : i32
    %lt3A_905 = vector.broadcast %lt3A_904 : i32 to vector<4x128x128xi32>
    %lt3A_906 = arith.cmpi slt, %xor3A_893, %lt3A_905 : vector<4x128x128xi32>
    %add3A_907 = arith.constant 128 : i32
    %add3A_908 = vector.broadcast %add3A_907 : i32 to vector<4x128x128xi32>
    %add3A_909 = arith.addi %xor3A_893, %add3A_908 : vector<4x128x128xi32>
    %select_n3A_910 = arith.select %lt3A_906, %add3A_909, %xor3A_893 : vector<4x128x128xi1>, vector<4x128x128xi32>
    %reshape3A_911 = vector.shape_cast %select_n3A_910 : vector<4x128x128xi32> to vector<4x128x128x1xi32>
    %gather3A_912 = vector.shape_cast %reshape3A_911 : vector<4x128x128x1xi32> to vector<4x128x128xi32>
    %gather3A_913 = tpu.dynamic_gather %select_n3A_890[%gather3A_912] in [2] : vector<4x128x128xi32>, vector<4x128x128xi32> -> vector<4x128x128xi32>
    %lt3A_914 = arith.cmpf olt, %select_n3A_889, %gather3A_903 : vector<4x128x128xf32>
    %eq3A_915 = arith.cmpf oeq, %select_n3A_889, %gather3A_903 : vector<4x128x128xf32>
    %lt3A_916 = arith.cmpi slt, %select_n3A_890, %gather3A_913 : vector<4x128x128xi32>
    %and3A_917 = arith.andi %eq3A_915, %lt3A_916 : vector<4x128x128xi1>
    %or3A_918 = arith.ori %lt3A_914, %and3A_917 : vector<4x128x128xi1>
    %and3A_919 = arith.constant 64 : i32
    %and3A_920 = vector.broadcast %and3A_919 : i32 to vector<4x128x128xi32>
    %and3A_921 = arith.andi %add3A, %and3A_920 : vector<4x128x128xi32>
    %eq3A_922 = arith.constant 0 : i32
    %eq3A_923 = vector.broadcast %eq3A_922 : i32 to vector<4x128x128xi32>
    %eq3A_924 = arith.cmpi eq, %and3A_921, %eq3A_923 : vector<4x128x128xi32>
    %and3A_925 = arith.constant 4 : i32
    %and3A_926 = vector.broadcast %and3A_925 : i32 to vector<4x128x128xi32>
    %and3A_927 = arith.andi %add3A, %and3A_926 : vector<4x128x128xi32>
    %eq3A_928 = arith.constant 0 : i32
    %eq3A_929 = vector.broadcast %eq3A_928 : i32 to vector<4x128x128xi32>
    %eq3A_930 = arith.cmpi eq, %and3A_927, %eq3A_929 : vector<4x128x128xi32>
    %eq3A_931 = arith.xori %eq3A_924, %eq3A_930 : vector<4x128x128xi1>
    %eq3A_932 = arith.constant dense<true> : vector<4x128x128xi1>
    %eq3A_933 = arith.xori %eq3A_931, %eq3A_932 : vector<4x128x128xi1>
    %xor3A_934 = arith.xori %or3A_918, %eq3A_933 : vector<4x128x128xi1>
    %select_n3A_935 = arith.select %xor3A_934, %gather3A_903, %select_n3A_889 : vector<4x128x128xi1>, vector<4x128x128xf32>
    %select_n3A_936 = arith.select %xor3A_934, %gather3A_913, %select_n3A_890 : vector<4x128x128xi1>, vector<4x128x128xi32>
    %xor3A_937 = arith.constant 2 : i32
    %xor3A_938 = vector.broadcast %xor3A_937 : i32 to vector<4x128x128xi32>
    %xor3A_939 = arith.xori %iota3A_7, %xor3A_938 : vector<4x128x128xi32>
    %lt3A_940 = arith.constant 0 : i32
    %lt3A_941 = vector.broadcast %lt3A_940 : i32 to vector<4x128x128xi32>
    %lt3A_942 = arith.cmpi slt, %xor3A_939, %lt3A_941 : vector<4x128x128xi32>
    %add3A_943 = arith.constant 128 : i32
    %add3A_944 = vector.broadcast %add3A_943 : i32 to vector<4x128x128xi32>
    %add3A_945 = arith.addi %xor3A_939, %add3A_944 : vector<4x128x128xi32>
    %select_n3A_946 = arith.select %lt3A_942, %add3A_945, %xor3A_939 : vector<4x128x128xi1>, vector<4x128x128xi32>
    %reshape3A_947 = vector.shape_cast %select_n3A_946 : vector<4x128x128xi32> to vector<4x128x128x1xi32>
    %gather3A_948 = vector.shape_cast %reshape3A_947 : vector<4x128x128x1xi32> to vector<4x128x128xi32>
    %gather3A_949 = tpu.dynamic_gather %select_n3A_935[%gather3A_948] in [2] : vector<4x128x128xf32>, vector<4x128x128xi32> -> vector<4x128x128xf32>
    %lt3A_950 = arith.constant 0 : i32
    %lt3A_951 = vector.broadcast %lt3A_950 : i32 to vector<4x128x128xi32>
    %lt3A_952 = arith.cmpi slt, %xor3A_939, %lt3A_951 : vector<4x128x128xi32>
    %add3A_953 = arith.constant 128 : i32
    %add3A_954 = vector.broadcast %add3A_953 : i32 to vector<4x128x128xi32>
    %add3A_955 = arith.addi %xor3A_939, %add3A_954 : vector<4x128x128xi32>
    %select_n3A_956 = arith.select %lt3A_952, %add3A_955, %xor3A_939 : vector<4x128x128xi1>, vector<4x128x128xi32>
    %reshape3A_957 = vector.shape_cast %select_n3A_956 : vector<4x128x128xi32> to vector<4x128x128x1xi32>
    %gather3A_958 = vector.shape_cast %reshape3A_957 : vector<4x128x128x1xi32> to vector<4x128x128xi32>
    %gather3A_959 = tpu.dynamic_gather %select_n3A_936[%gather3A_958] in [2] : vector<4x128x128xi32>, vector<4x128x128xi32> -> vector<4x128x128xi32>
    %lt3A_960 = arith.cmpf olt, %select_n3A_935, %gather3A_949 : vector<4x128x128xf32>
    %eq3A_961 = arith.cmpf oeq, %select_n3A_935, %gather3A_949 : vector<4x128x128xf32>
    %lt3A_962 = arith.cmpi slt, %select_n3A_936, %gather3A_959 : vector<4x128x128xi32>
    %and3A_963 = arith.andi %eq3A_961, %lt3A_962 : vector<4x128x128xi1>
    %or3A_964 = arith.ori %lt3A_960, %and3A_963 : vector<4x128x128xi1>
    %and3A_965 = arith.constant 64 : i32
    %and3A_966 = vector.broadcast %and3A_965 : i32 to vector<4x128x128xi32>
    %and3A_967 = arith.andi %add3A, %and3A_966 : vector<4x128x128xi32>
    %eq3A_968 = arith.constant 0 : i32
    %eq3A_969 = vector.broadcast %eq3A_968 : i32 to vector<4x128x128xi32>
    %eq3A_970 = arith.cmpi eq, %and3A_967, %eq3A_969 : vector<4x128x128xi32>
    %and3A_971 = arith.constant 2 : i32
    %and3A_972 = vector.broadcast %and3A_971 : i32 to vector<4x128x128xi32>
    %and3A_973 = arith.andi %add3A, %and3A_972 : vector<4x128x128xi32>
    %eq3A_974 = arith.constant 0 : i32
    %eq3A_975 = vector.broadcast %eq3A_974 : i32 to vector<4x128x128xi32>
    %eq3A_976 = arith.cmpi eq, %and3A_973, %eq3A_975 : vector<4x128x128xi32>
    %eq3A_977 = arith.xori %eq3A_970, %eq3A_976 : vector<4x128x128xi1>
    %eq3A_978 = arith.constant dense<true> : vector<4x128x128xi1>
    %eq3A_979 = arith.xori %eq3A_977, %eq3A_978 : vector<4x128x128xi1>
    %xor3A_980 = arith.xori %or3A_964, %eq3A_979 : vector<4x128x128xi1>
    %select_n3A_981 = arith.select %xor3A_980, %gather3A_949, %select_n3A_935 : vector<4x128x128xi1>, vector<4x128x128xf32>
    %select_n3A_982 = arith.select %xor3A_980, %gather3A_959, %select_n3A_936 : vector<4x128x128xi1>, vector<4x128x128xi32>
    %xor3A_983 = arith.constant 1 : i32
    %xor3A_984 = vector.broadcast %xor3A_983 : i32 to vector<4x128x128xi32>
    %xor3A_985 = arith.xori %iota3A_7, %xor3A_984 : vector<4x128x128xi32>
    %lt3A_986 = arith.constant 0 : i32
    %lt3A_987 = vector.broadcast %lt3A_986 : i32 to vector<4x128x128xi32>
    %lt3A_988 = arith.cmpi slt, %xor3A_985, %lt3A_987 : vector<4x128x128xi32>
    %add3A_989 = arith.constant 128 : i32
    %add3A_990 = vector.broadcast %add3A_989 : i32 to vector<4x128x128xi32>
    %add3A_991 = arith.addi %xor3A_985, %add3A_990 : vector<4x128x128xi32>
    %select_n3A_992 = arith.select %lt3A_988, %add3A_991, %xor3A_985 : vector<4x128x128xi1>, vector<4x128x128xi32>
    %reshape3A_993 = vector.shape_cast %select_n3A_992 : vector<4x128x128xi32> to vector<4x128x128x1xi32>
    %gather3A_994 = vector.shape_cast %reshape3A_993 : vector<4x128x128x1xi32> to vector<4x128x128xi32>
    %gather3A_995 = tpu.dynamic_gather %select_n3A_981[%gather3A_994] in [2] : vector<4x128x128xf32>, vector<4x128x128xi32> -> vector<4x128x128xf32>
    %lt3A_996 = arith.constant 0 : i32
    %lt3A_997 = vector.broadcast %lt3A_996 : i32 to vector<4x128x128xi32>
    %lt3A_998 = arith.cmpi slt, %xor3A_985, %lt3A_997 : vector<4x128x128xi32>
    %add3A_999 = arith.constant 128 : i32
    %add3A_1000 = vector.broadcast %add3A_999 : i32 to vector<4x128x128xi32>
    %add3A_1001 = arith.addi %xor3A_985, %add3A_1000 : vector<4x128x128xi32>
    %select_n3A_1002 = arith.select %lt3A_998, %add3A_1001, %xor3A_985 : vector<4x128x128xi1>, vector<4x128x128xi32>
    %reshape3A_1003 = vector.shape_cast %select_n3A_1002 : vector<4x128x128xi32> to vector<4x128x128x1xi32>
    %gather3A_1004 = vector.shape_cast %reshape3A_1003 : vector<4x128x128x1xi32> to vector<4x128x128xi32>
    %gather3A_1005 = tpu.dynamic_gather %select_n3A_982[%gather3A_1004] in [2] : vector<4x128x128xi32>, vector<4x128x128xi32> -> vector<4x128x128xi32>
    %lt3A_1006 = arith.cmpf olt, %select_n3A_981, %gather3A_995 : vector<4x128x128xf32>
    %eq3A_1007 = arith.cmpf oeq, %select_n3A_981, %gather3A_995 : vector<4x128x128xf32>
    %lt3A_1008 = arith.cmpi slt, %select_n3A_982, %gather3A_1005 : vector<4x128x128xi32>
    %and3A_1009 = arith.andi %eq3A_1007, %lt3A_1008 : vector<4x128x128xi1>
    %or3A_1010 = arith.ori %lt3A_1006, %and3A_1009 : vector<4x128x128xi1>
    %and3A_1011 = arith.constant 64 : i32
    %and3A_1012 = vector.broadcast %and3A_1011 : i32 to vector<4x128x128xi32>
    %and3A_1013 = arith.andi %add3A, %and3A_1012 : vector<4x128x128xi32>
    %eq3A_1014 = arith.constant 0 : i32
    %eq3A_1015 = vector.broadcast %eq3A_1014 : i32 to vector<4x128x128xi32>
    %eq3A_1016 = arith.cmpi eq, %and3A_1013, %eq3A_1015 : vector<4x128x128xi32>
    %and3A_1017 = arith.constant 1 : i32
    %and3A_1018 = vector.broadcast %and3A_1017 : i32 to vector<4x128x128xi32>
    %and3A_1019 = arith.andi %add3A, %and3A_1018 : vector<4x128x128xi32>
    %eq3A_1020 = arith.constant 0 : i32
    %eq3A_1021 = vector.broadcast %eq3A_1020 : i32 to vector<4x128x128xi32>
    %eq3A_1022 = arith.cmpi eq, %and3A_1019, %eq3A_1021 : vector<4x128x128xi32>
    %eq3A_1023 = arith.xori %eq3A_1016, %eq3A_1022 : vector<4x128x128xi1>
    %eq3A_1024 = arith.constant dense<true> : vector<4x128x128xi1>
    %eq3A_1025 = arith.xori %eq3A_1023, %eq3A_1024 : vector<4x128x128xi1>
    %xor3A_1026 = arith.xori %or3A_1010, %eq3A_1025 : vector<4x128x128xi1>
    %select_n3A_1027 = arith.select %xor3A_1026, %gather3A_995, %select_n3A_981 : vector<4x128x128xi1>, vector<4x128x128xf32>
    %select_n3A_1028 = arith.select %xor3A_1026, %gather3A_1005, %select_n3A_982 : vector<4x128x128xi1>, vector<4x128x128xi32>
    %xor3A_1029 = arith.constant 64 : i32
    %xor3A_1030 = vector.broadcast %xor3A_1029 : i32 to vector<4x128x128xi32>
    %xor3A_1031 = arith.xori %iota3A_7, %xor3A_1030 : vector<4x128x128xi32>
    %lt3A_1032 = arith.constant 0 : i32
    %lt3A_1033 = vector.broadcast %lt3A_1032 : i32 to vector<4x128x128xi32>
    %lt3A_1034 = arith.cmpi slt, %xor3A_1031, %lt3A_1033 : vector<4x128x128xi32>
    %add3A_1035 = arith.constant 128 : i32
    %add3A_1036 = vector.broadcast %add3A_1035 : i32 to vector<4x128x128xi32>
    %add3A_1037 = arith.addi %xor3A_1031, %add3A_1036 : vector<4x128x128xi32>
    %select_n3A_1038 = arith.select %lt3A_1034, %add3A_1037, %xor3A_1031 : vector<4x128x128xi1>, vector<4x128x128xi32>
    %reshape3A_1039 = vector.shape_cast %select_n3A_1038 : vector<4x128x128xi32> to vector<4x128x128x1xi32>
    %gather3A_1040 = vector.shape_cast %reshape3A_1039 : vector<4x128x128x1xi32> to vector<4x128x128xi32>
    %gather3A_1041 = tpu.dynamic_gather %select_n3A_1027[%gather3A_1040] in [2] : vector<4x128x128xf32>, vector<4x128x128xi32> -> vector<4x128x128xf32>
    %lt3A_1042 = arith.constant 0 : i32
    %lt3A_1043 = vector.broadcast %lt3A_1042 : i32 to vector<4x128x128xi32>
    %lt3A_1044 = arith.cmpi slt, %xor3A_1031, %lt3A_1043 : vector<4x128x128xi32>
    %add3A_1045 = arith.constant 128 : i32
    %add3A_1046 = vector.broadcast %add3A_1045 : i32 to vector<4x128x128xi32>
    %add3A_1047 = arith.addi %xor3A_1031, %add3A_1046 : vector<4x128x128xi32>
    %select_n3A_1048 = arith.select %lt3A_1044, %add3A_1047, %xor3A_1031 : vector<4x128x128xi1>, vector<4x128x128xi32>
    %reshape3A_1049 = vector.shape_cast %select_n3A_1048 : vector<4x128x128xi32> to vector<4x128x128x1xi32>
    %gather3A_1050 = vector.shape_cast %reshape3A_1049 : vector<4x128x128x1xi32> to vector<4x128x128xi32>
    %gather3A_1051 = tpu.dynamic_gather %select_n3A_1028[%gather3A_1050] in [2] : vector<4x128x128xi32>, vector<4x128x128xi32> -> vector<4x128x128xi32>
    %lt3A_1052 = arith.cmpf olt, %select_n3A_1027, %gather3A_1041 : vector<4x128x128xf32>
    %eq3A_1053 = arith.cmpf oeq, %select_n3A_1027, %gather3A_1041 : vector<4x128x128xf32>
    %lt3A_1054 = arith.cmpi slt, %select_n3A_1028, %gather3A_1051 : vector<4x128x128xi32>
    %and3A_1055 = arith.andi %eq3A_1053, %lt3A_1054 : vector<4x128x128xi1>
    %or3A_1056 = arith.ori %lt3A_1052, %and3A_1055 : vector<4x128x128xi1>
    %and3A_1057 = arith.constant 128 : i32
    %and3A_1058 = vector.broadcast %and3A_1057 : i32 to vector<4x128x128xi32>
    %and3A_1059 = arith.andi %add3A, %and3A_1058 : vector<4x128x128xi32>
    %eq3A_1060 = arith.constant 0 : i32
    %eq3A_1061 = vector.broadcast %eq3A_1060 : i32 to vector<4x128x128xi32>
    %eq3A_1062 = arith.cmpi eq, %and3A_1059, %eq3A_1061 : vector<4x128x128xi32>
    %and3A_1063 = arith.constant 64 : i32
    %and3A_1064 = vector.broadcast %and3A_1063 : i32 to vector<4x128x128xi32>
    %and3A_1065 = arith.andi %add3A, %and3A_1064 : vector<4x128x128xi32>
    %eq3A_1066 = arith.constant 0 : i32
    %eq3A_1067 = vector.broadcast %eq3A_1066 : i32 to vector<4x128x128xi32>
    %eq3A_1068 = arith.cmpi eq, %and3A_1065, %eq3A_1067 : vector<4x128x128xi32>
    %eq3A_1069 = arith.xori %eq3A_1062, %eq3A_1068 : vector<4x128x128xi1>
    %eq3A_1070 = arith.constant dense<true> : vector<4x128x128xi1>
    %eq3A_1071 = arith.xori %eq3A_1069, %eq3A_1070 : vector<4x128x128xi1>
    %xor3A_1072 = arith.xori %or3A_1056, %eq3A_1071 : vector<4x128x128xi1>
    %select_n3A_1073 = arith.select %xor3A_1072, %gather3A_1041, %select_n3A_1027 : vector<4x128x128xi1>, vector<4x128x128xf32>
    %select_n3A_1074 = arith.select %xor3A_1072, %gather3A_1051, %select_n3A_1028 : vector<4x128x128xi1>, vector<4x128x128xi32>
    %xor3A_1075 = arith.constant 32 : i32
    %xor3A_1076 = vector.broadcast %xor3A_1075 : i32 to vector<4x128x128xi32>
    %xor3A_1077 = arith.xori %iota3A_7, %xor3A_1076 : vector<4x128x128xi32>
    %lt3A_1078 = arith.constant 0 : i32
    %lt3A_1079 = vector.broadcast %lt3A_1078 : i32 to vector<4x128x128xi32>
    %lt3A_1080 = arith.cmpi slt, %xor3A_1077, %lt3A_1079 : vector<4x128x128xi32>
    %add3A_1081 = arith.constant 128 : i32
    %add3A_1082 = vector.broadcast %add3A_1081 : i32 to vector<4x128x128xi32>
    %add3A_1083 = arith.addi %xor3A_1077, %add3A_1082 : vector<4x128x128xi32>
    %select_n3A_1084 = arith.select %lt3A_1080, %add3A_1083, %xor3A_1077 : vector<4x128x128xi1>, vector<4x128x128xi32>
    %reshape3A_1085 = vector.shape_cast %select_n3A_1084 : vector<4x128x128xi32> to vector<4x128x128x1xi32>
    %gather3A_1086 = vector.shape_cast %reshape3A_1085 : vector<4x128x128x1xi32> to vector<4x128x128xi32>
    %gather3A_1087 = tpu.dynamic_gather %select_n3A_1073[%gather3A_1086] in [2] : vector<4x128x128xf32>, vector<4x128x128xi32> -> vector<4x128x128xf32>
    %lt3A_1088 = arith.constant 0 : i32
    %lt3A_1089 = vector.broadcast %lt3A_1088 : i32 to vector<4x128x128xi32>
    %lt3A_1090 = arith.cmpi slt, %xor3A_1077, %lt3A_1089 : vector<4x128x128xi32>
    %add3A_1091 = arith.constant 128 : i32
    %add3A_1092 = vector.broadcast %add3A_1091 : i32 to vector<4x128x128xi32>
    %add3A_1093 = arith.addi %xor3A_1077, %add3A_1092 : vector<4x128x128xi32>
    %select_n3A_1094 = arith.select %lt3A_1090, %add3A_1093, %xor3A_1077 : vector<4x128x128xi1>, vector<4x128x128xi32>
    %reshape3A_1095 = vector.shape_cast %select_n3A_1094 : vector<4x128x128xi32> to vector<4x128x128x1xi32>
    %gather3A_1096 = vector.shape_cast %reshape3A_1095 : vector<4x128x128x1xi32> to vector<4x128x128xi32>
    %gather3A_1097 = tpu.dynamic_gather %select_n3A_1074[%gather3A_1096] in [2] : vector<4x128x128xi32>, vector<4x128x128xi32> -> vector<4x128x128xi32>
    %lt3A_1098 = arith.cmpf olt, %select_n3A_1073, %gather3A_1087 : vector<4x128x128xf32>
    %eq3A_1099 = arith.cmpf oeq, %select_n3A_1073, %gather3A_1087 : vector<4x128x128xf32>
    %lt3A_1100 = arith.cmpi slt, %select_n3A_1074, %gather3A_1097 : vector<4x128x128xi32>
    %and3A_1101 = arith.andi %eq3A_1099, %lt3A_1100 : vector<4x128x128xi1>
    %or3A_1102 = arith.ori %lt3A_1098, %and3A_1101 : vector<4x128x128xi1>
    %and3A_1103 = arith.constant 128 : i32
    %and3A_1104 = vector.broadcast %and3A_1103 : i32 to vector<4x128x128xi32>
    %and3A_1105 = arith.andi %add3A, %and3A_1104 : vector<4x128x128xi32>
    %eq3A_1106 = arith.constant 0 : i32
    %eq3A_1107 = vector.broadcast %eq3A_1106 : i32 to vector<4x128x128xi32>
    %eq3A_1108 = arith.cmpi eq, %and3A_1105, %eq3A_1107 : vector<4x128x128xi32>
    %and3A_1109 = arith.constant 32 : i32
    %and3A_1110 = vector.broadcast %and3A_1109 : i32 to vector<4x128x128xi32>
    %and3A_1111 = arith.andi %add3A, %and3A_1110 : vector<4x128x128xi32>
    %eq3A_1112 = arith.constant 0 : i32
    %eq3A_1113 = vector.broadcast %eq3A_1112 : i32 to vector<4x128x128xi32>
    %eq3A_1114 = arith.cmpi eq, %and3A_1111, %eq3A_1113 : vector<4x128x128xi32>
    %eq3A_1115 = arith.xori %eq3A_1108, %eq3A_1114 : vector<4x128x128xi1>
    %eq3A_1116 = arith.constant dense<true> : vector<4x128x128xi1>
    %eq3A_1117 = arith.xori %eq3A_1115, %eq3A_1116 : vector<4x128x128xi1>
    %xor3A_1118 = arith.xori %or3A_1102, %eq3A_1117 : vector<4x128x128xi1>
    %select_n3A_1119 = arith.select %xor3A_1118, %gather3A_1087, %select_n3A_1073 : vector<4x128x128xi1>, vector<4x128x128xf32>
    %select_n3A_1120 = arith.select %xor3A_1118, %gather3A_1097, %select_n3A_1074 : vector<4x128x128xi1>, vector<4x128x128xi32>
    %xor3A_1121 = arith.constant 16 : i32
    %xor3A_1122 = vector.broadcast %xor3A_1121 : i32 to vector<4x128x128xi32>
    %xor3A_1123 = arith.xori %iota3A_7, %xor3A_1122 : vector<4x128x128xi32>
    %lt3A_1124 = arith.constant 0 : i32
    %lt3A_1125 = vector.broadcast %lt3A_1124 : i32 to vector<4x128x128xi32>
    %lt3A_1126 = arith.cmpi slt, %xor3A_1123, %lt3A_1125 : vector<4x128x128xi32>
    %add3A_1127 = arith.constant 128 : i32
    %add3A_1128 = vector.broadcast %add3A_1127 : i32 to vector<4x128x128xi32>
    %add3A_1129 = arith.addi %xor3A_1123, %add3A_1128 : vector<4x128x128xi32>
    %select_n3A_1130 = arith.select %lt3A_1126, %add3A_1129, %xor3A_1123 : vector<4x128x128xi1>, vector<4x128x128xi32>
    %reshape3A_1131 = vector.shape_cast %select_n3A_1130 : vector<4x128x128xi32> to vector<4x128x128x1xi32>
    %gather3A_1132 = vector.shape_cast %reshape3A_1131 : vector<4x128x128x1xi32> to vector<4x128x128xi32>
    %gather3A_1133 = tpu.dynamic_gather %select_n3A_1119[%gather3A_1132] in [2] : vector<4x128x128xf32>, vector<4x128x128xi32> -> vector<4x128x128xf32>
    %lt3A_1134 = arith.constant 0 : i32
    %lt3A_1135 = vector.broadcast %lt3A_1134 : i32 to vector<4x128x128xi32>
    %lt3A_1136 = arith.cmpi slt, %xor3A_1123, %lt3A_1135 : vector<4x128x128xi32>
    %add3A_1137 = arith.constant 128 : i32
    %add3A_1138 = vector.broadcast %add3A_1137 : i32 to vector<4x128x128xi32>
    %add3A_1139 = arith.addi %xor3A_1123, %add3A_1138 : vector<4x128x128xi32>
    %select_n3A_1140 = arith.select %lt3A_1136, %add3A_1139, %xor3A_1123 : vector<4x128x128xi1>, vector<4x128x128xi32>
    %reshape3A_1141 = vector.shape_cast %select_n3A_1140 : vector<4x128x128xi32> to vector<4x128x128x1xi32>
    %gather3A_1142 = vector.shape_cast %reshape3A_1141 : vector<4x128x128x1xi32> to vector<4x128x128xi32>
    %gather3A_1143 = tpu.dynamic_gather %select_n3A_1120[%gather3A_1142] in [2] : vector<4x128x128xi32>, vector<4x128x128xi32> -> vector<4x128x128xi32>
    %lt3A_1144 = arith.cmpf olt, %select_n3A_1119, %gather3A_1133 : vector<4x128x128xf32>
    %eq3A_1145 = arith.cmpf oeq, %select_n3A_1119, %gather3A_1133 : vector<4x128x128xf32>
    %lt3A_1146 = arith.cmpi slt, %select_n3A_1120, %gather3A_1143 : vector<4x128x128xi32>
    %and3A_1147 = arith.andi %eq3A_1145, %lt3A_1146 : vector<4x128x128xi1>
    %or3A_1148 = arith.ori %lt3A_1144, %and3A_1147 : vector<4x128x128xi1>
    %and3A_1149 = arith.constant 128 : i32
    %and3A_1150 = vector.broadcast %and3A_1149 : i32 to vector<4x128x128xi32>
    %and3A_1151 = arith.andi %add3A, %and3A_1150 : vector<4x128x128xi32>
    %eq3A_1152 = arith.constant 0 : i32
    %eq3A_1153 = vector.broadcast %eq3A_1152 : i32 to vector<4x128x128xi32>
    %eq3A_1154 = arith.cmpi eq, %and3A_1151, %eq3A_1153 : vector<4x128x128xi32>
    %and3A_1155 = arith.constant 16 : i32
    %and3A_1156 = vector.broadcast %and3A_1155 : i32 to vector<4x128x128xi32>
    %and3A_1157 = arith.andi %add3A, %and3A_1156 : vector<4x128x128xi32>
    %eq3A_1158 = arith.constant 0 : i32
    %eq3A_1159 = vector.broadcast %eq3A_1158 : i32 to vector<4x128x128xi32>
    %eq3A_1160 = arith.cmpi eq, %and3A_1157, %eq3A_1159 : vector<4x128x128xi32>
    %eq3A_1161 = arith.xori %eq3A_1154, %eq3A_1160 : vector<4x128x128xi1>
    %eq3A_1162 = arith.constant dense<true> : vector<4x128x128xi1>
    %eq3A_1163 = arith.xori %eq3A_1161, %eq3A_1162 : vector<4x128x128xi1>
    %xor3A_1164 = arith.xori %or3A_1148, %eq3A_1163 : vector<4x128x128xi1>
    %select_n3A_1165 = arith.select %xor3A_1164, %gather3A_1133, %select_n3A_1119 : vector<4x128x128xi1>, vector<4x128x128xf32>
    %select_n3A_1166 = arith.select %xor3A_1164, %gather3A_1143, %select_n3A_1120 : vector<4x128x128xi1>, vector<4x128x128xi32>
    %xor3A_1167 = arith.constant 8 : i32
    %xor3A_1168 = vector.broadcast %xor3A_1167 : i32 to vector<4x128x128xi32>
    %xor3A_1169 = arith.xori %iota3A_7, %xor3A_1168 : vector<4x128x128xi32>
    %lt3A_1170 = arith.constant 0 : i32
    %lt3A_1171 = vector.broadcast %lt3A_1170 : i32 to vector<4x128x128xi32>
    %lt3A_1172 = arith.cmpi slt, %xor3A_1169, %lt3A_1171 : vector<4x128x128xi32>
    %add3A_1173 = arith.constant 128 : i32
    %add3A_1174 = vector.broadcast %add3A_1173 : i32 to vector<4x128x128xi32>
    %add3A_1175 = arith.addi %xor3A_1169, %add3A_1174 : vector<4x128x128xi32>
    %select_n3A_1176 = arith.select %lt3A_1172, %add3A_1175, %xor3A_1169 : vector<4x128x128xi1>, vector<4x128x128xi32>
    %reshape3A_1177 = vector.shape_cast %select_n3A_1176 : vector<4x128x128xi32> to vector<4x128x128x1xi32>
    %gather3A_1178 = vector.shape_cast %reshape3A_1177 : vector<4x128x128x1xi32> to vector<4x128x128xi32>
    %gather3A_1179 = tpu.dynamic_gather %select_n3A_1165[%gather3A_1178] in [2] : vector<4x128x128xf32>, vector<4x128x128xi32> -> vector<4x128x128xf32>
    %lt3A_1180 = arith.constant 0 : i32
    %lt3A_1181 = vector.broadcast %lt3A_1180 : i32 to vector<4x128x128xi32>
    %lt3A_1182 = arith.cmpi slt, %xor3A_1169, %lt3A_1181 : vector<4x128x128xi32>
    %add3A_1183 = arith.constant 128 : i32
    %add3A_1184 = vector.broadcast %add3A_1183 : i32 to vector<4x128x128xi32>
    %add3A_1185 = arith.addi %xor3A_1169, %add3A_1184 : vector<4x128x128xi32>
    %select_n3A_1186 = arith.select %lt3A_1182, %add3A_1185, %xor3A_1169 : vector<4x128x128xi1>, vector<4x128x128xi32>
    %reshape3A_1187 = vector.shape_cast %select_n3A_1186 : vector<4x128x128xi32> to vector<4x128x128x1xi32>
    %gather3A_1188 = vector.shape_cast %reshape3A_1187 : vector<4x128x128x1xi32> to vector<4x128x128xi32>
    %gather3A_1189 = tpu.dynamic_gather %select_n3A_1166[%gather3A_1188] in [2] : vector<4x128x128xi32>, vector<4x128x128xi32> -> vector<4x128x128xi32>
    %lt3A_1190 = arith.cmpf olt, %select_n3A_1165, %gather3A_1179 : vector<4x128x128xf32>
    %eq3A_1191 = arith.cmpf oeq, %select_n3A_1165, %gather3A_1179 : vector<4x128x128xf32>
    %lt3A_1192 = arith.cmpi slt, %select_n3A_1166, %gather3A_1189 : vector<4x128x128xi32>
    %and3A_1193 = arith.andi %eq3A_1191, %lt3A_1192 : vector<4x128x128xi1>
    %or3A_1194 = arith.ori %lt3A_1190, %and3A_1193 : vector<4x128x128xi1>
    %and3A_1195 = arith.constant 128 : i32
    %and3A_1196 = vector.broadcast %and3A_1195 : i32 to vector<4x128x128xi32>
    %and3A_1197 = arith.andi %add3A, %and3A_1196 : vector<4x128x128xi32>
    %eq3A_1198 = arith.constant 0 : i32
    %eq3A_1199 = vector.broadcast %eq3A_1198 : i32 to vector<4x128x128xi32>
    %eq3A_1200 = arith.cmpi eq, %and3A_1197, %eq3A_1199 : vector<4x128x128xi32>
    %and3A_1201 = arith.constant 8 : i32
    %and3A_1202 = vector.broadcast %and3A_1201 : i32 to vector<4x128x128xi32>
    %and3A_1203 = arith.andi %add3A, %and3A_1202 : vector<4x128x128xi32>
    %eq3A_1204 = arith.constant 0 : i32
    %eq3A_1205 = vector.broadcast %eq3A_1204 : i32 to vector<4x128x128xi32>
    %eq3A_1206 = arith.cmpi eq, %and3A_1203, %eq3A_1205 : vector<4x128x128xi32>
    %eq3A_1207 = arith.xori %eq3A_1200, %eq3A_1206 : vector<4x128x128xi1>
    %eq3A_1208 = arith.constant dense<true> : vector<4x128x128xi1>
    %eq3A_1209 = arith.xori %eq3A_1207, %eq3A_1208 : vector<4x128x128xi1>
    %xor3A_1210 = arith.xori %or3A_1194, %eq3A_1209 : vector<4x128x128xi1>
    %select_n3A_1211 = arith.select %xor3A_1210, %gather3A_1179, %select_n3A_1165 : vector<4x128x128xi1>, vector<4x128x128xf32>
    %select_n3A_1212 = arith.select %xor3A_1210, %gather3A_1189, %select_n3A_1166 : vector<4x128x128xi1>, vector<4x128x128xi32>
    %xor3A_1213 = arith.constant 4 : i32
    %xor3A_1214 = vector.broadcast %xor3A_1213 : i32 to vector<4x128x128xi32>
    %xor3A_1215 = arith.xori %iota3A_7, %xor3A_1214 : vector<4x128x128xi32>
    %lt3A_1216 = arith.constant 0 : i32
    %lt3A_1217 = vector.broadcast %lt3A_1216 : i32 to vector<4x128x128xi32>
    %lt3A_1218 = arith.cmpi slt, %xor3A_1215, %lt3A_1217 : vector<4x128x128xi32>
    %add3A_1219 = arith.constant 128 : i32
    %add3A_1220 = vector.broadcast %add3A_1219 : i32 to vector<4x128x128xi32>
    %add3A_1221 = arith.addi %xor3A_1215, %add3A_1220 : vector<4x128x128xi32>
    %select_n3A_1222 = arith.select %lt3A_1218, %add3A_1221, %xor3A_1215 : vector<4x128x128xi1>, vector<4x128x128xi32>
    %reshape3A_1223 = vector.shape_cast %select_n3A_1222 : vector<4x128x128xi32> to vector<4x128x128x1xi32>
    %gather3A_1224 = vector.shape_cast %reshape3A_1223 : vector<4x128x128x1xi32> to vector<4x128x128xi32>
    %gather3A_1225 = tpu.dynamic_gather %select_n3A_1211[%gather3A_1224] in [2] : vector<4x128x128xf32>, vector<4x128x128xi32> -> vector<4x128x128xf32>
    %lt3A_1226 = arith.constant 0 : i32
    %lt3A_1227 = vector.broadcast %lt3A_1226 : i32 to vector<4x128x128xi32>
    %lt3A_1228 = arith.cmpi slt, %xor3A_1215, %lt3A_1227 : vector<4x128x128xi32>
    %add3A_1229 = arith.constant 128 : i32
    %add3A_1230 = vector.broadcast %add3A_1229 : i32 to vector<4x128x128xi32>
    %add3A_1231 = arith.addi %xor3A_1215, %add3A_1230 : vector<4x128x128xi32>
    %select_n3A_1232 = arith.select %lt3A_1228, %add3A_1231, %xor3A_1215 : vector<4x128x128xi1>, vector<4x128x128xi32>
    %reshape3A_1233 = vector.shape_cast %select_n3A_1232 : vector<4x128x128xi32> to vector<4x128x128x1xi32>
    %gather3A_1234 = vector.shape_cast %reshape3A_1233 : vector<4x128x128x1xi32> to vector<4x128x128xi32>
    %gather3A_1235 = tpu.dynamic_gather %select_n3A_1212[%gather3A_1234] in [2] : vector<4x128x128xi32>, vector<4x128x128xi32> -> vector<4x128x128xi32>
    %lt3A_1236 = arith.cmpf olt, %select_n3A_1211, %gather3A_1225 : vector<4x128x128xf32>
    %eq3A_1237 = arith.cmpf oeq, %select_n3A_1211, %gather3A_1225 : vector<4x128x128xf32>
    %lt3A_1238 = arith.cmpi slt, %select_n3A_1212, %gather3A_1235 : vector<4x128x128xi32>
    %and3A_1239 = arith.andi %eq3A_1237, %lt3A_1238 : vector<4x128x128xi1>
    %or3A_1240 = arith.ori %lt3A_1236, %and3A_1239 : vector<4x128x128xi1>
    %and3A_1241 = arith.constant 128 : i32
    %and3A_1242 = vector.broadcast %and3A_1241 : i32 to vector<4x128x128xi32>
    %and3A_1243 = arith.andi %add3A, %and3A_1242 : vector<4x128x128xi32>
    %eq3A_1244 = arith.constant 0 : i32
    %eq3A_1245 = vector.broadcast %eq3A_1244 : i32 to vector<4x128x128xi32>
    %eq3A_1246 = arith.cmpi eq, %and3A_1243, %eq3A_1245 : vector<4x128x128xi32>
    %and3A_1247 = arith.constant 4 : i32
    %and3A_1248 = vector.broadcast %and3A_1247 : i32 to vector<4x128x128xi32>
    %and3A_1249 = arith.andi %add3A, %and3A_1248 : vector<4x128x128xi32>
    %eq3A_1250 = arith.constant 0 : i32
    %eq3A_1251 = vector.broadcast %eq3A_1250 : i32 to vector<4x128x128xi32>
    %eq3A_1252 = arith.cmpi eq, %and3A_1249, %eq3A_1251 : vector<4x128x128xi32>
    %eq3A_1253 = arith.xori %eq3A_1246, %eq3A_1252 : vector<4x128x128xi1>
    %eq3A_1254 = arith.constant dense<true> : vector<4x128x128xi1>
    %eq3A_1255 = arith.xori %eq3A_1253, %eq3A_1254 : vector<4x128x128xi1>
    %xor3A_1256 = arith.xori %or3A_1240, %eq3A_1255 : vector<4x128x128xi1>
    %select_n3A_1257 = arith.select %xor3A_1256, %gather3A_1225, %select_n3A_1211 : vector<4x128x128xi1>, vector<4x128x128xf32>
    %select_n3A_1258 = arith.select %xor3A_1256, %gather3A_1235, %select_n3A_1212 : vector<4x128x128xi1>, vector<4x128x128xi32>
    %xor3A_1259 = arith.constant 2 : i32
    %xor3A_1260 = vector.broadcast %xor3A_1259 : i32 to vector<4x128x128xi32>
    %xor3A_1261 = arith.xori %iota3A_7, %xor3A_1260 : vector<4x128x128xi32>
    %lt3A_1262 = arith.constant 0 : i32
    %lt3A_1263 = vector.broadcast %lt3A_1262 : i32 to vector<4x128x128xi32>
    %lt3A_1264 = arith.cmpi slt, %xor3A_1261, %lt3A_1263 : vector<4x128x128xi32>
    %add3A_1265 = arith.constant 128 : i32
    %add3A_1266 = vector.broadcast %add3A_1265 : i32 to vector<4x128x128xi32>
    %add3A_1267 = arith.addi %xor3A_1261, %add3A_1266 : vector<4x128x128xi32>
    %select_n3A_1268 = arith.select %lt3A_1264, %add3A_1267, %xor3A_1261 : vector<4x128x128xi1>, vector<4x128x128xi32>
    %reshape3A_1269 = vector.shape_cast %select_n3A_1268 : vector<4x128x128xi32> to vector<4x128x128x1xi32>
    %gather3A_1270 = vector.shape_cast %reshape3A_1269 : vector<4x128x128x1xi32> to vector<4x128x128xi32>
    %gather3A_1271 = tpu.dynamic_gather %select_n3A_1257[%gather3A_1270] in [2] : vector<4x128x128xf32>, vector<4x128x128xi32> -> vector<4x128x128xf32>
    %lt3A_1272 = arith.constant 0 : i32
    %lt3A_1273 = vector.broadcast %lt3A_1272 : i32 to vector<4x128x128xi32>
    %lt3A_1274 = arith.cmpi slt, %xor3A_1261, %lt3A_1273 : vector<4x128x128xi32>
    %add3A_1275 = arith.constant 128 : i32
    %add3A_1276 = vector.broadcast %add3A_1275 : i32 to vector<4x128x128xi32>
    %add3A_1277 = arith.addi %xor3A_1261, %add3A_1276 : vector<4x128x128xi32>
    %select_n3A_1278 = arith.select %lt3A_1274, %add3A_1277, %xor3A_1261 : vector<4x128x128xi1>, vector<4x128x128xi32>
    %reshape3A_1279 = vector.shape_cast %select_n3A_1278 : vector<4x128x128xi32> to vector<4x128x128x1xi32>
    %gather3A_1280 = vector.shape_cast %reshape3A_1279 : vector<4x128x128x1xi32> to vector<4x128x128xi32>
    %gather3A_1281 = tpu.dynamic_gather %select_n3A_1258[%gather3A_1280] in [2] : vector<4x128x128xi32>, vector<4x128x128xi32> -> vector<4x128x128xi32>
    %lt3A_1282 = arith.cmpf olt, %select_n3A_1257, %gather3A_1271 : vector<4x128x128xf32>
    %eq3A_1283 = arith.cmpf oeq, %select_n3A_1257, %gather3A_1271 : vector<4x128x128xf32>
    %lt3A_1284 = arith.cmpi slt, %select_n3A_1258, %gather3A_1281 : vector<4x128x128xi32>
    %and3A_1285 = arith.andi %eq3A_1283, %lt3A_1284 : vector<4x128x128xi1>
    %or3A_1286 = arith.ori %lt3A_1282, %and3A_1285 : vector<4x128x128xi1>
    %and3A_1287 = arith.constant 128 : i32
    %and3A_1288 = vector.broadcast %and3A_1287 : i32 to vector<4x128x128xi32>
    %and3A_1289 = arith.andi %add3A, %and3A_1288 : vector<4x128x128xi32>
    %eq3A_1290 = arith.constant 0 : i32
    %eq3A_1291 = vector.broadcast %eq3A_1290 : i32 to vector<4x128x128xi32>
    %eq3A_1292 = arith.cmpi eq, %and3A_1289, %eq3A_1291 : vector<4x128x128xi32>
    %and3A_1293 = arith.constant 2 : i32
    %and3A_1294 = vector.broadcast %and3A_1293 : i32 to vector<4x128x128xi32>
    %and3A_1295 = arith.andi %add3A, %and3A_1294 : vector<4x128x128xi32>
    %eq3A_1296 = arith.constant 0 : i32
    %eq3A_1297 = vector.broadcast %eq3A_1296 : i32 to vector<4x128x128xi32>
    %eq3A_1298 = arith.cmpi eq, %and3A_1295, %eq3A_1297 : vector<4x128x128xi32>
    %eq3A_1299 = arith.xori %eq3A_1292, %eq3A_1298 : vector<4x128x128xi1>
    %eq3A_1300 = arith.constant dense<true> : vector<4x128x128xi1>
    %eq3A_1301 = arith.xori %eq3A_1299, %eq3A_1300 : vector<4x128x128xi1>
    %xor3A_1302 = arith.xori %or3A_1286, %eq3A_1301 : vector<4x128x128xi1>
    %select_n3A_1303 = arith.select %xor3A_1302, %gather3A_1271, %select_n3A_1257 : vector<4x128x128xi1>, vector<4x128x128xf32>
    %select_n3A_1304 = arith.select %xor3A_1302, %gather3A_1281, %select_n3A_1258 : vector<4x128x128xi1>, vector<4x128x128xi32>
    %xor3A_1305 = arith.constant 1 : i32
    %xor3A_1306 = vector.broadcast %xor3A_1305 : i32 to vector<4x128x128xi32>
    %xor3A_1307 = arith.xori %iota3A_7, %xor3A_1306 : vector<4x128x128xi32>
    %lt3A_1308 = arith.constant 0 : i32
    %lt3A_1309 = vector.broadcast %lt3A_1308 : i32 to vector<4x128x128xi32>
    %lt3A_1310 = arith.cmpi slt, %xor3A_1307, %lt3A_1309 : vector<4x128x128xi32>
    %add3A_1311 = arith.constant 128 : i32
    %add3A_1312 = vector.broadcast %add3A_1311 : i32 to vector<4x128x128xi32>
    %add3A_1313 = arith.addi %xor3A_1307, %add3A_1312 : vector<4x128x128xi32>
    %select_n3A_1314 = arith.select %lt3A_1310, %add3A_1313, %xor3A_1307 : vector<4x128x128xi1>, vector<4x128x128xi32>
    %reshape3A_1315 = vector.shape_cast %select_n3A_1314 : vector<4x128x128xi32> to vector<4x128x128x1xi32>
    %gather3A_1316 = vector.shape_cast %reshape3A_1315 : vector<4x128x128x1xi32> to vector<4x128x128xi32>
    %gather3A_1317 = tpu.dynamic_gather %select_n3A_1303[%gather3A_1316] in [2] : vector<4x128x128xf32>, vector<4x128x128xi32> -> vector<4x128x128xf32>
    %lt3A_1318 = arith.constant 0 : i32
    %lt3A_1319 = vector.broadcast %lt3A_1318 : i32 to vector<4x128x128xi32>
    %lt3A_1320 = arith.cmpi slt, %xor3A_1307, %lt3A_1319 : vector<4x128x128xi32>
    %add3A_1321 = arith.constant 128 : i32
    %add3A_1322 = vector.broadcast %add3A_1321 : i32 to vector<4x128x128xi32>
    %add3A_1323 = arith.addi %xor3A_1307, %add3A_1322 : vector<4x128x128xi32>
    %select_n3A_1324 = arith.select %lt3A_1320, %add3A_1323, %xor3A_1307 : vector<4x128x128xi1>, vector<4x128x128xi32>
    %reshape3A_1325 = vector.shape_cast %select_n3A_1324 : vector<4x128x128xi32> to vector<4x128x128x1xi32>
    %gather3A_1326 = vector.shape_cast %reshape3A_1325 : vector<4x128x128x1xi32> to vector<4x128x128xi32>
    %gather3A_1327 = tpu.dynamic_gather %select_n3A_1304[%gather3A_1326] in [2] : vector<4x128x128xi32>, vector<4x128x128xi32> -> vector<4x128x128xi32>
    %lt3A_1328 = arith.cmpf olt, %select_n3A_1303, %gather3A_1317 : vector<4x128x128xf32>
    %eq3A_1329 = arith.cmpf oeq, %select_n3A_1303, %gather3A_1317 : vector<4x128x128xf32>
    %lt3A_1330 = arith.cmpi slt, %select_n3A_1304, %gather3A_1327 : vector<4x128x128xi32>
    %and3A_1331 = arith.andi %eq3A_1329, %lt3A_1330 : vector<4x128x128xi1>
    %or3A_1332 = arith.ori %lt3A_1328, %and3A_1331 : vector<4x128x128xi1>
    %and3A_1333 = arith.constant 128 : i32
    %and3A_1334 = vector.broadcast %and3A_1333 : i32 to vector<4x128x128xi32>
    %and3A_1335 = arith.andi %add3A, %and3A_1334 : vector<4x128x128xi32>
    %eq3A_1336 = arith.constant 0 : i32
    %eq3A_1337 = vector.broadcast %eq3A_1336 : i32 to vector<4x128x128xi32>
    %eq3A_1338 = arith.cmpi eq, %and3A_1335, %eq3A_1337 : vector<4x128x128xi32>
    %and3A_1339 = arith.constant 1 : i32
    %and3A_1340 = vector.broadcast %and3A_1339 : i32 to vector<4x128x128xi32>
    %and3A_1341 = arith.andi %add3A, %and3A_1340 : vector<4x128x128xi32>
    %eq3A_1342 = arith.constant 0 : i32
    %eq3A_1343 = vector.broadcast %eq3A_1342 : i32 to vector<4x128x128xi32>
    %eq3A_1344 = arith.cmpi eq, %and3A_1341, %eq3A_1343 : vector<4x128x128xi32>
    %eq3A_1345 = arith.xori %eq3A_1338, %eq3A_1344 : vector<4x128x128xi1>
    %eq3A_1346 = arith.constant dense<true> : vector<4x128x128xi1>
    %eq3A_1347 = arith.xori %eq3A_1345, %eq3A_1346 : vector<4x128x128xi1>
    %xor3A_1348 = arith.xori %or3A_1332, %eq3A_1347 : vector<4x128x128xi1>
    %select_n3A_1349 = arith.select %xor3A_1348, %gather3A_1317, %select_n3A_1303 : vector<4x128x128xi1>, vector<4x128x128xf32>
    %select_n3A_1350 = arith.select %xor3A_1348, %gather3A_1327, %select_n3A_1304 : vector<4x128x128xi1>, vector<4x128x128xi32>
    %and3A_1351 = arith.constant 1 : i32
    %and3A_1352 = vector.broadcast %and3A_1351 : i32 to vector<4x128x128xi32>
    %and3A_1353 = arith.andi %iota3A, %and3A_1352 : vector<4x128x128xi32>
    %ne3A_1354 = arith.constant 0 : i32
    %ne3A_1355 = vector.broadcast %ne3A_1354 : i32 to vector<4x128x128xi32>
    %ne3A_1356 = arith.cmpi ne, %and3A_1353, %ne3A_1355 : vector<4x128x128xi32>
    %slice3A = vector.extract_strided_slice %select_n3A_1349 {offsets = [0, 127, 0], sizes = [4, 1, 128], strides = [1, 1, 1]} : vector<4x128x128xf32> to vector<4x1x128xf32>
    %slice3A_1357 = vector.extract_strided_slice %select_n3A_1349 {offsets = [0, 0, 0], sizes = [4, 127, 128], strides = [1, 1, 1]} : vector<4x128x128xf32> to vector<4x127x128xf32>
    %concatenate3A_1358 = tpu.concatenate %slice3A, %slice3A_1357 in 1 : vector<4x1x128xf32>, vector<4x127x128xf32> -> vector<4x128x128xf32>
    %slice3A_1359 = vector.extract_strided_slice %select_n3A_1349 {offsets = [0, 1, 0], sizes = [4, 127, 128], strides = [1, 1, 1]} : vector<4x128x128xf32> to vector<4x127x128xf32>
    %slice3A_1360 = vector.extract_strided_slice %select_n3A_1349 {offsets = [0, 0, 0], sizes = [4, 1, 128], strides = [1, 1, 1]} : vector<4x128x128xf32> to vector<4x1x128xf32>
    %concatenate3A_1361 = tpu.concatenate %slice3A_1359, %slice3A_1360 in 1 : vector<4x127x128xf32>, vector<4x1x128xf32> -> vector<4x128x128xf32>
    %select_n3A_1362 = arith.select %ne3A_1356, %concatenate3A_1358, %concatenate3A_1361 : vector<4x128x128xi1>, vector<4x128x128xf32>
    %slice3A_1363 = vector.extract_strided_slice %select_n3A_1350 {offsets = [0, 127, 0], sizes = [4, 1, 128], strides = [1, 1, 1]} : vector<4x128x128xi32> to vector<4x1x128xi32>
    %slice3A_1364 = vector.extract_strided_slice %select_n3A_1350 {offsets = [0, 0, 0], sizes = [4, 127, 128], strides = [1, 1, 1]} : vector<4x128x128xi32> to vector<4x127x128xi32>
    %concatenate3A_1365 = tpu.concatenate %slice3A_1363, %slice3A_1364 in 1 : vector<4x1x128xi32>, vector<4x127x128xi32> -> vector<4x128x128xi32>
    %slice3A_1366 = vector.extract_strided_slice %select_n3A_1350 {offsets = [0, 1, 0], sizes = [4, 127, 128], strides = [1, 1, 1]} : vector<4x128x128xi32> to vector<4x127x128xi32>
    %slice3A_1367 = vector.extract_strided_slice %select_n3A_1350 {offsets = [0, 0, 0], sizes = [4, 1, 128], strides = [1, 1, 1]} : vector<4x128x128xi32> to vector<4x1x128xi32>
    %concatenate3A_1368 = tpu.concatenate %slice3A_1366, %slice3A_1367 in 1 : vector<4x127x128xi32>, vector<4x1x128xi32> -> vector<4x128x128xi32>
    %select_n3A_1369 = arith.select %ne3A_1356, %concatenate3A_1365, %concatenate3A_1368 : vector<4x128x128xi1>, vector<4x128x128xi32>
    %lt3A_1370 = arith.cmpf olt, %select_n3A_1349, %select_n3A_1362 : vector<4x128x128xf32>
    %eq3A_1371 = arith.cmpf oeq, %select_n3A_1349, %select_n3A_1362 : vector<4x128x128xf32>
    %lt3A_1372 = arith.cmpi slt, %select_n3A_1350, %select_n3A_1369 : vector<4x128x128xi32>
    %and3A_1373 = arith.andi %eq3A_1371, %lt3A_1372 : vector<4x128x128xi1>
    %or3A_1374 = arith.ori %lt3A_1370, %and3A_1373 : vector<4x128x128xi1>
    %and3A_1375 = arith.constant 256 : i32
    %and3A_1376 = vector.broadcast %and3A_1375 : i32 to vector<4x128x128xi32>
    %and3A_1377 = arith.andi %add3A, %and3A_1376 : vector<4x128x128xi32>
    %eq3A_1378 = arith.constant 0 : i32
    %eq3A_1379 = vector.broadcast %eq3A_1378 : i32 to vector<4x128x128xi32>
    %eq3A_1380 = arith.cmpi eq, %and3A_1377, %eq3A_1379 : vector<4x128x128xi32>
    %and3A_1381 = arith.constant 128 : i32
    %and3A_1382 = vector.broadcast %and3A_1381 : i32 to vector<4x128x128xi32>
    %and3A_1383 = arith.andi %add3A, %and3A_1382 : vector<4x128x128xi32>
    %eq3A_1384 = arith.constant 0 : i32
    %eq3A_1385 = vector.broadcast %eq3A_1384 : i32 to vector<4x128x128xi32>
    %eq3A_1386 = arith.cmpi eq, %and3A_1383, %eq3A_1385 : vector<4x128x128xi32>
    %eq3A_1387 = arith.xori %eq3A_1380, %eq3A_1386 : vector<4x128x128xi1>
    %eq3A_1388 = arith.constant dense<true> : vector<4x128x128xi1>
    %eq3A_1389 = arith.xori %eq3A_1387, %eq3A_1388 : vector<4x128x128xi1>
    %xor3A_1390 = arith.xori %or3A_1374, %eq3A_1389 : vector<4x128x128xi1>
    %select_n3A_1391 = arith.select %xor3A_1390, %select_n3A_1362, %select_n3A_1349 : vector<4x128x128xi1>, vector<4x128x128xf32>
    %select_n3A_1392 = arith.select %xor3A_1390, %select_n3A_1369, %select_n3A_1350 : vector<4x128x128xi1>, vector<4x128x128xi32>
    %xor3A_1393 = arith.constant 64 : i32
    %xor3A_1394 = vector.broadcast %xor3A_1393 : i32 to vector<4x128x128xi32>
    %xor3A_1395 = arith.xori %iota3A_7, %xor3A_1394 : vector<4x128x128xi32>
    %lt3A_1396 = arith.constant 0 : i32
    %lt3A_1397 = vector.broadcast %lt3A_1396 : i32 to vector<4x128x128xi32>
    %lt3A_1398 = arith.cmpi slt, %xor3A_1395, %lt3A_1397 : vector<4x128x128xi32>
    %add3A_1399 = arith.constant 128 : i32
    %add3A_1400 = vector.broadcast %add3A_1399 : i32 to vector<4x128x128xi32>
    %add3A_1401 = arith.addi %xor3A_1395, %add3A_1400 : vector<4x128x128xi32>
    %select_n3A_1402 = arith.select %lt3A_1398, %add3A_1401, %xor3A_1395 : vector<4x128x128xi1>, vector<4x128x128xi32>
    %reshape3A_1403 = vector.shape_cast %select_n3A_1402 : vector<4x128x128xi32> to vector<4x128x128x1xi32>
    %gather3A_1404 = vector.shape_cast %reshape3A_1403 : vector<4x128x128x1xi32> to vector<4x128x128xi32>
    %gather3A_1405 = tpu.dynamic_gather %select_n3A_1391[%gather3A_1404] in [2] : vector<4x128x128xf32>, vector<4x128x128xi32> -> vector<4x128x128xf32>
    %lt3A_1406 = arith.constant 0 : i32
    %lt3A_1407 = vector.broadcast %lt3A_1406 : i32 to vector<4x128x128xi32>
    %lt3A_1408 = arith.cmpi slt, %xor3A_1395, %lt3A_1407 : vector<4x128x128xi32>
    %add3A_1409 = arith.constant 128 : i32
    %add3A_1410 = vector.broadcast %add3A_1409 : i32 to vector<4x128x128xi32>
    %add3A_1411 = arith.addi %xor3A_1395, %add3A_1410 : vector<4x128x128xi32>
    %select_n3A_1412 = arith.select %lt3A_1408, %add3A_1411, %xor3A_1395 : vector<4x128x128xi1>, vector<4x128x128xi32>
    %reshape3A_1413 = vector.shape_cast %select_n3A_1412 : vector<4x128x128xi32> to vector<4x128x128x1xi32>
    %gather3A_1414 = vector.shape_cast %reshape3A_1413 : vector<4x128x128x1xi32> to vector<4x128x128xi32>
    %gather3A_1415 = tpu.dynamic_gather %select_n3A_1392[%gather3A_1414] in [2] : vector<4x128x128xi32>, vector<4x128x128xi32> -> vector<4x128x128xi32>
    %lt3A_1416 = arith.cmpf olt, %select_n3A_1391, %gather3A_1405 : vector<4x128x128xf32>
    %eq3A_1417 = arith.cmpf oeq, %select_n3A_1391, %gather3A_1405 : vector<4x128x128xf32>
    %lt3A_1418 = arith.cmpi slt, %select_n3A_1392, %gather3A_1415 : vector<4x128x128xi32>
    %and3A_1419 = arith.andi %eq3A_1417, %lt3A_1418 : vector<4x128x128xi1>
    %or3A_1420 = arith.ori %lt3A_1416, %and3A_1419 : vector<4x128x128xi1>
    %and3A_1421 = arith.constant 256 : i32
    %and3A_1422 = vector.broadcast %and3A_1421 : i32 to vector<4x128x128xi32>
    %and3A_1423 = arith.andi %add3A, %and3A_1422 : vector<4x128x128xi32>
    %eq3A_1424 = arith.constant 0 : i32
    %eq3A_1425 = vector.broadcast %eq3A_1424 : i32 to vector<4x128x128xi32>
    %eq3A_1426 = arith.cmpi eq, %and3A_1423, %eq3A_1425 : vector<4x128x128xi32>
    %and3A_1427 = arith.constant 64 : i32
    %and3A_1428 = vector.broadcast %and3A_1427 : i32 to vector<4x128x128xi32>
    %and3A_1429 = arith.andi %add3A, %and3A_1428 : vector<4x128x128xi32>
    %eq3A_1430 = arith.constant 0 : i32
    %eq3A_1431 = vector.broadcast %eq3A_1430 : i32 to vector<4x128x128xi32>
    %eq3A_1432 = arith.cmpi eq, %and3A_1429, %eq3A_1431 : vector<4x128x128xi32>
    %eq3A_1433 = arith.xori %eq3A_1426, %eq3A_1432 : vector<4x128x128xi1>
    %eq3A_1434 = arith.constant dense<true> : vector<4x128x128xi1>
    %eq3A_1435 = arith.xori %eq3A_1433, %eq3A_1434 : vector<4x128x128xi1>
    %xor3A_1436 = arith.xori %or3A_1420, %eq3A_1435 : vector<4x128x128xi1>
    %select_n3A_1437 = arith.select %xor3A_1436, %gather3A_1405, %select_n3A_1391 : vector<4x128x128xi1>, vector<4x128x128xf32>
    %select_n3A_1438 = arith.select %xor3A_1436, %gather3A_1415, %select_n3A_1392 : vector<4x128x128xi1>, vector<4x128x128xi32>
    %xor3A_1439 = arith.constant 32 : i32
    %xor3A_1440 = vector.broadcast %xor3A_1439 : i32 to vector<4x128x128xi32>
    %xor3A_1441 = arith.xori %iota3A_7, %xor3A_1440 : vector<4x128x128xi32>
    %lt3A_1442 = arith.constant 0 : i32
    %lt3A_1443 = vector.broadcast %lt3A_1442 : i32 to vector<4x128x128xi32>
    %lt3A_1444 = arith.cmpi slt, %xor3A_1441, %lt3A_1443 : vector<4x128x128xi32>
    %add3A_1445 = arith.constant 128 : i32
    %add3A_1446 = vector.broadcast %add3A_1445 : i32 to vector<4x128x128xi32>
    %add3A_1447 = arith.addi %xor3A_1441, %add3A_1446 : vector<4x128x128xi32>
    %select_n3A_1448 = arith.select %lt3A_1444, %add3A_1447, %xor3A_1441 : vector<4x128x128xi1>, vector<4x128x128xi32>
    %reshape3A_1449 = vector.shape_cast %select_n3A_1448 : vector<4x128x128xi32> to vector<4x128x128x1xi32>
    %gather3A_1450 = vector.shape_cast %reshape3A_1449 : vector<4x128x128x1xi32> to vector<4x128x128xi32>
    %gather3A_1451 = tpu.dynamic_gather %select_n3A_1437[%gather3A_1450] in [2] : vector<4x128x128xf32>, vector<4x128x128xi32> -> vector<4x128x128xf32>
    %lt3A_1452 = arith.constant 0 : i32
    %lt3A_1453 = vector.broadcast %lt3A_1452 : i32 to vector<4x128x128xi32>
    %lt3A_1454 = arith.cmpi slt, %xor3A_1441, %lt3A_1453 : vector<4x128x128xi32>
    %add3A_1455 = arith.constant 128 : i32
    %add3A_1456 = vector.broadcast %add3A_1455 : i32 to vector<4x128x128xi32>
    %add3A_1457 = arith.addi %xor3A_1441, %add3A_1456 : vector<4x128x128xi32>
    %select_n3A_1458 = arith.select %lt3A_1454, %add3A_1457, %xor3A_1441 : vector<4x128x128xi1>, vector<4x128x128xi32>
    %reshape3A_1459 = vector.shape_cast %select_n3A_1458 : vector<4x128x128xi32> to vector<4x128x128x1xi32>
    %gather3A_1460 = vector.shape_cast %reshape3A_1459 : vector<4x128x128x1xi32> to vector<4x128x128xi32>
    %gather3A_1461 = tpu.dynamic_gather %select_n3A_1438[%gather3A_1460] in [2] : vector<4x128x128xi32>, vector<4x128x128xi32> -> vector<4x128x128xi32>
    %lt3A_1462 = arith.cmpf olt, %select_n3A_1437, %gather3A_1451 : vector<4x128x128xf32>
    %eq3A_1463 = arith.cmpf oeq, %select_n3A_1437, %gather3A_1451 : vector<4x128x128xf32>
    %lt3A_1464 = arith.cmpi slt, %select_n3A_1438, %gather3A_1461 : vector<4x128x128xi32>
    %and3A_1465 = arith.andi %eq3A_1463, %lt3A_1464 : vector<4x128x128xi1>
    %or3A_1466 = arith.ori %lt3A_1462, %and3A_1465 : vector<4x128x128xi1>
    %and3A_1467 = arith.constant 256 : i32
    %and3A_1468 = vector.broadcast %and3A_1467 : i32 to vector<4x128x128xi32>
    %and3A_1469 = arith.andi %add3A, %and3A_1468 : vector<4x128x128xi32>
    %eq3A_1470 = arith.constant 0 : i32
    %eq3A_1471 = vector.broadcast %eq3A_1470 : i32 to vector<4x128x128xi32>
    %eq3A_1472 = arith.cmpi eq, %and3A_1469, %eq3A_1471 : vector<4x128x128xi32>
    %and3A_1473 = arith.constant 32 : i32
    %and3A_1474 = vector.broadcast %and3A_1473 : i32 to vector<4x128x128xi32>
    %and3A_1475 = arith.andi %add3A, %and3A_1474 : vector<4x128x128xi32>
    %eq3A_1476 = arith.constant 0 : i32
    %eq3A_1477 = vector.broadcast %eq3A_1476 : i32 to vector<4x128x128xi32>
    %eq3A_1478 = arith.cmpi eq, %and3A_1475, %eq3A_1477 : vector<4x128x128xi32>
    %eq3A_1479 = arith.xori %eq3A_1472, %eq3A_1478 : vector<4x128x128xi1>
    %eq3A_1480 = arith.constant dense<true> : vector<4x128x128xi1>
    %eq3A_1481 = arith.xori %eq3A_1479, %eq3A_1480 : vector<4x128x128xi1>
    %xor3A_1482 = arith.xori %or3A_1466, %eq3A_1481 : vector<4x128x128xi1>
    %select_n3A_1483 = arith.select %xor3A_1482, %gather3A_1451, %select_n3A_1437 : vector<4x128x128xi1>, vector<4x128x128xf32>
    %select_n3A_1484 = arith.select %xor3A_1482, %gather3A_1461, %select_n3A_1438 : vector<4x128x128xi1>, vector<4x128x128xi32>
    %xor3A_1485 = arith.constant 16 : i32
    %xor3A_1486 = vector.broadcast %xor3A_1485 : i32 to vector<4x128x128xi32>
    %xor3A_1487 = arith.xori %iota3A_7, %xor3A_1486 : vector<4x128x128xi32>
    %lt3A_1488 = arith.constant 0 : i32
    %lt3A_1489 = vector.broadcast %lt3A_1488 : i32 to vector<4x128x128xi32>
    %lt3A_1490 = arith.cmpi slt, %xor3A_1487, %lt3A_1489 : vector<4x128x128xi32>
    %add3A_1491 = arith.constant 128 : i32
    %add3A_1492 = vector.broadcast %add3A_1491 : i32 to vector<4x128x128xi32>
    %add3A_1493 = arith.addi %xor3A_1487, %add3A_1492 : vector<4x128x128xi32>
    %select_n3A_1494 = arith.select %lt3A_1490, %add3A_1493, %xor3A_1487 : vector<4x128x128xi1>, vector<4x128x128xi32>
    %reshape3A_1495 = vector.shape_cast %select_n3A_1494 : vector<4x128x128xi32> to vector<4x128x128x1xi32>
    %gather3A_1496 = vector.shape_cast %reshape3A_1495 : vector<4x128x128x1xi32> to vector<4x128x128xi32>
    %gather3A_1497 = tpu.dynamic_gather %select_n3A_1483[%gather3A_1496] in [2] : vector<4x128x128xf32>, vector<4x128x128xi32> -> vector<4x128x128xf32>
    %lt3A_1498 = arith.constant 0 : i32
    %lt3A_1499 = vector.broadcast %lt3A_1498 : i32 to vector<4x128x128xi32>
    %lt3A_1500 = arith.cmpi slt, %xor3A_1487, %lt3A_1499 : vector<4x128x128xi32>
    %add3A_1501 = arith.constant 128 : i32
    %add3A_1502 = vector.broadcast %add3A_1501 : i32 to vector<4x128x128xi32>
    %add3A_1503 = arith.addi %xor3A_1487, %add3A_1502 : vector<4x128x128xi32>
    %select_n3A_1504 = arith.select %lt3A_1500, %add3A_1503, %xor3A_1487 : vector<4x128x128xi1>, vector<4x128x128xi32>
    %reshape3A_1505 = vector.shape_cast %select_n3A_1504 : vector<4x128x128xi32> to vector<4x128x128x1xi32>
    %gather3A_1506 = vector.shape_cast %reshape3A_1505 : vector<4x128x128x1xi32> to vector<4x128x128xi32>
    %gather3A_1507 = tpu.dynamic_gather %select_n3A_1484[%gather3A_1506] in [2] : vector<4x128x128xi32>, vector<4x128x128xi32> -> vector<4x128x128xi32>
    %lt3A_1508 = arith.cmpf olt, %select_n3A_1483, %gather3A_1497 : vector<4x128x128xf32>
    %eq3A_1509 = arith.cmpf oeq, %select_n3A_1483, %gather3A_1497 : vector<4x128x128xf32>
    %lt3A_1510 = arith.cmpi slt, %select_n3A_1484, %gather3A_1507 : vector<4x128x128xi32>
    %and3A_1511 = arith.andi %eq3A_1509, %lt3A_1510 : vector<4x128x128xi1>
    %or3A_1512 = arith.ori %lt3A_1508, %and3A_1511 : vector<4x128x128xi1>
    %and3A_1513 = arith.constant 256 : i32
    %and3A_1514 = vector.broadcast %and3A_1513 : i32 to vector<4x128x128xi32>
    %and3A_1515 = arith.andi %add3A, %and3A_1514 : vector<4x128x128xi32>
    %eq3A_1516 = arith.constant 0 : i32
    %eq3A_1517 = vector.broadcast %eq3A_1516 : i32 to vector<4x128x128xi32>
    %eq3A_1518 = arith.cmpi eq, %and3A_1515, %eq3A_1517 : vector<4x128x128xi32>
    %and3A_1519 = arith.constant 16 : i32
    %and3A_1520 = vector.broadcast %and3A_1519 : i32 to vector<4x128x128xi32>
    %and3A_1521 = arith.andi %add3A, %and3A_1520 : vector<4x128x128xi32>
    %eq3A_1522 = arith.constant 0 : i32
    %eq3A_1523 = vector.broadcast %eq3A_1522 : i32 to vector<4x128x128xi32>
    %eq3A_1524 = arith.cmpi eq, %and3A_1521, %eq3A_1523 : vector<4x128x128xi32>
    %eq3A_1525 = arith.xori %eq3A_1518, %eq3A_1524 : vector<4x128x128xi1>
    %eq3A_1526 = arith.constant dense<true> : vector<4x128x128xi1>
    %eq3A_1527 = arith.xori %eq3A_1525, %eq3A_1526 : vector<4x128x128xi1>
    %xor3A_1528 = arith.xori %or3A_1512, %eq3A_1527 : vector<4x128x128xi1>
    %select_n3A_1529 = arith.select %xor3A_1528, %gather3A_1497, %select_n3A_1483 : vector<4x128x128xi1>, vector<4x128x128xf32>
    %select_n3A_1530 = arith.select %xor3A_1528, %gather3A_1507, %select_n3A_1484 : vector<4x128x128xi1>, vector<4x128x128xi32>
    %xor3A_1531 = arith.constant 8 : i32
    %xor3A_1532 = vector.broadcast %xor3A_1531 : i32 to vector<4x128x128xi32>
    %xor3A_1533 = arith.xori %iota3A_7, %xor3A_1532 : vector<4x128x128xi32>
    %lt3A_1534 = arith.constant 0 : i32
    %lt3A_1535 = vector.broadcast %lt3A_1534 : i32 to vector<4x128x128xi32>
    %lt3A_1536 = arith.cmpi slt, %xor3A_1533, %lt3A_1535 : vector<4x128x128xi32>
    %add3A_1537 = arith.constant 128 : i32
    %add3A_1538 = vector.broadcast %add3A_1537 : i32 to vector<4x128x128xi32>
    %add3A_1539 = arith.addi %xor3A_1533, %add3A_1538 : vector<4x128x128xi32>
    %select_n3A_1540 = arith.select %lt3A_1536, %add3A_1539, %xor3A_1533 : vector<4x128x128xi1>, vector<4x128x128xi32>
    %reshape3A_1541 = vector.shape_cast %select_n3A_1540 : vector<4x128x128xi32> to vector<4x128x128x1xi32>
    %gather3A_1542 = vector.shape_cast %reshape3A_1541 : vector<4x128x128x1xi32> to vector<4x128x128xi32>
    %gather3A_1543 = tpu.dynamic_gather %select_n3A_1529[%gather3A_1542] in [2] : vector<4x128x128xf32>, vector<4x128x128xi32> -> vector<4x128x128xf32>
    %lt3A_1544 = arith.constant 0 : i32
    %lt3A_1545 = vector.broadcast %lt3A_1544 : i32 to vector<4x128x128xi32>
    %lt3A_1546 = arith.cmpi slt, %xor3A_1533, %lt3A_1545 : vector<4x128x128xi32>
    %add3A_1547 = arith.constant 128 : i32
    %add3A_1548 = vector.broadcast %add3A_1547 : i32 to vector<4x128x128xi32>
    %add3A_1549 = arith.addi %xor3A_1533, %add3A_1548 : vector<4x128x128xi32>
    %select_n3A_1550 = arith.select %lt3A_1546, %add3A_1549, %xor3A_1533 : vector<4x128x128xi1>, vector<4x128x128xi32>
    %reshape3A_1551 = vector.shape_cast %select_n3A_1550 : vector<4x128x128xi32> to vector<4x128x128x1xi32>
    %gather3A_1552 = vector.shape_cast %reshape3A_1551 : vector<4x128x128x1xi32> to vector<4x128x128xi32>
    %gather3A_1553 = tpu.dynamic_gather %select_n3A_1530[%gather3A_1552] in [2] : vector<4x128x128xi32>, vector<4x128x128xi32> -> vector<4x128x128xi32>
    %lt3A_1554 = arith.cmpf olt, %select_n3A_1529, %gather3A_1543 : vector<4x128x128xf32>
    %eq3A_1555 = arith.cmpf oeq, %select_n3A_1529, %gather3A_1543 : vector<4x128x128xf32>
    %lt3A_1556 = arith.cmpi slt, %select_n3A_1530, %gather3A_1553 : vector<4x128x128xi32>
    %and3A_1557 = arith.andi %eq3A_1555, %lt3A_1556 : vector<4x128x128xi1>
    %or3A_1558 = arith.ori %lt3A_1554, %and3A_1557 : vector<4x128x128xi1>
    %and3A_1559 = arith.constant 256 : i32
    %and3A_1560 = vector.broadcast %and3A_1559 : i32 to vector<4x128x128xi32>
    %and3A_1561 = arith.andi %add3A, %and3A_1560 : vector<4x128x128xi32>
    %eq3A_1562 = arith.constant 0 : i32
    %eq3A_1563 = vector.broadcast %eq3A_1562 : i32 to vector<4x128x128xi32>
    %eq3A_1564 = arith.cmpi eq, %and3A_1561, %eq3A_1563 : vector<4x128x128xi32>
    %and3A_1565 = arith.constant 8 : i32
    %and3A_1566 = vector.broadcast %and3A_1565 : i32 to vector<4x128x128xi32>
    %and3A_1567 = arith.andi %add3A, %and3A_1566 : vector<4x128x128xi32>
    %eq3A_1568 = arith.constant 0 : i32
    %eq3A_1569 = vector.broadcast %eq3A_1568 : i32 to vector<4x128x128xi32>
    %eq3A_1570 = arith.cmpi eq, %and3A_1567, %eq3A_1569 : vector<4x128x128xi32>
    %eq3A_1571 = arith.xori %eq3A_1564, %eq3A_1570 : vector<4x128x128xi1>
    %eq3A_1572 = arith.constant dense<true> : vector<4x128x128xi1>
    %eq3A_1573 = arith.xori %eq3A_1571, %eq3A_1572 : vector<4x128x128xi1>
    %xor3A_1574 = arith.xori %or3A_1558, %eq3A_1573 : vector<4x128x128xi1>
    %select_n3A_1575 = arith.select %xor3A_1574, %gather3A_1543, %select_n3A_1529 : vector<4x128x128xi1>, vector<4x128x128xf32>
    %select_n3A_1576 = arith.select %xor3A_1574, %gather3A_1553, %select_n3A_1530 : vector<4x128x128xi1>, vector<4x128x128xi32>
    %xor3A_1577 = arith.constant 4 : i32
    %xor3A_1578 = vector.broadcast %xor3A_1577 : i32 to vector<4x128x128xi32>
    %xor3A_1579 = arith.xori %iota3A_7, %xor3A_1578 : vector<4x128x128xi32>
    %lt3A_1580 = arith.constant 0 : i32
    %lt3A_1581 = vector.broadcast %lt3A_1580 : i32 to vector<4x128x128xi32>
    %lt3A_1582 = arith.cmpi slt, %xor3A_1579, %lt3A_1581 : vector<4x128x128xi32>
    %add3A_1583 = arith.constant 128 : i32
    %add3A_1584 = vector.broadcast %add3A_1583 : i32 to vector<4x128x128xi32>
    %add3A_1585 = arith.addi %xor3A_1579, %add3A_1584 : vector<4x128x128xi32>
    %select_n3A_1586 = arith.select %lt3A_1582, %add3A_1585, %xor3A_1579 : vector<4x128x128xi1>, vector<4x128x128xi32>
    %reshape3A_1587 = vector.shape_cast %select_n3A_1586 : vector<4x128x128xi32> to vector<4x128x128x1xi32>
    %gather3A_1588 = vector.shape_cast %reshape3A_1587 : vector<4x128x128x1xi32> to vector<4x128x128xi32>
    %gather3A_1589 = tpu.dynamic_gather %select_n3A_1575[%gather3A_1588] in [2] : vector<4x128x128xf32>, vector<4x128x128xi32> -> vector<4x128x128xf32>
    %lt3A_1590 = arith.constant 0 : i32
    %lt3A_1591 = vector.broadcast %lt3A_1590 : i32 to vector<4x128x128xi32>
    %lt3A_1592 = arith.cmpi slt, %xor3A_1579, %lt3A_1591 : vector<4x128x128xi32>
    %add3A_1593 = arith.constant 128 : i32
    %add3A_1594 = vector.broadcast %add3A_1593 : i32 to vector<4x128x128xi32>
    %add3A_1595 = arith.addi %xor3A_1579, %add3A_1594 : vector<4x128x128xi32>
    %select_n3A_1596 = arith.select %lt3A_1592, %add3A_1595, %xor3A_1579 : vector<4x128x128xi1>, vector<4x128x128xi32>
    %reshape3A_1597 = vector.shape_cast %select_n3A_1596 : vector<4x128x128xi32> to vector<4x128x128x1xi32>
    %gather3A_1598 = vector.shape_cast %reshape3A_1597 : vector<4x128x128x1xi32> to vector<4x128x128xi32>
    %gather3A_1599 = tpu.dynamic_gather %select_n3A_1576[%gather3A_1598] in [2] : vector<4x128x128xi32>, vector<4x128x128xi32> -> vector<4x128x128xi32>
    %lt3A_1600 = arith.cmpf olt, %select_n3A_1575, %gather3A_1589 : vector<4x128x128xf32>
    %eq3A_1601 = arith.cmpf oeq, %select_n3A_1575, %gather3A_1589 : vector<4x128x128xf32>
    %lt3A_1602 = arith.cmpi slt, %select_n3A_1576, %gather3A_1599 : vector<4x128x128xi32>
    %and3A_1603 = arith.andi %eq3A_1601, %lt3A_1602 : vector<4x128x128xi1>
    %or3A_1604 = arith.ori %lt3A_1600, %and3A_1603 : vector<4x128x128xi1>
    %and3A_1605 = arith.constant 256 : i32
    %and3A_1606 = vector.broadcast %and3A_1605 : i32 to vector<4x128x128xi32>
    %and3A_1607 = arith.andi %add3A, %and3A_1606 : vector<4x128x128xi32>
    %eq3A_1608 = arith.constant 0 : i32
    %eq3A_1609 = vector.broadcast %eq3A_1608 : i32 to vector<4x128x128xi32>
    %eq3A_1610 = arith.cmpi eq, %and3A_1607, %eq3A_1609 : vector<4x128x128xi32>
    %and3A_1611 = arith.constant 4 : i32
    %and3A_1612 = vector.broadcast %and3A_1611 : i32 to vector<4x128x128xi32>
    %and3A_1613 = arith.andi %add3A, %and3A_1612 : vector<4x128x128xi32>
    %eq3A_1614 = arith.constant 0 : i32
    %eq3A_1615 = vector.broadcast %eq3A_1614 : i32 to vector<4x128x128xi32>
    %eq3A_1616 = arith.cmpi eq, %and3A_1613, %eq3A_1615 : vector<4x128x128xi32>
    %eq3A_1617 = arith.xori %eq3A_1610, %eq3A_1616 : vector<4x128x128xi1>
    %eq3A_1618 = arith.constant dense<true> : vector<4x128x128xi1>
    %eq3A_1619 = arith.xori %eq3A_1617, %eq3A_1618 : vector<4x128x128xi1>
    %xor3A_1620 = arith.xori %or3A_1604, %eq3A_1619 : vector<4x128x128xi1>
    %select_n3A_1621 = arith.select %xor3A_1620, %gather3A_1589, %select_n3A_1575 : vector<4x128x128xi1>, vector<4x128x128xf32>
    %select_n3A_1622 = arith.select %xor3A_1620, %gather3A_1599, %select_n3A_1576 : vector<4x128x128xi1>, vector<4x128x128xi32>
    %xor3A_1623 = arith.constant 2 : i32
    %xor3A_1624 = vector.broadcast %xor3A_1623 : i32 to vector<4x128x128xi32>
    %xor3A_1625 = arith.xori %iota3A_7, %xor3A_1624 : vector<4x128x128xi32>
    %lt3A_1626 = arith.constant 0 : i32
    %lt3A_1627 = vector.broadcast %lt3A_1626 : i32 to vector<4x128x128xi32>
    %lt3A_1628 = arith.cmpi slt, %xor3A_1625, %lt3A_1627 : vector<4x128x128xi32>
    %add3A_1629 = arith.constant 128 : i32
    %add3A_1630 = vector.broadcast %add3A_1629 : i32 to vector<4x128x128xi32>
    %add3A_1631 = arith.addi %xor3A_1625, %add3A_1630 : vector<4x128x128xi32>
    %select_n3A_1632 = arith.select %lt3A_1628, %add3A_1631, %xor3A_1625 : vector<4x128x128xi1>, vector<4x128x128xi32>
    %reshape3A_1633 = vector.shape_cast %select_n3A_1632 : vector<4x128x128xi32> to vector<4x128x128x1xi32>
    %gather3A_1634 = vector.shape_cast %reshape3A_1633 : vector<4x128x128x1xi32> to vector<4x128x128xi32>
    %gather3A_1635 = tpu.dynamic_gather %select_n3A_1621[%gather3A_1634] in [2] : vector<4x128x128xf32>, vector<4x128x128xi32> -> vector<4x128x128xf32>
    %lt3A_1636 = arith.constant 0 : i32
    %lt3A_1637 = vector.broadcast %lt3A_1636 : i32 to vector<4x128x128xi32>
    %lt3A_1638 = arith.cmpi slt, %xor3A_1625, %lt3A_1637 : vector<4x128x128xi32>
    %add3A_1639 = arith.constant 128 : i32
    %add3A_1640 = vector.broadcast %add3A_1639 : i32 to vector<4x128x128xi32>
    %add3A_1641 = arith.addi %xor3A_1625, %add3A_1640 : vector<4x128x128xi32>
    %select_n3A_1642 = arith.select %lt3A_1638, %add3A_1641, %xor3A_1625 : vector<4x128x128xi1>, vector<4x128x128xi32>
    %reshape3A_1643 = vector.shape_cast %select_n3A_1642 : vector<4x128x128xi32> to vector<4x128x128x1xi32>
    %gather3A_1644 = vector.shape_cast %reshape3A_1643 : vector<4x128x128x1xi32> to vector<4x128x128xi32>
    %gather3A_1645 = tpu.dynamic_gather %select_n3A_1622[%gather3A_1644] in [2] : vector<4x128x128xi32>, vector<4x128x128xi32> -> vector<4x128x128xi32>
    %lt3A_1646 = arith.cmpf olt, %select_n3A_1621, %gather3A_1635 : vector<4x128x128xf32>
    %eq3A_1647 = arith.cmpf oeq, %select_n3A_1621, %gather3A_1635 : vector<4x128x128xf32>
    %lt3A_1648 = arith.cmpi slt, %select_n3A_1622, %gather3A_1645 : vector<4x128x128xi32>
    %and3A_1649 = arith.andi %eq3A_1647, %lt3A_1648 : vector<4x128x128xi1>
    %or3A_1650 = arith.ori %lt3A_1646, %and3A_1649 : vector<4x128x128xi1>
    %and3A_1651 = arith.constant 256 : i32
    %and3A_1652 = vector.broadcast %and3A_1651 : i32 to vector<4x128x128xi32>
    %and3A_1653 = arith.andi %add3A, %and3A_1652 : vector<4x128x128xi32>
    %eq3A_1654 = arith.constant 0 : i32
    %eq3A_1655 = vector.broadcast %eq3A_1654 : i32 to vector<4x128x128xi32>
    %eq3A_1656 = arith.cmpi eq, %and3A_1653, %eq3A_1655 : vector<4x128x128xi32>
    %and3A_1657 = arith.constant 2 : i32
    %and3A_1658 = vector.broadcast %and3A_1657 : i32 to vector<4x128x128xi32>
    %and3A_1659 = arith.andi %add3A, %and3A_1658 : vector<4x128x128xi32>
    %eq3A_1660 = arith.constant 0 : i32
    %eq3A_1661 = vector.broadcast %eq3A_1660 : i32 to vector<4x128x128xi32>
    %eq3A_1662 = arith.cmpi eq, %and3A_1659, %eq3A_1661 : vector<4x128x128xi32>
    %eq3A_1663 = arith.xori %eq3A_1656, %eq3A_1662 : vector<4x128x128xi1>
    %eq3A_1664 = arith.constant dense<true> : vector<4x128x128xi1>
    %eq3A_1665 = arith.xori %eq3A_1663, %eq3A_1664 : vector<4x128x128xi1>
    %xor3A_1666 = arith.xori %or3A_1650, %eq3A_1665 : vector<4x128x128xi1>
    %select_n3A_1667 = arith.select %xor3A_1666, %gather3A_1635, %select_n3A_1621 : vector<4x128x128xi1>, vector<4x128x128xf32>
    %select_n3A_1668 = arith.select %xor3A_1666, %gather3A_1645, %select_n3A_1622 : vector<4x128x128xi1>, vector<4x128x128xi32>
    %xor3A_1669 = arith.constant 1 : i32
    %xor3A_1670 = vector.broadcast %xor3A_1669 : i32 to vector<4x128x128xi32>
    %xor3A_1671 = arith.xori %iota3A_7, %xor3A_1670 : vector<4x128x128xi32>
    %lt3A_1672 = arith.constant 0 : i32
    %lt3A_1673 = vector.broadcast %lt3A_1672 : i32 to vector<4x128x128xi32>
    %lt3A_1674 = arith.cmpi slt, %xor3A_1671, %lt3A_1673 : vector<4x128x128xi32>
    %add3A_1675 = arith.constant 128 : i32
    %add3A_1676 = vector.broadcast %add3A_1675 : i32 to vector<4x128x128xi32>
    %add3A_1677 = arith.addi %xor3A_1671, %add3A_1676 : vector<4x128x128xi32>
    %select_n3A_1678 = arith.select %lt3A_1674, %add3A_1677, %xor3A_1671 : vector<4x128x128xi1>, vector<4x128x128xi32>
    %reshape3A_1679 = vector.shape_cast %select_n3A_1678 : vector<4x128x128xi32> to vector<4x128x128x1xi32>
    %gather3A_1680 = vector.shape_cast %reshape3A_1679 : vector<4x128x128x1xi32> to vector<4x128x128xi32>
    %gather3A_1681 = tpu.dynamic_gather %select_n3A_1667[%gather3A_1680] in [2] : vector<4x128x128xf32>, vector<4x128x128xi32> -> vector<4x128x128xf32>
    %lt3A_1682 = arith.constant 0 : i32
    %lt3A_1683 = vector.broadcast %lt3A_1682 : i32 to vector<4x128x128xi32>
    %lt3A_1684 = arith.cmpi slt, %xor3A_1671, %lt3A_1683 : vector<4x128x128xi32>
    %add3A_1685 = arith.constant 128 : i32
    %add3A_1686 = vector.broadcast %add3A_1685 : i32 to vector<4x128x128xi32>
    %add3A_1687 = arith.addi %xor3A_1671, %add3A_1686 : vector<4x128x128xi32>
    %select_n3A_1688 = arith.select %lt3A_1684, %add3A_1687, %xor3A_1671 : vector<4x128x128xi1>, vector<4x128x128xi32>
    %reshape3A_1689 = vector.shape_cast %select_n3A_1688 : vector<4x128x128xi32> to vector<4x128x128x1xi32>
    %gather3A_1690 = vector.shape_cast %reshape3A_1689 : vector<4x128x128x1xi32> to vector<4x128x128xi32>
    %gather3A_1691 = tpu.dynamic_gather %select_n3A_1668[%gather3A_1690] in [2] : vector<4x128x128xi32>, vector<4x128x128xi32> -> vector<4x128x128xi32>
    %lt3A_1692 = arith.cmpf olt, %select_n3A_1667, %gather3A_1681 : vector<4x128x128xf32>
    %eq3A_1693 = arith.cmpf oeq, %select_n3A_1667, %gather3A_1681 : vector<4x128x128xf32>
    %lt3A_1694 = arith.cmpi slt, %select_n3A_1668, %gather3A_1691 : vector<4x128x128xi32>
    %and3A_1695 = arith.andi %eq3A_1693, %lt3A_1694 : vector<4x128x128xi1>
    %or3A_1696 = arith.ori %lt3A_1692, %and3A_1695 : vector<4x128x128xi1>
    %and3A_1697 = arith.constant 256 : i32
    %and3A_1698 = vector.broadcast %and3A_1697 : i32 to vector<4x128x128xi32>
    %and3A_1699 = arith.andi %add3A, %and3A_1698 : vector<4x128x128xi32>
    %eq3A_1700 = arith.constant 0 : i32
    %eq3A_1701 = vector.broadcast %eq3A_1700 : i32 to vector<4x128x128xi32>
    %eq3A_1702 = arith.cmpi eq, %and3A_1699, %eq3A_1701 : vector<4x128x128xi32>
    %and3A_1703 = arith.constant 1 : i32
    %and3A_1704 = vector.broadcast %and3A_1703 : i32 to vector<4x128x128xi32>
    %and3A_1705 = arith.andi %add3A, %and3A_1704 : vector<4x128x128xi32>
    %eq3A_1706 = arith.constant 0 : i32
    %eq3A_1707 = vector.broadcast %eq3A_1706 : i32 to vector<4x128x128xi32>
    %eq3A_1708 = arith.cmpi eq, %and3A_1705, %eq3A_1707 : vector<4x128x128xi32>
    %eq3A_1709 = arith.xori %eq3A_1702, %eq3A_1708 : vector<4x128x128xi1>
    %eq3A_1710 = arith.constant dense<true> : vector<4x128x128xi1>
    %eq3A_1711 = arith.xori %eq3A_1709, %eq3A_1710 : vector<4x128x128xi1>
    %xor3A_1712 = arith.xori %or3A_1696, %eq3A_1711 : vector<4x128x128xi1>
    %select_n3A_1713 = arith.select %xor3A_1712, %gather3A_1681, %select_n3A_1667 : vector<4x128x128xi1>, vector<4x128x128xf32>
    %select_n3A_1714 = arith.select %xor3A_1712, %gather3A_1691, %select_n3A_1668 : vector<4x128x128xi1>, vector<4x128x128xi32>
    %and3A_1715 = arith.constant 2 : i32
    %and3A_1716 = vector.broadcast %and3A_1715 : i32 to vector<4x128x128xi32>
    %and3A_1717 = arith.andi %iota3A, %and3A_1716 : vector<4x128x128xi32>
    %ne3A_1718 = arith.constant 0 : i32
    %ne3A_1719 = vector.broadcast %ne3A_1718 : i32 to vector<4x128x128xi32>
    %ne3A_1720 = arith.cmpi ne, %and3A_1717, %ne3A_1719 : vector<4x128x128xi32>
    %slice3A_1721 = vector.extract_strided_slice %select_n3A_1713 {offsets = [0, 126, 0], sizes = [4, 2, 128], strides = [1, 1, 1]} : vector<4x128x128xf32> to vector<4x2x128xf32>
    %slice3A_1722 = vector.extract_strided_slice %select_n3A_1713 {offsets = [0, 0, 0], sizes = [4, 126, 128], strides = [1, 1, 1]} : vector<4x128x128xf32> to vector<4x126x128xf32>
    %concatenate3A_1723 = tpu.concatenate %slice3A_1721, %slice3A_1722 in 1 : vector<4x2x128xf32>, vector<4x126x128xf32> -> vector<4x128x128xf32>
    %slice3A_1724 = vector.extract_strided_slice %select_n3A_1713 {offsets = [0, 2, 0], sizes = [4, 126, 128], strides = [1, 1, 1]} : vector<4x128x128xf32> to vector<4x126x128xf32>
    %slice3A_1725 = vector.extract_strided_slice %select_n3A_1713 {offsets = [0, 0, 0], sizes = [4, 2, 128], strides = [1, 1, 1]} : vector<4x128x128xf32> to vector<4x2x128xf32>
    %concatenate3A_1726 = tpu.concatenate %slice3A_1724, %slice3A_1725 in 1 : vector<4x126x128xf32>, vector<4x2x128xf32> -> vector<4x128x128xf32>
    %select_n3A_1727 = arith.select %ne3A_1720, %concatenate3A_1723, %concatenate3A_1726 : vector<4x128x128xi1>, vector<4x128x128xf32>
    %slice3A_1728 = vector.extract_strided_slice %select_n3A_1714 {offsets = [0, 126, 0], sizes = [4, 2, 128], strides = [1, 1, 1]} : vector<4x128x128xi32> to vector<4x2x128xi32>
    %slice3A_1729 = vector.extract_strided_slice %select_n3A_1714 {offsets = [0, 0, 0], sizes = [4, 126, 128], strides = [1, 1, 1]} : vector<4x128x128xi32> to vector<4x126x128xi32>
    %concatenate3A_1730 = tpu.concatenate %slice3A_1728, %slice3A_1729 in 1 : vector<4x2x128xi32>, vector<4x126x128xi32> -> vector<4x128x128xi32>
    %slice3A_1731 = vector.extract_strided_slice %select_n3A_1714 {offsets = [0, 2, 0], sizes = [4, 126, 128], strides = [1, 1, 1]} : vector<4x128x128xi32> to vector<4x126x128xi32>
    %slice3A_1732 = vector.extract_strided_slice %select_n3A_1714 {offsets = [0, 0, 0], sizes = [4, 2, 128], strides = [1, 1, 1]} : vector<4x128x128xi32> to vector<4x2x128xi32>
    %concatenate3A_1733 = tpu.concatenate %slice3A_1731, %slice3A_1732 in 1 : vector<4x126x128xi32>, vector<4x2x128xi32> -> vector<4x128x128xi32>
    %select_n3A_1734 = arith.select %ne3A_1720, %concatenate3A_1730, %concatenate3A_1733 : vector<4x128x128xi1>, vector<4x128x128xi32>
    %lt3A_1735 = arith.cmpf olt, %select_n3A_1713, %select_n3A_1727 : vector<4x128x128xf32>
    %eq3A_1736 = arith.cmpf oeq, %select_n3A_1713, %select_n3A_1727 : vector<4x128x128xf32>
    %lt3A_1737 = arith.cmpi slt, %select_n3A_1714, %select_n3A_1734 : vector<4x128x128xi32>
    %and3A_1738 = arith.andi %eq3A_1736, %lt3A_1737 : vector<4x128x128xi1>
    %or3A_1739 = arith.ori %lt3A_1735, %and3A_1738 : vector<4x128x128xi1>
    %and3A_1740 = arith.constant 512 : i32
    %and3A_1741 = vector.broadcast %and3A_1740 : i32 to vector<4x128x128xi32>
    %and3A_1742 = arith.andi %add3A, %and3A_1741 : vector<4x128x128xi32>
    %eq3A_1743 = arith.constant 0 : i32
    %eq3A_1744 = vector.broadcast %eq3A_1743 : i32 to vector<4x128x128xi32>
    %eq3A_1745 = arith.cmpi eq, %and3A_1742, %eq3A_1744 : vector<4x128x128xi32>
    %and3A_1746 = arith.constant 256 : i32
    %and3A_1747 = vector.broadcast %and3A_1746 : i32 to vector<4x128x128xi32>
    %and3A_1748 = arith.andi %add3A, %and3A_1747 : vector<4x128x128xi32>
    %eq3A_1749 = arith.constant 0 : i32
    %eq3A_1750 = vector.broadcast %eq3A_1749 : i32 to vector<4x128x128xi32>
    %eq3A_1751 = arith.cmpi eq, %and3A_1748, %eq3A_1750 : vector<4x128x128xi32>
    %eq3A_1752 = arith.xori %eq3A_1745, %eq3A_1751 : vector<4x128x128xi1>
    %eq3A_1753 = arith.constant dense<true> : vector<4x128x128xi1>
    %eq3A_1754 = arith.xori %eq3A_1752, %eq3A_1753 : vector<4x128x128xi1>
    %xor3A_1755 = arith.xori %or3A_1739, %eq3A_1754 : vector<4x128x128xi1>
    %select_n3A_1756 = arith.select %xor3A_1755, %select_n3A_1727, %select_n3A_1713 : vector<4x128x128xi1>, vector<4x128x128xf32>
    %select_n3A_1757 = arith.select %xor3A_1755, %select_n3A_1734, %select_n3A_1714 : vector<4x128x128xi1>, vector<4x128x128xi32>
    %and3A_1758 = arith.constant 1 : i32
    %and3A_1759 = vector.broadcast %and3A_1758 : i32 to vector<4x128x128xi32>
    %and3A_1760 = arith.andi %iota3A, %and3A_1759 : vector<4x128x128xi32>
    %ne3A_1761 = arith.constant 0 : i32
    %ne3A_1762 = vector.broadcast %ne3A_1761 : i32 to vector<4x128x128xi32>
    %ne3A_1763 = arith.cmpi ne, %and3A_1760, %ne3A_1762 : vector<4x128x128xi32>
    %slice3A_1764 = vector.extract_strided_slice %select_n3A_1756 {offsets = [0, 127, 0], sizes = [4, 1, 128], strides = [1, 1, 1]} : vector<4x128x128xf32> to vector<4x1x128xf32>
    %slice3A_1765 = vector.extract_strided_slice %select_n3A_1756 {offsets = [0, 0, 0], sizes = [4, 127, 128], strides = [1, 1, 1]} : vector<4x128x128xf32> to vector<4x127x128xf32>
    %concatenate3A_1766 = tpu.concatenate %slice3A_1764, %slice3A_1765 in 1 : vector<4x1x128xf32>, vector<4x127x128xf32> -> vector<4x128x128xf32>
    %slice3A_1767 = vector.extract_strided_slice %select_n3A_1756 {offsets = [0, 1, 0], sizes = [4, 127, 128], strides = [1, 1, 1]} : vector<4x128x128xf32> to vector<4x127x128xf32>
    %slice3A_1768 = vector.extract_strided_slice %select_n3A_1756 {offsets = [0, 0, 0], sizes = [4, 1, 128], strides = [1, 1, 1]} : vector<4x128x128xf32> to vector<4x1x128xf32>
    %concatenate3A_1769 = tpu.concatenate %slice3A_1767, %slice3A_1768 in 1 : vector<4x127x128xf32>, vector<4x1x128xf32> -> vector<4x128x128xf32>
    %select_n3A_1770 = arith.select %ne3A_1763, %concatenate3A_1766, %concatenate3A_1769 : vector<4x128x128xi1>, vector<4x128x128xf32>
    %slice3A_1771 = vector.extract_strided_slice %select_n3A_1757 {offsets = [0, 127, 0], sizes = [4, 1, 128], strides = [1, 1, 1]} : vector<4x128x128xi32> to vector<4x1x128xi32>
    %slice3A_1772 = vector.extract_strided_slice %select_n3A_1757 {offsets = [0, 0, 0], sizes = [4, 127, 128], strides = [1, 1, 1]} : vector<4x128x128xi32> to vector<4x127x128xi32>
    %concatenate3A_1773 = tpu.concatenate %slice3A_1771, %slice3A_1772 in 1 : vector<4x1x128xi32>, vector<4x127x128xi32> -> vector<4x128x128xi32>
    %slice3A_1774 = vector.extract_strided_slice %select_n3A_1757 {offsets = [0, 1, 0], sizes = [4, 127, 128], strides = [1, 1, 1]} : vector<4x128x128xi32> to vector<4x127x128xi32>
    %slice3A_1775 = vector.extract_strided_slice %select_n3A_1757 {offsets = [0, 0, 0], sizes = [4, 1, 128], strides = [1, 1, 1]} : vector<4x128x128xi32> to vector<4x1x128xi32>
    %concatenate3A_1776 = tpu.concatenate %slice3A_1774, %slice3A_1775 in 1 : vector<4x127x128xi32>, vector<4x1x128xi32> -> vector<4x128x128xi32>
    %select_n3A_1777 = arith.select %ne3A_1763, %concatenate3A_1773, %concatenate3A_1776 : vector<4x128x128xi1>, vector<4x128x128xi32>
    %lt3A_1778 = arith.cmpf olt, %select_n3A_1756, %select_n3A_1770 : vector<4x128x128xf32>
    %eq3A_1779 = arith.cmpf oeq, %select_n3A_1756, %select_n3A_1770 : vector<4x128x128xf32>
    %lt3A_1780 = arith.cmpi slt, %select_n3A_1757, %select_n3A_1777 : vector<4x128x128xi32>
    %and3A_1781 = arith.andi %eq3A_1779, %lt3A_1780 : vector<4x128x128xi1>
    %or3A_1782 = arith.ori %lt3A_1778, %and3A_1781 : vector<4x128x128xi1>
    %and3A_1783 = arith.constant 512 : i32
    %and3A_1784 = vector.broadcast %and3A_1783 : i32 to vector<4x128x128xi32>
    %and3A_1785 = arith.andi %add3A, %and3A_1784 : vector<4x128x128xi32>
    %eq3A_1786 = arith.constant 0 : i32
    %eq3A_1787 = vector.broadcast %eq3A_1786 : i32 to vector<4x128x128xi32>
    %eq3A_1788 = arith.cmpi eq, %and3A_1785, %eq3A_1787 : vector<4x128x128xi32>
    %and3A_1789 = arith.constant 128 : i32
    %and3A_1790 = vector.broadcast %and3A_1789 : i32 to vector<4x128x128xi32>
    %and3A_1791 = arith.andi %add3A, %and3A_1790 : vector<4x128x128xi32>
    %eq3A_1792 = arith.constant 0 : i32
    %eq3A_1793 = vector.broadcast %eq3A_1792 : i32 to vector<4x128x128xi32>
    %eq3A_1794 = arith.cmpi eq, %and3A_1791, %eq3A_1793 : vector<4x128x128xi32>
    %eq3A_1795 = arith.xori %eq3A_1788, %eq3A_1794 : vector<4x128x128xi1>
    %eq3A_1796 = arith.constant dense<true> : vector<4x128x128xi1>
    %eq3A_1797 = arith.xori %eq3A_1795, %eq3A_1796 : vector<4x128x128xi1>
    %xor3A_1798 = arith.xori %or3A_1782, %eq3A_1797 : vector<4x128x128xi1>
    %select_n3A_1799 = arith.select %xor3A_1798, %select_n3A_1770, %select_n3A_1756 : vector<4x128x128xi1>, vector<4x128x128xf32>
    %select_n3A_1800 = arith.select %xor3A_1798, %select_n3A_1777, %select_n3A_1757 : vector<4x128x128xi1>, vector<4x128x128xi32>
    %xor3A_1801 = arith.constant 64 : i32
    %xor3A_1802 = vector.broadcast %xor3A_1801 : i32 to vector<4x128x128xi32>
    %xor3A_1803 = arith.xori %iota3A_7, %xor3A_1802 : vector<4x128x128xi32>
    %lt3A_1804 = arith.constant 0 : i32
    %lt3A_1805 = vector.broadcast %lt3A_1804 : i32 to vector<4x128x128xi32>
    %lt3A_1806 = arith.cmpi slt, %xor3A_1803, %lt3A_1805 : vector<4x128x128xi32>
    %add3A_1807 = arith.constant 128 : i32
    %add3A_1808 = vector.broadcast %add3A_1807 : i32 to vector<4x128x128xi32>
    %add3A_1809 = arith.addi %xor3A_1803, %add3A_1808 : vector<4x128x128xi32>
    %select_n3A_1810 = arith.select %lt3A_1806, %add3A_1809, %xor3A_1803 : vector<4x128x128xi1>, vector<4x128x128xi32>
    %reshape3A_1811 = vector.shape_cast %select_n3A_1810 : vector<4x128x128xi32> to vector<4x128x128x1xi32>
    %gather3A_1812 = vector.shape_cast %reshape3A_1811 : vector<4x128x128x1xi32> to vector<4x128x128xi32>
    %gather3A_1813 = tpu.dynamic_gather %select_n3A_1799[%gather3A_1812] in [2] : vector<4x128x128xf32>, vector<4x128x128xi32> -> vector<4x128x128xf32>
    %lt3A_1814 = arith.constant 0 : i32
    %lt3A_1815 = vector.broadcast %lt3A_1814 : i32 to vector<4x128x128xi32>
    %lt3A_1816 = arith.cmpi slt, %xor3A_1803, %lt3A_1815 : vector<4x128x128xi32>
    %add3A_1817 = arith.constant 128 : i32
    %add3A_1818 = vector.broadcast %add3A_1817 : i32 to vector<4x128x128xi32>
    %add3A_1819 = arith.addi %xor3A_1803, %add3A_1818 : vector<4x128x128xi32>
    %select_n3A_1820 = arith.select %lt3A_1816, %add3A_1819, %xor3A_1803 : vector<4x128x128xi1>, vector<4x128x128xi32>
    %reshape3A_1821 = vector.shape_cast %select_n3A_1820 : vector<4x128x128xi32> to vector<4x128x128x1xi32>
    %gather3A_1822 = vector.shape_cast %reshape3A_1821 : vector<4x128x128x1xi32> to vector<4x128x128xi32>
    %gather3A_1823 = tpu.dynamic_gather %select_n3A_1800[%gather3A_1822] in [2] : vector<4x128x128xi32>, vector<4x128x128xi32> -> vector<4x128x128xi32>
    %lt3A_1824 = arith.cmpf olt, %select_n3A_1799, %gather3A_1813 : vector<4x128x128xf32>
    %eq3A_1825 = arith.cmpf oeq, %select_n3A_1799, %gather3A_1813 : vector<4x128x128xf32>
    %lt3A_1826 = arith.cmpi slt, %select_n3A_1800, %gather3A_1823 : vector<4x128x128xi32>
    %and3A_1827 = arith.andi %eq3A_1825, %lt3A_1826 : vector<4x128x128xi1>
    %or3A_1828 = arith.ori %lt3A_1824, %and3A_1827 : vector<4x128x128xi1>
    %and3A_1829 = arith.constant 512 : i32
    %and3A_1830 = vector.broadcast %and3A_1829 : i32 to vector<4x128x128xi32>
    %and3A_1831 = arith.andi %add3A, %and3A_1830 : vector<4x128x128xi32>
    %eq3A_1832 = arith.constant 0 : i32
    %eq3A_1833 = vector.broadcast %eq3A_1832 : i32 to vector<4x128x128xi32>
    %eq3A_1834 = arith.cmpi eq, %and3A_1831, %eq3A_1833 : vector<4x128x128xi32>
    %and3A_1835 = arith.constant 64 : i32
    %and3A_1836 = vector.broadcast %and3A_1835 : i32 to vector<4x128x128xi32>
    %and3A_1837 = arith.andi %add3A, %and3A_1836 : vector<4x128x128xi32>
    %eq3A_1838 = arith.constant 0 : i32
    %eq3A_1839 = vector.broadcast %eq3A_1838 : i32 to vector<4x128x128xi32>
    %eq3A_1840 = arith.cmpi eq, %and3A_1837, %eq3A_1839 : vector<4x128x128xi32>
    %eq3A_1841 = arith.xori %eq3A_1834, %eq3A_1840 : vector<4x128x128xi1>
    %eq3A_1842 = arith.constant dense<true> : vector<4x128x128xi1>
    %eq3A_1843 = arith.xori %eq3A_1841, %eq3A_1842 : vector<4x128x128xi1>
    %xor3A_1844 = arith.xori %or3A_1828, %eq3A_1843 : vector<4x128x128xi1>
    %select_n3A_1845 = arith.select %xor3A_1844, %gather3A_1813, %select_n3A_1799 : vector<4x128x128xi1>, vector<4x128x128xf32>
    %select_n3A_1846 = arith.select %xor3A_1844, %gather3A_1823, %select_n3A_1800 : vector<4x128x128xi1>, vector<4x128x128xi32>
    %xor3A_1847 = arith.constant 32 : i32
    %xor3A_1848 = vector.broadcast %xor3A_1847 : i32 to vector<4x128x128xi32>
    %xor3A_1849 = arith.xori %iota3A_7, %xor3A_1848 : vector<4x128x128xi32>
    %lt3A_1850 = arith.constant 0 : i32
    %lt3A_1851 = vector.broadcast %lt3A_1850 : i32 to vector<4x128x128xi32>
    %lt3A_1852 = arith.cmpi slt, %xor3A_1849, %lt3A_1851 : vector<4x128x128xi32>
    %add3A_1853 = arith.constant 128 : i32
    %add3A_1854 = vector.broadcast %add3A_1853 : i32 to vector<4x128x128xi32>
    %add3A_1855 = arith.addi %xor3A_1849, %add3A_1854 : vector<4x128x128xi32>
    %select_n3A_1856 = arith.select %lt3A_1852, %add3A_1855, %xor3A_1849 : vector<4x128x128xi1>, vector<4x128x128xi32>
    %reshape3A_1857 = vector.shape_cast %select_n3A_1856 : vector<4x128x128xi32> to vector<4x128x128x1xi32>
    %gather3A_1858 = vector.shape_cast %reshape3A_1857 : vector<4x128x128x1xi32> to vector<4x128x128xi32>
    %gather3A_1859 = tpu.dynamic_gather %select_n3A_1845[%gather3A_1858] in [2] : vector<4x128x128xf32>, vector<4x128x128xi32> -> vector<4x128x128xf32>
    %lt3A_1860 = arith.constant 0 : i32
    %lt3A_1861 = vector.broadcast %lt3A_1860 : i32 to vector<4x128x128xi32>
    %lt3A_1862 = arith.cmpi slt, %xor3A_1849, %lt3A_1861 : vector<4x128x128xi32>
    %add3A_1863 = arith.constant 128 : i32
    %add3A_1864 = vector.broadcast %add3A_1863 : i32 to vector<4x128x128xi32>
    %add3A_1865 = arith.addi %xor3A_1849, %add3A_1864 : vector<4x128x128xi32>
    %select_n3A_1866 = arith.select %lt3A_1862, %add3A_1865, %xor3A_1849 : vector<4x128x128xi1>, vector<4x128x128xi32>
    %reshape3A_1867 = vector.shape_cast %select_n3A_1866 : vector<4x128x128xi32> to vector<4x128x128x1xi32>
    %gather3A_1868 = vector.shape_cast %reshape3A_1867 : vector<4x128x128x1xi32> to vector<4x128x128xi32>
    %gather3A_1869 = tpu.dynamic_gather %select_n3A_1846[%gather3A_1868] in [2] : vector<4x128x128xi32>, vector<4x128x128xi32> -> vector<4x128x128xi32>
    %lt3A_1870 = arith.cmpf olt, %select_n3A_1845, %gather3A_1859 : vector<4x128x128xf32>
    %eq3A_1871 = arith.cmpf oeq, %select_n3A_1845, %gather3A_1859 : vector<4x128x128xf32>
    %lt3A_1872 = arith.cmpi slt, %select_n3A_1846, %gather3A_1869 : vector<4x128x128xi32>
    %and3A_1873 = arith.andi %eq3A_1871, %lt3A_1872 : vector<4x128x128xi1>
    %or3A_1874 = arith.ori %lt3A_1870, %and3A_1873 : vector<4x128x128xi1>
    %and3A_1875 = arith.constant 512 : i32
    %and3A_1876 = vector.broadcast %and3A_1875 : i32 to vector<4x128x128xi32>
    %and3A_1877 = arith.andi %add3A, %and3A_1876 : vector<4x128x128xi32>
    %eq3A_1878 = arith.constant 0 : i32
    %eq3A_1879 = vector.broadcast %eq3A_1878 : i32 to vector<4x128x128xi32>
    %eq3A_1880 = arith.cmpi eq, %and3A_1877, %eq3A_1879 : vector<4x128x128xi32>
    %and3A_1881 = arith.constant 32 : i32
    %and3A_1882 = vector.broadcast %and3A_1881 : i32 to vector<4x128x128xi32>
    %and3A_1883 = arith.andi %add3A, %and3A_1882 : vector<4x128x128xi32>
    %eq3A_1884 = arith.constant 0 : i32
    %eq3A_1885 = vector.broadcast %eq3A_1884 : i32 to vector<4x128x128xi32>
    %eq3A_1886 = arith.cmpi eq, %and3A_1883, %eq3A_1885 : vector<4x128x128xi32>
    %eq3A_1887 = arith.xori %eq3A_1880, %eq3A_1886 : vector<4x128x128xi1>
    %eq3A_1888 = arith.constant dense<true> : vector<4x128x128xi1>
    %eq3A_1889 = arith.xori %eq3A_1887, %eq3A_1888 : vector<4x128x128xi1>
    %xor3A_1890 = arith.xori %or3A_1874, %eq3A_1889 : vector<4x128x128xi1>
    %select_n3A_1891 = arith.select %xor3A_1890, %gather3A_1859, %select_n3A_1845 : vector<4x128x128xi1>, vector<4x128x128xf32>
    %select_n3A_1892 = arith.select %xor3A_1890, %gather3A_1869, %select_n3A_1846 : vector<4x128x128xi1>, vector<4x128x128xi32>
    %xor3A_1893 = arith.constant 16 : i32
    %xor3A_1894 = vector.broadcast %xor3A_1893 : i32 to vector<4x128x128xi32>
    %xor3A_1895 = arith.xori %iota3A_7, %xor3A_1894 : vector<4x128x128xi32>
    %lt3A_1896 = arith.constant 0 : i32
    %lt3A_1897 = vector.broadcast %lt3A_1896 : i32 to vector<4x128x128xi32>
    %lt3A_1898 = arith.cmpi slt, %xor3A_1895, %lt3A_1897 : vector<4x128x128xi32>
    %add3A_1899 = arith.constant 128 : i32
    %add3A_1900 = vector.broadcast %add3A_1899 : i32 to vector<4x128x128xi32>
    %add3A_1901 = arith.addi %xor3A_1895, %add3A_1900 : vector<4x128x128xi32>
    %select_n3A_1902 = arith.select %lt3A_1898, %add3A_1901, %xor3A_1895 : vector<4x128x128xi1>, vector<4x128x128xi32>
    %reshape3A_1903 = vector.shape_cast %select_n3A_1902 : vector<4x128x128xi32> to vector<4x128x128x1xi32>
    %gather3A_1904 = vector.shape_cast %reshape3A_1903 : vector<4x128x128x1xi32> to vector<4x128x128xi32>
    %gather3A_1905 = tpu.dynamic_gather %select_n3A_1891[%gather3A_1904] in [2] : vector<4x128x128xf32>, vector<4x128x128xi32> -> vector<4x128x128xf32>
    %lt3A_1906 = arith.constant 0 : i32
    %lt3A_1907 = vector.broadcast %lt3A_1906 : i32 to vector<4x128x128xi32>
    %lt3A_1908 = arith.cmpi slt, %xor3A_1895, %lt3A_1907 : vector<4x128x128xi32>
    %add3A_1909 = arith.constant 128 : i32
    %add3A_1910 = vector.broadcast %add3A_1909 : i32 to vector<4x128x128xi32>
    %add3A_1911 = arith.addi %xor3A_1895, %add3A_1910 : vector<4x128x128xi32>
    %select_n3A_1912 = arith.select %lt3A_1908, %add3A_1911, %xor3A_1895 : vector<4x128x128xi1>, vector<4x128x128xi32>
    %reshape3A_1913 = vector.shape_cast %select_n3A_1912 : vector<4x128x128xi32> to vector<4x128x128x1xi32>
    %gather3A_1914 = vector.shape_cast %reshape3A_1913 : vector<4x128x128x1xi32> to vector<4x128x128xi32>
    %gather3A_1915 = tpu.dynamic_gather %select_n3A_1892[%gather3A_1914] in [2] : vector<4x128x128xi32>, vector<4x128x128xi32> -> vector<4x128x128xi32>
    %lt3A_1916 = arith.cmpf olt, %select_n3A_1891, %gather3A_1905 : vector<4x128x128xf32>
    %eq3A_1917 = arith.cmpf oeq, %select_n3A_1891, %gather3A_1905 : vector<4x128x128xf32>
    %lt3A_1918 = arith.cmpi slt, %select_n3A_1892, %gather3A_1915 : vector<4x128x128xi32>
    %and3A_1919 = arith.andi %eq3A_1917, %lt3A_1918 : vector<4x128x128xi1>
    %or3A_1920 = arith.ori %lt3A_1916, %and3A_1919 : vector<4x128x128xi1>
    %and3A_1921 = arith.constant 512 : i32
    %and3A_1922 = vector.broadcast %and3A_1921 : i32 to vector<4x128x128xi32>
    %and3A_1923 = arith.andi %add3A, %and3A_1922 : vector<4x128x128xi32>
    %eq3A_1924 = arith.constant 0 : i32
    %eq3A_1925 = vector.broadcast %eq3A_1924 : i32 to vector<4x128x128xi32>
    %eq3A_1926 = arith.cmpi eq, %and3A_1923, %eq3A_1925 : vector<4x128x128xi32>
    %and3A_1927 = arith.constant 16 : i32
    %and3A_1928 = vector.broadcast %and3A_1927 : i32 to vector<4x128x128xi32>
    %and3A_1929 = arith.andi %add3A, %and3A_1928 : vector<4x128x128xi32>
    %eq3A_1930 = arith.constant 0 : i32
    %eq3A_1931 = vector.broadcast %eq3A_1930 : i32 to vector<4x128x128xi32>
    %eq3A_1932 = arith.cmpi eq, %and3A_1929, %eq3A_1931 : vector<4x128x128xi32>
    %eq3A_1933 = arith.xori %eq3A_1926, %eq3A_1932 : vector<4x128x128xi1>
    %eq3A_1934 = arith.constant dense<true> : vector<4x128x128xi1>
    %eq3A_1935 = arith.xori %eq3A_1933, %eq3A_1934 : vector<4x128x128xi1>
    %xor3A_1936 = arith.xori %or3A_1920, %eq3A_1935 : vector<4x128x128xi1>
    %select_n3A_1937 = arith.select %xor3A_1936, %gather3A_1905, %select_n3A_1891 : vector<4x128x128xi1>, vector<4x128x128xf32>
    %select_n3A_1938 = arith.select %xor3A_1936, %gather3A_1915, %select_n3A_1892 : vector<4x128x128xi1>, vector<4x128x128xi32>
    %xor3A_1939 = arith.constant 8 : i32
    %xor3A_1940 = vector.broadcast %xor3A_1939 : i32 to vector<4x128x128xi32>
    %xor3A_1941 = arith.xori %iota3A_7, %xor3A_1940 : vector<4x128x128xi32>
    %lt3A_1942 = arith.constant 0 : i32
    %lt3A_1943 = vector.broadcast %lt3A_1942 : i32 to vector<4x128x128xi32>
    %lt3A_1944 = arith.cmpi slt, %xor3A_1941, %lt3A_1943 : vector<4x128x128xi32>
    %add3A_1945 = arith.constant 128 : i32
    %add3A_1946 = vector.broadcast %add3A_1945 : i32 to vector<4x128x128xi32>
    %add3A_1947 = arith.addi %xor3A_1941, %add3A_1946 : vector<4x128x128xi32>
    %select_n3A_1948 = arith.select %lt3A_1944, %add3A_1947, %xor3A_1941 : vector<4x128x128xi1>, vector<4x128x128xi32>
    %reshape3A_1949 = vector.shape_cast %select_n3A_1948 : vector<4x128x128xi32> to vector<4x128x128x1xi32>
    %gather3A_1950 = vector.shape_cast %reshape3A_1949 : vector<4x128x128x1xi32> to vector<4x128x128xi32>
    %gather3A_1951 = tpu.dynamic_gather %select_n3A_1937[%gather3A_1950] in [2] : vector<4x128x128xf32>, vector<4x128x128xi32> -> vector<4x128x128xf32>
    %lt3A_1952 = arith.constant 0 : i32
    %lt3A_1953 = vector.broadcast %lt3A_1952 : i32 to vector<4x128x128xi32>
    %lt3A_1954 = arith.cmpi slt, %xor3A_1941, %lt3A_1953 : vector<4x128x128xi32>
    %add3A_1955 = arith.constant 128 : i32
    %add3A_1956 = vector.broadcast %add3A_1955 : i32 to vector<4x128x128xi32>
    %add3A_1957 = arith.addi %xor3A_1941, %add3A_1956 : vector<4x128x128xi32>
    %select_n3A_1958 = arith.select %lt3A_1954, %add3A_1957, %xor3A_1941 : vector<4x128x128xi1>, vector<4x128x128xi32>
    %reshape3A_1959 = vector.shape_cast %select_n3A_1958 : vector<4x128x128xi32> to vector<4x128x128x1xi32>
    %gather3A_1960 = vector.shape_cast %reshape3A_1959 : vector<4x128x128x1xi32> to vector<4x128x128xi32>
    %gather3A_1961 = tpu.dynamic_gather %select_n3A_1938[%gather3A_1960] in [2] : vector<4x128x128xi32>, vector<4x128x128xi32> -> vector<4x128x128xi32>
    %lt3A_1962 = arith.cmpf olt, %select_n3A_1937, %gather3A_1951 : vector<4x128x128xf32>
    %eq3A_1963 = arith.cmpf oeq, %select_n3A_1937, %gather3A_1951 : vector<4x128x128xf32>
    %lt3A_1964 = arith.cmpi slt, %select_n3A_1938, %gather3A_1961 : vector<4x128x128xi32>
    %and3A_1965 = arith.andi %eq3A_1963, %lt3A_1964 : vector<4x128x128xi1>
    %or3A_1966 = arith.ori %lt3A_1962, %and3A_1965 : vector<4x128x128xi1>
    %and3A_1967 = arith.constant 512 : i32
    %and3A_1968 = vector.broadcast %and3A_1967 : i32 to vector<4x128x128xi32>
    %and3A_1969 = arith.andi %add3A, %and3A_1968 : vector<4x128x128xi32>
    %eq3A_1970 = arith.constant 0 : i32
    %eq3A_1971 = vector.broadcast %eq3A_1970 : i32 to vector<4x128x128xi32>
    %eq3A_1972 = arith.cmpi eq, %and3A_1969, %eq3A_1971 : vector<4x128x128xi32>
    %and3A_1973 = arith.constant 8 : i32
    %and3A_1974 = vector.broadcast %and3A_1973 : i32 to vector<4x128x128xi32>
    %and3A_1975 = arith.andi %add3A, %and3A_1974 : vector<4x128x128xi32>
    %eq3A_1976 = arith.constant 0 : i32
    %eq3A_1977 = vector.broadcast %eq3A_1976 : i32 to vector<4x128x128xi32>
    %eq3A_1978 = arith.cmpi eq, %and3A_1975, %eq3A_1977 : vector<4x128x128xi32>
    %eq3A_1979 = arith.xori %eq3A_1972, %eq3A_1978 : vector<4x128x128xi1>
    %eq3A_1980 = arith.constant dense<true> : vector<4x128x128xi1>
    %eq3A_1981 = arith.xori %eq3A_1979, %eq3A_1980 : vector<4x128x128xi1>
    %xor3A_1982 = arith.xori %or3A_1966, %eq3A_1981 : vector<4x128x128xi1>
    %select_n3A_1983 = arith.select %xor3A_1982, %gather3A_1951, %select_n3A_1937 : vector<4x128x128xi1>, vector<4x128x128xf32>
    %select_n3A_1984 = arith.select %xor3A_1982, %gather3A_1961, %select_n3A_1938 : vector<4x128x128xi1>, vector<4x128x128xi32>
    %xor3A_1985 = arith.constant 4 : i32
    %xor3A_1986 = vector.broadcast %xor3A_1985 : i32 to vector<4x128x128xi32>
    %xor3A_1987 = arith.xori %iota3A_7, %xor3A_1986 : vector<4x128x128xi32>
    %lt3A_1988 = arith.constant 0 : i32
    %lt3A_1989 = vector.broadcast %lt3A_1988 : i32 to vector<4x128x128xi32>
    %lt3A_1990 = arith.cmpi slt, %xor3A_1987, %lt3A_1989 : vector<4x128x128xi32>
    %add3A_1991 = arith.constant 128 : i32
    %add3A_1992 = vector.broadcast %add3A_1991 : i32 to vector<4x128x128xi32>
    %add3A_1993 = arith.addi %xor3A_1987, %add3A_1992 : vector<4x128x128xi32>
    %select_n3A_1994 = arith.select %lt3A_1990, %add3A_1993, %xor3A_1987 : vector<4x128x128xi1>, vector<4x128x128xi32>
    %reshape3A_1995 = vector.shape_cast %select_n3A_1994 : vector<4x128x128xi32> to vector<4x128x128x1xi32>
    %gather3A_1996 = vector.shape_cast %reshape3A_1995 : vector<4x128x128x1xi32> to vector<4x128x128xi32>
    %gather3A_1997 = tpu.dynamic_gather %select_n3A_1983[%gather3A_1996] in [2] : vector<4x128x128xf32>, vector<4x128x128xi32> -> vector<4x128x128xf32>
    %lt3A_1998 = arith.constant 0 : i32
    %lt3A_1999 = vector.broadcast %lt3A_1998 : i32 to vector<4x128x128xi32>
    %lt3A_2000 = arith.cmpi slt, %xor3A_1987, %lt3A_1999 : vector<4x128x128xi32>
    %add3A_2001 = arith.constant 128 : i32
    %add3A_2002 = vector.broadcast %add3A_2001 : i32 to vector<4x128x128xi32>
    %add3A_2003 = arith.addi %xor3A_1987, %add3A_2002 : vector<4x128x128xi32>
    %select_n3A_2004 = arith.select %lt3A_2000, %add3A_2003, %xor3A_1987 : vector<4x128x128xi1>, vector<4x128x128xi32>
    %reshape3A_2005 = vector.shape_cast %select_n3A_2004 : vector<4x128x128xi32> to vector<4x128x128x1xi32>
    %gather3A_2006 = vector.shape_cast %reshape3A_2005 : vector<4x128x128x1xi32> to vector<4x128x128xi32>
    %gather3A_2007 = tpu.dynamic_gather %select_n3A_1984[%gather3A_2006] in [2] : vector<4x128x128xi32>, vector<4x128x128xi32> -> vector<4x128x128xi32>
    %lt3A_2008 = arith.cmpf olt, %select_n3A_1983, %gather3A_1997 : vector<4x128x128xf32>
    %eq3A_2009 = arith.cmpf oeq, %select_n3A_1983, %gather3A_1997 : vector<4x128x128xf32>
    %lt3A_2010 = arith.cmpi slt, %select_n3A_1984, %gather3A_2007 : vector<4x128x128xi32>
    %and3A_2011 = arith.andi %eq3A_2009, %lt3A_2010 : vector<4x128x128xi1>
    %or3A_2012 = arith.ori %lt3A_2008, %and3A_2011 : vector<4x128x128xi1>
    %and3A_2013 = arith.constant 512 : i32
    %and3A_2014 = vector.broadcast %and3A_2013 : i32 to vector<4x128x128xi32>
    %and3A_2015 = arith.andi %add3A, %and3A_2014 : vector<4x128x128xi32>
    %eq3A_2016 = arith.constant 0 : i32
    %eq3A_2017 = vector.broadcast %eq3A_2016 : i32 to vector<4x128x128xi32>
    %eq3A_2018 = arith.cmpi eq, %and3A_2015, %eq3A_2017 : vector<4x128x128xi32>
    %and3A_2019 = arith.constant 4 : i32
    %and3A_2020 = vector.broadcast %and3A_2019 : i32 to vector<4x128x128xi32>
    %and3A_2021 = arith.andi %add3A, %and3A_2020 : vector<4x128x128xi32>
    %eq3A_2022 = arith.constant 0 : i32
    %eq3A_2023 = vector.broadcast %eq3A_2022 : i32 to vector<4x128x128xi32>
    %eq3A_2024 = arith.cmpi eq, %and3A_2021, %eq3A_2023 : vector<4x128x128xi32>
    %eq3A_2025 = arith.xori %eq3A_2018, %eq3A_2024 : vector<4x128x128xi1>
    %eq3A_2026 = arith.constant dense<true> : vector<4x128x128xi1>
    %eq3A_2027 = arith.xori %eq3A_2025, %eq3A_2026 : vector<4x128x128xi1>
    %xor3A_2028 = arith.xori %or3A_2012, %eq3A_2027 : vector<4x128x128xi1>
    %select_n3A_2029 = arith.select %xor3A_2028, %gather3A_1997, %select_n3A_1983 : vector<4x128x128xi1>, vector<4x128x128xf32>
    %select_n3A_2030 = arith.select %xor3A_2028, %gather3A_2007, %select_n3A_1984 : vector<4x128x128xi1>, vector<4x128x128xi32>
    %xor3A_2031 = arith.constant 2 : i32
    %xor3A_2032 = vector.broadcast %xor3A_2031 : i32 to vector<4x128x128xi32>
    %xor3A_2033 = arith.xori %iota3A_7, %xor3A_2032 : vector<4x128x128xi32>
    %lt3A_2034 = arith.constant 0 : i32
    %lt3A_2035 = vector.broadcast %lt3A_2034 : i32 to vector<4x128x128xi32>
    %lt3A_2036 = arith.cmpi slt, %xor3A_2033, %lt3A_2035 : vector<4x128x128xi32>
    %add3A_2037 = arith.constant 128 : i32
    %add3A_2038 = vector.broadcast %add3A_2037 : i32 to vector<4x128x128xi32>
    %add3A_2039 = arith.addi %xor3A_2033, %add3A_2038 : vector<4x128x128xi32>
    %select_n3A_2040 = arith.select %lt3A_2036, %add3A_2039, %xor3A_2033 : vector<4x128x128xi1>, vector<4x128x128xi32>
    %reshape3A_2041 = vector.shape_cast %select_n3A_2040 : vector<4x128x128xi32> to vector<4x128x128x1xi32>
    %gather3A_2042 = vector.shape_cast %reshape3A_2041 : vector<4x128x128x1xi32> to vector<4x128x128xi32>
    %gather3A_2043 = tpu.dynamic_gather %select_n3A_2029[%gather3A_2042] in [2] : vector<4x128x128xf32>, vector<4x128x128xi32> -> vector<4x128x128xf32>
    %lt3A_2044 = arith.constant 0 : i32
    %lt3A_2045 = vector.broadcast %lt3A_2044 : i32 to vector<4x128x128xi32>
    %lt3A_2046 = arith.cmpi slt, %xor3A_2033, %lt3A_2045 : vector<4x128x128xi32>
    %add3A_2047 = arith.constant 128 : i32
    %add3A_2048 = vector.broadcast %add3A_2047 : i32 to vector<4x128x128xi32>
    %add3A_2049 = arith.addi %xor3A_2033, %add3A_2048 : vector<4x128x128xi32>
    %select_n3A_2050 = arith.select %lt3A_2046, %add3A_2049, %xor3A_2033 : vector<4x128x128xi1>, vector<4x128x128xi32>
    %reshape3A_2051 = vector.shape_cast %select_n3A_2050 : vector<4x128x128xi32> to vector<4x128x128x1xi32>
    %gather3A_2052 = vector.shape_cast %reshape3A_2051 : vector<4x128x128x1xi32> to vector<4x128x128xi32>
    %gather3A_2053 = tpu.dynamic_gather %select_n3A_2030[%gather3A_2052] in [2] : vector<4x128x128xi32>, vector<4x128x128xi32> -> vector<4x128x128xi32>
    %lt3A_2054 = arith.cmpf olt, %select_n3A_2029, %gather3A_2043 : vector<4x128x128xf32>
    %eq3A_2055 = arith.cmpf oeq, %select_n3A_2029, %gather3A_2043 : vector<4x128x128xf32>
    %lt3A_2056 = arith.cmpi slt, %select_n3A_2030, %gather3A_2053 : vector<4x128x128xi32>
    %and3A_2057 = arith.andi %eq3A_2055, %lt3A_2056 : vector<4x128x128xi1>
    %or3A_2058 = arith.ori %lt3A_2054, %and3A_2057 : vector<4x128x128xi1>
    %and3A_2059 = arith.constant 512 : i32
    %and3A_2060 = vector.broadcast %and3A_2059 : i32 to vector<4x128x128xi32>
    %and3A_2061 = arith.andi %add3A, %and3A_2060 : vector<4x128x128xi32>
    %eq3A_2062 = arith.constant 0 : i32
    %eq3A_2063 = vector.broadcast %eq3A_2062 : i32 to vector<4x128x128xi32>
    %eq3A_2064 = arith.cmpi eq, %and3A_2061, %eq3A_2063 : vector<4x128x128xi32>
    %and3A_2065 = arith.constant 2 : i32
    %and3A_2066 = vector.broadcast %and3A_2065 : i32 to vector<4x128x128xi32>
    %and3A_2067 = arith.andi %add3A, %and3A_2066 : vector<4x128x128xi32>
    %eq3A_2068 = arith.constant 0 : i32
    %eq3A_2069 = vector.broadcast %eq3A_2068 : i32 to vector<4x128x128xi32>
    %eq3A_2070 = arith.cmpi eq, %and3A_2067, %eq3A_2069 : vector<4x128x128xi32>
    %eq3A_2071 = arith.xori %eq3A_2064, %eq3A_2070 : vector<4x128x128xi1>
    %eq3A_2072 = arith.constant dense<true> : vector<4x128x128xi1>
    %eq3A_2073 = arith.xori %eq3A_2071, %eq3A_2072 : vector<4x128x128xi1>
    %xor3A_2074 = arith.xori %or3A_2058, %eq3A_2073 : vector<4x128x128xi1>
    %select_n3A_2075 = arith.select %xor3A_2074, %gather3A_2043, %select_n3A_2029 : vector<4x128x128xi1>, vector<4x128x128xf32>
    %select_n3A_2076 = arith.select %xor3A_2074, %gather3A_2053, %select_n3A_2030 : vector<4x128x128xi1>, vector<4x128x128xi32>
    %xor3A_2077 = arith.constant 1 : i32
    %xor3A_2078 = vector.broadcast %xor3A_2077 : i32 to vector<4x128x128xi32>
    %xor3A_2079 = arith.xori %iota3A_7, %xor3A_2078 : vector<4x128x128xi32>
    %lt3A_2080 = arith.constant 0 : i32
    %lt3A_2081 = vector.broadcast %lt3A_2080 : i32 to vector<4x128x128xi32>
    %lt3A_2082 = arith.cmpi slt, %xor3A_2079, %lt3A_2081 : vector<4x128x128xi32>
    %add3A_2083 = arith.constant 128 : i32
    %add3A_2084 = vector.broadcast %add3A_2083 : i32 to vector<4x128x128xi32>
    %add3A_2085 = arith.addi %xor3A_2079, %add3A_2084 : vector<4x128x128xi32>
    %select_n3A_2086 = arith.select %lt3A_2082, %add3A_2085, %xor3A_2079 : vector<4x128x128xi1>, vector<4x128x128xi32>
    %reshape3A_2087 = vector.shape_cast %select_n3A_2086 : vector<4x128x128xi32> to vector<4x128x128x1xi32>
    %gather3A_2088 = vector.shape_cast %reshape3A_2087 : vector<4x128x128x1xi32> to vector<4x128x128xi32>
    %gather3A_2089 = tpu.dynamic_gather %select_n3A_2075[%gather3A_2088] in [2] : vector<4x128x128xf32>, vector<4x128x128xi32> -> vector<4x128x128xf32>
    %lt3A_2090 = arith.constant 0 : i32
    %lt3A_2091 = vector.broadcast %lt3A_2090 : i32 to vector<4x128x128xi32>
    %lt3A_2092 = arith.cmpi slt, %xor3A_2079, %lt3A_2091 : vector<4x128x128xi32>
    %add3A_2093 = arith.constant 128 : i32
    %add3A_2094 = vector.broadcast %add3A_2093 : i32 to vector<4x128x128xi32>
    %add3A_2095 = arith.addi %xor3A_2079, %add3A_2094 : vector<4x128x128xi32>
    %select_n3A_2096 = arith.select %lt3A_2092, %add3A_2095, %xor3A_2079 : vector<4x128x128xi1>, vector<4x128x128xi32>
    %reshape3A_2097 = vector.shape_cast %select_n3A_2096 : vector<4x128x128xi32> to vector<4x128x128x1xi32>
    %gather3A_2098 = vector.shape_cast %reshape3A_2097 : vector<4x128x128x1xi32> to vector<4x128x128xi32>
    %gather3A_2099 = tpu.dynamic_gather %select_n3A_2076[%gather3A_2098] in [2] : vector<4x128x128xi32>, vector<4x128x128xi32> -> vector<4x128x128xi32>
    %lt3A_2100 = arith.cmpf olt, %select_n3A_2075, %gather3A_2089 : vector<4x128x128xf32>
    %eq3A_2101 = arith.cmpf oeq, %select_n3A_2075, %gather3A_2089 : vector<4x128x128xf32>
    %lt3A_2102 = arith.cmpi slt, %select_n3A_2076, %gather3A_2099 : vector<4x128x128xi32>
    %and3A_2103 = arith.andi %eq3A_2101, %lt3A_2102 : vector<4x128x128xi1>
    %or3A_2104 = arith.ori %lt3A_2100, %and3A_2103 : vector<4x128x128xi1>
    %and3A_2105 = arith.constant 512 : i32
    %and3A_2106 = vector.broadcast %and3A_2105 : i32 to vector<4x128x128xi32>
    %and3A_2107 = arith.andi %add3A, %and3A_2106 : vector<4x128x128xi32>
    %eq3A_2108 = arith.constant 0 : i32
    %eq3A_2109 = vector.broadcast %eq3A_2108 : i32 to vector<4x128x128xi32>
    %eq3A_2110 = arith.cmpi eq, %and3A_2107, %eq3A_2109 : vector<4x128x128xi32>
    %and3A_2111 = arith.constant 1 : i32
    %and3A_2112 = vector.broadcast %and3A_2111 : i32 to vector<4x128x128xi32>
    %and3A_2113 = arith.andi %add3A, %and3A_2112 : vector<4x128x128xi32>
    %eq3A_2114 = arith.constant 0 : i32
    %eq3A_2115 = vector.broadcast %eq3A_2114 : i32 to vector<4x128x128xi32>
    %eq3A_2116 = arith.cmpi eq, %and3A_2113, %eq3A_2115 : vector<4x128x128xi32>
    %eq3A_2117 = arith.xori %eq3A_2110, %eq3A_2116 : vector<4x128x128xi1>
    %eq3A_2118 = arith.constant dense<true> : vector<4x128x128xi1>
    %eq3A_2119 = arith.xori %eq3A_2117, %eq3A_2118 : vector<4x128x128xi1>
    %xor3A_2120 = arith.xori %or3A_2104, %eq3A_2119 : vector<4x128x128xi1>
    %select_n3A_2121 = arith.select %xor3A_2120, %gather3A_2089, %select_n3A_2075 : vector<4x128x128xi1>, vector<4x128x128xf32>
    %select_n3A_2122 = arith.select %xor3A_2120, %gather3A_2099, %select_n3A_2076 : vector<4x128x128xi1>, vector<4x128x128xi32>
    %and3A_2123 = arith.constant 4 : i32
    %and3A_2124 = vector.broadcast %and3A_2123 : i32 to vector<4x128x128xi32>
    %and3A_2125 = arith.andi %iota3A, %and3A_2124 : vector<4x128x128xi32>
    %ne3A_2126 = arith.constant 0 : i32
    %ne3A_2127 = vector.broadcast %ne3A_2126 : i32 to vector<4x128x128xi32>
    %ne3A_2128 = arith.cmpi ne, %and3A_2125, %ne3A_2127 : vector<4x128x128xi32>
    %slice3A_2129 = vector.extract_strided_slice %select_n3A_2121 {offsets = [0, 124, 0], sizes = [4, 4, 128], strides = [1, 1, 1]} : vector<4x128x128xf32> to vector<4x4x128xf32>
    %slice3A_2130 = vector.extract_strided_slice %select_n3A_2121 {offsets = [0, 0, 0], sizes = [4, 124, 128], strides = [1, 1, 1]} : vector<4x128x128xf32> to vector<4x124x128xf32>
    %concatenate3A_2131 = tpu.concatenate %slice3A_2129, %slice3A_2130 in 1 : vector<4x4x128xf32>, vector<4x124x128xf32> -> vector<4x128x128xf32>
    %slice3A_2132 = vector.extract_strided_slice %select_n3A_2121 {offsets = [0, 4, 0], sizes = [4, 124, 128], strides = [1, 1, 1]} : vector<4x128x128xf32> to vector<4x124x128xf32>
    %slice3A_2133 = vector.extract_strided_slice %select_n3A_2121 {offsets = [0, 0, 0], sizes = [4, 4, 128], strides = [1, 1, 1]} : vector<4x128x128xf32> to vector<4x4x128xf32>
    %concatenate3A_2134 = tpu.concatenate %slice3A_2132, %slice3A_2133 in 1 : vector<4x124x128xf32>, vector<4x4x128xf32> -> vector<4x128x128xf32>
    %select_n3A_2135 = arith.select %ne3A_2128, %concatenate3A_2131, %concatenate3A_2134 : vector<4x128x128xi1>, vector<4x128x128xf32>
    %slice3A_2136 = vector.extract_strided_slice %select_n3A_2122 {offsets = [0, 124, 0], sizes = [4, 4, 128], strides = [1, 1, 1]} : vector<4x128x128xi32> to vector<4x4x128xi32>
    %slice3A_2137 = vector.extract_strided_slice %select_n3A_2122 {offsets = [0, 0, 0], sizes = [4, 124, 128], strides = [1, 1, 1]} : vector<4x128x128xi32> to vector<4x124x128xi32>
    %concatenate3A_2138 = tpu.concatenate %slice3A_2136, %slice3A_2137 in 1 : vector<4x4x128xi32>, vector<4x124x128xi32> -> vector<4x128x128xi32>
    %slice3A_2139 = vector.extract_strided_slice %select_n3A_2122 {offsets = [0, 4, 0], sizes = [4, 124, 128], strides = [1, 1, 1]} : vector<4x128x128xi32> to vector<4x124x128xi32>
    %slice3A_2140 = vector.extract_strided_slice %select_n3A_2122 {offsets = [0, 0, 0], sizes = [4, 4, 128], strides = [1, 1, 1]} : vector<4x128x128xi32> to vector<4x4x128xi32>
    %concatenate3A_2141 = tpu.concatenate %slice3A_2139, %slice3A_2140 in 1 : vector<4x124x128xi32>, vector<4x4x128xi32> -> vector<4x128x128xi32>
    %select_n3A_2142 = arith.select %ne3A_2128, %concatenate3A_2138, %concatenate3A_2141 : vector<4x128x128xi1>, vector<4x128x128xi32>
    %lt3A_2143 = arith.cmpf olt, %select_n3A_2121, %select_n3A_2135 : vector<4x128x128xf32>
    %eq3A_2144 = arith.cmpf oeq, %select_n3A_2121, %select_n3A_2135 : vector<4x128x128xf32>
    %lt3A_2145 = arith.cmpi slt, %select_n3A_2122, %select_n3A_2142 : vector<4x128x128xi32>
    %and3A_2146 = arith.andi %eq3A_2144, %lt3A_2145 : vector<4x128x128xi1>
    %or3A_2147 = arith.ori %lt3A_2143, %and3A_2146 : vector<4x128x128xi1>
    %and3A_2148 = arith.constant 1024 : i32
    %and3A_2149 = vector.broadcast %and3A_2148 : i32 to vector<4x128x128xi32>
    %and3A_2150 = arith.andi %add3A, %and3A_2149 : vector<4x128x128xi32>
    %eq3A_2151 = arith.constant 0 : i32
    %eq3A_2152 = vector.broadcast %eq3A_2151 : i32 to vector<4x128x128xi32>
    %eq3A_2153 = arith.cmpi eq, %and3A_2150, %eq3A_2152 : vector<4x128x128xi32>
    %and3A_2154 = arith.constant 512 : i32
    %and3A_2155 = vector.broadcast %and3A_2154 : i32 to vector<4x128x128xi32>
    %and3A_2156 = arith.andi %add3A, %and3A_2155 : vector<4x128x128xi32>
    %eq3A_2157 = arith.constant 0 : i32
    %eq3A_2158 = vector.broadcast %eq3A_2157 : i32 to vector<4x128x128xi32>
    %eq3A_2159 = arith.cmpi eq, %and3A_2156, %eq3A_2158 : vector<4x128x128xi32>
    %eq3A_2160 = arith.xori %eq3A_2153, %eq3A_2159 : vector<4x128x128xi1>
    %eq3A_2161 = arith.constant dense<true> : vector<4x128x128xi1>
    %eq3A_2162 = arith.xori %eq3A_2160, %eq3A_2161 : vector<4x128x128xi1>
    %xor3A_2163 = arith.xori %or3A_2147, %eq3A_2162 : vector<4x128x128xi1>
    %select_n3A_2164 = arith.select %xor3A_2163, %select_n3A_2135, %select_n3A_2121 : vector<4x128x128xi1>, vector<4x128x128xf32>
    %select_n3A_2165 = arith.select %xor3A_2163, %select_n3A_2142, %select_n3A_2122 : vector<4x128x128xi1>, vector<4x128x128xi32>
    %and3A_2166 = arith.constant 2 : i32
    %and3A_2167 = vector.broadcast %and3A_2166 : i32 to vector<4x128x128xi32>
    %and3A_2168 = arith.andi %iota3A, %and3A_2167 : vector<4x128x128xi32>
    %ne3A_2169 = arith.constant 0 : i32
    %ne3A_2170 = vector.broadcast %ne3A_2169 : i32 to vector<4x128x128xi32>
    %ne3A_2171 = arith.cmpi ne, %and3A_2168, %ne3A_2170 : vector<4x128x128xi32>
    %slice3A_2172 = vector.extract_strided_slice %select_n3A_2164 {offsets = [0, 126, 0], sizes = [4, 2, 128], strides = [1, 1, 1]} : vector<4x128x128xf32> to vector<4x2x128xf32>
    %slice3A_2173 = vector.extract_strided_slice %select_n3A_2164 {offsets = [0, 0, 0], sizes = [4, 126, 128], strides = [1, 1, 1]} : vector<4x128x128xf32> to vector<4x126x128xf32>
    %concatenate3A_2174 = tpu.concatenate %slice3A_2172, %slice3A_2173 in 1 : vector<4x2x128xf32>, vector<4x126x128xf32> -> vector<4x128x128xf32>
    %slice3A_2175 = vector.extract_strided_slice %select_n3A_2164 {offsets = [0, 2, 0], sizes = [4, 126, 128], strides = [1, 1, 1]} : vector<4x128x128xf32> to vector<4x126x128xf32>
    %slice3A_2176 = vector.extract_strided_slice %select_n3A_2164 {offsets = [0, 0, 0], sizes = [4, 2, 128], strides = [1, 1, 1]} : vector<4x128x128xf32> to vector<4x2x128xf32>
    %concatenate3A_2177 = tpu.concatenate %slice3A_2175, %slice3A_2176 in 1 : vector<4x126x128xf32>, vector<4x2x128xf32> -> vector<4x128x128xf32>
    %select_n3A_2178 = arith.select %ne3A_2171, %concatenate3A_2174, %concatenate3A_2177 : vector<4x128x128xi1>, vector<4x128x128xf32>
    %slice3A_2179 = vector.extract_strided_slice %select_n3A_2165 {offsets = [0, 126, 0], sizes = [4, 2, 128], strides = [1, 1, 1]} : vector<4x128x128xi32> to vector<4x2x128xi32>
    %slice3A_2180 = vector.extract_strided_slice %select_n3A_2165 {offsets = [0, 0, 0], sizes = [4, 126, 128], strides = [1, 1, 1]} : vector<4x128x128xi32> to vector<4x126x128xi32>
    %concatenate3A_2181 = tpu.concatenate %slice3A_2179, %slice3A_2180 in 1 : vector<4x2x128xi32>, vector<4x126x128xi32> -> vector<4x128x128xi32>
    %slice3A_2182 = vector.extract_strided_slice %select_n3A_2165 {offsets = [0, 2, 0], sizes = [4, 126, 128], strides = [1, 1, 1]} : vector<4x128x128xi32> to vector<4x126x128xi32>
    %slice3A_2183 = vector.extract_strided_slice %select_n3A_2165 {offsets = [0, 0, 0], sizes = [4, 2, 128], strides = [1, 1, 1]} : vector<4x128x128xi32> to vector<4x2x128xi32>
    %concatenate3A_2184 = tpu.concatenate %slice3A_2182, %slice3A_2183 in 1 : vector<4x126x128xi32>, vector<4x2x128xi32> -> vector<4x128x128xi32>
    %select_n3A_2185 = arith.select %ne3A_2171, %concatenate3A_2181, %concatenate3A_2184 : vector<4x128x128xi1>, vector<4x128x128xi32>
    %lt3A_2186 = arith.cmpf olt, %select_n3A_2164, %select_n3A_2178 : vector<4x128x128xf32>
    %eq3A_2187 = arith.cmpf oeq, %select_n3A_2164, %select_n3A_2178 : vector<4x128x128xf32>
    %lt3A_2188 = arith.cmpi slt, %select_n3A_2165, %select_n3A_2185 : vector<4x128x128xi32>
    %and3A_2189 = arith.andi %eq3A_2187, %lt3A_2188 : vector<4x128x128xi1>
    %or3A_2190 = arith.ori %lt3A_2186, %and3A_2189 : vector<4x128x128xi1>
    %and3A_2191 = arith.constant 1024 : i32
    %and3A_2192 = vector.broadcast %and3A_2191 : i32 to vector<4x128x128xi32>
    %and3A_2193 = arith.andi %add3A, %and3A_2192 : vector<4x128x128xi32>
    %eq3A_2194 = arith.constant 0 : i32
    %eq3A_2195 = vector.broadcast %eq3A_2194 : i32 to vector<4x128x128xi32>
    %eq3A_2196 = arith.cmpi eq, %and3A_2193, %eq3A_2195 : vector<4x128x128xi32>
    %and3A_2197 = arith.constant 256 : i32
    %and3A_2198 = vector.broadcast %and3A_2197 : i32 to vector<4x128x128xi32>
    %and3A_2199 = arith.andi %add3A, %and3A_2198 : vector<4x128x128xi32>
    %eq3A_2200 = arith.constant 0 : i32
    %eq3A_2201 = vector.broadcast %eq3A_2200 : i32 to vector<4x128x128xi32>
    %eq3A_2202 = arith.cmpi eq, %and3A_2199, %eq3A_2201 : vector<4x128x128xi32>
    %eq3A_2203 = arith.xori %eq3A_2196, %eq3A_2202 : vector<4x128x128xi1>
    %eq3A_2204 = arith.constant dense<true> : vector<4x128x128xi1>
    %eq3A_2205 = arith.xori %eq3A_2203, %eq3A_2204 : vector<4x128x128xi1>
    %xor3A_2206 = arith.xori %or3A_2190, %eq3A_2205 : vector<4x128x128xi1>
    %select_n3A_2207 = arith.select %xor3A_2206, %select_n3A_2178, %select_n3A_2164 : vector<4x128x128xi1>, vector<4x128x128xf32>
    %select_n3A_2208 = arith.select %xor3A_2206, %select_n3A_2185, %select_n3A_2165 : vector<4x128x128xi1>, vector<4x128x128xi32>
    %and3A_2209 = arith.constant 1 : i32
    %and3A_2210 = vector.broadcast %and3A_2209 : i32 to vector<4x128x128xi32>
    %and3A_2211 = arith.andi %iota3A, %and3A_2210 : vector<4x128x128xi32>
    %ne3A_2212 = arith.constant 0 : i32
    %ne3A_2213 = vector.broadcast %ne3A_2212 : i32 to vector<4x128x128xi32>
    %ne3A_2214 = arith.cmpi ne, %and3A_2211, %ne3A_2213 : vector<4x128x128xi32>
    %slice3A_2215 = vector.extract_strided_slice %select_n3A_2207 {offsets = [0, 127, 0], sizes = [4, 1, 128], strides = [1, 1, 1]} : vector<4x128x128xf32> to vector<4x1x128xf32>
    %slice3A_2216 = vector.extract_strided_slice %select_n3A_2207 {offsets = [0, 0, 0], sizes = [4, 127, 128], strides = [1, 1, 1]} : vector<4x128x128xf32> to vector<4x127x128xf32>
    %concatenate3A_2217 = tpu.concatenate %slice3A_2215, %slice3A_2216 in 1 : vector<4x1x128xf32>, vector<4x127x128xf32> -> vector<4x128x128xf32>
    %slice3A_2218 = vector.extract_strided_slice %select_n3A_2207 {offsets = [0, 1, 0], sizes = [4, 127, 128], strides = [1, 1, 1]} : vector<4x128x128xf32> to vector<4x127x128xf32>
    %slice3A_2219 = vector.extract_strided_slice %select_n3A_2207 {offsets = [0, 0, 0], sizes = [4, 1, 128], strides = [1, 1, 1]} : vector<4x128x128xf32> to vector<4x1x128xf32>
    %concatenate3A_2220 = tpu.concatenate %slice3A_2218, %slice3A_2219 in 1 : vector<4x127x128xf32>, vector<4x1x128xf32> -> vector<4x128x128xf32>
    %select_n3A_2221 = arith.select %ne3A_2214, %concatenate3A_2217, %concatenate3A_2220 : vector<4x128x128xi1>, vector<4x128x128xf32>
    %slice3A_2222 = vector.extract_strided_slice %select_n3A_2208 {offsets = [0, 127, 0], sizes = [4, 1, 128], strides = [1, 1, 1]} : vector<4x128x128xi32> to vector<4x1x128xi32>
    %slice3A_2223 = vector.extract_strided_slice %select_n3A_2208 {offsets = [0, 0, 0], sizes = [4, 127, 128], strides = [1, 1, 1]} : vector<4x128x128xi32> to vector<4x127x128xi32>
    %concatenate3A_2224 = tpu.concatenate %slice3A_2222, %slice3A_2223 in 1 : vector<4x1x128xi32>, vector<4x127x128xi32> -> vector<4x128x128xi32>
    %slice3A_2225 = vector.extract_strided_slice %select_n3A_2208 {offsets = [0, 1, 0], sizes = [4, 127, 128], strides = [1, 1, 1]} : vector<4x128x128xi32> to vector<4x127x128xi32>
    %slice3A_2226 = vector.extract_strided_slice %select_n3A_2208 {offsets = [0, 0, 0], sizes = [4, 1, 128], strides = [1, 1, 1]} : vector<4x128x128xi32> to vector<4x1x128xi32>
    %concatenate3A_2227 = tpu.concatenate %slice3A_2225, %slice3A_2226 in 1 : vector<4x127x128xi32>, vector<4x1x128xi32> -> vector<4x128x128xi32>
    %select_n3A_2228 = arith.select %ne3A_2214, %concatenate3A_2224, %concatenate3A_2227 : vector<4x128x128xi1>, vector<4x128x128xi32>
    %lt3A_2229 = arith.cmpf olt, %select_n3A_2207, %select_n3A_2221 : vector<4x128x128xf32>
    %eq3A_2230 = arith.cmpf oeq, %select_n3A_2207, %select_n3A_2221 : vector<4x128x128xf32>
    %lt3A_2231 = arith.cmpi slt, %select_n3A_2208, %select_n3A_2228 : vector<4x128x128xi32>
    %and3A_2232 = arith.andi %eq3A_2230, %lt3A_2231 : vector<4x128x128xi1>
    %or3A_2233 = arith.ori %lt3A_2229, %and3A_2232 : vector<4x128x128xi1>
    %and3A_2234 = arith.constant 1024 : i32
    %and3A_2235 = vector.broadcast %and3A_2234 : i32 to vector<4x128x128xi32>
    %and3A_2236 = arith.andi %add3A, %and3A_2235 : vector<4x128x128xi32>
    %eq3A_2237 = arith.constant 0 : i32
    %eq3A_2238 = vector.broadcast %eq3A_2237 : i32 to vector<4x128x128xi32>
    %eq3A_2239 = arith.cmpi eq, %and3A_2236, %eq3A_2238 : vector<4x128x128xi32>
    %and3A_2240 = arith.constant 128 : i32
    %and3A_2241 = vector.broadcast %and3A_2240 : i32 to vector<4x128x128xi32>
    %and3A_2242 = arith.andi %add3A, %and3A_2241 : vector<4x128x128xi32>
    %eq3A_2243 = arith.constant 0 : i32
    %eq3A_2244 = vector.broadcast %eq3A_2243 : i32 to vector<4x128x128xi32>
    %eq3A_2245 = arith.cmpi eq, %and3A_2242, %eq3A_2244 : vector<4x128x128xi32>
    %eq3A_2246 = arith.xori %eq3A_2239, %eq3A_2245 : vector<4x128x128xi1>
    %eq3A_2247 = arith.constant dense<true> : vector<4x128x128xi1>
    %eq3A_2248 = arith.xori %eq3A_2246, %eq3A_2247 : vector<4x128x128xi1>
    %xor3A_2249 = arith.xori %or3A_2233, %eq3A_2248 : vector<4x128x128xi1>
    %select_n3A_2250 = arith.select %xor3A_2249, %select_n3A_2221, %select_n3A_2207 : vector<4x128x128xi1>, vector<4x128x128xf32>
    %select_n3A_2251 = arith.select %xor3A_2249, %select_n3A_2228, %select_n3A_2208 : vector<4x128x128xi1>, vector<4x128x128xi32>
    %xor3A_2252 = arith.constant 64 : i32
    %xor3A_2253 = vector.broadcast %xor3A_2252 : i32 to vector<4x128x128xi32>
    %xor3A_2254 = arith.xori %iota3A_7, %xor3A_2253 : vector<4x128x128xi32>
    %lt3A_2255 = arith.constant 0 : i32
    %lt3A_2256 = vector.broadcast %lt3A_2255 : i32 to vector<4x128x128xi32>
    %lt3A_2257 = arith.cmpi slt, %xor3A_2254, %lt3A_2256 : vector<4x128x128xi32>
    %add3A_2258 = arith.constant 128 : i32
    %add3A_2259 = vector.broadcast %add3A_2258 : i32 to vector<4x128x128xi32>
    %add3A_2260 = arith.addi %xor3A_2254, %add3A_2259 : vector<4x128x128xi32>
    %select_n3A_2261 = arith.select %lt3A_2257, %add3A_2260, %xor3A_2254 : vector<4x128x128xi1>, vector<4x128x128xi32>
    %reshape3A_2262 = vector.shape_cast %select_n3A_2261 : vector<4x128x128xi32> to vector<4x128x128x1xi32>
    %gather3A_2263 = vector.shape_cast %reshape3A_2262 : vector<4x128x128x1xi32> to vector<4x128x128xi32>
    %gather3A_2264 = tpu.dynamic_gather %select_n3A_2250[%gather3A_2263] in [2] : vector<4x128x128xf32>, vector<4x128x128xi32> -> vector<4x128x128xf32>
    %lt3A_2265 = arith.constant 0 : i32
    %lt3A_2266 = vector.broadcast %lt3A_2265 : i32 to vector<4x128x128xi32>
    %lt3A_2267 = arith.cmpi slt, %xor3A_2254, %lt3A_2266 : vector<4x128x128xi32>
    %add3A_2268 = arith.constant 128 : i32
    %add3A_2269 = vector.broadcast %add3A_2268 : i32 to vector<4x128x128xi32>
    %add3A_2270 = arith.addi %xor3A_2254, %add3A_2269 : vector<4x128x128xi32>
    %select_n3A_2271 = arith.select %lt3A_2267, %add3A_2270, %xor3A_2254 : vector<4x128x128xi1>, vector<4x128x128xi32>
    %reshape3A_2272 = vector.shape_cast %select_n3A_2271 : vector<4x128x128xi32> to vector<4x128x128x1xi32>
    %gather3A_2273 = vector.shape_cast %reshape3A_2272 : vector<4x128x128x1xi32> to vector<4x128x128xi32>
    %gather3A_2274 = tpu.dynamic_gather %select_n3A_2251[%gather3A_2273] in [2] : vector<4x128x128xi32>, vector<4x128x128xi32> -> vector<4x128x128xi32>
    %lt3A_2275 = arith.cmpf olt, %select_n3A_2250, %gather3A_2264 : vector<4x128x128xf32>
    %eq3A_2276 = arith.cmpf oeq, %select_n3A_2250, %gather3A_2264 : vector<4x128x128xf32>
    %lt3A_2277 = arith.cmpi slt, %select_n3A_2251, %gather3A_2274 : vector<4x128x128xi32>
    %and3A_2278 = arith.andi %eq3A_2276, %lt3A_2277 : vector<4x128x128xi1>
    %or3A_2279 = arith.ori %lt3A_2275, %and3A_2278 : vector<4x128x128xi1>
    %and3A_2280 = arith.constant 1024 : i32
    %and3A_2281 = vector.broadcast %and3A_2280 : i32 to vector<4x128x128xi32>
    %and3A_2282 = arith.andi %add3A, %and3A_2281 : vector<4x128x128xi32>
    %eq3A_2283 = arith.constant 0 : i32
    %eq3A_2284 = vector.broadcast %eq3A_2283 : i32 to vector<4x128x128xi32>
    %eq3A_2285 = arith.cmpi eq, %and3A_2282, %eq3A_2284 : vector<4x128x128xi32>
    %and3A_2286 = arith.constant 64 : i32
    %and3A_2287 = vector.broadcast %and3A_2286 : i32 to vector<4x128x128xi32>
    %and3A_2288 = arith.andi %add3A, %and3A_2287 : vector<4x128x128xi32>
    %eq3A_2289 = arith.constant 0 : i32
    %eq3A_2290 = vector.broadcast %eq3A_2289 : i32 to vector<4x128x128xi32>
    %eq3A_2291 = arith.cmpi eq, %and3A_2288, %eq3A_2290 : vector<4x128x128xi32>
    %eq3A_2292 = arith.xori %eq3A_2285, %eq3A_2291 : vector<4x128x128xi1>
    %eq3A_2293 = arith.constant dense<true> : vector<4x128x128xi1>
    %eq3A_2294 = arith.xori %eq3A_2292, %eq3A_2293 : vector<4x128x128xi1>
    %xor3A_2295 = arith.xori %or3A_2279, %eq3A_2294 : vector<4x128x128xi1>
    %select_n3A_2296 = arith.select %xor3A_2295, %gather3A_2264, %select_n3A_2250 : vector<4x128x128xi1>, vector<4x128x128xf32>
    %select_n3A_2297 = arith.select %xor3A_2295, %gather3A_2274, %select_n3A_2251 : vector<4x128x128xi1>, vector<4x128x128xi32>
    %xor3A_2298 = arith.constant 32 : i32
    %xor3A_2299 = vector.broadcast %xor3A_2298 : i32 to vector<4x128x128xi32>
    %xor3A_2300 = arith.xori %iota3A_7, %xor3A_2299 : vector<4x128x128xi32>
    %lt3A_2301 = arith.constant 0 : i32
    %lt3A_2302 = vector.broadcast %lt3A_2301 : i32 to vector<4x128x128xi32>
    %lt3A_2303 = arith.cmpi slt, %xor3A_2300, %lt3A_2302 : vector<4x128x128xi32>
    %add3A_2304 = arith.constant 128 : i32
    %add3A_2305 = vector.broadcast %add3A_2304 : i32 to vector<4x128x128xi32>
    %add3A_2306 = arith.addi %xor3A_2300, %add3A_2305 : vector<4x128x128xi32>
    %select_n3A_2307 = arith.select %lt3A_2303, %add3A_2306, %xor3A_2300 : vector<4x128x128xi1>, vector<4x128x128xi32>
    %reshape3A_2308 = vector.shape_cast %select_n3A_2307 : vector<4x128x128xi32> to vector<4x128x128x1xi32>
    %gather3A_2309 = vector.shape_cast %reshape3A_2308 : vector<4x128x128x1xi32> to vector<4x128x128xi32>
    %gather3A_2310 = tpu.dynamic_gather %select_n3A_2296[%gather3A_2309] in [2] : vector<4x128x128xf32>, vector<4x128x128xi32> -> vector<4x128x128xf32>
    %lt3A_2311 = arith.constant 0 : i32
    %lt3A_2312 = vector.broadcast %lt3A_2311 : i32 to vector<4x128x128xi32>
    %lt3A_2313 = arith.cmpi slt, %xor3A_2300, %lt3A_2312 : vector<4x128x128xi32>
    %add3A_2314 = arith.constant 128 : i32
    %add3A_2315 = vector.broadcast %add3A_2314 : i32 to vector<4x128x128xi32>
    %add3A_2316 = arith.addi %xor3A_2300, %add3A_2315 : vector<4x128x128xi32>
    %select_n3A_2317 = arith.select %lt3A_2313, %add3A_2316, %xor3A_2300 : vector<4x128x128xi1>, vector<4x128x128xi32>
    %reshape3A_2318 = vector.shape_cast %select_n3A_2317 : vector<4x128x128xi32> to vector<4x128x128x1xi32>
    %gather3A_2319 = vector.shape_cast %reshape3A_2318 : vector<4x128x128x1xi32> to vector<4x128x128xi32>
    %gather3A_2320 = tpu.dynamic_gather %select_n3A_2297[%gather3A_2319] in [2] : vector<4x128x128xi32>, vector<4x128x128xi32> -> vector<4x128x128xi32>
    %lt3A_2321 = arith.cmpf olt, %select_n3A_2296, %gather3A_2310 : vector<4x128x128xf32>
    %eq3A_2322 = arith.cmpf oeq, %select_n3A_2296, %gather3A_2310 : vector<4x128x128xf32>
    %lt3A_2323 = arith.cmpi slt, %select_n3A_2297, %gather3A_2320 : vector<4x128x128xi32>
    %and3A_2324 = arith.andi %eq3A_2322, %lt3A_2323 : vector<4x128x128xi1>
    %or3A_2325 = arith.ori %lt3A_2321, %and3A_2324 : vector<4x128x128xi1>
    %and3A_2326 = arith.constant 1024 : i32
    %and3A_2327 = vector.broadcast %and3A_2326 : i32 to vector<4x128x128xi32>
    %and3A_2328 = arith.andi %add3A, %and3A_2327 : vector<4x128x128xi32>
    %eq3A_2329 = arith.constant 0 : i32
    %eq3A_2330 = vector.broadcast %eq3A_2329 : i32 to vector<4x128x128xi32>
    %eq3A_2331 = arith.cmpi eq, %and3A_2328, %eq3A_2330 : vector<4x128x128xi32>
    %and3A_2332 = arith.constant 32 : i32
    %and3A_2333 = vector.broadcast %and3A_2332 : i32 to vector<4x128x128xi32>
    %and3A_2334 = arith.andi %add3A, %and3A_2333 : vector<4x128x128xi32>
    %eq3A_2335 = arith.constant 0 : i32
    %eq3A_2336 = vector.broadcast %eq3A_2335 : i32 to vector<4x128x128xi32>
    %eq3A_2337 = arith.cmpi eq, %and3A_2334, %eq3A_2336 : vector<4x128x128xi32>
    %eq3A_2338 = arith.xori %eq3A_2331, %eq3A_2337 : vector<4x128x128xi1>
    %eq3A_2339 = arith.constant dense<true> : vector<4x128x128xi1>
    %eq3A_2340 = arith.xori %eq3A_2338, %eq3A_2339 : vector<4x128x128xi1>
    %xor3A_2341 = arith.xori %or3A_2325, %eq3A_2340 : vector<4x128x128xi1>
    %select_n3A_2342 = arith.select %xor3A_2341, %gather3A_2310, %select_n3A_2296 : vector<4x128x128xi1>, vector<4x128x128xf32>
    %select_n3A_2343 = arith.select %xor3A_2341, %gather3A_2320, %select_n3A_2297 : vector<4x128x128xi1>, vector<4x128x128xi32>
    %xor3A_2344 = arith.constant 16 : i32
    %xor3A_2345 = vector.broadcast %xor3A_2344 : i32 to vector<4x128x128xi32>
    %xor3A_2346 = arith.xori %iota3A_7, %xor3A_2345 : vector<4x128x128xi32>
    %lt3A_2347 = arith.constant 0 : i32
    %lt3A_2348 = vector.broadcast %lt3A_2347 : i32 to vector<4x128x128xi32>
    %lt3A_2349 = arith.cmpi slt, %xor3A_2346, %lt3A_2348 : vector<4x128x128xi32>
    %add3A_2350 = arith.constant 128 : i32
    %add3A_2351 = vector.broadcast %add3A_2350 : i32 to vector<4x128x128xi32>
    %add3A_2352 = arith.addi %xor3A_2346, %add3A_2351 : vector<4x128x128xi32>
    %select_n3A_2353 = arith.select %lt3A_2349, %add3A_2352, %xor3A_2346 : vector<4x128x128xi1>, vector<4x128x128xi32>
    %reshape3A_2354 = vector.shape_cast %select_n3A_2353 : vector<4x128x128xi32> to vector<4x128x128x1xi32>
    %gather3A_2355 = vector.shape_cast %reshape3A_2354 : vector<4x128x128x1xi32> to vector<4x128x128xi32>
    %gather3A_2356 = tpu.dynamic_gather %select_n3A_2342[%gather3A_2355] in [2] : vector<4x128x128xf32>, vector<4x128x128xi32> -> vector<4x128x128xf32>
    %lt3A_2357 = arith.constant 0 : i32
    %lt3A_2358 = vector.broadcast %lt3A_2357 : i32 to vector<4x128x128xi32>
    %lt3A_2359 = arith.cmpi slt, %xor3A_2346, %lt3A_2358 : vector<4x128x128xi32>
    %add3A_2360 = arith.constant 128 : i32
    %add3A_2361 = vector.broadcast %add3A_2360 : i32 to vector<4x128x128xi32>
    %add3A_2362 = arith.addi %xor3A_2346, %add3A_2361 : vector<4x128x128xi32>
    %select_n3A_2363 = arith.select %lt3A_2359, %add3A_2362, %xor3A_2346 : vector<4x128x128xi1>, vector<4x128x128xi32>
    %reshape3A_2364 = vector.shape_cast %select_n3A_2363 : vector<4x128x128xi32> to vector<4x128x128x1xi32>
    %gather3A_2365 = vector.shape_cast %reshape3A_2364 : vector<4x128x128x1xi32> to vector<4x128x128xi32>
    %gather3A_2366 = tpu.dynamic_gather %select_n3A_2343[%gather3A_2365] in [2] : vector<4x128x128xi32>, vector<4x128x128xi32> -> vector<4x128x128xi32>
    %lt3A_2367 = arith.cmpf olt, %select_n3A_2342, %gather3A_2356 : vector<4x128x128xf32>
    %eq3A_2368 = arith.cmpf oeq, %select_n3A_2342, %gather3A_2356 : vector<4x128x128xf32>
    %lt3A_2369 = arith.cmpi slt, %select_n3A_2343, %gather3A_2366 : vector<4x128x128xi32>
    %and3A_2370 = arith.andi %eq3A_2368, %lt3A_2369 : vector<4x128x128xi1>
    %or3A_2371 = arith.ori %lt3A_2367, %and3A_2370 : vector<4x128x128xi1>
    %and3A_2372 = arith.constant 1024 : i32
    %and3A_2373 = vector.broadcast %and3A_2372 : i32 to vector<4x128x128xi32>
    %and3A_2374 = arith.andi %add3A, %and3A_2373 : vector<4x128x128xi32>
    %eq3A_2375 = arith.constant 0 : i32
    %eq3A_2376 = vector.broadcast %eq3A_2375 : i32 to vector<4x128x128xi32>
    %eq3A_2377 = arith.cmpi eq, %and3A_2374, %eq3A_2376 : vector<4x128x128xi32>
    %and3A_2378 = arith.constant 16 : i32
    %and3A_2379 = vector.broadcast %and3A_2378 : i32 to vector<4x128x128xi32>
    %and3A_2380 = arith.andi %add3A, %and3A_2379 : vector<4x128x128xi32>
    %eq3A_2381 = arith.constant 0 : i32
    %eq3A_2382 = vector.broadcast %eq3A_2381 : i32 to vector<4x128x128xi32>
    %eq3A_2383 = arith.cmpi eq, %and3A_2380, %eq3A_2382 : vector<4x128x128xi32>
    %eq3A_2384 = arith.xori %eq3A_2377, %eq3A_2383 : vector<4x128x128xi1>
    %eq3A_2385 = arith.constant dense<true> : vector<4x128x128xi1>
    %eq3A_2386 = arith.xori %eq3A_2384, %eq3A_2385 : vector<4x128x128xi1>
    %xor3A_2387 = arith.xori %or3A_2371, %eq3A_2386 : vector<4x128x128xi1>
    %select_n3A_2388 = arith.select %xor3A_2387, %gather3A_2356, %select_n3A_2342 : vector<4x128x128xi1>, vector<4x128x128xf32>
    %select_n3A_2389 = arith.select %xor3A_2387, %gather3A_2366, %select_n3A_2343 : vector<4x128x128xi1>, vector<4x128x128xi32>
    %xor3A_2390 = arith.constant 8 : i32
    %xor3A_2391 = vector.broadcast %xor3A_2390 : i32 to vector<4x128x128xi32>
    %xor3A_2392 = arith.xori %iota3A_7, %xor3A_2391 : vector<4x128x128xi32>
    %lt3A_2393 = arith.constant 0 : i32
    %lt3A_2394 = vector.broadcast %lt3A_2393 : i32 to vector<4x128x128xi32>
    %lt3A_2395 = arith.cmpi slt, %xor3A_2392, %lt3A_2394 : vector<4x128x128xi32>
    %add3A_2396 = arith.constant 128 : i32
    %add3A_2397 = vector.broadcast %add3A_2396 : i32 to vector<4x128x128xi32>
    %add3A_2398 = arith.addi %xor3A_2392, %add3A_2397 : vector<4x128x128xi32>
    %select_n3A_2399 = arith.select %lt3A_2395, %add3A_2398, %xor3A_2392 : vector<4x128x128xi1>, vector<4x128x128xi32>
    %reshape3A_2400 = vector.shape_cast %select_n3A_2399 : vector<4x128x128xi32> to vector<4x128x128x1xi32>
    %gather3A_2401 = vector.shape_cast %reshape3A_2400 : vector<4x128x128x1xi32> to vector<4x128x128xi32>
    %gather3A_2402 = tpu.dynamic_gather %select_n3A_2388[%gather3A_2401] in [2] : vector<4x128x128xf32>, vector<4x128x128xi32> -> vector<4x128x128xf32>
    %lt3A_2403 = arith.constant 0 : i32
    %lt3A_2404 = vector.broadcast %lt3A_2403 : i32 to vector<4x128x128xi32>
    %lt3A_2405 = arith.cmpi slt, %xor3A_2392, %lt3A_2404 : vector<4x128x128xi32>
    %add3A_2406 = arith.constant 128 : i32
    %add3A_2407 = vector.broadcast %add3A_2406 : i32 to vector<4x128x128xi32>
    %add3A_2408 = arith.addi %xor3A_2392, %add3A_2407 : vector<4x128x128xi32>
    %select_n3A_2409 = arith.select %lt3A_2405, %add3A_2408, %xor3A_2392 : vector<4x128x128xi1>, vector<4x128x128xi32>
    %reshape3A_2410 = vector.shape_cast %select_n3A_2409 : vector<4x128x128xi32> to vector<4x128x128x1xi32>
    %gather3A_2411 = vector.shape_cast %reshape3A_2410 : vector<4x128x128x1xi32> to vector<4x128x128xi32>
    %gather3A_2412 = tpu.dynamic_gather %select_n3A_2389[%gather3A_2411] in [2] : vector<4x128x128xi32>, vector<4x128x128xi32> -> vector<4x128x128xi32>
    %lt3A_2413 = arith.cmpf olt, %select_n3A_2388, %gather3A_2402 : vector<4x128x128xf32>
    %eq3A_2414 = arith.cmpf oeq, %select_n3A_2388, %gather3A_2402 : vector<4x128x128xf32>
    %lt3A_2415 = arith.cmpi slt, %select_n3A_2389, %gather3A_2412 : vector<4x128x128xi32>
    %and3A_2416 = arith.andi %eq3A_2414, %lt3A_2415 : vector<4x128x128xi1>
    %or3A_2417 = arith.ori %lt3A_2413, %and3A_2416 : vector<4x128x128xi1>
    %and3A_2418 = arith.constant 1024 : i32
    %and3A_2419 = vector.broadcast %and3A_2418 : i32 to vector<4x128x128xi32>
    %and3A_2420 = arith.andi %add3A, %and3A_2419 : vector<4x128x128xi32>
    %eq3A_2421 = arith.constant 0 : i32
    %eq3A_2422 = vector.broadcast %eq3A_2421 : i32 to vector<4x128x128xi32>
    %eq3A_2423 = arith.cmpi eq, %and3A_2420, %eq3A_2422 : vector<4x128x128xi32>
    %and3A_2424 = arith.constant 8 : i32
    %and3A_2425 = vector.broadcast %and3A_2424 : i32 to vector<4x128x128xi32>
    %and3A_2426 = arith.andi %add3A, %and3A_2425 : vector<4x128x128xi32>
    %eq3A_2427 = arith.constant 0 : i32
    %eq3A_2428 = vector.broadcast %eq3A_2427 : i32 to vector<4x128x128xi32>
    %eq3A_2429 = arith.cmpi eq, %and3A_2426, %eq3A_2428 : vector<4x128x128xi32>
    %eq3A_2430 = arith.xori %eq3A_2423, %eq3A_2429 : vector<4x128x128xi1>
    %eq3A_2431 = arith.constant dense<true> : vector<4x128x128xi1>
    %eq3A_2432 = arith.xori %eq3A_2430, %eq3A_2431 : vector<4x128x128xi1>
    %xor3A_2433 = arith.xori %or3A_2417, %eq3A_2432 : vector<4x128x128xi1>
    %select_n3A_2434 = arith.select %xor3A_2433, %gather3A_2402, %select_n3A_2388 : vector<4x128x128xi1>, vector<4x128x128xf32>
    %select_n3A_2435 = arith.select %xor3A_2433, %gather3A_2412, %select_n3A_2389 : vector<4x128x128xi1>, vector<4x128x128xi32>
    %xor3A_2436 = arith.constant 4 : i32
    %xor3A_2437 = vector.broadcast %xor3A_2436 : i32 to vector<4x128x128xi32>
    %xor3A_2438 = arith.xori %iota3A_7, %xor3A_2437 : vector<4x128x128xi32>
    %lt3A_2439 = arith.constant 0 : i32
    %lt3A_2440 = vector.broadcast %lt3A_2439 : i32 to vector<4x128x128xi32>
    %lt3A_2441 = arith.cmpi slt, %xor3A_2438, %lt3A_2440 : vector<4x128x128xi32>
    %add3A_2442 = arith.constant 128 : i32
    %add3A_2443 = vector.broadcast %add3A_2442 : i32 to vector<4x128x128xi32>
    %add3A_2444 = arith.addi %xor3A_2438, %add3A_2443 : vector<4x128x128xi32>
    %select_n3A_2445 = arith.select %lt3A_2441, %add3A_2444, %xor3A_2438 : vector<4x128x128xi1>, vector<4x128x128xi32>
    %reshape3A_2446 = vector.shape_cast %select_n3A_2445 : vector<4x128x128xi32> to vector<4x128x128x1xi32>
    %gather3A_2447 = vector.shape_cast %reshape3A_2446 : vector<4x128x128x1xi32> to vector<4x128x128xi32>
    %gather3A_2448 = tpu.dynamic_gather %select_n3A_2434[%gather3A_2447] in [2] : vector<4x128x128xf32>, vector<4x128x128xi32> -> vector<4x128x128xf32>
    %lt3A_2449 = arith.constant 0 : i32
    %lt3A_2450 = vector.broadcast %lt3A_2449 : i32 to vector<4x128x128xi32>
    %lt3A_2451 = arith.cmpi slt, %xor3A_2438, %lt3A_2450 : vector<4x128x128xi32>
    %add3A_2452 = arith.constant 128 : i32
    %add3A_2453 = vector.broadcast %add3A_2452 : i32 to vector<4x128x128xi32>
    %add3A_2454 = arith.addi %xor3A_2438, %add3A_2453 : vector<4x128x128xi32>
    %select_n3A_2455 = arith.select %lt3A_2451, %add3A_2454, %xor3A_2438 : vector<4x128x128xi1>, vector<4x128x128xi32>
    %reshape3A_2456 = vector.shape_cast %select_n3A_2455 : vector<4x128x128xi32> to vector<4x128x128x1xi32>
    %gather3A_2457 = vector.shape_cast %reshape3A_2456 : vector<4x128x128x1xi32> to vector<4x128x128xi32>
    %gather3A_2458 = tpu.dynamic_gather %select_n3A_2435[%gather3A_2457] in [2] : vector<4x128x128xi32>, vector<4x128x128xi32> -> vector<4x128x128xi32>
    %lt3A_2459 = arith.cmpf olt, %select_n3A_2434, %gather3A_2448 : vector<4x128x128xf32>
    %eq3A_2460 = arith.cmpf oeq, %select_n3A_2434, %gather3A_2448 : vector<4x128x128xf32>
    %lt3A_2461 = arith.cmpi slt, %select_n3A_2435, %gather3A_2458 : vector<4x128x128xi32>
    %and3A_2462 = arith.andi %eq3A_2460, %lt3A_2461 : vector<4x128x128xi1>
    %or3A_2463 = arith.ori %lt3A_2459, %and3A_2462 : vector<4x128x128xi1>
    %and3A_2464 = arith.constant 1024 : i32
    %and3A_2465 = vector.broadcast %and3A_2464 : i32 to vector<4x128x128xi32>
    %and3A_2466 = arith.andi %add3A, %and3A_2465 : vector<4x128x128xi32>
    %eq3A_2467 = arith.constant 0 : i32
    %eq3A_2468 = vector.broadcast %eq3A_2467 : i32 to vector<4x128x128xi32>
    %eq3A_2469 = arith.cmpi eq, %and3A_2466, %eq3A_2468 : vector<4x128x128xi32>
    %and3A_2470 = arith.constant 4 : i32
    %and3A_2471 = vector.broadcast %and3A_2470 : i32 to vector<4x128x128xi32>
    %and3A_2472 = arith.andi %add3A, %and3A_2471 : vector<4x128x128xi32>
    %eq3A_2473 = arith.constant 0 : i32
    %eq3A_2474 = vector.broadcast %eq3A_2473 : i32 to vector<4x128x128xi32>
    %eq3A_2475 = arith.cmpi eq, %and3A_2472, %eq3A_2474 : vector<4x128x128xi32>
    %eq3A_2476 = arith.xori %eq3A_2469, %eq3A_2475 : vector<4x128x128xi1>
    %eq3A_2477 = arith.constant dense<true> : vector<4x128x128xi1>
    %eq3A_2478 = arith.xori %eq3A_2476, %eq3A_2477 : vector<4x128x128xi1>
    %xor3A_2479 = arith.xori %or3A_2463, %eq3A_2478 : vector<4x128x128xi1>
    %select_n3A_2480 = arith.select %xor3A_2479, %gather3A_2448, %select_n3A_2434 : vector<4x128x128xi1>, vector<4x128x128xf32>
    %select_n3A_2481 = arith.select %xor3A_2479, %gather3A_2458, %select_n3A_2435 : vector<4x128x128xi1>, vector<4x128x128xi32>
    %xor3A_2482 = arith.constant 2 : i32
    %xor3A_2483 = vector.broadcast %xor3A_2482 : i32 to vector<4x128x128xi32>
    %xor3A_2484 = arith.xori %iota3A_7, %xor3A_2483 : vector<4x128x128xi32>
    %lt3A_2485 = arith.constant 0 : i32
    %lt3A_2486 = vector.broadcast %lt3A_2485 : i32 to vector<4x128x128xi32>
    %lt3A_2487 = arith.cmpi slt, %xor3A_2484, %lt3A_2486 : vector<4x128x128xi32>
    %add3A_2488 = arith.constant 128 : i32
    %add3A_2489 = vector.broadcast %add3A_2488 : i32 to vector<4x128x128xi32>
    %add3A_2490 = arith.addi %xor3A_2484, %add3A_2489 : vector<4x128x128xi32>
    %select_n3A_2491 = arith.select %lt3A_2487, %add3A_2490, %xor3A_2484 : vector<4x128x128xi1>, vector<4x128x128xi32>
    %reshape3A_2492 = vector.shape_cast %select_n3A_2491 : vector<4x128x128xi32> to vector<4x128x128x1xi32>
    %gather3A_2493 = vector.shape_cast %reshape3A_2492 : vector<4x128x128x1xi32> to vector<4x128x128xi32>
    %gather3A_2494 = tpu.dynamic_gather %select_n3A_2480[%gather3A_2493] in [2] : vector<4x128x128xf32>, vector<4x128x128xi32> -> vector<4x128x128xf32>
    %lt3A_2495 = arith.constant 0 : i32
    %lt3A_2496 = vector.broadcast %lt3A_2495 : i32 to vector<4x128x128xi32>
    %lt3A_2497 = arith.cmpi slt, %xor3A_2484, %lt3A_2496 : vector<4x128x128xi32>
    %add3A_2498 = arith.constant 128 : i32
    %add3A_2499 = vector.broadcast %add3A_2498 : i32 to vector<4x128x128xi32>
    %add3A_2500 = arith.addi %xor3A_2484, %add3A_2499 : vector<4x128x128xi32>
    %select_n3A_2501 = arith.select %lt3A_2497, %add3A_2500, %xor3A_2484 : vector<4x128x128xi1>, vector<4x128x128xi32>
    %reshape3A_2502 = vector.shape_cast %select_n3A_2501 : vector<4x128x128xi32> to vector<4x128x128x1xi32>
    %gather3A_2503 = vector.shape_cast %reshape3A_2502 : vector<4x128x128x1xi32> to vector<4x128x128xi32>
    %gather3A_2504 = tpu.dynamic_gather %select_n3A_2481[%gather3A_2503] in [2] : vector<4x128x128xi32>, vector<4x128x128xi32> -> vector<4x128x128xi32>
    %lt3A_2505 = arith.cmpf olt, %select_n3A_2480, %gather3A_2494 : vector<4x128x128xf32>
    %eq3A_2506 = arith.cmpf oeq, %select_n3A_2480, %gather3A_2494 : vector<4x128x128xf32>
    %lt3A_2507 = arith.cmpi slt, %select_n3A_2481, %gather3A_2504 : vector<4x128x128xi32>
    %and3A_2508 = arith.andi %eq3A_2506, %lt3A_2507 : vector<4x128x128xi1>
    %or3A_2509 = arith.ori %lt3A_2505, %and3A_2508 : vector<4x128x128xi1>
    %and3A_2510 = arith.constant 1024 : i32
    %and3A_2511 = vector.broadcast %and3A_2510 : i32 to vector<4x128x128xi32>
    %and3A_2512 = arith.andi %add3A, %and3A_2511 : vector<4x128x128xi32>
    %eq3A_2513 = arith.constant 0 : i32
    %eq3A_2514 = vector.broadcast %eq3A_2513 : i32 to vector<4x128x128xi32>
    %eq3A_2515 = arith.cmpi eq, %and3A_2512, %eq3A_2514 : vector<4x128x128xi32>
    %and3A_2516 = arith.constant 2 : i32
    %and3A_2517 = vector.broadcast %and3A_2516 : i32 to vector<4x128x128xi32>
    %and3A_2518 = arith.andi %add3A, %and3A_2517 : vector<4x128x128xi32>
    %eq3A_2519 = arith.constant 0 : i32
    %eq3A_2520 = vector.broadcast %eq3A_2519 : i32 to vector<4x128x128xi32>
    %eq3A_2521 = arith.cmpi eq, %and3A_2518, %eq3A_2520 : vector<4x128x128xi32>
    %eq3A_2522 = arith.xori %eq3A_2515, %eq3A_2521 : vector<4x128x128xi1>
    %eq3A_2523 = arith.constant dense<true> : vector<4x128x128xi1>
    %eq3A_2524 = arith.xori %eq3A_2522, %eq3A_2523 : vector<4x128x128xi1>
    %xor3A_2525 = arith.xori %or3A_2509, %eq3A_2524 : vector<4x128x128xi1>
    %select_n3A_2526 = arith.select %xor3A_2525, %gather3A_2494, %select_n3A_2480 : vector<4x128x128xi1>, vector<4x128x128xf32>
    %select_n3A_2527 = arith.select %xor3A_2525, %gather3A_2504, %select_n3A_2481 : vector<4x128x128xi1>, vector<4x128x128xi32>
    %xor3A_2528 = arith.constant 1 : i32
    %xor3A_2529 = vector.broadcast %xor3A_2528 : i32 to vector<4x128x128xi32>
    %xor3A_2530 = arith.xori %iota3A_7, %xor3A_2529 : vector<4x128x128xi32>
    %lt3A_2531 = arith.constant 0 : i32
    %lt3A_2532 = vector.broadcast %lt3A_2531 : i32 to vector<4x128x128xi32>
    %lt3A_2533 = arith.cmpi slt, %xor3A_2530, %lt3A_2532 : vector<4x128x128xi32>
    %add3A_2534 = arith.constant 128 : i32
    %add3A_2535 = vector.broadcast %add3A_2534 : i32 to vector<4x128x128xi32>
    %add3A_2536 = arith.addi %xor3A_2530, %add3A_2535 : vector<4x128x128xi32>
    %select_n3A_2537 = arith.select %lt3A_2533, %add3A_2536, %xor3A_2530 : vector<4x128x128xi1>, vector<4x128x128xi32>
    %reshape3A_2538 = vector.shape_cast %select_n3A_2537 : vector<4x128x128xi32> to vector<4x128x128x1xi32>
    %gather3A_2539 = vector.shape_cast %reshape3A_2538 : vector<4x128x128x1xi32> to vector<4x128x128xi32>
    %gather3A_2540 = tpu.dynamic_gather %select_n3A_2526[%gather3A_2539] in [2] : vector<4x128x128xf32>, vector<4x128x128xi32> -> vector<4x128x128xf32>
    %lt3A_2541 = arith.constant 0 : i32
    %lt3A_2542 = vector.broadcast %lt3A_2541 : i32 to vector<4x128x128xi32>
    %lt3A_2543 = arith.cmpi slt, %xor3A_2530, %lt3A_2542 : vector<4x128x128xi32>
    %add3A_2544 = arith.constant 128 : i32
    %add3A_2545 = vector.broadcast %add3A_2544 : i32 to vector<4x128x128xi32>
    %add3A_2546 = arith.addi %xor3A_2530, %add3A_2545 : vector<4x128x128xi32>
    %select_n3A_2547 = arith.select %lt3A_2543, %add3A_2546, %xor3A_2530 : vector<4x128x128xi1>, vector<4x128x128xi32>
    %reshape3A_2548 = vector.shape_cast %select_n3A_2547 : vector<4x128x128xi32> to vector<4x128x128x1xi32>
    %gather3A_2549 = vector.shape_cast %reshape3A_2548 : vector<4x128x128x1xi32> to vector<4x128x128xi32>
    %gather3A_2550 = tpu.dynamic_gather %select_n3A_2527[%gather3A_2549] in [2] : vector<4x128x128xi32>, vector<4x128x128xi32> -> vector<4x128x128xi32>
    %lt3A_2551 = arith.cmpf olt, %select_n3A_2526, %gather3A_2540 : vector<4x128x128xf32>
    %eq3A_2552 = arith.cmpf oeq, %select_n3A_2526, %gather3A_2540 : vector<4x128x128xf32>
    %lt3A_2553 = arith.cmpi slt, %select_n3A_2527, %gather3A_2550 : vector<4x128x128xi32>
    %and3A_2554 = arith.andi %eq3A_2552, %lt3A_2553 : vector<4x128x128xi1>
    %or3A_2555 = arith.ori %lt3A_2551, %and3A_2554 : vector<4x128x128xi1>
    %and3A_2556 = arith.constant 1024 : i32
    %and3A_2557 = vector.broadcast %and3A_2556 : i32 to vector<4x128x128xi32>
    %and3A_2558 = arith.andi %add3A, %and3A_2557 : vector<4x128x128xi32>
    %eq3A_2559 = arith.constant 0 : i32
    %eq3A_2560 = vector.broadcast %eq3A_2559 : i32 to vector<4x128x128xi32>
    %eq3A_2561 = arith.cmpi eq, %and3A_2558, %eq3A_2560 : vector<4x128x128xi32>
    %and3A_2562 = arith.constant 1 : i32
    %and3A_2563 = vector.broadcast %and3A_2562 : i32 to vector<4x128x128xi32>
    %and3A_2564 = arith.andi %add3A, %and3A_2563 : vector<4x128x128xi32>
    %eq3A_2565 = arith.constant 0 : i32
    %eq3A_2566 = vector.broadcast %eq3A_2565 : i32 to vector<4x128x128xi32>
    %eq3A_2567 = arith.cmpi eq, %and3A_2564, %eq3A_2566 : vector<4x128x128xi32>
    %eq3A_2568 = arith.xori %eq3A_2561, %eq3A_2567 : vector<4x128x128xi1>
    %eq3A_2569 = arith.constant dense<true> : vector<4x128x128xi1>
    %eq3A_2570 = arith.xori %eq3A_2568, %eq3A_2569 : vector<4x128x128xi1>
    %xor3A_2571 = arith.xori %or3A_2555, %eq3A_2570 : vector<4x128x128xi1>
    %select_n3A_2572 = arith.select %xor3A_2571, %gather3A_2540, %select_n3A_2526 : vector<4x128x128xi1>, vector<4x128x128xf32>
    %select_n3A_2573 = arith.select %xor3A_2571, %gather3A_2550, %select_n3A_2527 : vector<4x128x128xi1>, vector<4x128x128xi32>
    %and3A_2574 = arith.constant 8 : i32
    %and3A_2575 = vector.broadcast %and3A_2574 : i32 to vector<4x128x128xi32>
    %and3A_2576 = arith.andi %iota3A, %and3A_2575 : vector<4x128x128xi32>
    %ne3A_2577 = arith.constant 0 : i32
    %ne3A_2578 = vector.broadcast %ne3A_2577 : i32 to vector<4x128x128xi32>
    %ne3A_2579 = arith.cmpi ne, %and3A_2576, %ne3A_2578 : vector<4x128x128xi32>
    %slice3A_2580 = vector.extract_strided_slice %select_n3A_2572 {offsets = [0, 120, 0], sizes = [4, 8, 128], strides = [1, 1, 1]} : vector<4x128x128xf32> to vector<4x8x128xf32>
    %slice3A_2581 = vector.extract_strided_slice %select_n3A_2572 {offsets = [0, 0, 0], sizes = [4, 120, 128], strides = [1, 1, 1]} : vector<4x128x128xf32> to vector<4x120x128xf32>
    %concatenate3A_2582 = tpu.concatenate %slice3A_2580, %slice3A_2581 in 1 : vector<4x8x128xf32>, vector<4x120x128xf32> -> vector<4x128x128xf32>
    %slice3A_2583 = vector.extract_strided_slice %select_n3A_2572 {offsets = [0, 8, 0], sizes = [4, 120, 128], strides = [1, 1, 1]} : vector<4x128x128xf32> to vector<4x120x128xf32>
    %slice3A_2584 = vector.extract_strided_slice %select_n3A_2572 {offsets = [0, 0, 0], sizes = [4, 8, 128], strides = [1, 1, 1]} : vector<4x128x128xf32> to vector<4x8x128xf32>
    %concatenate3A_2585 = tpu.concatenate %slice3A_2583, %slice3A_2584 in 1 : vector<4x120x128xf32>, vector<4x8x128xf32> -> vector<4x128x128xf32>
    %select_n3A_2586 = arith.select %ne3A_2579, %concatenate3A_2582, %concatenate3A_2585 : vector<4x128x128xi1>, vector<4x128x128xf32>
    %slice3A_2587 = vector.extract_strided_slice %select_n3A_2573 {offsets = [0, 120, 0], sizes = [4, 8, 128], strides = [1, 1, 1]} : vector<4x128x128xi32> to vector<4x8x128xi32>
    %slice3A_2588 = vector.extract_strided_slice %select_n3A_2573 {offsets = [0, 0, 0], sizes = [4, 120, 128], strides = [1, 1, 1]} : vector<4x128x128xi32> to vector<4x120x128xi32>
    %concatenate3A_2589 = tpu.concatenate %slice3A_2587, %slice3A_2588 in 1 : vector<4x8x128xi32>, vector<4x120x128xi32> -> vector<4x128x128xi32>
    %slice3A_2590 = vector.extract_strided_slice %select_n3A_2573 {offsets = [0, 8, 0], sizes = [4, 120, 128], strides = [1, 1, 1]} : vector<4x128x128xi32> to vector<4x120x128xi32>
    %slice3A_2591 = vector.extract_strided_slice %select_n3A_2573 {offsets = [0, 0, 0], sizes = [4, 8, 128], strides = [1, 1, 1]} : vector<4x128x128xi32> to vector<4x8x128xi32>
    %concatenate3A_2592 = tpu.concatenate %slice3A_2590, %slice3A_2591 in 1 : vector<4x120x128xi32>, vector<4x8x128xi32> -> vector<4x128x128xi32>
    %select_n3A_2593 = arith.select %ne3A_2579, %concatenate3A_2589, %concatenate3A_2592 : vector<4x128x128xi1>, vector<4x128x128xi32>
    %lt3A_2594 = arith.cmpf olt, %select_n3A_2572, %select_n3A_2586 : vector<4x128x128xf32>
    %eq3A_2595 = arith.cmpf oeq, %select_n3A_2572, %select_n3A_2586 : vector<4x128x128xf32>
    %lt3A_2596 = arith.cmpi slt, %select_n3A_2573, %select_n3A_2593 : vector<4x128x128xi32>
    %and3A_2597 = arith.andi %eq3A_2595, %lt3A_2596 : vector<4x128x128xi1>
    %or3A_2598 = arith.ori %lt3A_2594, %and3A_2597 : vector<4x128x128xi1>
    %and3A_2599 = arith.constant 2048 : i32
    %and3A_2600 = vector.broadcast %and3A_2599 : i32 to vector<4x128x128xi32>
    %and3A_2601 = arith.andi %add3A, %and3A_2600 : vector<4x128x128xi32>
    %eq3A_2602 = arith.constant 0 : i32
    %eq3A_2603 = vector.broadcast %eq3A_2602 : i32 to vector<4x128x128xi32>
    %eq3A_2604 = arith.cmpi eq, %and3A_2601, %eq3A_2603 : vector<4x128x128xi32>
    %and3A_2605 = arith.constant 1024 : i32
    %and3A_2606 = vector.broadcast %and3A_2605 : i32 to vector<4x128x128xi32>
    %and3A_2607 = arith.andi %add3A, %and3A_2606 : vector<4x128x128xi32>
    %eq3A_2608 = arith.constant 0 : i32
    %eq3A_2609 = vector.broadcast %eq3A_2608 : i32 to vector<4x128x128xi32>
    %eq3A_2610 = arith.cmpi eq, %and3A_2607, %eq3A_2609 : vector<4x128x128xi32>
    %eq3A_2611 = arith.xori %eq3A_2604, %eq3A_2610 : vector<4x128x128xi1>
    %eq3A_2612 = arith.constant dense<true> : vector<4x128x128xi1>
    %eq3A_2613 = arith.xori %eq3A_2611, %eq3A_2612 : vector<4x128x128xi1>
    %xor3A_2614 = arith.xori %or3A_2598, %eq3A_2613 : vector<4x128x128xi1>
    %select_n3A_2615 = arith.select %xor3A_2614, %select_n3A_2586, %select_n3A_2572 : vector<4x128x128xi1>, vector<4x128x128xf32>
    %select_n3A_2616 = arith.select %xor3A_2614, %select_n3A_2593, %select_n3A_2573 : vector<4x128x128xi1>, vector<4x128x128xi32>
    %and3A_2617 = arith.constant 4 : i32
    %and3A_2618 = vector.broadcast %and3A_2617 : i32 to vector<4x128x128xi32>
    %and3A_2619 = arith.andi %iota3A, %and3A_2618 : vector<4x128x128xi32>
    %ne3A_2620 = arith.constant 0 : i32
    %ne3A_2621 = vector.broadcast %ne3A_2620 : i32 to vector<4x128x128xi32>
    %ne3A_2622 = arith.cmpi ne, %and3A_2619, %ne3A_2621 : vector<4x128x128xi32>
    %slice3A_2623 = vector.extract_strided_slice %select_n3A_2615 {offsets = [0, 124, 0], sizes = [4, 4, 128], strides = [1, 1, 1]} : vector<4x128x128xf32> to vector<4x4x128xf32>
    %slice3A_2624 = vector.extract_strided_slice %select_n3A_2615 {offsets = [0, 0, 0], sizes = [4, 124, 128], strides = [1, 1, 1]} : vector<4x128x128xf32> to vector<4x124x128xf32>
    %concatenate3A_2625 = tpu.concatenate %slice3A_2623, %slice3A_2624 in 1 : vector<4x4x128xf32>, vector<4x124x128xf32> -> vector<4x128x128xf32>
    %slice3A_2626 = vector.extract_strided_slice %select_n3A_2615 {offsets = [0, 4, 0], sizes = [4, 124, 128], strides = [1, 1, 1]} : vector<4x128x128xf32> to vector<4x124x128xf32>
    %slice3A_2627 = vector.extract_strided_slice %select_n3A_2615 {offsets = [0, 0, 0], sizes = [4, 4, 128], strides = [1, 1, 1]} : vector<4x128x128xf32> to vector<4x4x128xf32>
    %concatenate3A_2628 = tpu.concatenate %slice3A_2626, %slice3A_2627 in 1 : vector<4x124x128xf32>, vector<4x4x128xf32> -> vector<4x128x128xf32>
    %select_n3A_2629 = arith.select %ne3A_2622, %concatenate3A_2625, %concatenate3A_2628 : vector<4x128x128xi1>, vector<4x128x128xf32>
    %slice3A_2630 = vector.extract_strided_slice %select_n3A_2616 {offsets = [0, 124, 0], sizes = [4, 4, 128], strides = [1, 1, 1]} : vector<4x128x128xi32> to vector<4x4x128xi32>
    %slice3A_2631 = vector.extract_strided_slice %select_n3A_2616 {offsets = [0, 0, 0], sizes = [4, 124, 128], strides = [1, 1, 1]} : vector<4x128x128xi32> to vector<4x124x128xi32>
    %concatenate3A_2632 = tpu.concatenate %slice3A_2630, %slice3A_2631 in 1 : vector<4x4x128xi32>, vector<4x124x128xi32> -> vector<4x128x128xi32>
    %slice3A_2633 = vector.extract_strided_slice %select_n3A_2616 {offsets = [0, 4, 0], sizes = [4, 124, 128], strides = [1, 1, 1]} : vector<4x128x128xi32> to vector<4x124x128xi32>
    %slice3A_2634 = vector.extract_strided_slice %select_n3A_2616 {offsets = [0, 0, 0], sizes = [4, 4, 128], strides = [1, 1, 1]} : vector<4x128x128xi32> to vector<4x4x128xi32>
    %concatenate3A_2635 = tpu.concatenate %slice3A_2633, %slice3A_2634 in 1 : vector<4x124x128xi32>, vector<4x4x128xi32> -> vector<4x128x128xi32>
    %select_n3A_2636 = arith.select %ne3A_2622, %concatenate3A_2632, %concatenate3A_2635 : vector<4x128x128xi1>, vector<4x128x128xi32>
    %lt3A_2637 = arith.cmpf olt, %select_n3A_2615, %select_n3A_2629 : vector<4x128x128xf32>
    %eq3A_2638 = arith.cmpf oeq, %select_n3A_2615, %select_n3A_2629 : vector<4x128x128xf32>
    %lt3A_2639 = arith.cmpi slt, %select_n3A_2616, %select_n3A_2636 : vector<4x128x128xi32>
    %and3A_2640 = arith.andi %eq3A_2638, %lt3A_2639 : vector<4x128x128xi1>
    %or3A_2641 = arith.ori %lt3A_2637, %and3A_2640 : vector<4x128x128xi1>
    %and3A_2642 = arith.constant 2048 : i32
    %and3A_2643 = vector.broadcast %and3A_2642 : i32 to vector<4x128x128xi32>
    %and3A_2644 = arith.andi %add3A, %and3A_2643 : vector<4x128x128xi32>
    %eq3A_2645 = arith.constant 0 : i32
    %eq3A_2646 = vector.broadcast %eq3A_2645 : i32 to vector<4x128x128xi32>
    %eq3A_2647 = arith.cmpi eq, %and3A_2644, %eq3A_2646 : vector<4x128x128xi32>
    %and3A_2648 = arith.constant 512 : i32
    %and3A_2649 = vector.broadcast %and3A_2648 : i32 to vector<4x128x128xi32>
    %and3A_2650 = arith.andi %add3A, %and3A_2649 : vector<4x128x128xi32>
    %eq3A_2651 = arith.constant 0 : i32
    %eq3A_2652 = vector.broadcast %eq3A_2651 : i32 to vector<4x128x128xi32>
    %eq3A_2653 = arith.cmpi eq, %and3A_2650, %eq3A_2652 : vector<4x128x128xi32>
    %eq3A_2654 = arith.xori %eq3A_2647, %eq3A_2653 : vector<4x128x128xi1>
    %eq3A_2655 = arith.constant dense<true> : vector<4x128x128xi1>
    %eq3A_2656 = arith.xori %eq3A_2654, %eq3A_2655 : vector<4x128x128xi1>
    %xor3A_2657 = arith.xori %or3A_2641, %eq3A_2656 : vector<4x128x128xi1>
    %select_n3A_2658 = arith.select %xor3A_2657, %select_n3A_2629, %select_n3A_2615 : vector<4x128x128xi1>, vector<4x128x128xf32>
    %select_n3A_2659 = arith.select %xor3A_2657, %select_n3A_2636, %select_n3A_2616 : vector<4x128x128xi1>, vector<4x128x128xi32>
    %and3A_2660 = arith.constant 2 : i32
    %and3A_2661 = vector.broadcast %and3A_2660 : i32 to vector<4x128x128xi32>
    %and3A_2662 = arith.andi %iota3A, %and3A_2661 : vector<4x128x128xi32>
    %ne3A_2663 = arith.constant 0 : i32
    %ne3A_2664 = vector.broadcast %ne3A_2663 : i32 to vector<4x128x128xi32>
    %ne3A_2665 = arith.cmpi ne, %and3A_2662, %ne3A_2664 : vector<4x128x128xi32>
    %slice3A_2666 = vector.extract_strided_slice %select_n3A_2658 {offsets = [0, 126, 0], sizes = [4, 2, 128], strides = [1, 1, 1]} : vector<4x128x128xf32> to vector<4x2x128xf32>
    %slice3A_2667 = vector.extract_strided_slice %select_n3A_2658 {offsets = [0, 0, 0], sizes = [4, 126, 128], strides = [1, 1, 1]} : vector<4x128x128xf32> to vector<4x126x128xf32>
    %concatenate3A_2668 = tpu.concatenate %slice3A_2666, %slice3A_2667 in 1 : vector<4x2x128xf32>, vector<4x126x128xf32> -> vector<4x128x128xf32>
    %slice3A_2669 = vector.extract_strided_slice %select_n3A_2658 {offsets = [0, 2, 0], sizes = [4, 126, 128], strides = [1, 1, 1]} : vector<4x128x128xf32> to vector<4x126x128xf32>
    %slice3A_2670 = vector.extract_strided_slice %select_n3A_2658 {offsets = [0, 0, 0], sizes = [4, 2, 128], strides = [1, 1, 1]} : vector<4x128x128xf32> to vector<4x2x128xf32>
    %concatenate3A_2671 = tpu.concatenate %slice3A_2669, %slice3A_2670 in 1 : vector<4x126x128xf32>, vector<4x2x128xf32> -> vector<4x128x128xf32>
    %select_n3A_2672 = arith.select %ne3A_2665, %concatenate3A_2668, %concatenate3A_2671 : vector<4x128x128xi1>, vector<4x128x128xf32>
    %slice3A_2673 = vector.extract_strided_slice %select_n3A_2659 {offsets = [0, 126, 0], sizes = [4, 2, 128], strides = [1, 1, 1]} : vector<4x128x128xi32> to vector<4x2x128xi32>
    %slice3A_2674 = vector.extract_strided_slice %select_n3A_2659 {offsets = [0, 0, 0], sizes = [4, 126, 128], strides = [1, 1, 1]} : vector<4x128x128xi32> to vector<4x126x128xi32>
    %concatenate3A_2675 = tpu.concatenate %slice3A_2673, %slice3A_2674 in 1 : vector<4x2x128xi32>, vector<4x126x128xi32> -> vector<4x128x128xi32>
    %slice3A_2676 = vector.extract_strided_slice %select_n3A_2659 {offsets = [0, 2, 0], sizes = [4, 126, 128], strides = [1, 1, 1]} : vector<4x128x128xi32> to vector<4x126x128xi32>
    %slice3A_2677 = vector.extract_strided_slice %select_n3A_2659 {offsets = [0, 0, 0], sizes = [4, 2, 128], strides = [1, 1, 1]} : vector<4x128x128xi32> to vector<4x2x128xi32>
    %concatenate3A_2678 = tpu.concatenate %slice3A_2676, %slice3A_2677 in 1 : vector<4x126x128xi32>, vector<4x2x128xi32> -> vector<4x128x128xi32>
    %select_n3A_2679 = arith.select %ne3A_2665, %concatenate3A_2675, %concatenate3A_2678 : vector<4x128x128xi1>, vector<4x128x128xi32>
    %lt3A_2680 = arith.cmpf olt, %select_n3A_2658, %select_n3A_2672 : vector<4x128x128xf32>
    %eq3A_2681 = arith.cmpf oeq, %select_n3A_2658, %select_n3A_2672 : vector<4x128x128xf32>
    %lt3A_2682 = arith.cmpi slt, %select_n3A_2659, %select_n3A_2679 : vector<4x128x128xi32>
    %and3A_2683 = arith.andi %eq3A_2681, %lt3A_2682 : vector<4x128x128xi1>
    %or3A_2684 = arith.ori %lt3A_2680, %and3A_2683 : vector<4x128x128xi1>
    %and3A_2685 = arith.constant 2048 : i32
    %and3A_2686 = vector.broadcast %and3A_2685 : i32 to vector<4x128x128xi32>
    %and3A_2687 = arith.andi %add3A, %and3A_2686 : vector<4x128x128xi32>
    %eq3A_2688 = arith.constant 0 : i32
    %eq3A_2689 = vector.broadcast %eq3A_2688 : i32 to vector<4x128x128xi32>
    %eq3A_2690 = arith.cmpi eq, %and3A_2687, %eq3A_2689 : vector<4x128x128xi32>
    %and3A_2691 = arith.constant 256 : i32
    %and3A_2692 = vector.broadcast %and3A_2691 : i32 to vector<4x128x128xi32>
    %and3A_2693 = arith.andi %add3A, %and3A_2692 : vector<4x128x128xi32>
    %eq3A_2694 = arith.constant 0 : i32
    %eq3A_2695 = vector.broadcast %eq3A_2694 : i32 to vector<4x128x128xi32>
    %eq3A_2696 = arith.cmpi eq, %and3A_2693, %eq3A_2695 : vector<4x128x128xi32>
    %eq3A_2697 = arith.xori %eq3A_2690, %eq3A_2696 : vector<4x128x128xi1>
    %eq3A_2698 = arith.constant dense<true> : vector<4x128x128xi1>
    %eq3A_2699 = arith.xori %eq3A_2697, %eq3A_2698 : vector<4x128x128xi1>
    %xor3A_2700 = arith.xori %or3A_2684, %eq3A_2699 : vector<4x128x128xi1>
    %select_n3A_2701 = arith.select %xor3A_2700, %select_n3A_2672, %select_n3A_2658 : vector<4x128x128xi1>, vector<4x128x128xf32>
    %select_n3A_2702 = arith.select %xor3A_2700, %select_n3A_2679, %select_n3A_2659 : vector<4x128x128xi1>, vector<4x128x128xi32>
    %and3A_2703 = arith.constant 1 : i32
    %and3A_2704 = vector.broadcast %and3A_2703 : i32 to vector<4x128x128xi32>
    %and3A_2705 = arith.andi %iota3A, %and3A_2704 : vector<4x128x128xi32>
    %ne3A_2706 = arith.constant 0 : i32
    %ne3A_2707 = vector.broadcast %ne3A_2706 : i32 to vector<4x128x128xi32>
    %ne3A_2708 = arith.cmpi ne, %and3A_2705, %ne3A_2707 : vector<4x128x128xi32>
    %slice3A_2709 = vector.extract_strided_slice %select_n3A_2701 {offsets = [0, 127, 0], sizes = [4, 1, 128], strides = [1, 1, 1]} : vector<4x128x128xf32> to vector<4x1x128xf32>
    %slice3A_2710 = vector.extract_strided_slice %select_n3A_2701 {offsets = [0, 0, 0], sizes = [4, 127, 128], strides = [1, 1, 1]} : vector<4x128x128xf32> to vector<4x127x128xf32>
    %concatenate3A_2711 = tpu.concatenate %slice3A_2709, %slice3A_2710 in 1 : vector<4x1x128xf32>, vector<4x127x128xf32> -> vector<4x128x128xf32>
    %slice3A_2712 = vector.extract_strided_slice %select_n3A_2701 {offsets = [0, 1, 0], sizes = [4, 127, 128], strides = [1, 1, 1]} : vector<4x128x128xf32> to vector<4x127x128xf32>
    %slice3A_2713 = vector.extract_strided_slice %select_n3A_2701 {offsets = [0, 0, 0], sizes = [4, 1, 128], strides = [1, 1, 1]} : vector<4x128x128xf32> to vector<4x1x128xf32>
    %concatenate3A_2714 = tpu.concatenate %slice3A_2712, %slice3A_2713 in 1 : vector<4x127x128xf32>, vector<4x1x128xf32> -> vector<4x128x128xf32>
    %select_n3A_2715 = arith.select %ne3A_2708, %concatenate3A_2711, %concatenate3A_2714 : vector<4x128x128xi1>, vector<4x128x128xf32>
    %slice3A_2716 = vector.extract_strided_slice %select_n3A_2702 {offsets = [0, 127, 0], sizes = [4, 1, 128], strides = [1, 1, 1]} : vector<4x128x128xi32> to vector<4x1x128xi32>
    %slice3A_2717 = vector.extract_strided_slice %select_n3A_2702 {offsets = [0, 0, 0], sizes = [4, 127, 128], strides = [1, 1, 1]} : vector<4x128x128xi32> to vector<4x127x128xi32>
    %concatenate3A_2718 = tpu.concatenate %slice3A_2716, %slice3A_2717 in 1 : vector<4x1x128xi32>, vector<4x127x128xi32> -> vector<4x128x128xi32>
    %slice3A_2719 = vector.extract_strided_slice %select_n3A_2702 {offsets = [0, 1, 0], sizes = [4, 127, 128], strides = [1, 1, 1]} : vector<4x128x128xi32> to vector<4x127x128xi32>
    %slice3A_2720 = vector.extract_strided_slice %select_n3A_2702 {offsets = [0, 0, 0], sizes = [4, 1, 128], strides = [1, 1, 1]} : vector<4x128x128xi32> to vector<4x1x128xi32>
    %concatenate3A_2721 = tpu.concatenate %slice3A_2719, %slice3A_2720 in 1 : vector<4x127x128xi32>, vector<4x1x128xi32> -> vector<4x128x128xi32>
    %select_n3A_2722 = arith.select %ne3A_2708, %concatenate3A_2718, %concatenate3A_2721 : vector<4x128x128xi1>, vector<4x128x128xi32>
    %lt3A_2723 = arith.cmpf olt, %select_n3A_2701, %select_n3A_2715 : vector<4x128x128xf32>
    %eq3A_2724 = arith.cmpf oeq, %select_n3A_2701, %select_n3A_2715 : vector<4x128x128xf32>
    %lt3A_2725 = arith.cmpi slt, %select_n3A_2702, %select_n3A_2722 : vector<4x128x128xi32>
    %and3A_2726 = arith.andi %eq3A_2724, %lt3A_2725 : vector<4x128x128xi1>
    %or3A_2727 = arith.ori %lt3A_2723, %and3A_2726 : vector<4x128x128xi1>
    %and3A_2728 = arith.constant 2048 : i32
    %and3A_2729 = vector.broadcast %and3A_2728 : i32 to vector<4x128x128xi32>
    %and3A_2730 = arith.andi %add3A, %and3A_2729 : vector<4x128x128xi32>
    %eq3A_2731 = arith.constant 0 : i32
    %eq3A_2732 = vector.broadcast %eq3A_2731 : i32 to vector<4x128x128xi32>
    %eq3A_2733 = arith.cmpi eq, %and3A_2730, %eq3A_2732 : vector<4x128x128xi32>
    %and3A_2734 = arith.constant 128 : i32
    %and3A_2735 = vector.broadcast %and3A_2734 : i32 to vector<4x128x128xi32>
    %and3A_2736 = arith.andi %add3A, %and3A_2735 : vector<4x128x128xi32>
    %eq3A_2737 = arith.constant 0 : i32
    %eq3A_2738 = vector.broadcast %eq3A_2737 : i32 to vector<4x128x128xi32>
    %eq3A_2739 = arith.cmpi eq, %and3A_2736, %eq3A_2738 : vector<4x128x128xi32>
    %eq3A_2740 = arith.xori %eq3A_2733, %eq3A_2739 : vector<4x128x128xi1>
    %eq3A_2741 = arith.constant dense<true> : vector<4x128x128xi1>
    %eq3A_2742 = arith.xori %eq3A_2740, %eq3A_2741 : vector<4x128x128xi1>
    %xor3A_2743 = arith.xori %or3A_2727, %eq3A_2742 : vector<4x128x128xi1>
    %select_n3A_2744 = arith.select %xor3A_2743, %select_n3A_2715, %select_n3A_2701 : vector<4x128x128xi1>, vector<4x128x128xf32>
    %select_n3A_2745 = arith.select %xor3A_2743, %select_n3A_2722, %select_n3A_2702 : vector<4x128x128xi1>, vector<4x128x128xi32>
    %xor3A_2746 = arith.constant 64 : i32
    %xor3A_2747 = vector.broadcast %xor3A_2746 : i32 to vector<4x128x128xi32>
    %xor3A_2748 = arith.xori %iota3A_7, %xor3A_2747 : vector<4x128x128xi32>
    %lt3A_2749 = arith.constant 0 : i32
    %lt3A_2750 = vector.broadcast %lt3A_2749 : i32 to vector<4x128x128xi32>
    %lt3A_2751 = arith.cmpi slt, %xor3A_2748, %lt3A_2750 : vector<4x128x128xi32>
    %add3A_2752 = arith.constant 128 : i32
    %add3A_2753 = vector.broadcast %add3A_2752 : i32 to vector<4x128x128xi32>
    %add3A_2754 = arith.addi %xor3A_2748, %add3A_2753 : vector<4x128x128xi32>
    %select_n3A_2755 = arith.select %lt3A_2751, %add3A_2754, %xor3A_2748 : vector<4x128x128xi1>, vector<4x128x128xi32>
    %reshape3A_2756 = vector.shape_cast %select_n3A_2755 : vector<4x128x128xi32> to vector<4x128x128x1xi32>
    %gather3A_2757 = vector.shape_cast %reshape3A_2756 : vector<4x128x128x1xi32> to vector<4x128x128xi32>
    %gather3A_2758 = tpu.dynamic_gather %select_n3A_2744[%gather3A_2757] in [2] : vector<4x128x128xf32>, vector<4x128x128xi32> -> vector<4x128x128xf32>
    %lt3A_2759 = arith.constant 0 : i32
    %lt3A_2760 = vector.broadcast %lt3A_2759 : i32 to vector<4x128x128xi32>
    %lt3A_2761 = arith.cmpi slt, %xor3A_2748, %lt3A_2760 : vector<4x128x128xi32>
    %add3A_2762 = arith.constant 128 : i32
    %add3A_2763 = vector.broadcast %add3A_2762 : i32 to vector<4x128x128xi32>
    %add3A_2764 = arith.addi %xor3A_2748, %add3A_2763 : vector<4x128x128xi32>
    %select_n3A_2765 = arith.select %lt3A_2761, %add3A_2764, %xor3A_2748 : vector<4x128x128xi1>, vector<4x128x128xi32>
    %reshape3A_2766 = vector.shape_cast %select_n3A_2765 : vector<4x128x128xi32> to vector<4x128x128x1xi32>
    %gather3A_2767 = vector.shape_cast %reshape3A_2766 : vector<4x128x128x1xi32> to vector<4x128x128xi32>
    %gather3A_2768 = tpu.dynamic_gather %select_n3A_2745[%gather3A_2767] in [2] : vector<4x128x128xi32>, vector<4x128x128xi32> -> vector<4x128x128xi32>
    %lt3A_2769 = arith.cmpf olt, %select_n3A_2744, %gather3A_2758 : vector<4x128x128xf32>
    %eq3A_2770 = arith.cmpf oeq, %select_n3A_2744, %gather3A_2758 : vector<4x128x128xf32>
    %lt3A_2771 = arith.cmpi slt, %select_n3A_2745, %gather3A_2768 : vector<4x128x128xi32>
    %and3A_2772 = arith.andi %eq3A_2770, %lt3A_2771 : vector<4x128x128xi1>
    %or3A_2773 = arith.ori %lt3A_2769, %and3A_2772 : vector<4x128x128xi1>
    %and3A_2774 = arith.constant 2048 : i32
    %and3A_2775 = vector.broadcast %and3A_2774 : i32 to vector<4x128x128xi32>
    %and3A_2776 = arith.andi %add3A, %and3A_2775 : vector<4x128x128xi32>
    %eq3A_2777 = arith.constant 0 : i32
    %eq3A_2778 = vector.broadcast %eq3A_2777 : i32 to vector<4x128x128xi32>
    %eq3A_2779 = arith.cmpi eq, %and3A_2776, %eq3A_2778 : vector<4x128x128xi32>
    %and3A_2780 = arith.constant 64 : i32
    %and3A_2781 = vector.broadcast %and3A_2780 : i32 to vector<4x128x128xi32>
    %and3A_2782 = arith.andi %add3A, %and3A_2781 : vector<4x128x128xi32>
    %eq3A_2783 = arith.constant 0 : i32
    %eq3A_2784 = vector.broadcast %eq3A_2783 : i32 to vector<4x128x128xi32>
    %eq3A_2785 = arith.cmpi eq, %and3A_2782, %eq3A_2784 : vector<4x128x128xi32>
    %eq3A_2786 = arith.xori %eq3A_2779, %eq3A_2785 : vector<4x128x128xi1>
    %eq3A_2787 = arith.constant dense<true> : vector<4x128x128xi1>
    %eq3A_2788 = arith.xori %eq3A_2786, %eq3A_2787 : vector<4x128x128xi1>
    %xor3A_2789 = arith.xori %or3A_2773, %eq3A_2788 : vector<4x128x128xi1>
    %select_n3A_2790 = arith.select %xor3A_2789, %gather3A_2758, %select_n3A_2744 : vector<4x128x128xi1>, vector<4x128x128xf32>
    %select_n3A_2791 = arith.select %xor3A_2789, %gather3A_2768, %select_n3A_2745 : vector<4x128x128xi1>, vector<4x128x128xi32>
    %xor3A_2792 = arith.constant 32 : i32
    %xor3A_2793 = vector.broadcast %xor3A_2792 : i32 to vector<4x128x128xi32>
    %xor3A_2794 = arith.xori %iota3A_7, %xor3A_2793 : vector<4x128x128xi32>
    %lt3A_2795 = arith.constant 0 : i32
    %lt3A_2796 = vector.broadcast %lt3A_2795 : i32 to vector<4x128x128xi32>
    %lt3A_2797 = arith.cmpi slt, %xor3A_2794, %lt3A_2796 : vector<4x128x128xi32>
    %add3A_2798 = arith.constant 128 : i32
    %add3A_2799 = vector.broadcast %add3A_2798 : i32 to vector<4x128x128xi32>
    %add3A_2800 = arith.addi %xor3A_2794, %add3A_2799 : vector<4x128x128xi32>
    %select_n3A_2801 = arith.select %lt3A_2797, %add3A_2800, %xor3A_2794 : vector<4x128x128xi1>, vector<4x128x128xi32>
    %reshape3A_2802 = vector.shape_cast %select_n3A_2801 : vector<4x128x128xi32> to vector<4x128x128x1xi32>
    %gather3A_2803 = vector.shape_cast %reshape3A_2802 : vector<4x128x128x1xi32> to vector<4x128x128xi32>
    %gather3A_2804 = tpu.dynamic_gather %select_n3A_2790[%gather3A_2803] in [2] : vector<4x128x128xf32>, vector<4x128x128xi32> -> vector<4x128x128xf32>
    %lt3A_2805 = arith.constant 0 : i32
    %lt3A_2806 = vector.broadcast %lt3A_2805 : i32 to vector<4x128x128xi32>
    %lt3A_2807 = arith.cmpi slt, %xor3A_2794, %lt3A_2806 : vector<4x128x128xi32>
    %add3A_2808 = arith.constant 128 : i32
    %add3A_2809 = vector.broadcast %add3A_2808 : i32 to vector<4x128x128xi32>
    %add3A_2810 = arith.addi %xor3A_2794, %add3A_2809 : vector<4x128x128xi32>
    %select_n3A_2811 = arith.select %lt3A_2807, %add3A_2810, %xor3A_2794 : vector<4x128x128xi1>, vector<4x128x128xi32>
    %reshape3A_2812 = vector.shape_cast %select_n3A_2811 : vector<4x128x128xi32> to vector<4x128x128x1xi32>
    %gather3A_2813 = vector.shape_cast %reshape3A_2812 : vector<4x128x128x1xi32> to vector<4x128x128xi32>
    %gather3A_2814 = tpu.dynamic_gather %select_n3A_2791[%gather3A_2813] in [2] : vector<4x128x128xi32>, vector<4x128x128xi32> -> vector<4x128x128xi32>
    %lt3A_2815 = arith.cmpf olt, %select_n3A_2790, %gather3A_2804 : vector<4x128x128xf32>
    %eq3A_2816 = arith.cmpf oeq, %select_n3A_2790, %gather3A_2804 : vector<4x128x128xf32>
    %lt3A_2817 = arith.cmpi slt, %select_n3A_2791, %gather3A_2814 : vector<4x128x128xi32>
    %and3A_2818 = arith.andi %eq3A_2816, %lt3A_2817 : vector<4x128x128xi1>
    %or3A_2819 = arith.ori %lt3A_2815, %and3A_2818 : vector<4x128x128xi1>
    %and3A_2820 = arith.constant 2048 : i32
    %and3A_2821 = vector.broadcast %and3A_2820 : i32 to vector<4x128x128xi32>
    %and3A_2822 = arith.andi %add3A, %and3A_2821 : vector<4x128x128xi32>
    %eq3A_2823 = arith.constant 0 : i32
    %eq3A_2824 = vector.broadcast %eq3A_2823 : i32 to vector<4x128x128xi32>
    %eq3A_2825 = arith.cmpi eq, %and3A_2822, %eq3A_2824 : vector<4x128x128xi32>
    %and3A_2826 = arith.constant 32 : i32
    %and3A_2827 = vector.broadcast %and3A_2826 : i32 to vector<4x128x128xi32>
    %and3A_2828 = arith.andi %add3A, %and3A_2827 : vector<4x128x128xi32>
    %eq3A_2829 = arith.constant 0 : i32
    %eq3A_2830 = vector.broadcast %eq3A_2829 : i32 to vector<4x128x128xi32>
    %eq3A_2831 = arith.cmpi eq, %and3A_2828, %eq3A_2830 : vector<4x128x128xi32>
    %eq3A_2832 = arith.xori %eq3A_2825, %eq3A_2831 : vector<4x128x128xi1>
    %eq3A_2833 = arith.constant dense<true> : vector<4x128x128xi1>
    %eq3A_2834 = arith.xori %eq3A_2832, %eq3A_2833 : vector<4x128x128xi1>
    %xor3A_2835 = arith.xori %or3A_2819, %eq3A_2834 : vector<4x128x128xi1>
    %select_n3A_2836 = arith.select %xor3A_2835, %gather3A_2804, %select_n3A_2790 : vector<4x128x128xi1>, vector<4x128x128xf32>
    %select_n3A_2837 = arith.select %xor3A_2835, %gather3A_2814, %select_n3A_2791 : vector<4x128x128xi1>, vector<4x128x128xi32>
    %xor3A_2838 = arith.constant 16 : i32
    %xor3A_2839 = vector.broadcast %xor3A_2838 : i32 to vector<4x128x128xi32>
    %xor3A_2840 = arith.xori %iota3A_7, %xor3A_2839 : vector<4x128x128xi32>
    %lt3A_2841 = arith.constant 0 : i32
    %lt3A_2842 = vector.broadcast %lt3A_2841 : i32 to vector<4x128x128xi32>
    %lt3A_2843 = arith.cmpi slt, %xor3A_2840, %lt3A_2842 : vector<4x128x128xi32>
    %add3A_2844 = arith.constant 128 : i32
    %add3A_2845 = vector.broadcast %add3A_2844 : i32 to vector<4x128x128xi32>
    %add3A_2846 = arith.addi %xor3A_2840, %add3A_2845 : vector<4x128x128xi32>
    %select_n3A_2847 = arith.select %lt3A_2843, %add3A_2846, %xor3A_2840 : vector<4x128x128xi1>, vector<4x128x128xi32>
    %reshape3A_2848 = vector.shape_cast %select_n3A_2847 : vector<4x128x128xi32> to vector<4x128x128x1xi32>
    %gather3A_2849 = vector.shape_cast %reshape3A_2848 : vector<4x128x128x1xi32> to vector<4x128x128xi32>
    %gather3A_2850 = tpu.dynamic_gather %select_n3A_2836[%gather3A_2849] in [2] : vector<4x128x128xf32>, vector<4x128x128xi32> -> vector<4x128x128xf32>
    %lt3A_2851 = arith.constant 0 : i32
    %lt3A_2852 = vector.broadcast %lt3A_2851 : i32 to vector<4x128x128xi32>
    %lt3A_2853 = arith.cmpi slt, %xor3A_2840, %lt3A_2852 : vector<4x128x128xi32>
    %add3A_2854 = arith.constant 128 : i32
    %add3A_2855 = vector.broadcast %add3A_2854 : i32 to vector<4x128x128xi32>
    %add3A_2856 = arith.addi %xor3A_2840, %add3A_2855 : vector<4x128x128xi32>
    %select_n3A_2857 = arith.select %lt3A_2853, %add3A_2856, %xor3A_2840 : vector<4x128x128xi1>, vector<4x128x128xi32>
    %reshape3A_2858 = vector.shape_cast %select_n3A_2857 : vector<4x128x128xi32> to vector<4x128x128x1xi32>
    %gather3A_2859 = vector.shape_cast %reshape3A_2858 : vector<4x128x128x1xi32> to vector<4x128x128xi32>
    %gather3A_2860 = tpu.dynamic_gather %select_n3A_2837[%gather3A_2859] in [2] : vector<4x128x128xi32>, vector<4x128x128xi32> -> vector<4x128x128xi32>
    %lt3A_2861 = arith.cmpf olt, %select_n3A_2836, %gather3A_2850 : vector<4x128x128xf32>
    %eq3A_2862 = arith.cmpf oeq, %select_n3A_2836, %gather3A_2850 : vector<4x128x128xf32>
    %lt3A_2863 = arith.cmpi slt, %select_n3A_2837, %gather3A_2860 : vector<4x128x128xi32>
    %and3A_2864 = arith.andi %eq3A_2862, %lt3A_2863 : vector<4x128x128xi1>
    %or3A_2865 = arith.ori %lt3A_2861, %and3A_2864 : vector<4x128x128xi1>
    %and3A_2866 = arith.constant 2048 : i32
    %and3A_2867 = vector.broadcast %and3A_2866 : i32 to vector<4x128x128xi32>
    %and3A_2868 = arith.andi %add3A, %and3A_2867 : vector<4x128x128xi32>
    %eq3A_2869 = arith.constant 0 : i32
    %eq3A_2870 = vector.broadcast %eq3A_2869 : i32 to vector<4x128x128xi32>
    %eq3A_2871 = arith.cmpi eq, %and3A_2868, %eq3A_2870 : vector<4x128x128xi32>
    %and3A_2872 = arith.constant 16 : i32
    %and3A_2873 = vector.broadcast %and3A_2872 : i32 to vector<4x128x128xi32>
    %and3A_2874 = arith.andi %add3A, %and3A_2873 : vector<4x128x128xi32>
    %eq3A_2875 = arith.constant 0 : i32
    %eq3A_2876 = vector.broadcast %eq3A_2875 : i32 to vector<4x128x128xi32>
    %eq3A_2877 = arith.cmpi eq, %and3A_2874, %eq3A_2876 : vector<4x128x128xi32>
    %eq3A_2878 = arith.xori %eq3A_2871, %eq3A_2877 : vector<4x128x128xi1>
    %eq3A_2879 = arith.constant dense<true> : vector<4x128x128xi1>
    %eq3A_2880 = arith.xori %eq3A_2878, %eq3A_2879 : vector<4x128x128xi1>
    %xor3A_2881 = arith.xori %or3A_2865, %eq3A_2880 : vector<4x128x128xi1>
    %select_n3A_2882 = arith.select %xor3A_2881, %gather3A_2850, %select_n3A_2836 : vector<4x128x128xi1>, vector<4x128x128xf32>
    %select_n3A_2883 = arith.select %xor3A_2881, %gather3A_2860, %select_n3A_2837 : vector<4x128x128xi1>, vector<4x128x128xi32>
    %xor3A_2884 = arith.constant 8 : i32
    %xor3A_2885 = vector.broadcast %xor3A_2884 : i32 to vector<4x128x128xi32>
    %xor3A_2886 = arith.xori %iota3A_7, %xor3A_2885 : vector<4x128x128xi32>
    %lt3A_2887 = arith.constant 0 : i32
    %lt3A_2888 = vector.broadcast %lt3A_2887 : i32 to vector<4x128x128xi32>
    %lt3A_2889 = arith.cmpi slt, %xor3A_2886, %lt3A_2888 : vector<4x128x128xi32>
    %add3A_2890 = arith.constant 128 : i32
    %add3A_2891 = vector.broadcast %add3A_2890 : i32 to vector<4x128x128xi32>
    %add3A_2892 = arith.addi %xor3A_2886, %add3A_2891 : vector<4x128x128xi32>
    %select_n3A_2893 = arith.select %lt3A_2889, %add3A_2892, %xor3A_2886 : vector<4x128x128xi1>, vector<4x128x128xi32>
    %reshape3A_2894 = vector.shape_cast %select_n3A_2893 : vector<4x128x128xi32> to vector<4x128x128x1xi32>
    %gather3A_2895 = vector.shape_cast %reshape3A_2894 : vector<4x128x128x1xi32> to vector<4x128x128xi32>
    %gather3A_2896 = tpu.dynamic_gather %select_n3A_2882[%gather3A_2895] in [2] : vector<4x128x128xf32>, vector<4x128x128xi32> -> vector<4x128x128xf32>
    %lt3A_2897 = arith.constant 0 : i32
    %lt3A_2898 = vector.broadcast %lt3A_2897 : i32 to vector<4x128x128xi32>
    %lt3A_2899 = arith.cmpi slt, %xor3A_2886, %lt3A_2898 : vector<4x128x128xi32>
    %add3A_2900 = arith.constant 128 : i32
    %add3A_2901 = vector.broadcast %add3A_2900 : i32 to vector<4x128x128xi32>
    %add3A_2902 = arith.addi %xor3A_2886, %add3A_2901 : vector<4x128x128xi32>
    %select_n3A_2903 = arith.select %lt3A_2899, %add3A_2902, %xor3A_2886 : vector<4x128x128xi1>, vector<4x128x128xi32>
    %reshape3A_2904 = vector.shape_cast %select_n3A_2903 : vector<4x128x128xi32> to vector<4x128x128x1xi32>
    %gather3A_2905 = vector.shape_cast %reshape3A_2904 : vector<4x128x128x1xi32> to vector<4x128x128xi32>
    %gather3A_2906 = tpu.dynamic_gather %select_n3A_2883[%gather3A_2905] in [2] : vector<4x128x128xi32>, vector<4x128x128xi32> -> vector<4x128x128xi32>
    %lt3A_2907 = arith.cmpf olt, %select_n3A_2882, %gather3A_2896 : vector<4x128x128xf32>
    %eq3A_2908 = arith.cmpf oeq, %select_n3A_2882, %gather3A_2896 : vector<4x128x128xf32>
    %lt3A_2909 = arith.cmpi slt, %select_n3A_2883, %gather3A_2906 : vector<4x128x128xi32>
    %and3A_2910 = arith.andi %eq3A_2908, %lt3A_2909 : vector<4x128x128xi1>
    %or3A_2911 = arith.ori %lt3A_2907, %and3A_2910 : vector<4x128x128xi1>
    %and3A_2912 = arith.constant 2048 : i32
    %and3A_2913 = vector.broadcast %and3A_2912 : i32 to vector<4x128x128xi32>
    %and3A_2914 = arith.andi %add3A, %and3A_2913 : vector<4x128x128xi32>
    %eq3A_2915 = arith.constant 0 : i32
    %eq3A_2916 = vector.broadcast %eq3A_2915 : i32 to vector<4x128x128xi32>
    %eq3A_2917 = arith.cmpi eq, %and3A_2914, %eq3A_2916 : vector<4x128x128xi32>
    %and3A_2918 = arith.constant 8 : i32
    %and3A_2919 = vector.broadcast %and3A_2918 : i32 to vector<4x128x128xi32>
    %and3A_2920 = arith.andi %add3A, %and3A_2919 : vector<4x128x128xi32>
    %eq3A_2921 = arith.constant 0 : i32
    %eq3A_2922 = vector.broadcast %eq3A_2921 : i32 to vector<4x128x128xi32>
    %eq3A_2923 = arith.cmpi eq, %and3A_2920, %eq3A_2922 : vector<4x128x128xi32>
    %eq3A_2924 = arith.xori %eq3A_2917, %eq3A_2923 : vector<4x128x128xi1>
    %eq3A_2925 = arith.constant dense<true> : vector<4x128x128xi1>
    %eq3A_2926 = arith.xori %eq3A_2924, %eq3A_2925 : vector<4x128x128xi1>
    %xor3A_2927 = arith.xori %or3A_2911, %eq3A_2926 : vector<4x128x128xi1>
    %select_n3A_2928 = arith.select %xor3A_2927, %gather3A_2896, %select_n3A_2882 : vector<4x128x128xi1>, vector<4x128x128xf32>
    %select_n3A_2929 = arith.select %xor3A_2927, %gather3A_2906, %select_n3A_2883 : vector<4x128x128xi1>, vector<4x128x128xi32>
    %xor3A_2930 = arith.constant 4 : i32
    %xor3A_2931 = vector.broadcast %xor3A_2930 : i32 to vector<4x128x128xi32>
    %xor3A_2932 = arith.xori %iota3A_7, %xor3A_2931 : vector<4x128x128xi32>
    %lt3A_2933 = arith.constant 0 : i32
    %lt3A_2934 = vector.broadcast %lt3A_2933 : i32 to vector<4x128x128xi32>
    %lt3A_2935 = arith.cmpi slt, %xor3A_2932, %lt3A_2934 : vector<4x128x128xi32>
    %add3A_2936 = arith.constant 128 : i32
    %add3A_2937 = vector.broadcast %add3A_2936 : i32 to vector<4x128x128xi32>
    %add3A_2938 = arith.addi %xor3A_2932, %add3A_2937 : vector<4x128x128xi32>
    %select_n3A_2939 = arith.select %lt3A_2935, %add3A_2938, %xor3A_2932 : vector<4x128x128xi1>, vector<4x128x128xi32>
    %reshape3A_2940 = vector.shape_cast %select_n3A_2939 : vector<4x128x128xi32> to vector<4x128x128x1xi32>
    %gather3A_2941 = vector.shape_cast %reshape3A_2940 : vector<4x128x128x1xi32> to vector<4x128x128xi32>
    %gather3A_2942 = tpu.dynamic_gather %select_n3A_2928[%gather3A_2941] in [2] : vector<4x128x128xf32>, vector<4x128x128xi32> -> vector<4x128x128xf32>
    %lt3A_2943 = arith.constant 0 : i32
    %lt3A_2944 = vector.broadcast %lt3A_2943 : i32 to vector<4x128x128xi32>
    %lt3A_2945 = arith.cmpi slt, %xor3A_2932, %lt3A_2944 : vector<4x128x128xi32>
    %add3A_2946 = arith.constant 128 : i32
    %add3A_2947 = vector.broadcast %add3A_2946 : i32 to vector<4x128x128xi32>
    %add3A_2948 = arith.addi %xor3A_2932, %add3A_2947 : vector<4x128x128xi32>
    %select_n3A_2949 = arith.select %lt3A_2945, %add3A_2948, %xor3A_2932 : vector<4x128x128xi1>, vector<4x128x128xi32>
    %reshape3A_2950 = vector.shape_cast %select_n3A_2949 : vector<4x128x128xi32> to vector<4x128x128x1xi32>
    %gather3A_2951 = vector.shape_cast %reshape3A_2950 : vector<4x128x128x1xi32> to vector<4x128x128xi32>
    %gather3A_2952 = tpu.dynamic_gather %select_n3A_2929[%gather3A_2951] in [2] : vector<4x128x128xi32>, vector<4x128x128xi32> -> vector<4x128x128xi32>
    %lt3A_2953 = arith.cmpf olt, %select_n3A_2928, %gather3A_2942 : vector<4x128x128xf32>
    %eq3A_2954 = arith.cmpf oeq, %select_n3A_2928, %gather3A_2942 : vector<4x128x128xf32>
    %lt3A_2955 = arith.cmpi slt, %select_n3A_2929, %gather3A_2952 : vector<4x128x128xi32>
    %and3A_2956 = arith.andi %eq3A_2954, %lt3A_2955 : vector<4x128x128xi1>
    %or3A_2957 = arith.ori %lt3A_2953, %and3A_2956 : vector<4x128x128xi1>
    %and3A_2958 = arith.constant 2048 : i32
    %and3A_2959 = vector.broadcast %and3A_2958 : i32 to vector<4x128x128xi32>
    %and3A_2960 = arith.andi %add3A, %and3A_2959 : vector<4x128x128xi32>
    %eq3A_2961 = arith.constant 0 : i32
    %eq3A_2962 = vector.broadcast %eq3A_2961 : i32 to vector<4x128x128xi32>
    %eq3A_2963 = arith.cmpi eq, %and3A_2960, %eq3A_2962 : vector<4x128x128xi32>
    %and3A_2964 = arith.constant 4 : i32
    %and3A_2965 = vector.broadcast %and3A_2964 : i32 to vector<4x128x128xi32>
    %and3A_2966 = arith.andi %add3A, %and3A_2965 : vector<4x128x128xi32>
    %eq3A_2967 = arith.constant 0 : i32
    %eq3A_2968 = vector.broadcast %eq3A_2967 : i32 to vector<4x128x128xi32>
    %eq3A_2969 = arith.cmpi eq, %and3A_2966, %eq3A_2968 : vector<4x128x128xi32>
    %eq3A_2970 = arith.xori %eq3A_2963, %eq3A_2969 : vector<4x128x128xi1>
    %eq3A_2971 = arith.constant dense<true> : vector<4x128x128xi1>
    %eq3A_2972 = arith.xori %eq3A_2970, %eq3A_2971 : vector<4x128x128xi1>
    %xor3A_2973 = arith.xori %or3A_2957, %eq3A_2972 : vector<4x128x128xi1>
    %select_n3A_2974 = arith.select %xor3A_2973, %gather3A_2942, %select_n3A_2928 : vector<4x128x128xi1>, vector<4x128x128xf32>
    %select_n3A_2975 = arith.select %xor3A_2973, %gather3A_2952, %select_n3A_2929 : vector<4x128x128xi1>, vector<4x128x128xi32>
    %xor3A_2976 = arith.constant 2 : i32
    %xor3A_2977 = vector.broadcast %xor3A_2976 : i32 to vector<4x128x128xi32>
    %xor3A_2978 = arith.xori %iota3A_7, %xor3A_2977 : vector<4x128x128xi32>
    %lt3A_2979 = arith.constant 0 : i32
    %lt3A_2980 = vector.broadcast %lt3A_2979 : i32 to vector<4x128x128xi32>
    %lt3A_2981 = arith.cmpi slt, %xor3A_2978, %lt3A_2980 : vector<4x128x128xi32>
    %add3A_2982 = arith.constant 128 : i32
    %add3A_2983 = vector.broadcast %add3A_2982 : i32 to vector<4x128x128xi32>
    %add3A_2984 = arith.addi %xor3A_2978, %add3A_2983 : vector<4x128x128xi32>
    %select_n3A_2985 = arith.select %lt3A_2981, %add3A_2984, %xor3A_2978 : vector<4x128x128xi1>, vector<4x128x128xi32>
    %reshape3A_2986 = vector.shape_cast %select_n3A_2985 : vector<4x128x128xi32> to vector<4x128x128x1xi32>
    %gather3A_2987 = vector.shape_cast %reshape3A_2986 : vector<4x128x128x1xi32> to vector<4x128x128xi32>
    %gather3A_2988 = tpu.dynamic_gather %select_n3A_2974[%gather3A_2987] in [2] : vector<4x128x128xf32>, vector<4x128x128xi32> -> vector<4x128x128xf32>
    %lt3A_2989 = arith.constant 0 : i32
    %lt3A_2990 = vector.broadcast %lt3A_2989 : i32 to vector<4x128x128xi32>
    %lt3A_2991 = arith.cmpi slt, %xor3A_2978, %lt3A_2990 : vector<4x128x128xi32>
    %add3A_2992 = arith.constant 128 : i32
    %add3A_2993 = vector.broadcast %add3A_2992 : i32 to vector<4x128x128xi32>
    %add3A_2994 = arith.addi %xor3A_2978, %add3A_2993 : vector<4x128x128xi32>
    %select_n3A_2995 = arith.select %lt3A_2991, %add3A_2994, %xor3A_2978 : vector<4x128x128xi1>, vector<4x128x128xi32>
    %reshape3A_2996 = vector.shape_cast %select_n3A_2995 : vector<4x128x128xi32> to vector<4x128x128x1xi32>
    %gather3A_2997 = vector.shape_cast %reshape3A_2996 : vector<4x128x128x1xi32> to vector<4x128x128xi32>
    %gather3A_2998 = tpu.dynamic_gather %select_n3A_2975[%gather3A_2997] in [2] : vector<4x128x128xi32>, vector<4x128x128xi32> -> vector<4x128x128xi32>
    %lt3A_2999 = arith.cmpf olt, %select_n3A_2974, %gather3A_2988 : vector<4x128x128xf32>
    %eq3A_3000 = arith.cmpf oeq, %select_n3A_2974, %gather3A_2988 : vector<4x128x128xf32>
    %lt3A_3001 = arith.cmpi slt, %select_n3A_2975, %gather3A_2998 : vector<4x128x128xi32>
    %and3A_3002 = arith.andi %eq3A_3000, %lt3A_3001 : vector<4x128x128xi1>
    %or3A_3003 = arith.ori %lt3A_2999, %and3A_3002 : vector<4x128x128xi1>
    %and3A_3004 = arith.constant 2048 : i32
    %and3A_3005 = vector.broadcast %and3A_3004 : i32 to vector<4x128x128xi32>
    %and3A_3006 = arith.andi %add3A, %and3A_3005 : vector<4x128x128xi32>
    %eq3A_3007 = arith.constant 0 : i32
    %eq3A_3008 = vector.broadcast %eq3A_3007 : i32 to vector<4x128x128xi32>
    %eq3A_3009 = arith.cmpi eq, %and3A_3006, %eq3A_3008 : vector<4x128x128xi32>
    %and3A_3010 = arith.constant 2 : i32
    %and3A_3011 = vector.broadcast %and3A_3010 : i32 to vector<4x128x128xi32>
    %and3A_3012 = arith.andi %add3A, %and3A_3011 : vector<4x128x128xi32>
    %eq3A_3013 = arith.constant 0 : i32
    %eq3A_3014 = vector.broadcast %eq3A_3013 : i32 to vector<4x128x128xi32>
    %eq3A_3015 = arith.cmpi eq, %and3A_3012, %eq3A_3014 : vector<4x128x128xi32>
    %eq3A_3016 = arith.xori %eq3A_3009, %eq3A_3015 : vector<4x128x128xi1>
    %eq3A_3017 = arith.constant dense<true> : vector<4x128x128xi1>
    %eq3A_3018 = arith.xori %eq3A_3016, %eq3A_3017 : vector<4x128x128xi1>
    %xor3A_3019 = arith.xori %or3A_3003, %eq3A_3018 : vector<4x128x128xi1>
    %select_n3A_3020 = arith.select %xor3A_3019, %gather3A_2988, %select_n3A_2974 : vector<4x128x128xi1>, vector<4x128x128xf32>
    %select_n3A_3021 = arith.select %xor3A_3019, %gather3A_2998, %select_n3A_2975 : vector<4x128x128xi1>, vector<4x128x128xi32>
    %xor3A_3022 = arith.constant 1 : i32
    %xor3A_3023 = vector.broadcast %xor3A_3022 : i32 to vector<4x128x128xi32>
    %xor3A_3024 = arith.xori %iota3A_7, %xor3A_3023 : vector<4x128x128xi32>
    %lt3A_3025 = arith.constant 0 : i32
    %lt3A_3026 = vector.broadcast %lt3A_3025 : i32 to vector<4x128x128xi32>
    %lt3A_3027 = arith.cmpi slt, %xor3A_3024, %lt3A_3026 : vector<4x128x128xi32>
    %add3A_3028 = arith.constant 128 : i32
    %add3A_3029 = vector.broadcast %add3A_3028 : i32 to vector<4x128x128xi32>
    %add3A_3030 = arith.addi %xor3A_3024, %add3A_3029 : vector<4x128x128xi32>
    %select_n3A_3031 = arith.select %lt3A_3027, %add3A_3030, %xor3A_3024 : vector<4x128x128xi1>, vector<4x128x128xi32>
    %reshape3A_3032 = vector.shape_cast %select_n3A_3031 : vector<4x128x128xi32> to vector<4x128x128x1xi32>
    %gather3A_3033 = vector.shape_cast %reshape3A_3032 : vector<4x128x128x1xi32> to vector<4x128x128xi32>
    %gather3A_3034 = tpu.dynamic_gather %select_n3A_3020[%gather3A_3033] in [2] : vector<4x128x128xf32>, vector<4x128x128xi32> -> vector<4x128x128xf32>
    %lt3A_3035 = arith.constant 0 : i32
    %lt3A_3036 = vector.broadcast %lt3A_3035 : i32 to vector<4x128x128xi32>
    %lt3A_3037 = arith.cmpi slt, %xor3A_3024, %lt3A_3036 : vector<4x128x128xi32>
    %add3A_3038 = arith.constant 128 : i32
    %add3A_3039 = vector.broadcast %add3A_3038 : i32 to vector<4x128x128xi32>
    %add3A_3040 = arith.addi %xor3A_3024, %add3A_3039 : vector<4x128x128xi32>
    %select_n3A_3041 = arith.select %lt3A_3037, %add3A_3040, %xor3A_3024 : vector<4x128x128xi1>, vector<4x128x128xi32>
    %reshape3A_3042 = vector.shape_cast %select_n3A_3041 : vector<4x128x128xi32> to vector<4x128x128x1xi32>
    %gather3A_3043 = vector.shape_cast %reshape3A_3042 : vector<4x128x128x1xi32> to vector<4x128x128xi32>
    %gather3A_3044 = tpu.dynamic_gather %select_n3A_3021[%gather3A_3043] in [2] : vector<4x128x128xi32>, vector<4x128x128xi32> -> vector<4x128x128xi32>
    %lt3A_3045 = arith.cmpf olt, %select_n3A_3020, %gather3A_3034 : vector<4x128x128xf32>
    %eq3A_3046 = arith.cmpf oeq, %select_n3A_3020, %gather3A_3034 : vector<4x128x128xf32>
    %lt3A_3047 = arith.cmpi slt, %select_n3A_3021, %gather3A_3044 : vector<4x128x128xi32>
    %and3A_3048 = arith.andi %eq3A_3046, %lt3A_3047 : vector<4x128x128xi1>
    %or3A_3049 = arith.ori %lt3A_3045, %and3A_3048 : vector<4x128x128xi1>
    %and3A_3050 = arith.constant 2048 : i32
    %and3A_3051 = vector.broadcast %and3A_3050 : i32 to vector<4x128x128xi32>
    %and3A_3052 = arith.andi %add3A, %and3A_3051 : vector<4x128x128xi32>
    %eq3A_3053 = arith.constant 0 : i32
    %eq3A_3054 = vector.broadcast %eq3A_3053 : i32 to vector<4x128x128xi32>
    %eq3A_3055 = arith.cmpi eq, %and3A_3052, %eq3A_3054 : vector<4x128x128xi32>
    %and3A_3056 = arith.constant 1 : i32
    %and3A_3057 = vector.broadcast %and3A_3056 : i32 to vector<4x128x128xi32>
    %and3A_3058 = arith.andi %add3A, %and3A_3057 : vector<4x128x128xi32>
    %eq3A_3059 = arith.constant 0 : i32
    %eq3A_3060 = vector.broadcast %eq3A_3059 : i32 to vector<4x128x128xi32>
    %eq3A_3061 = arith.cmpi eq, %and3A_3058, %eq3A_3060 : vector<4x128x128xi32>
    %eq3A_3062 = arith.xori %eq3A_3055, %eq3A_3061 : vector<4x128x128xi1>
    %eq3A_3063 = arith.constant dense<true> : vector<4x128x128xi1>
    %eq3A_3064 = arith.xori %eq3A_3062, %eq3A_3063 : vector<4x128x128xi1>
    %xor3A_3065 = arith.xori %or3A_3049, %eq3A_3064 : vector<4x128x128xi1>
    %select_n3A_3066 = arith.select %xor3A_3065, %gather3A_3034, %select_n3A_3020 : vector<4x128x128xi1>, vector<4x128x128xf32>
    %select_n3A_3067 = arith.select %xor3A_3065, %gather3A_3044, %select_n3A_3021 : vector<4x128x128xi1>, vector<4x128x128xi32>
    %and3A_3068 = arith.constant 16 : i32
    %and3A_3069 = vector.broadcast %and3A_3068 : i32 to vector<4x128x128xi32>
    %and3A_3070 = arith.andi %iota3A, %and3A_3069 : vector<4x128x128xi32>
    %ne3A_3071 = arith.constant 0 : i32
    %ne3A_3072 = vector.broadcast %ne3A_3071 : i32 to vector<4x128x128xi32>
    %ne3A_3073 = arith.cmpi ne, %and3A_3070, %ne3A_3072 : vector<4x128x128xi32>
    %slice3A_3074 = vector.extract_strided_slice %select_n3A_3066 {offsets = [0, 112, 0], sizes = [4, 16, 128], strides = [1, 1, 1]} : vector<4x128x128xf32> to vector<4x16x128xf32>
    %slice3A_3075 = vector.extract_strided_slice %select_n3A_3066 {offsets = [0, 0, 0], sizes = [4, 112, 128], strides = [1, 1, 1]} : vector<4x128x128xf32> to vector<4x112x128xf32>
    %concatenate3A_3076 = tpu.concatenate %slice3A_3074, %slice3A_3075 in 1 : vector<4x16x128xf32>, vector<4x112x128xf32> -> vector<4x128x128xf32>
    %slice3A_3077 = vector.extract_strided_slice %select_n3A_3066 {offsets = [0, 16, 0], sizes = [4, 112, 128], strides = [1, 1, 1]} : vector<4x128x128xf32> to vector<4x112x128xf32>
    %slice3A_3078 = vector.extract_strided_slice %select_n3A_3066 {offsets = [0, 0, 0], sizes = [4, 16, 128], strides = [1, 1, 1]} : vector<4x128x128xf32> to vector<4x16x128xf32>
    %concatenate3A_3079 = tpu.concatenate %slice3A_3077, %slice3A_3078 in 1 : vector<4x112x128xf32>, vector<4x16x128xf32> -> vector<4x128x128xf32>
    %select_n3A_3080 = arith.select %ne3A_3073, %concatenate3A_3076, %concatenate3A_3079 : vector<4x128x128xi1>, vector<4x128x128xf32>
    %slice3A_3081 = vector.extract_strided_slice %select_n3A_3067 {offsets = [0, 112, 0], sizes = [4, 16, 128], strides = [1, 1, 1]} : vector<4x128x128xi32> to vector<4x16x128xi32>
    %slice3A_3082 = vector.extract_strided_slice %select_n3A_3067 {offsets = [0, 0, 0], sizes = [4, 112, 128], strides = [1, 1, 1]} : vector<4x128x128xi32> to vector<4x112x128xi32>
    %concatenate3A_3083 = tpu.concatenate %slice3A_3081, %slice3A_3082 in 1 : vector<4x16x128xi32>, vector<4x112x128xi32> -> vector<4x128x128xi32>
    %slice3A_3084 = vector.extract_strided_slice %select_n3A_3067 {offsets = [0, 16, 0], sizes = [4, 112, 128], strides = [1, 1, 1]} : vector<4x128x128xi32> to vector<4x112x128xi32>
    %slice3A_3085 = vector.extract_strided_slice %select_n3A_3067 {offsets = [0, 0, 0], sizes = [4, 16, 128], strides = [1, 1, 1]} : vector<4x128x128xi32> to vector<4x16x128xi32>
    %concatenate3A_3086 = tpu.concatenate %slice3A_3084, %slice3A_3085 in 1 : vector<4x112x128xi32>, vector<4x16x128xi32> -> vector<4x128x128xi32>
    %select_n3A_3087 = arith.select %ne3A_3073, %concatenate3A_3083, %concatenate3A_3086 : vector<4x128x128xi1>, vector<4x128x128xi32>
    %lt3A_3088 = arith.cmpf olt, %select_n3A_3066, %select_n3A_3080 : vector<4x128x128xf32>
    %eq3A_3089 = arith.cmpf oeq, %select_n3A_3066, %select_n3A_3080 : vector<4x128x128xf32>
    %lt3A_3090 = arith.cmpi slt, %select_n3A_3067, %select_n3A_3087 : vector<4x128x128xi32>
    %and3A_3091 = arith.andi %eq3A_3089, %lt3A_3090 : vector<4x128x128xi1>
    %or3A_3092 = arith.ori %lt3A_3088, %and3A_3091 : vector<4x128x128xi1>
    %and3A_3093 = arith.constant 4096 : i32
    %and3A_3094 = vector.broadcast %and3A_3093 : i32 to vector<4x128x128xi32>
    %and3A_3095 = arith.andi %add3A, %and3A_3094 : vector<4x128x128xi32>
    %eq3A_3096 = arith.constant 0 : i32
    %eq3A_3097 = vector.broadcast %eq3A_3096 : i32 to vector<4x128x128xi32>
    %eq3A_3098 = arith.cmpi eq, %and3A_3095, %eq3A_3097 : vector<4x128x128xi32>
    %and3A_3099 = arith.constant 2048 : i32
    %and3A_3100 = vector.broadcast %and3A_3099 : i32 to vector<4x128x128xi32>
    %and3A_3101 = arith.andi %add3A, %and3A_3100 : vector<4x128x128xi32>
    %eq3A_3102 = arith.constant 0 : i32
    %eq3A_3103 = vector.broadcast %eq3A_3102 : i32 to vector<4x128x128xi32>
    %eq3A_3104 = arith.cmpi eq, %and3A_3101, %eq3A_3103 : vector<4x128x128xi32>
    %eq3A_3105 = arith.xori %eq3A_3098, %eq3A_3104 : vector<4x128x128xi1>
    %eq3A_3106 = arith.constant dense<true> : vector<4x128x128xi1>
    %eq3A_3107 = arith.xori %eq3A_3105, %eq3A_3106 : vector<4x128x128xi1>
    %xor3A_3108 = arith.xori %or3A_3092, %eq3A_3107 : vector<4x128x128xi1>
    %select_n3A_3109 = arith.select %xor3A_3108, %select_n3A_3080, %select_n3A_3066 : vector<4x128x128xi1>, vector<4x128x128xf32>
    %select_n3A_3110 = arith.select %xor3A_3108, %select_n3A_3087, %select_n3A_3067 : vector<4x128x128xi1>, vector<4x128x128xi32>
    %and3A_3111 = arith.constant 8 : i32
    %and3A_3112 = vector.broadcast %and3A_3111 : i32 to vector<4x128x128xi32>
    %and3A_3113 = arith.andi %iota3A, %and3A_3112 : vector<4x128x128xi32>
    %ne3A_3114 = arith.constant 0 : i32
    %ne3A_3115 = vector.broadcast %ne3A_3114 : i32 to vector<4x128x128xi32>
    %ne3A_3116 = arith.cmpi ne, %and3A_3113, %ne3A_3115 : vector<4x128x128xi32>
    %slice3A_3117 = vector.extract_strided_slice %select_n3A_3109 {offsets = [0, 120, 0], sizes = [4, 8, 128], strides = [1, 1, 1]} : vector<4x128x128xf32> to vector<4x8x128xf32>
    %slice3A_3118 = vector.extract_strided_slice %select_n3A_3109 {offsets = [0, 0, 0], sizes = [4, 120, 128], strides = [1, 1, 1]} : vector<4x128x128xf32> to vector<4x120x128xf32>
    %concatenate3A_3119 = tpu.concatenate %slice3A_3117, %slice3A_3118 in 1 : vector<4x8x128xf32>, vector<4x120x128xf32> -> vector<4x128x128xf32>
    %slice3A_3120 = vector.extract_strided_slice %select_n3A_3109 {offsets = [0, 8, 0], sizes = [4, 120, 128], strides = [1, 1, 1]} : vector<4x128x128xf32> to vector<4x120x128xf32>
    %slice3A_3121 = vector.extract_strided_slice %select_n3A_3109 {offsets = [0, 0, 0], sizes = [4, 8, 128], strides = [1, 1, 1]} : vector<4x128x128xf32> to vector<4x8x128xf32>
    %concatenate3A_3122 = tpu.concatenate %slice3A_3120, %slice3A_3121 in 1 : vector<4x120x128xf32>, vector<4x8x128xf32> -> vector<4x128x128xf32>
    %select_n3A_3123 = arith.select %ne3A_3116, %concatenate3A_3119, %concatenate3A_3122 : vector<4x128x128xi1>, vector<4x128x128xf32>
    %slice3A_3124 = vector.extract_strided_slice %select_n3A_3110 {offsets = [0, 120, 0], sizes = [4, 8, 128], strides = [1, 1, 1]} : vector<4x128x128xi32> to vector<4x8x128xi32>
    %slice3A_3125 = vector.extract_strided_slice %select_n3A_3110 {offsets = [0, 0, 0], sizes = [4, 120, 128], strides = [1, 1, 1]} : vector<4x128x128xi32> to vector<4x120x128xi32>
    %concatenate3A_3126 = tpu.concatenate %slice3A_3124, %slice3A_3125 in 1 : vector<4x8x128xi32>, vector<4x120x128xi32> -> vector<4x128x128xi32>
    %slice3A_3127 = vector.extract_strided_slice %select_n3A_3110 {offsets = [0, 8, 0], sizes = [4, 120, 128], strides = [1, 1, 1]} : vector<4x128x128xi32> to vector<4x120x128xi32>
    %slice3A_3128 = vector.extract_strided_slice %select_n3A_3110 {offsets = [0, 0, 0], sizes = [4, 8, 128], strides = [1, 1, 1]} : vector<4x128x128xi32> to vector<4x8x128xi32>
    %concatenate3A_3129 = tpu.concatenate %slice3A_3127, %slice3A_3128 in 1 : vector<4x120x128xi32>, vector<4x8x128xi32> -> vector<4x128x128xi32>
    %select_n3A_3130 = arith.select %ne3A_3116, %concatenate3A_3126, %concatenate3A_3129 : vector<4x128x128xi1>, vector<4x128x128xi32>
    %lt3A_3131 = arith.cmpf olt, %select_n3A_3109, %select_n3A_3123 : vector<4x128x128xf32>
    %eq3A_3132 = arith.cmpf oeq, %select_n3A_3109, %select_n3A_3123 : vector<4x128x128xf32>
    %lt3A_3133 = arith.cmpi slt, %select_n3A_3110, %select_n3A_3130 : vector<4x128x128xi32>
    %and3A_3134 = arith.andi %eq3A_3132, %lt3A_3133 : vector<4x128x128xi1>
    %or3A_3135 = arith.ori %lt3A_3131, %and3A_3134 : vector<4x128x128xi1>
    %and3A_3136 = arith.constant 4096 : i32
    %and3A_3137 = vector.broadcast %and3A_3136 : i32 to vector<4x128x128xi32>
    %and3A_3138 = arith.andi %add3A, %and3A_3137 : vector<4x128x128xi32>
    %eq3A_3139 = arith.constant 0 : i32
    %eq3A_3140 = vector.broadcast %eq3A_3139 : i32 to vector<4x128x128xi32>
    %eq3A_3141 = arith.cmpi eq, %and3A_3138, %eq3A_3140 : vector<4x128x128xi32>
    %and3A_3142 = arith.constant 1024 : i32
    %and3A_3143 = vector.broadcast %and3A_3142 : i32 to vector<4x128x128xi32>
    %and3A_3144 = arith.andi %add3A, %and3A_3143 : vector<4x128x128xi32>
    %eq3A_3145 = arith.constant 0 : i32
    %eq3A_3146 = vector.broadcast %eq3A_3145 : i32 to vector<4x128x128xi32>
    %eq3A_3147 = arith.cmpi eq, %and3A_3144, %eq3A_3146 : vector<4x128x128xi32>
    %eq3A_3148 = arith.xori %eq3A_3141, %eq3A_3147 : vector<4x128x128xi1>
    %eq3A_3149 = arith.constant dense<true> : vector<4x128x128xi1>
    %eq3A_3150 = arith.xori %eq3A_3148, %eq3A_3149 : vector<4x128x128xi1>
    %xor3A_3151 = arith.xori %or3A_3135, %eq3A_3150 : vector<4x128x128xi1>
    %select_n3A_3152 = arith.select %xor3A_3151, %select_n3A_3123, %select_n3A_3109 : vector<4x128x128xi1>, vector<4x128x128xf32>
    %select_n3A_3153 = arith.select %xor3A_3151, %select_n3A_3130, %select_n3A_3110 : vector<4x128x128xi1>, vector<4x128x128xi32>
    %and3A_3154 = arith.constant 4 : i32
    %and3A_3155 = vector.broadcast %and3A_3154 : i32 to vector<4x128x128xi32>
    %and3A_3156 = arith.andi %iota3A, %and3A_3155 : vector<4x128x128xi32>
    %ne3A_3157 = arith.constant 0 : i32
    %ne3A_3158 = vector.broadcast %ne3A_3157 : i32 to vector<4x128x128xi32>
    %ne3A_3159 = arith.cmpi ne, %and3A_3156, %ne3A_3158 : vector<4x128x128xi32>
    %slice3A_3160 = vector.extract_strided_slice %select_n3A_3152 {offsets = [0, 124, 0], sizes = [4, 4, 128], strides = [1, 1, 1]} : vector<4x128x128xf32> to vector<4x4x128xf32>
    %slice3A_3161 = vector.extract_strided_slice %select_n3A_3152 {offsets = [0, 0, 0], sizes = [4, 124, 128], strides = [1, 1, 1]} : vector<4x128x128xf32> to vector<4x124x128xf32>
    %concatenate3A_3162 = tpu.concatenate %slice3A_3160, %slice3A_3161 in 1 : vector<4x4x128xf32>, vector<4x124x128xf32> -> vector<4x128x128xf32>
    %slice3A_3163 = vector.extract_strided_slice %select_n3A_3152 {offsets = [0, 4, 0], sizes = [4, 124, 128], strides = [1, 1, 1]} : vector<4x128x128xf32> to vector<4x124x128xf32>
    %slice3A_3164 = vector.extract_strided_slice %select_n3A_3152 {offsets = [0, 0, 0], sizes = [4, 4, 128], strides = [1, 1, 1]} : vector<4x128x128xf32> to vector<4x4x128xf32>
    %concatenate3A_3165 = tpu.concatenate %slice3A_3163, %slice3A_3164 in 1 : vector<4x124x128xf32>, vector<4x4x128xf32> -> vector<4x128x128xf32>
    %select_n3A_3166 = arith.select %ne3A_3159, %concatenate3A_3162, %concatenate3A_3165 : vector<4x128x128xi1>, vector<4x128x128xf32>
    %slice3A_3167 = vector.extract_strided_slice %select_n3A_3153 {offsets = [0, 124, 0], sizes = [4, 4, 128], strides = [1, 1, 1]} : vector<4x128x128xi32> to vector<4x4x128xi32>
    %slice3A_3168 = vector.extract_strided_slice %select_n3A_3153 {offsets = [0, 0, 0], sizes = [4, 124, 128], strides = [1, 1, 1]} : vector<4x128x128xi32> to vector<4x124x128xi32>
    %concatenate3A_3169 = tpu.concatenate %slice3A_3167, %slice3A_3168 in 1 : vector<4x4x128xi32>, vector<4x124x128xi32> -> vector<4x128x128xi32>
    %slice3A_3170 = vector.extract_strided_slice %select_n3A_3153 {offsets = [0, 4, 0], sizes = [4, 124, 128], strides = [1, 1, 1]} : vector<4x128x128xi32> to vector<4x124x128xi32>
    %slice3A_3171 = vector.extract_strided_slice %select_n3A_3153 {offsets = [0, 0, 0], sizes = [4, 4, 128], strides = [1, 1, 1]} : vector<4x128x128xi32> to vector<4x4x128xi32>
    %concatenate3A_3172 = tpu.concatenate %slice3A_3170, %slice3A_3171 in 1 : vector<4x124x128xi32>, vector<4x4x128xi32> -> vector<4x128x128xi32>
    %select_n3A_3173 = arith.select %ne3A_3159, %concatenate3A_3169, %concatenate3A_3172 : vector<4x128x128xi1>, vector<4x128x128xi32>
    %lt3A_3174 = arith.cmpf olt, %select_n3A_3152, %select_n3A_3166 : vector<4x128x128xf32>
    %eq3A_3175 = arith.cmpf oeq, %select_n3A_3152, %select_n3A_3166 : vector<4x128x128xf32>
    %lt3A_3176 = arith.cmpi slt, %select_n3A_3153, %select_n3A_3173 : vector<4x128x128xi32>
    %and3A_3177 = arith.andi %eq3A_3175, %lt3A_3176 : vector<4x128x128xi1>
    %or3A_3178 = arith.ori %lt3A_3174, %and3A_3177 : vector<4x128x128xi1>
    %and3A_3179 = arith.constant 4096 : i32
    %and3A_3180 = vector.broadcast %and3A_3179 : i32 to vector<4x128x128xi32>
    %and3A_3181 = arith.andi %add3A, %and3A_3180 : vector<4x128x128xi32>
    %eq3A_3182 = arith.constant 0 : i32
    %eq3A_3183 = vector.broadcast %eq3A_3182 : i32 to vector<4x128x128xi32>
    %eq3A_3184 = arith.cmpi eq, %and3A_3181, %eq3A_3183 : vector<4x128x128xi32>
    %and3A_3185 = arith.constant 512 : i32
    %and3A_3186 = vector.broadcast %and3A_3185 : i32 to vector<4x128x128xi32>
    %and3A_3187 = arith.andi %add3A, %and3A_3186 : vector<4x128x128xi32>
    %eq3A_3188 = arith.constant 0 : i32
    %eq3A_3189 = vector.broadcast %eq3A_3188 : i32 to vector<4x128x128xi32>
    %eq3A_3190 = arith.cmpi eq, %and3A_3187, %eq3A_3189 : vector<4x128x128xi32>
    %eq3A_3191 = arith.xori %eq3A_3184, %eq3A_3190 : vector<4x128x128xi1>
    %eq3A_3192 = arith.constant dense<true> : vector<4x128x128xi1>
    %eq3A_3193 = arith.xori %eq3A_3191, %eq3A_3192 : vector<4x128x128xi1>
    %xor3A_3194 = arith.xori %or3A_3178, %eq3A_3193 : vector<4x128x128xi1>
    %select_n3A_3195 = arith.select %xor3A_3194, %select_n3A_3166, %select_n3A_3152 : vector<4x128x128xi1>, vector<4x128x128xf32>
    %select_n3A_3196 = arith.select %xor3A_3194, %select_n3A_3173, %select_n3A_3153 : vector<4x128x128xi1>, vector<4x128x128xi32>
    %and3A_3197 = arith.constant 2 : i32
    %and3A_3198 = vector.broadcast %and3A_3197 : i32 to vector<4x128x128xi32>
    %and3A_3199 = arith.andi %iota3A, %and3A_3198 : vector<4x128x128xi32>
    %ne3A_3200 = arith.constant 0 : i32
    %ne3A_3201 = vector.broadcast %ne3A_3200 : i32 to vector<4x128x128xi32>
    %ne3A_3202 = arith.cmpi ne, %and3A_3199, %ne3A_3201 : vector<4x128x128xi32>
    %slice3A_3203 = vector.extract_strided_slice %select_n3A_3195 {offsets = [0, 126, 0], sizes = [4, 2, 128], strides = [1, 1, 1]} : vector<4x128x128xf32> to vector<4x2x128xf32>
    %slice3A_3204 = vector.extract_strided_slice %select_n3A_3195 {offsets = [0, 0, 0], sizes = [4, 126, 128], strides = [1, 1, 1]} : vector<4x128x128xf32> to vector<4x126x128xf32>
    %concatenate3A_3205 = tpu.concatenate %slice3A_3203, %slice3A_3204 in 1 : vector<4x2x128xf32>, vector<4x126x128xf32> -> vector<4x128x128xf32>
    %slice3A_3206 = vector.extract_strided_slice %select_n3A_3195 {offsets = [0, 2, 0], sizes = [4, 126, 128], strides = [1, 1, 1]} : vector<4x128x128xf32> to vector<4x126x128xf32>
    %slice3A_3207 = vector.extract_strided_slice %select_n3A_3195 {offsets = [0, 0, 0], sizes = [4, 2, 128], strides = [1, 1, 1]} : vector<4x128x128xf32> to vector<4x2x128xf32>
    %concatenate3A_3208 = tpu.concatenate %slice3A_3206, %slice3A_3207 in 1 : vector<4x126x128xf32>, vector<4x2x128xf32> -> vector<4x128x128xf32>
    %select_n3A_3209 = arith.select %ne3A_3202, %concatenate3A_3205, %concatenate3A_3208 : vector<4x128x128xi1>, vector<4x128x128xf32>
    %slice3A_3210 = vector.extract_strided_slice %select_n3A_3196 {offsets = [0, 126, 0], sizes = [4, 2, 128], strides = [1, 1, 1]} : vector<4x128x128xi32> to vector<4x2x128xi32>
    %slice3A_3211 = vector.extract_strided_slice %select_n3A_3196 {offsets = [0, 0, 0], sizes = [4, 126, 128], strides = [1, 1, 1]} : vector<4x128x128xi32> to vector<4x126x128xi32>
    %concatenate3A_3212 = tpu.concatenate %slice3A_3210, %slice3A_3211 in 1 : vector<4x2x128xi32>, vector<4x126x128xi32> -> vector<4x128x128xi32>
    %slice3A_3213 = vector.extract_strided_slice %select_n3A_3196 {offsets = [0, 2, 0], sizes = [4, 126, 128], strides = [1, 1, 1]} : vector<4x128x128xi32> to vector<4x126x128xi32>
    %slice3A_3214 = vector.extract_strided_slice %select_n3A_3196 {offsets = [0, 0, 0], sizes = [4, 2, 128], strides = [1, 1, 1]} : vector<4x128x128xi32> to vector<4x2x128xi32>
    %concatenate3A_3215 = tpu.concatenate %slice3A_3213, %slice3A_3214 in 1 : vector<4x126x128xi32>, vector<4x2x128xi32> -> vector<4x128x128xi32>
    %select_n3A_3216 = arith.select %ne3A_3202, %concatenate3A_3212, %concatenate3A_3215 : vector<4x128x128xi1>, vector<4x128x128xi32>
    %lt3A_3217 = arith.cmpf olt, %select_n3A_3195, %select_n3A_3209 : vector<4x128x128xf32>
    %eq3A_3218 = arith.cmpf oeq, %select_n3A_3195, %select_n3A_3209 : vector<4x128x128xf32>
    %lt3A_3219 = arith.cmpi slt, %select_n3A_3196, %select_n3A_3216 : vector<4x128x128xi32>
    %and3A_3220 = arith.andi %eq3A_3218, %lt3A_3219 : vector<4x128x128xi1>
    %or3A_3221 = arith.ori %lt3A_3217, %and3A_3220 : vector<4x128x128xi1>
    %and3A_3222 = arith.constant 4096 : i32
    %and3A_3223 = vector.broadcast %and3A_3222 : i32 to vector<4x128x128xi32>
    %and3A_3224 = arith.andi %add3A, %and3A_3223 : vector<4x128x128xi32>
    %eq3A_3225 = arith.constant 0 : i32
    %eq3A_3226 = vector.broadcast %eq3A_3225 : i32 to vector<4x128x128xi32>
    %eq3A_3227 = arith.cmpi eq, %and3A_3224, %eq3A_3226 : vector<4x128x128xi32>
    %and3A_3228 = arith.constant 256 : i32
    %and3A_3229 = vector.broadcast %and3A_3228 : i32 to vector<4x128x128xi32>
    %and3A_3230 = arith.andi %add3A, %and3A_3229 : vector<4x128x128xi32>
    %eq3A_3231 = arith.constant 0 : i32
    %eq3A_3232 = vector.broadcast %eq3A_3231 : i32 to vector<4x128x128xi32>
    %eq3A_3233 = arith.cmpi eq, %and3A_3230, %eq3A_3232 : vector<4x128x128xi32>
    %eq3A_3234 = arith.xori %eq3A_3227, %eq3A_3233 : vector<4x128x128xi1>
    %eq3A_3235 = arith.constant dense<true> : vector<4x128x128xi1>
    %eq3A_3236 = arith.xori %eq3A_3234, %eq3A_3235 : vector<4x128x128xi1>
    %xor3A_3237 = arith.xori %or3A_3221, %eq3A_3236 : vector<4x128x128xi1>
    %select_n3A_3238 = arith.select %xor3A_3237, %select_n3A_3209, %select_n3A_3195 : vector<4x128x128xi1>, vector<4x128x128xf32>
    %select_n3A_3239 = arith.select %xor3A_3237, %select_n3A_3216, %select_n3A_3196 : vector<4x128x128xi1>, vector<4x128x128xi32>
    %and3A_3240 = arith.constant 1 : i32
    %and3A_3241 = vector.broadcast %and3A_3240 : i32 to vector<4x128x128xi32>
    %and3A_3242 = arith.andi %iota3A, %and3A_3241 : vector<4x128x128xi32>
    %ne3A_3243 = arith.constant 0 : i32
    %ne3A_3244 = vector.broadcast %ne3A_3243 : i32 to vector<4x128x128xi32>
    %ne3A_3245 = arith.cmpi ne, %and3A_3242, %ne3A_3244 : vector<4x128x128xi32>
    %slice3A_3246 = vector.extract_strided_slice %select_n3A_3238 {offsets = [0, 127, 0], sizes = [4, 1, 128], strides = [1, 1, 1]} : vector<4x128x128xf32> to vector<4x1x128xf32>
    %slice3A_3247 = vector.extract_strided_slice %select_n3A_3238 {offsets = [0, 0, 0], sizes = [4, 127, 128], strides = [1, 1, 1]} : vector<4x128x128xf32> to vector<4x127x128xf32>
    %concatenate3A_3248 = tpu.concatenate %slice3A_3246, %slice3A_3247 in 1 : vector<4x1x128xf32>, vector<4x127x128xf32> -> vector<4x128x128xf32>
    %slice3A_3249 = vector.extract_strided_slice %select_n3A_3238 {offsets = [0, 1, 0], sizes = [4, 127, 128], strides = [1, 1, 1]} : vector<4x128x128xf32> to vector<4x127x128xf32>
    %slice3A_3250 = vector.extract_strided_slice %select_n3A_3238 {offsets = [0, 0, 0], sizes = [4, 1, 128], strides = [1, 1, 1]} : vector<4x128x128xf32> to vector<4x1x128xf32>
    %concatenate3A_3251 = tpu.concatenate %slice3A_3249, %slice3A_3250 in 1 : vector<4x127x128xf32>, vector<4x1x128xf32> -> vector<4x128x128xf32>
    %select_n3A_3252 = arith.select %ne3A_3245, %concatenate3A_3248, %concatenate3A_3251 : vector<4x128x128xi1>, vector<4x128x128xf32>
    %slice3A_3253 = vector.extract_strided_slice %select_n3A_3239 {offsets = [0, 127, 0], sizes = [4, 1, 128], strides = [1, 1, 1]} : vector<4x128x128xi32> to vector<4x1x128xi32>
    %slice3A_3254 = vector.extract_strided_slice %select_n3A_3239 {offsets = [0, 0, 0], sizes = [4, 127, 128], strides = [1, 1, 1]} : vector<4x128x128xi32> to vector<4x127x128xi32>
    %concatenate3A_3255 = tpu.concatenate %slice3A_3253, %slice3A_3254 in 1 : vector<4x1x128xi32>, vector<4x127x128xi32> -> vector<4x128x128xi32>
    %slice3A_3256 = vector.extract_strided_slice %select_n3A_3239 {offsets = [0, 1, 0], sizes = [4, 127, 128], strides = [1, 1, 1]} : vector<4x128x128xi32> to vector<4x127x128xi32>
    %slice3A_3257 = vector.extract_strided_slice %select_n3A_3239 {offsets = [0, 0, 0], sizes = [4, 1, 128], strides = [1, 1, 1]} : vector<4x128x128xi32> to vector<4x1x128xi32>
    %concatenate3A_3258 = tpu.concatenate %slice3A_3256, %slice3A_3257 in 1 : vector<4x127x128xi32>, vector<4x1x128xi32> -> vector<4x128x128xi32>
    %select_n3A_3259 = arith.select %ne3A_3245, %concatenate3A_3255, %concatenate3A_3258 : vector<4x128x128xi1>, vector<4x128x128xi32>
    %lt3A_3260 = arith.cmpf olt, %select_n3A_3238, %select_n3A_3252 : vector<4x128x128xf32>
    %eq3A_3261 = arith.cmpf oeq, %select_n3A_3238, %select_n3A_3252 : vector<4x128x128xf32>
    %lt3A_3262 = arith.cmpi slt, %select_n3A_3239, %select_n3A_3259 : vector<4x128x128xi32>
    %and3A_3263 = arith.andi %eq3A_3261, %lt3A_3262 : vector<4x128x128xi1>
    %or3A_3264 = arith.ori %lt3A_3260, %and3A_3263 : vector<4x128x128xi1>
    %and3A_3265 = arith.constant 4096 : i32
    %and3A_3266 = vector.broadcast %and3A_3265 : i32 to vector<4x128x128xi32>
    %and3A_3267 = arith.andi %add3A, %and3A_3266 : vector<4x128x128xi32>
    %eq3A_3268 = arith.constant 0 : i32
    %eq3A_3269 = vector.broadcast %eq3A_3268 : i32 to vector<4x128x128xi32>
    %eq3A_3270 = arith.cmpi eq, %and3A_3267, %eq3A_3269 : vector<4x128x128xi32>
    %and3A_3271 = arith.constant 128 : i32
    %and3A_3272 = vector.broadcast %and3A_3271 : i32 to vector<4x128x128xi32>
    %and3A_3273 = arith.andi %add3A, %and3A_3272 : vector<4x128x128xi32>
    %eq3A_3274 = arith.constant 0 : i32
    %eq3A_3275 = vector.broadcast %eq3A_3274 : i32 to vector<4x128x128xi32>
    %eq3A_3276 = arith.cmpi eq, %and3A_3273, %eq3A_3275 : vector<4x128x128xi32>
    %eq3A_3277 = arith.xori %eq3A_3270, %eq3A_3276 : vector<4x128x128xi1>
    %eq3A_3278 = arith.constant dense<true> : vector<4x128x128xi1>
    %eq3A_3279 = arith.xori %eq3A_3277, %eq3A_3278 : vector<4x128x128xi1>
    %xor3A_3280 = arith.xori %or3A_3264, %eq3A_3279 : vector<4x128x128xi1>
    %select_n3A_3281 = arith.select %xor3A_3280, %select_n3A_3252, %select_n3A_3238 : vector<4x128x128xi1>, vector<4x128x128xf32>
    %select_n3A_3282 = arith.select %xor3A_3280, %select_n3A_3259, %select_n3A_3239 : vector<4x128x128xi1>, vector<4x128x128xi32>
    %xor3A_3283 = arith.constant 64 : i32
    %xor3A_3284 = vector.broadcast %xor3A_3283 : i32 to vector<4x128x128xi32>
    %xor3A_3285 = arith.xori %iota3A_7, %xor3A_3284 : vector<4x128x128xi32>
    %lt3A_3286 = arith.constant 0 : i32
    %lt3A_3287 = vector.broadcast %lt3A_3286 : i32 to vector<4x128x128xi32>
    %lt3A_3288 = arith.cmpi slt, %xor3A_3285, %lt3A_3287 : vector<4x128x128xi32>
    %add3A_3289 = arith.constant 128 : i32
    %add3A_3290 = vector.broadcast %add3A_3289 : i32 to vector<4x128x128xi32>
    %add3A_3291 = arith.addi %xor3A_3285, %add3A_3290 : vector<4x128x128xi32>
    %select_n3A_3292 = arith.select %lt3A_3288, %add3A_3291, %xor3A_3285 : vector<4x128x128xi1>, vector<4x128x128xi32>
    %reshape3A_3293 = vector.shape_cast %select_n3A_3292 : vector<4x128x128xi32> to vector<4x128x128x1xi32>
    %gather3A_3294 = vector.shape_cast %reshape3A_3293 : vector<4x128x128x1xi32> to vector<4x128x128xi32>
    %gather3A_3295 = tpu.dynamic_gather %select_n3A_3281[%gather3A_3294] in [2] : vector<4x128x128xf32>, vector<4x128x128xi32> -> vector<4x128x128xf32>
    %lt3A_3296 = arith.constant 0 : i32
    %lt3A_3297 = vector.broadcast %lt3A_3296 : i32 to vector<4x128x128xi32>
    %lt3A_3298 = arith.cmpi slt, %xor3A_3285, %lt3A_3297 : vector<4x128x128xi32>
    %add3A_3299 = arith.constant 128 : i32
    %add3A_3300 = vector.broadcast %add3A_3299 : i32 to vector<4x128x128xi32>
    %add3A_3301 = arith.addi %xor3A_3285, %add3A_3300 : vector<4x128x128xi32>
    %select_n3A_3302 = arith.select %lt3A_3298, %add3A_3301, %xor3A_3285 : vector<4x128x128xi1>, vector<4x128x128xi32>
    %reshape3A_3303 = vector.shape_cast %select_n3A_3302 : vector<4x128x128xi32> to vector<4x128x128x1xi32>
    %gather3A_3304 = vector.shape_cast %reshape3A_3303 : vector<4x128x128x1xi32> to vector<4x128x128xi32>
    %gather3A_3305 = tpu.dynamic_gather %select_n3A_3282[%gather3A_3304] in [2] : vector<4x128x128xi32>, vector<4x128x128xi32> -> vector<4x128x128xi32>
    %lt3A_3306 = arith.cmpf olt, %select_n3A_3281, %gather3A_3295 : vector<4x128x128xf32>
    %eq3A_3307 = arith.cmpf oeq, %select_n3A_3281, %gather3A_3295 : vector<4x128x128xf32>
    %lt3A_3308 = arith.cmpi slt, %select_n3A_3282, %gather3A_3305 : vector<4x128x128xi32>
    %and3A_3309 = arith.andi %eq3A_3307, %lt3A_3308 : vector<4x128x128xi1>
    %or3A_3310 = arith.ori %lt3A_3306, %and3A_3309 : vector<4x128x128xi1>
    %and3A_3311 = arith.constant 4096 : i32
    %and3A_3312 = vector.broadcast %and3A_3311 : i32 to vector<4x128x128xi32>
    %and3A_3313 = arith.andi %add3A, %and3A_3312 : vector<4x128x128xi32>
    %eq3A_3314 = arith.constant 0 : i32
    %eq3A_3315 = vector.broadcast %eq3A_3314 : i32 to vector<4x128x128xi32>
    %eq3A_3316 = arith.cmpi eq, %and3A_3313, %eq3A_3315 : vector<4x128x128xi32>
    %and3A_3317 = arith.constant 64 : i32
    %and3A_3318 = vector.broadcast %and3A_3317 : i32 to vector<4x128x128xi32>
    %and3A_3319 = arith.andi %add3A, %and3A_3318 : vector<4x128x128xi32>
    %eq3A_3320 = arith.constant 0 : i32
    %eq3A_3321 = vector.broadcast %eq3A_3320 : i32 to vector<4x128x128xi32>
    %eq3A_3322 = arith.cmpi eq, %and3A_3319, %eq3A_3321 : vector<4x128x128xi32>
    %eq3A_3323 = arith.xori %eq3A_3316, %eq3A_3322 : vector<4x128x128xi1>
    %eq3A_3324 = arith.constant dense<true> : vector<4x128x128xi1>
    %eq3A_3325 = arith.xori %eq3A_3323, %eq3A_3324 : vector<4x128x128xi1>
    %xor3A_3326 = arith.xori %or3A_3310, %eq3A_3325 : vector<4x128x128xi1>
    %select_n3A_3327 = arith.select %xor3A_3326, %gather3A_3295, %select_n3A_3281 : vector<4x128x128xi1>, vector<4x128x128xf32>
    %select_n3A_3328 = arith.select %xor3A_3326, %gather3A_3305, %select_n3A_3282 : vector<4x128x128xi1>, vector<4x128x128xi32>
    %xor3A_3329 = arith.constant 32 : i32
    %xor3A_3330 = vector.broadcast %xor3A_3329 : i32 to vector<4x128x128xi32>
    %xor3A_3331 = arith.xori %iota3A_7, %xor3A_3330 : vector<4x128x128xi32>
    %lt3A_3332 = arith.constant 0 : i32
    %lt3A_3333 = vector.broadcast %lt3A_3332 : i32 to vector<4x128x128xi32>
    %lt3A_3334 = arith.cmpi slt, %xor3A_3331, %lt3A_3333 : vector<4x128x128xi32>
    %add3A_3335 = arith.constant 128 : i32
    %add3A_3336 = vector.broadcast %add3A_3335 : i32 to vector<4x128x128xi32>
    %add3A_3337 = arith.addi %xor3A_3331, %add3A_3336 : vector<4x128x128xi32>
    %select_n3A_3338 = arith.select %lt3A_3334, %add3A_3337, %xor3A_3331 : vector<4x128x128xi1>, vector<4x128x128xi32>
    %reshape3A_3339 = vector.shape_cast %select_n3A_3338 : vector<4x128x128xi32> to vector<4x128x128x1xi32>
    %gather3A_3340 = vector.shape_cast %reshape3A_3339 : vector<4x128x128x1xi32> to vector<4x128x128xi32>
    %gather3A_3341 = tpu.dynamic_gather %select_n3A_3327[%gather3A_3340] in [2] : vector<4x128x128xf32>, vector<4x128x128xi32> -> vector<4x128x128xf32>
    %lt3A_3342 = arith.constant 0 : i32
    %lt3A_3343 = vector.broadcast %lt3A_3342 : i32 to vector<4x128x128xi32>
    %lt3A_3344 = arith.cmpi slt, %xor3A_3331, %lt3A_3343 : vector<4x128x128xi32>
    %add3A_3345 = arith.constant 128 : i32
    %add3A_3346 = vector.broadcast %add3A_3345 : i32 to vector<4x128x128xi32>
    %add3A_3347 = arith.addi %xor3A_3331, %add3A_3346 : vector<4x128x128xi32>
    %select_n3A_3348 = arith.select %lt3A_3344, %add3A_3347, %xor3A_3331 : vector<4x128x128xi1>, vector<4x128x128xi32>
    %reshape3A_3349 = vector.shape_cast %select_n3A_3348 : vector<4x128x128xi32> to vector<4x128x128x1xi32>
    %gather3A_3350 = vector.shape_cast %reshape3A_3349 : vector<4x128x128x1xi32> to vector<4x128x128xi32>
    %gather3A_3351 = tpu.dynamic_gather %select_n3A_3328[%gather3A_3350] in [2] : vector<4x128x128xi32>, vector<4x128x128xi32> -> vector<4x128x128xi32>
    %lt3A_3352 = arith.cmpf olt, %select_n3A_3327, %gather3A_3341 : vector<4x128x128xf32>
    %eq3A_3353 = arith.cmpf oeq, %select_n3A_3327, %gather3A_3341 : vector<4x128x128xf32>
    %lt3A_3354 = arith.cmpi slt, %select_n3A_3328, %gather3A_3351 : vector<4x128x128xi32>
    %and3A_3355 = arith.andi %eq3A_3353, %lt3A_3354 : vector<4x128x128xi1>
    %or3A_3356 = arith.ori %lt3A_3352, %and3A_3355 : vector<4x128x128xi1>
    %and3A_3357 = arith.constant 4096 : i32
    %and3A_3358 = vector.broadcast %and3A_3357 : i32 to vector<4x128x128xi32>
    %and3A_3359 = arith.andi %add3A, %and3A_3358 : vector<4x128x128xi32>
    %eq3A_3360 = arith.constant 0 : i32
    %eq3A_3361 = vector.broadcast %eq3A_3360 : i32 to vector<4x128x128xi32>
    %eq3A_3362 = arith.cmpi eq, %and3A_3359, %eq3A_3361 : vector<4x128x128xi32>
    %and3A_3363 = arith.constant 32 : i32
    %and3A_3364 = vector.broadcast %and3A_3363 : i32 to vector<4x128x128xi32>
    %and3A_3365 = arith.andi %add3A, %and3A_3364 : vector<4x128x128xi32>
    %eq3A_3366 = arith.constant 0 : i32
    %eq3A_3367 = vector.broadcast %eq3A_3366 : i32 to vector<4x128x128xi32>
    %eq3A_3368 = arith.cmpi eq, %and3A_3365, %eq3A_3367 : vector<4x128x128xi32>
    %eq3A_3369 = arith.xori %eq3A_3362, %eq3A_3368 : vector<4x128x128xi1>
    %eq3A_3370 = arith.constant dense<true> : vector<4x128x128xi1>
    %eq3A_3371 = arith.xori %eq3A_3369, %eq3A_3370 : vector<4x128x128xi1>
    %xor3A_3372 = arith.xori %or3A_3356, %eq3A_3371 : vector<4x128x128xi1>
    %select_n3A_3373 = arith.select %xor3A_3372, %gather3A_3341, %select_n3A_3327 : vector<4x128x128xi1>, vector<4x128x128xf32>
    %select_n3A_3374 = arith.select %xor3A_3372, %gather3A_3351, %select_n3A_3328 : vector<4x128x128xi1>, vector<4x128x128xi32>
    %xor3A_3375 = arith.constant 16 : i32
    %xor3A_3376 = vector.broadcast %xor3A_3375 : i32 to vector<4x128x128xi32>
    %xor3A_3377 = arith.xori %iota3A_7, %xor3A_3376 : vector<4x128x128xi32>
    %lt3A_3378 = arith.constant 0 : i32
    %lt3A_3379 = vector.broadcast %lt3A_3378 : i32 to vector<4x128x128xi32>
    %lt3A_3380 = arith.cmpi slt, %xor3A_3377, %lt3A_3379 : vector<4x128x128xi32>
    %add3A_3381 = arith.constant 128 : i32
    %add3A_3382 = vector.broadcast %add3A_3381 : i32 to vector<4x128x128xi32>
    %add3A_3383 = arith.addi %xor3A_3377, %add3A_3382 : vector<4x128x128xi32>
    %select_n3A_3384 = arith.select %lt3A_3380, %add3A_3383, %xor3A_3377 : vector<4x128x128xi1>, vector<4x128x128xi32>
    %reshape3A_3385 = vector.shape_cast %select_n3A_3384 : vector<4x128x128xi32> to vector<4x128x128x1xi32>
    %gather3A_3386 = vector.shape_cast %reshape3A_3385 : vector<4x128x128x1xi32> to vector<4x128x128xi32>
    %gather3A_3387 = tpu.dynamic_gather %select_n3A_3373[%gather3A_3386] in [2] : vector<4x128x128xf32>, vector<4x128x128xi32> -> vector<4x128x128xf32>
    %lt3A_3388 = arith.constant 0 : i32
    %lt3A_3389 = vector.broadcast %lt3A_3388 : i32 to vector<4x128x128xi32>
    %lt3A_3390 = arith.cmpi slt, %xor3A_3377, %lt3A_3389 : vector<4x128x128xi32>
    %add3A_3391 = arith.constant 128 : i32
    %add3A_3392 = vector.broadcast %add3A_3391 : i32 to vector<4x128x128xi32>
    %add3A_3393 = arith.addi %xor3A_3377, %add3A_3392 : vector<4x128x128xi32>
    %select_n3A_3394 = arith.select %lt3A_3390, %add3A_3393, %xor3A_3377 : vector<4x128x128xi1>, vector<4x128x128xi32>
    %reshape3A_3395 = vector.shape_cast %select_n3A_3394 : vector<4x128x128xi32> to vector<4x128x128x1xi32>
    %gather3A_3396 = vector.shape_cast %reshape3A_3395 : vector<4x128x128x1xi32> to vector<4x128x128xi32>
    %gather3A_3397 = tpu.dynamic_gather %select_n3A_3374[%gather3A_3396] in [2] : vector<4x128x128xi32>, vector<4x128x128xi32> -> vector<4x128x128xi32>
    %lt3A_3398 = arith.cmpf olt, %select_n3A_3373, %gather3A_3387 : vector<4x128x128xf32>
    %eq3A_3399 = arith.cmpf oeq, %select_n3A_3373, %gather3A_3387 : vector<4x128x128xf32>
    %lt3A_3400 = arith.cmpi slt, %select_n3A_3374, %gather3A_3397 : vector<4x128x128xi32>
    %and3A_3401 = arith.andi %eq3A_3399, %lt3A_3400 : vector<4x128x128xi1>
    %or3A_3402 = arith.ori %lt3A_3398, %and3A_3401 : vector<4x128x128xi1>
    %and3A_3403 = arith.constant 4096 : i32
    %and3A_3404 = vector.broadcast %and3A_3403 : i32 to vector<4x128x128xi32>
    %and3A_3405 = arith.andi %add3A, %and3A_3404 : vector<4x128x128xi32>
    %eq3A_3406 = arith.constant 0 : i32
    %eq3A_3407 = vector.broadcast %eq3A_3406 : i32 to vector<4x128x128xi32>
    %eq3A_3408 = arith.cmpi eq, %and3A_3405, %eq3A_3407 : vector<4x128x128xi32>
    %and3A_3409 = arith.constant 16 : i32
    %and3A_3410 = vector.broadcast %and3A_3409 : i32 to vector<4x128x128xi32>
    %and3A_3411 = arith.andi %add3A, %and3A_3410 : vector<4x128x128xi32>
    %eq3A_3412 = arith.constant 0 : i32
    %eq3A_3413 = vector.broadcast %eq3A_3412 : i32 to vector<4x128x128xi32>
    %eq3A_3414 = arith.cmpi eq, %and3A_3411, %eq3A_3413 : vector<4x128x128xi32>
    %eq3A_3415 = arith.xori %eq3A_3408, %eq3A_3414 : vector<4x128x128xi1>
    %eq3A_3416 = arith.constant dense<true> : vector<4x128x128xi1>
    %eq3A_3417 = arith.xori %eq3A_3415, %eq3A_3416 : vector<4x128x128xi1>
    %xor3A_3418 = arith.xori %or3A_3402, %eq3A_3417 : vector<4x128x128xi1>
    %select_n3A_3419 = arith.select %xor3A_3418, %gather3A_3387, %select_n3A_3373 : vector<4x128x128xi1>, vector<4x128x128xf32>
    %select_n3A_3420 = arith.select %xor3A_3418, %gather3A_3397, %select_n3A_3374 : vector<4x128x128xi1>, vector<4x128x128xi32>
    %xor3A_3421 = arith.constant 8 : i32
    %xor3A_3422 = vector.broadcast %xor3A_3421 : i32 to vector<4x128x128xi32>
    %xor3A_3423 = arith.xori %iota3A_7, %xor3A_3422 : vector<4x128x128xi32>
    %lt3A_3424 = arith.constant 0 : i32
    %lt3A_3425 = vector.broadcast %lt3A_3424 : i32 to vector<4x128x128xi32>
    %lt3A_3426 = arith.cmpi slt, %xor3A_3423, %lt3A_3425 : vector<4x128x128xi32>
    %add3A_3427 = arith.constant 128 : i32
    %add3A_3428 = vector.broadcast %add3A_3427 : i32 to vector<4x128x128xi32>
    %add3A_3429 = arith.addi %xor3A_3423, %add3A_3428 : vector<4x128x128xi32>
    %select_n3A_3430 = arith.select %lt3A_3426, %add3A_3429, %xor3A_3423 : vector<4x128x128xi1>, vector<4x128x128xi32>
    %reshape3A_3431 = vector.shape_cast %select_n3A_3430 : vector<4x128x128xi32> to vector<4x128x128x1xi32>
    %gather3A_3432 = vector.shape_cast %reshape3A_3431 : vector<4x128x128x1xi32> to vector<4x128x128xi32>
    %gather3A_3433 = tpu.dynamic_gather %select_n3A_3419[%gather3A_3432] in [2] : vector<4x128x128xf32>, vector<4x128x128xi32> -> vector<4x128x128xf32>
    %lt3A_3434 = arith.constant 0 : i32
    %lt3A_3435 = vector.broadcast %lt3A_3434 : i32 to vector<4x128x128xi32>
    %lt3A_3436 = arith.cmpi slt, %xor3A_3423, %lt3A_3435 : vector<4x128x128xi32>
    %add3A_3437 = arith.constant 128 : i32
    %add3A_3438 = vector.broadcast %add3A_3437 : i32 to vector<4x128x128xi32>
    %add3A_3439 = arith.addi %xor3A_3423, %add3A_3438 : vector<4x128x128xi32>
    %select_n3A_3440 = arith.select %lt3A_3436, %add3A_3439, %xor3A_3423 : vector<4x128x128xi1>, vector<4x128x128xi32>
    %reshape3A_3441 = vector.shape_cast %select_n3A_3440 : vector<4x128x128xi32> to vector<4x128x128x1xi32>
    %gather3A_3442 = vector.shape_cast %reshape3A_3441 : vector<4x128x128x1xi32> to vector<4x128x128xi32>
    %gather3A_3443 = tpu.dynamic_gather %select_n3A_3420[%gather3A_3442] in [2] : vector<4x128x128xi32>, vector<4x128x128xi32> -> vector<4x128x128xi32>
    %lt3A_3444 = arith.cmpf olt, %select_n3A_3419, %gather3A_3433 : vector<4x128x128xf32>
    %eq3A_3445 = arith.cmpf oeq, %select_n3A_3419, %gather3A_3433 : vector<4x128x128xf32>
    %lt3A_3446 = arith.cmpi slt, %select_n3A_3420, %gather3A_3443 : vector<4x128x128xi32>
    %and3A_3447 = arith.andi %eq3A_3445, %lt3A_3446 : vector<4x128x128xi1>
    %or3A_3448 = arith.ori %lt3A_3444, %and3A_3447 : vector<4x128x128xi1>
    %and3A_3449 = arith.constant 4096 : i32
    %and3A_3450 = vector.broadcast %and3A_3449 : i32 to vector<4x128x128xi32>
    %and3A_3451 = arith.andi %add3A, %and3A_3450 : vector<4x128x128xi32>
    %eq3A_3452 = arith.constant 0 : i32
    %eq3A_3453 = vector.broadcast %eq3A_3452 : i32 to vector<4x128x128xi32>
    %eq3A_3454 = arith.cmpi eq, %and3A_3451, %eq3A_3453 : vector<4x128x128xi32>
    %and3A_3455 = arith.constant 8 : i32
    %and3A_3456 = vector.broadcast %and3A_3455 : i32 to vector<4x128x128xi32>
    %and3A_3457 = arith.andi %add3A, %and3A_3456 : vector<4x128x128xi32>
    %eq3A_3458 = arith.constant 0 : i32
    %eq3A_3459 = vector.broadcast %eq3A_3458 : i32 to vector<4x128x128xi32>
    %eq3A_3460 = arith.cmpi eq, %and3A_3457, %eq3A_3459 : vector<4x128x128xi32>
    %eq3A_3461 = arith.xori %eq3A_3454, %eq3A_3460 : vector<4x128x128xi1>
    %eq3A_3462 = arith.constant dense<true> : vector<4x128x128xi1>
    %eq3A_3463 = arith.xori %eq3A_3461, %eq3A_3462 : vector<4x128x128xi1>
    %xor3A_3464 = arith.xori %or3A_3448, %eq3A_3463 : vector<4x128x128xi1>
    %select_n3A_3465 = arith.select %xor3A_3464, %gather3A_3433, %select_n3A_3419 : vector<4x128x128xi1>, vector<4x128x128xf32>
    %select_n3A_3466 = arith.select %xor3A_3464, %gather3A_3443, %select_n3A_3420 : vector<4x128x128xi1>, vector<4x128x128xi32>
    %xor3A_3467 = arith.constant 4 : i32
    %xor3A_3468 = vector.broadcast %xor3A_3467 : i32 to vector<4x128x128xi32>
    %xor3A_3469 = arith.xori %iota3A_7, %xor3A_3468 : vector<4x128x128xi32>
    %lt3A_3470 = arith.constant 0 : i32
    %lt3A_3471 = vector.broadcast %lt3A_3470 : i32 to vector<4x128x128xi32>
    %lt3A_3472 = arith.cmpi slt, %xor3A_3469, %lt3A_3471 : vector<4x128x128xi32>
    %add3A_3473 = arith.constant 128 : i32
    %add3A_3474 = vector.broadcast %add3A_3473 : i32 to vector<4x128x128xi32>
    %add3A_3475 = arith.addi %xor3A_3469, %add3A_3474 : vector<4x128x128xi32>
    %select_n3A_3476 = arith.select %lt3A_3472, %add3A_3475, %xor3A_3469 : vector<4x128x128xi1>, vector<4x128x128xi32>
    %reshape3A_3477 = vector.shape_cast %select_n3A_3476 : vector<4x128x128xi32> to vector<4x128x128x1xi32>
    %gather3A_3478 = vector.shape_cast %reshape3A_3477 : vector<4x128x128x1xi32> to vector<4x128x128xi32>
    %gather3A_3479 = tpu.dynamic_gather %select_n3A_3465[%gather3A_3478] in [2] : vector<4x128x128xf32>, vector<4x128x128xi32> -> vector<4x128x128xf32>
    %lt3A_3480 = arith.constant 0 : i32
    %lt3A_3481 = vector.broadcast %lt3A_3480 : i32 to vector<4x128x128xi32>
    %lt3A_3482 = arith.cmpi slt, %xor3A_3469, %lt3A_3481 : vector<4x128x128xi32>
    %add3A_3483 = arith.constant 128 : i32
    %add3A_3484 = vector.broadcast %add3A_3483 : i32 to vector<4x128x128xi32>
    %add3A_3485 = arith.addi %xor3A_3469, %add3A_3484 : vector<4x128x128xi32>
    %select_n3A_3486 = arith.select %lt3A_3482, %add3A_3485, %xor3A_3469 : vector<4x128x128xi1>, vector<4x128x128xi32>
    %reshape3A_3487 = vector.shape_cast %select_n3A_3486 : vector<4x128x128xi32> to vector<4x128x128x1xi32>
    %gather3A_3488 = vector.shape_cast %reshape3A_3487 : vector<4x128x128x1xi32> to vector<4x128x128xi32>
    %gather3A_3489 = tpu.dynamic_gather %select_n3A_3466[%gather3A_3488] in [2] : vector<4x128x128xi32>, vector<4x128x128xi32> -> vector<4x128x128xi32>
    %lt3A_3490 = arith.cmpf olt, %select_n3A_3465, %gather3A_3479 : vector<4x128x128xf32>
    %eq3A_3491 = arith.cmpf oeq, %select_n3A_3465, %gather3A_3479 : vector<4x128x128xf32>
    %lt3A_3492 = arith.cmpi slt, %select_n3A_3466, %gather3A_3489 : vector<4x128x128xi32>
    %and3A_3493 = arith.andi %eq3A_3491, %lt3A_3492 : vector<4x128x128xi1>
    %or3A_3494 = arith.ori %lt3A_3490, %and3A_3493 : vector<4x128x128xi1>
    %and3A_3495 = arith.constant 4096 : i32
    %and3A_3496 = vector.broadcast %and3A_3495 : i32 to vector<4x128x128xi32>
    %and3A_3497 = arith.andi %add3A, %and3A_3496 : vector<4x128x128xi32>
    %eq3A_3498 = arith.constant 0 : i32
    %eq3A_3499 = vector.broadcast %eq3A_3498 : i32 to vector<4x128x128xi32>
    %eq3A_3500 = arith.cmpi eq, %and3A_3497, %eq3A_3499 : vector<4x128x128xi32>
    %and3A_3501 = arith.constant 4 : i32
    %and3A_3502 = vector.broadcast %and3A_3501 : i32 to vector<4x128x128xi32>
    %and3A_3503 = arith.andi %add3A, %and3A_3502 : vector<4x128x128xi32>
    %eq3A_3504 = arith.constant 0 : i32
    %eq3A_3505 = vector.broadcast %eq3A_3504 : i32 to vector<4x128x128xi32>
    %eq3A_3506 = arith.cmpi eq, %and3A_3503, %eq3A_3505 : vector<4x128x128xi32>
    %eq3A_3507 = arith.xori %eq3A_3500, %eq3A_3506 : vector<4x128x128xi1>
    %eq3A_3508 = arith.constant dense<true> : vector<4x128x128xi1>
    %eq3A_3509 = arith.xori %eq3A_3507, %eq3A_3508 : vector<4x128x128xi1>
    %xor3A_3510 = arith.xori %or3A_3494, %eq3A_3509 : vector<4x128x128xi1>
    %select_n3A_3511 = arith.select %xor3A_3510, %gather3A_3479, %select_n3A_3465 : vector<4x128x128xi1>, vector<4x128x128xf32>
    %select_n3A_3512 = arith.select %xor3A_3510, %gather3A_3489, %select_n3A_3466 : vector<4x128x128xi1>, vector<4x128x128xi32>
    %xor3A_3513 = arith.constant 2 : i32
    %xor3A_3514 = vector.broadcast %xor3A_3513 : i32 to vector<4x128x128xi32>
    %xor3A_3515 = arith.xori %iota3A_7, %xor3A_3514 : vector<4x128x128xi32>
    %lt3A_3516 = arith.constant 0 : i32
    %lt3A_3517 = vector.broadcast %lt3A_3516 : i32 to vector<4x128x128xi32>
    %lt3A_3518 = arith.cmpi slt, %xor3A_3515, %lt3A_3517 : vector<4x128x128xi32>
    %add3A_3519 = arith.constant 128 : i32
    %add3A_3520 = vector.broadcast %add3A_3519 : i32 to vector<4x128x128xi32>
    %add3A_3521 = arith.addi %xor3A_3515, %add3A_3520 : vector<4x128x128xi32>
    %select_n3A_3522 = arith.select %lt3A_3518, %add3A_3521, %xor3A_3515 : vector<4x128x128xi1>, vector<4x128x128xi32>
    %reshape3A_3523 = vector.shape_cast %select_n3A_3522 : vector<4x128x128xi32> to vector<4x128x128x1xi32>
    %gather3A_3524 = vector.shape_cast %reshape3A_3523 : vector<4x128x128x1xi32> to vector<4x128x128xi32>
    %gather3A_3525 = tpu.dynamic_gather %select_n3A_3511[%gather3A_3524] in [2] : vector<4x128x128xf32>, vector<4x128x128xi32> -> vector<4x128x128xf32>
    %lt3A_3526 = arith.constant 0 : i32
    %lt3A_3527 = vector.broadcast %lt3A_3526 : i32 to vector<4x128x128xi32>
    %lt3A_3528 = arith.cmpi slt, %xor3A_3515, %lt3A_3527 : vector<4x128x128xi32>
    %add3A_3529 = arith.constant 128 : i32
    %add3A_3530 = vector.broadcast %add3A_3529 : i32 to vector<4x128x128xi32>
    %add3A_3531 = arith.addi %xor3A_3515, %add3A_3530 : vector<4x128x128xi32>
    %select_n3A_3532 = arith.select %lt3A_3528, %add3A_3531, %xor3A_3515 : vector<4x128x128xi1>, vector<4x128x128xi32>
    %reshape3A_3533 = vector.shape_cast %select_n3A_3532 : vector<4x128x128xi32> to vector<4x128x128x1xi32>
    %gather3A_3534 = vector.shape_cast %reshape3A_3533 : vector<4x128x128x1xi32> to vector<4x128x128xi32>
    %gather3A_3535 = tpu.dynamic_gather %select_n3A_3512[%gather3A_3534] in [2] : vector<4x128x128xi32>, vector<4x128x128xi32> -> vector<4x128x128xi32>
    %lt3A_3536 = arith.cmpf olt, %select_n3A_3511, %gather3A_3525 : vector<4x128x128xf32>
    %eq3A_3537 = arith.cmpf oeq, %select_n3A_3511, %gather3A_3525 : vector<4x128x128xf32>
    %lt3A_3538 = arith.cmpi slt, %select_n3A_3512, %gather3A_3535 : vector<4x128x128xi32>
    %and3A_3539 = arith.andi %eq3A_3537, %lt3A_3538 : vector<4x128x128xi1>
    %or3A_3540 = arith.ori %lt3A_3536, %and3A_3539 : vector<4x128x128xi1>
    %and3A_3541 = arith.constant 4096 : i32
    %and3A_3542 = vector.broadcast %and3A_3541 : i32 to vector<4x128x128xi32>
    %and3A_3543 = arith.andi %add3A, %and3A_3542 : vector<4x128x128xi32>
    %eq3A_3544 = arith.constant 0 : i32
    %eq3A_3545 = vector.broadcast %eq3A_3544 : i32 to vector<4x128x128xi32>
    %eq3A_3546 = arith.cmpi eq, %and3A_3543, %eq3A_3545 : vector<4x128x128xi32>
    %and3A_3547 = arith.constant 2 : i32
    %and3A_3548 = vector.broadcast %and3A_3547 : i32 to vector<4x128x128xi32>
    %and3A_3549 = arith.andi %add3A, %and3A_3548 : vector<4x128x128xi32>
    %eq3A_3550 = arith.constant 0 : i32
    %eq3A_3551 = vector.broadcast %eq3A_3550 : i32 to vector<4x128x128xi32>
    %eq3A_3552 = arith.cmpi eq, %and3A_3549, %eq3A_3551 : vector<4x128x128xi32>
    %eq3A_3553 = arith.xori %eq3A_3546, %eq3A_3552 : vector<4x128x128xi1>
    %eq3A_3554 = arith.constant dense<true> : vector<4x128x128xi1>
    %eq3A_3555 = arith.xori %eq3A_3553, %eq3A_3554 : vector<4x128x128xi1>
    %xor3A_3556 = arith.xori %or3A_3540, %eq3A_3555 : vector<4x128x128xi1>
    %select_n3A_3557 = arith.select %xor3A_3556, %gather3A_3525, %select_n3A_3511 : vector<4x128x128xi1>, vector<4x128x128xf32>
    %select_n3A_3558 = arith.select %xor3A_3556, %gather3A_3535, %select_n3A_3512 : vector<4x128x128xi1>, vector<4x128x128xi32>
    %xor3A_3559 = arith.constant 1 : i32
    %xor3A_3560 = vector.broadcast %xor3A_3559 : i32 to vector<4x128x128xi32>
    %xor3A_3561 = arith.xori %iota3A_7, %xor3A_3560 : vector<4x128x128xi32>
    %lt3A_3562 = arith.constant 0 : i32
    %lt3A_3563 = vector.broadcast %lt3A_3562 : i32 to vector<4x128x128xi32>
    %lt3A_3564 = arith.cmpi slt, %xor3A_3561, %lt3A_3563 : vector<4x128x128xi32>
    %add3A_3565 = arith.constant 128 : i32
    %add3A_3566 = vector.broadcast %add3A_3565 : i32 to vector<4x128x128xi32>
    %add3A_3567 = arith.addi %xor3A_3561, %add3A_3566 : vector<4x128x128xi32>
    %select_n3A_3568 = arith.select %lt3A_3564, %add3A_3567, %xor3A_3561 : vector<4x128x128xi1>, vector<4x128x128xi32>
    %reshape3A_3569 = vector.shape_cast %select_n3A_3568 : vector<4x128x128xi32> to vector<4x128x128x1xi32>
    %gather3A_3570 = vector.shape_cast %reshape3A_3569 : vector<4x128x128x1xi32> to vector<4x128x128xi32>
    %gather3A_3571 = tpu.dynamic_gather %select_n3A_3557[%gather3A_3570] in [2] : vector<4x128x128xf32>, vector<4x128x128xi32> -> vector<4x128x128xf32>
    %lt3A_3572 = arith.constant 0 : i32
    %lt3A_3573 = vector.broadcast %lt3A_3572 : i32 to vector<4x128x128xi32>
    %lt3A_3574 = arith.cmpi slt, %xor3A_3561, %lt3A_3573 : vector<4x128x128xi32>
    %add3A_3575 = arith.constant 128 : i32
    %add3A_3576 = vector.broadcast %add3A_3575 : i32 to vector<4x128x128xi32>
    %add3A_3577 = arith.addi %xor3A_3561, %add3A_3576 : vector<4x128x128xi32>
    %select_n3A_3578 = arith.select %lt3A_3574, %add3A_3577, %xor3A_3561 : vector<4x128x128xi1>, vector<4x128x128xi32>
    %reshape3A_3579 = vector.shape_cast %select_n3A_3578 : vector<4x128x128xi32> to vector<4x128x128x1xi32>
    %gather3A_3580 = vector.shape_cast %reshape3A_3579 : vector<4x128x128x1xi32> to vector<4x128x128xi32>
    %gather3A_3581 = tpu.dynamic_gather %select_n3A_3558[%gather3A_3580] in [2] : vector<4x128x128xi32>, vector<4x128x128xi32> -> vector<4x128x128xi32>
    %lt3A_3582 = arith.cmpf olt, %select_n3A_3557, %gather3A_3571 : vector<4x128x128xf32>
    %eq3A_3583 = arith.cmpf oeq, %select_n3A_3557, %gather3A_3571 : vector<4x128x128xf32>
    %lt3A_3584 = arith.cmpi slt, %select_n3A_3558, %gather3A_3581 : vector<4x128x128xi32>
    %and3A_3585 = arith.andi %eq3A_3583, %lt3A_3584 : vector<4x128x128xi1>
    %or3A_3586 = arith.ori %lt3A_3582, %and3A_3585 : vector<4x128x128xi1>
    %and3A_3587 = arith.constant 4096 : i32
    %and3A_3588 = vector.broadcast %and3A_3587 : i32 to vector<4x128x128xi32>
    %and3A_3589 = arith.andi %add3A, %and3A_3588 : vector<4x128x128xi32>
    %eq3A_3590 = arith.constant 0 : i32
    %eq3A_3591 = vector.broadcast %eq3A_3590 : i32 to vector<4x128x128xi32>
    %eq3A_3592 = arith.cmpi eq, %and3A_3589, %eq3A_3591 : vector<4x128x128xi32>
    %and3A_3593 = arith.constant 1 : i32
    %and3A_3594 = vector.broadcast %and3A_3593 : i32 to vector<4x128x128xi32>
    %and3A_3595 = arith.andi %add3A, %and3A_3594 : vector<4x128x128xi32>
    %eq3A_3596 = arith.constant 0 : i32
    %eq3A_3597 = vector.broadcast %eq3A_3596 : i32 to vector<4x128x128xi32>
    %eq3A_3598 = arith.cmpi eq, %and3A_3595, %eq3A_3597 : vector<4x128x128xi32>
    %eq3A_3599 = arith.xori %eq3A_3592, %eq3A_3598 : vector<4x128x128xi1>
    %eq3A_3600 = arith.constant dense<true> : vector<4x128x128xi1>
    %eq3A_3601 = arith.xori %eq3A_3599, %eq3A_3600 : vector<4x128x128xi1>
    %xor3A_3602 = arith.xori %or3A_3586, %eq3A_3601 : vector<4x128x128xi1>
    %select_n3A_3603 = arith.select %xor3A_3602, %gather3A_3571, %select_n3A_3557 : vector<4x128x128xi1>, vector<4x128x128xf32>
    %select_n3A_3604 = arith.select %xor3A_3602, %gather3A_3581, %select_n3A_3558 : vector<4x128x128xi1>, vector<4x128x128xi32>
    %and3A_3605 = arith.constant 32 : i32
    %and3A_3606 = vector.broadcast %and3A_3605 : i32 to vector<4x128x128xi32>
    %and3A_3607 = arith.andi %iota3A, %and3A_3606 : vector<4x128x128xi32>
    %ne3A_3608 = arith.constant 0 : i32
    %ne3A_3609 = vector.broadcast %ne3A_3608 : i32 to vector<4x128x128xi32>
    %ne3A_3610 = arith.cmpi ne, %and3A_3607, %ne3A_3609 : vector<4x128x128xi32>
    %slice3A_3611 = vector.extract_strided_slice %select_n3A_3603 {offsets = [0, 96, 0], sizes = [4, 32, 128], strides = [1, 1, 1]} : vector<4x128x128xf32> to vector<4x32x128xf32>
    %slice3A_3612 = vector.extract_strided_slice %select_n3A_3603 {offsets = [0, 0, 0], sizes = [4, 96, 128], strides = [1, 1, 1]} : vector<4x128x128xf32> to vector<4x96x128xf32>
    %concatenate3A_3613 = tpu.concatenate %slice3A_3611, %slice3A_3612 in 1 : vector<4x32x128xf32>, vector<4x96x128xf32> -> vector<4x128x128xf32>
    %slice3A_3614 = vector.extract_strided_slice %select_n3A_3603 {offsets = [0, 32, 0], sizes = [4, 96, 128], strides = [1, 1, 1]} : vector<4x128x128xf32> to vector<4x96x128xf32>
    %slice3A_3615 = vector.extract_strided_slice %select_n3A_3603 {offsets = [0, 0, 0], sizes = [4, 32, 128], strides = [1, 1, 1]} : vector<4x128x128xf32> to vector<4x32x128xf32>
    %concatenate3A_3616 = tpu.concatenate %slice3A_3614, %slice3A_3615 in 1 : vector<4x96x128xf32>, vector<4x32x128xf32> -> vector<4x128x128xf32>
    %select_n3A_3617 = arith.select %ne3A_3610, %concatenate3A_3613, %concatenate3A_3616 : vector<4x128x128xi1>, vector<4x128x128xf32>
    %slice3A_3618 = vector.extract_strided_slice %select_n3A_3604 {offsets = [0, 96, 0], sizes = [4, 32, 128], strides = [1, 1, 1]} : vector<4x128x128xi32> to vector<4x32x128xi32>
    %slice3A_3619 = vector.extract_strided_slice %select_n3A_3604 {offsets = [0, 0, 0], sizes = [4, 96, 128], strides = [1, 1, 1]} : vector<4x128x128xi32> to vector<4x96x128xi32>
    %concatenate3A_3620 = tpu.concatenate %slice3A_3618, %slice3A_3619 in 1 : vector<4x32x128xi32>, vector<4x96x128xi32> -> vector<4x128x128xi32>
    %slice3A_3621 = vector.extract_strided_slice %select_n3A_3604 {offsets = [0, 32, 0], sizes = [4, 96, 128], strides = [1, 1, 1]} : vector<4x128x128xi32> to vector<4x96x128xi32>
    %slice3A_3622 = vector.extract_strided_slice %select_n3A_3604 {offsets = [0, 0, 0], sizes = [4, 32, 128], strides = [1, 1, 1]} : vector<4x128x128xi32> to vector<4x32x128xi32>
    %concatenate3A_3623 = tpu.concatenate %slice3A_3621, %slice3A_3622 in 1 : vector<4x96x128xi32>, vector<4x32x128xi32> -> vector<4x128x128xi32>
    %select_n3A_3624 = arith.select %ne3A_3610, %concatenate3A_3620, %concatenate3A_3623 : vector<4x128x128xi1>, vector<4x128x128xi32>
    %lt3A_3625 = arith.cmpf olt, %select_n3A_3603, %select_n3A_3617 : vector<4x128x128xf32>
    %eq3A_3626 = arith.cmpf oeq, %select_n3A_3603, %select_n3A_3617 : vector<4x128x128xf32>
    %lt3A_3627 = arith.cmpi slt, %select_n3A_3604, %select_n3A_3624 : vector<4x128x128xi32>
    %and3A_3628 = arith.andi %eq3A_3626, %lt3A_3627 : vector<4x128x128xi1>
    %or3A_3629 = arith.ori %lt3A_3625, %and3A_3628 : vector<4x128x128xi1>
    %and3A_3630 = arith.constant 8192 : i32
    %and3A_3631 = vector.broadcast %and3A_3630 : i32 to vector<4x128x128xi32>
    %and3A_3632 = arith.andi %add3A, %and3A_3631 : vector<4x128x128xi32>
    %eq3A_3633 = arith.constant 0 : i32
    %eq3A_3634 = vector.broadcast %eq3A_3633 : i32 to vector<4x128x128xi32>
    %eq3A_3635 = arith.cmpi eq, %and3A_3632, %eq3A_3634 : vector<4x128x128xi32>
    %and3A_3636 = arith.constant 4096 : i32
    %and3A_3637 = vector.broadcast %and3A_3636 : i32 to vector<4x128x128xi32>
    %and3A_3638 = arith.andi %add3A, %and3A_3637 : vector<4x128x128xi32>
    %eq3A_3639 = arith.constant 0 : i32
    %eq3A_3640 = vector.broadcast %eq3A_3639 : i32 to vector<4x128x128xi32>
    %eq3A_3641 = arith.cmpi eq, %and3A_3638, %eq3A_3640 : vector<4x128x128xi32>
    %eq3A_3642 = arith.xori %eq3A_3635, %eq3A_3641 : vector<4x128x128xi1>
    %eq3A_3643 = arith.constant dense<true> : vector<4x128x128xi1>
    %eq3A_3644 = arith.xori %eq3A_3642, %eq3A_3643 : vector<4x128x128xi1>
    %xor3A_3645 = arith.xori %or3A_3629, %eq3A_3644 : vector<4x128x128xi1>
    %select_n3A_3646 = arith.select %xor3A_3645, %select_n3A_3617, %select_n3A_3603 : vector<4x128x128xi1>, vector<4x128x128xf32>
    %select_n3A_3647 = arith.select %xor3A_3645, %select_n3A_3624, %select_n3A_3604 : vector<4x128x128xi1>, vector<4x128x128xi32>
    %and3A_3648 = arith.constant 16 : i32
    %and3A_3649 = vector.broadcast %and3A_3648 : i32 to vector<4x128x128xi32>
    %and3A_3650 = arith.andi %iota3A, %and3A_3649 : vector<4x128x128xi32>
    %ne3A_3651 = arith.constant 0 : i32
    %ne3A_3652 = vector.broadcast %ne3A_3651 : i32 to vector<4x128x128xi32>
    %ne3A_3653 = arith.cmpi ne, %and3A_3650, %ne3A_3652 : vector<4x128x128xi32>
    %slice3A_3654 = vector.extract_strided_slice %select_n3A_3646 {offsets = [0, 112, 0], sizes = [4, 16, 128], strides = [1, 1, 1]} : vector<4x128x128xf32> to vector<4x16x128xf32>
    %slice3A_3655 = vector.extract_strided_slice %select_n3A_3646 {offsets = [0, 0, 0], sizes = [4, 112, 128], strides = [1, 1, 1]} : vector<4x128x128xf32> to vector<4x112x128xf32>
    %concatenate3A_3656 = tpu.concatenate %slice3A_3654, %slice3A_3655 in 1 : vector<4x16x128xf32>, vector<4x112x128xf32> -> vector<4x128x128xf32>
    %slice3A_3657 = vector.extract_strided_slice %select_n3A_3646 {offsets = [0, 16, 0], sizes = [4, 112, 128], strides = [1, 1, 1]} : vector<4x128x128xf32> to vector<4x112x128xf32>
    %slice3A_3658 = vector.extract_strided_slice %select_n3A_3646 {offsets = [0, 0, 0], sizes = [4, 16, 128], strides = [1, 1, 1]} : vector<4x128x128xf32> to vector<4x16x128xf32>
    %concatenate3A_3659 = tpu.concatenate %slice3A_3657, %slice3A_3658 in 1 : vector<4x112x128xf32>, vector<4x16x128xf32> -> vector<4x128x128xf32>
    %select_n3A_3660 = arith.select %ne3A_3653, %concatenate3A_3656, %concatenate3A_3659 : vector<4x128x128xi1>, vector<4x128x128xf32>
    %slice3A_3661 = vector.extract_strided_slice %select_n3A_3647 {offsets = [0, 112, 0], sizes = [4, 16, 128], strides = [1, 1, 1]} : vector<4x128x128xi32> to vector<4x16x128xi32>
    %slice3A_3662 = vector.extract_strided_slice %select_n3A_3647 {offsets = [0, 0, 0], sizes = [4, 112, 128], strides = [1, 1, 1]} : vector<4x128x128xi32> to vector<4x112x128xi32>
    %concatenate3A_3663 = tpu.concatenate %slice3A_3661, %slice3A_3662 in 1 : vector<4x16x128xi32>, vector<4x112x128xi32> -> vector<4x128x128xi32>
    %slice3A_3664 = vector.extract_strided_slice %select_n3A_3647 {offsets = [0, 16, 0], sizes = [4, 112, 128], strides = [1, 1, 1]} : vector<4x128x128xi32> to vector<4x112x128xi32>
    %slice3A_3665 = vector.extract_strided_slice %select_n3A_3647 {offsets = [0, 0, 0], sizes = [4, 16, 128], strides = [1, 1, 1]} : vector<4x128x128xi32> to vector<4x16x128xi32>
    %concatenate3A_3666 = tpu.concatenate %slice3A_3664, %slice3A_3665 in 1 : vector<4x112x128xi32>, vector<4x16x128xi32> -> vector<4x128x128xi32>
    %select_n3A_3667 = arith.select %ne3A_3653, %concatenate3A_3663, %concatenate3A_3666 : vector<4x128x128xi1>, vector<4x128x128xi32>
    %lt3A_3668 = arith.cmpf olt, %select_n3A_3646, %select_n3A_3660 : vector<4x128x128xf32>
    %eq3A_3669 = arith.cmpf oeq, %select_n3A_3646, %select_n3A_3660 : vector<4x128x128xf32>
    %lt3A_3670 = arith.cmpi slt, %select_n3A_3647, %select_n3A_3667 : vector<4x128x128xi32>
    %and3A_3671 = arith.andi %eq3A_3669, %lt3A_3670 : vector<4x128x128xi1>
    %or3A_3672 = arith.ori %lt3A_3668, %and3A_3671 : vector<4x128x128xi1>
    %and3A_3673 = arith.constant 8192 : i32
    %and3A_3674 = vector.broadcast %and3A_3673 : i32 to vector<4x128x128xi32>
    %and3A_3675 = arith.andi %add3A, %and3A_3674 : vector<4x128x128xi32>
    %eq3A_3676 = arith.constant 0 : i32
    %eq3A_3677 = vector.broadcast %eq3A_3676 : i32 to vector<4x128x128xi32>
    %eq3A_3678 = arith.cmpi eq, %and3A_3675, %eq3A_3677 : vector<4x128x128xi32>
    %and3A_3679 = arith.constant 2048 : i32
    %and3A_3680 = vector.broadcast %and3A_3679 : i32 to vector<4x128x128xi32>
    %and3A_3681 = arith.andi %add3A, %and3A_3680 : vector<4x128x128xi32>
    %eq3A_3682 = arith.constant 0 : i32
    %eq3A_3683 = vector.broadcast %eq3A_3682 : i32 to vector<4x128x128xi32>
    %eq3A_3684 = arith.cmpi eq, %and3A_3681, %eq3A_3683 : vector<4x128x128xi32>
    %eq3A_3685 = arith.xori %eq3A_3678, %eq3A_3684 : vector<4x128x128xi1>
    %eq3A_3686 = arith.constant dense<true> : vector<4x128x128xi1>
    %eq3A_3687 = arith.xori %eq3A_3685, %eq3A_3686 : vector<4x128x128xi1>
    %xor3A_3688 = arith.xori %or3A_3672, %eq3A_3687 : vector<4x128x128xi1>
    %select_n3A_3689 = arith.select %xor3A_3688, %select_n3A_3660, %select_n3A_3646 : vector<4x128x128xi1>, vector<4x128x128xf32>
    %select_n3A_3690 = arith.select %xor3A_3688, %select_n3A_3667, %select_n3A_3647 : vector<4x128x128xi1>, vector<4x128x128xi32>
    %and3A_3691 = arith.constant 8 : i32
    %and3A_3692 = vector.broadcast %and3A_3691 : i32 to vector<4x128x128xi32>
    %and3A_3693 = arith.andi %iota3A, %and3A_3692 : vector<4x128x128xi32>
    %ne3A_3694 = arith.constant 0 : i32
    %ne3A_3695 = vector.broadcast %ne3A_3694 : i32 to vector<4x128x128xi32>
    %ne3A_3696 = arith.cmpi ne, %and3A_3693, %ne3A_3695 : vector<4x128x128xi32>
    %slice3A_3697 = vector.extract_strided_slice %select_n3A_3689 {offsets = [0, 120, 0], sizes = [4, 8, 128], strides = [1, 1, 1]} : vector<4x128x128xf32> to vector<4x8x128xf32>
    %slice3A_3698 = vector.extract_strided_slice %select_n3A_3689 {offsets = [0, 0, 0], sizes = [4, 120, 128], strides = [1, 1, 1]} : vector<4x128x128xf32> to vector<4x120x128xf32>
    %concatenate3A_3699 = tpu.concatenate %slice3A_3697, %slice3A_3698 in 1 : vector<4x8x128xf32>, vector<4x120x128xf32> -> vector<4x128x128xf32>
    %slice3A_3700 = vector.extract_strided_slice %select_n3A_3689 {offsets = [0, 8, 0], sizes = [4, 120, 128], strides = [1, 1, 1]} : vector<4x128x128xf32> to vector<4x120x128xf32>
    %slice3A_3701 = vector.extract_strided_slice %select_n3A_3689 {offsets = [0, 0, 0], sizes = [4, 8, 128], strides = [1, 1, 1]} : vector<4x128x128xf32> to vector<4x8x128xf32>
    %concatenate3A_3702 = tpu.concatenate %slice3A_3700, %slice3A_3701 in 1 : vector<4x120x128xf32>, vector<4x8x128xf32> -> vector<4x128x128xf32>
    %select_n3A_3703 = arith.select %ne3A_3696, %concatenate3A_3699, %concatenate3A_3702 : vector<4x128x128xi1>, vector<4x128x128xf32>
    %slice3A_3704 = vector.extract_strided_slice %select_n3A_3690 {offsets = [0, 120, 0], sizes = [4, 8, 128], strides = [1, 1, 1]} : vector<4x128x128xi32> to vector<4x8x128xi32>
    %slice3A_3705 = vector.extract_strided_slice %select_n3A_3690 {offsets = [0, 0, 0], sizes = [4, 120, 128], strides = [1, 1, 1]} : vector<4x128x128xi32> to vector<4x120x128xi32>
    %concatenate3A_3706 = tpu.concatenate %slice3A_3704, %slice3A_3705 in 1 : vector<4x8x128xi32>, vector<4x120x128xi32> -> vector<4x128x128xi32>
    %slice3A_3707 = vector.extract_strided_slice %select_n3A_3690 {offsets = [0, 8, 0], sizes = [4, 120, 128], strides = [1, 1, 1]} : vector<4x128x128xi32> to vector<4x120x128xi32>
    %slice3A_3708 = vector.extract_strided_slice %select_n3A_3690 {offsets = [0, 0, 0], sizes = [4, 8, 128], strides = [1, 1, 1]} : vector<4x128x128xi32> to vector<4x8x128xi32>
    %concatenate3A_3709 = tpu.concatenate %slice3A_3707, %slice3A_3708 in 1 : vector<4x120x128xi32>, vector<4x8x128xi32> -> vector<4x128x128xi32>
    %select_n3A_3710 = arith.select %ne3A_3696, %concatenate3A_3706, %concatenate3A_3709 : vector<4x128x128xi1>, vector<4x128x128xi32>
    %lt3A_3711 = arith.cmpf olt, %select_n3A_3689, %select_n3A_3703 : vector<4x128x128xf32>
    %eq3A_3712 = arith.cmpf oeq, %select_n3A_3689, %select_n3A_3703 : vector<4x128x128xf32>
    %lt3A_3713 = arith.cmpi slt, %select_n3A_3690, %select_n3A_3710 : vector<4x128x128xi32>
    %and3A_3714 = arith.andi %eq3A_3712, %lt3A_3713 : vector<4x128x128xi1>
    %or3A_3715 = arith.ori %lt3A_3711, %and3A_3714 : vector<4x128x128xi1>
    %and3A_3716 = arith.constant 8192 : i32
    %and3A_3717 = vector.broadcast %and3A_3716 : i32 to vector<4x128x128xi32>
    %and3A_3718 = arith.andi %add3A, %and3A_3717 : vector<4x128x128xi32>
    %eq3A_3719 = arith.constant 0 : i32
    %eq3A_3720 = vector.broadcast %eq3A_3719 : i32 to vector<4x128x128xi32>
    %eq3A_3721 = arith.cmpi eq, %and3A_3718, %eq3A_3720 : vector<4x128x128xi32>
    %and3A_3722 = arith.constant 1024 : i32
    %and3A_3723 = vector.broadcast %and3A_3722 : i32 to vector<4x128x128xi32>
    %and3A_3724 = arith.andi %add3A, %and3A_3723 : vector<4x128x128xi32>
    %eq3A_3725 = arith.constant 0 : i32
    %eq3A_3726 = vector.broadcast %eq3A_3725 : i32 to vector<4x128x128xi32>
    %eq3A_3727 = arith.cmpi eq, %and3A_3724, %eq3A_3726 : vector<4x128x128xi32>
    %eq3A_3728 = arith.xori %eq3A_3721, %eq3A_3727 : vector<4x128x128xi1>
    %eq3A_3729 = arith.constant dense<true> : vector<4x128x128xi1>
    %eq3A_3730 = arith.xori %eq3A_3728, %eq3A_3729 : vector<4x128x128xi1>
    %xor3A_3731 = arith.xori %or3A_3715, %eq3A_3730 : vector<4x128x128xi1>
    %select_n3A_3732 = arith.select %xor3A_3731, %select_n3A_3703, %select_n3A_3689 : vector<4x128x128xi1>, vector<4x128x128xf32>
    %select_n3A_3733 = arith.select %xor3A_3731, %select_n3A_3710, %select_n3A_3690 : vector<4x128x128xi1>, vector<4x128x128xi32>
    %and3A_3734 = arith.constant 4 : i32
    %and3A_3735 = vector.broadcast %and3A_3734 : i32 to vector<4x128x128xi32>
    %and3A_3736 = arith.andi %iota3A, %and3A_3735 : vector<4x128x128xi32>
    %ne3A_3737 = arith.constant 0 : i32
    %ne3A_3738 = vector.broadcast %ne3A_3737 : i32 to vector<4x128x128xi32>
    %ne3A_3739 = arith.cmpi ne, %and3A_3736, %ne3A_3738 : vector<4x128x128xi32>
    %slice3A_3740 = vector.extract_strided_slice %select_n3A_3732 {offsets = [0, 124, 0], sizes = [4, 4, 128], strides = [1, 1, 1]} : vector<4x128x128xf32> to vector<4x4x128xf32>
    %slice3A_3741 = vector.extract_strided_slice %select_n3A_3732 {offsets = [0, 0, 0], sizes = [4, 124, 128], strides = [1, 1, 1]} : vector<4x128x128xf32> to vector<4x124x128xf32>
    %concatenate3A_3742 = tpu.concatenate %slice3A_3740, %slice3A_3741 in 1 : vector<4x4x128xf32>, vector<4x124x128xf32> -> vector<4x128x128xf32>
    %slice3A_3743 = vector.extract_strided_slice %select_n3A_3732 {offsets = [0, 4, 0], sizes = [4, 124, 128], strides = [1, 1, 1]} : vector<4x128x128xf32> to vector<4x124x128xf32>
    %slice3A_3744 = vector.extract_strided_slice %select_n3A_3732 {offsets = [0, 0, 0], sizes = [4, 4, 128], strides = [1, 1, 1]} : vector<4x128x128xf32> to vector<4x4x128xf32>
    %concatenate3A_3745 = tpu.concatenate %slice3A_3743, %slice3A_3744 in 1 : vector<4x124x128xf32>, vector<4x4x128xf32> -> vector<4x128x128xf32>
    %select_n3A_3746 = arith.select %ne3A_3739, %concatenate3A_3742, %concatenate3A_3745 : vector<4x128x128xi1>, vector<4x128x128xf32>
    %slice3A_3747 = vector.extract_strided_slice %select_n3A_3733 {offsets = [0, 124, 0], sizes = [4, 4, 128], strides = [1, 1, 1]} : vector<4x128x128xi32> to vector<4x4x128xi32>
    %slice3A_3748 = vector.extract_strided_slice %select_n3A_3733 {offsets = [0, 0, 0], sizes = [4, 124, 128], strides = [1, 1, 1]} : vector<4x128x128xi32> to vector<4x124x128xi32>
    %concatenate3A_3749 = tpu.concatenate %slice3A_3747, %slice3A_3748 in 1 : vector<4x4x128xi32>, vector<4x124x128xi32> -> vector<4x128x128xi32>
    %slice3A_3750 = vector.extract_strided_slice %select_n3A_3733 {offsets = [0, 4, 0], sizes = [4, 124, 128], strides = [1, 1, 1]} : vector<4x128x128xi32> to vector<4x124x128xi32>
    %slice3A_3751 = vector.extract_strided_slice %select_n3A_3733 {offsets = [0, 0, 0], sizes = [4, 4, 128], strides = [1, 1, 1]} : vector<4x128x128xi32> to vector<4x4x128xi32>
    %concatenate3A_3752 = tpu.concatenate %slice3A_3750, %slice3A_3751 in 1 : vector<4x124x128xi32>, vector<4x4x128xi32> -> vector<4x128x128xi32>
    %select_n3A_3753 = arith.select %ne3A_3739, %concatenate3A_3749, %concatenate3A_3752 : vector<4x128x128xi1>, vector<4x128x128xi32>
    %lt3A_3754 = arith.cmpf olt, %select_n3A_3732, %select_n3A_3746 : vector<4x128x128xf32>
    %eq3A_3755 = arith.cmpf oeq, %select_n3A_3732, %select_n3A_3746 : vector<4x128x128xf32>
    %lt3A_3756 = arith.cmpi slt, %select_n3A_3733, %select_n3A_3753 : vector<4x128x128xi32>
    %and3A_3757 = arith.andi %eq3A_3755, %lt3A_3756 : vector<4x128x128xi1>
    %or3A_3758 = arith.ori %lt3A_3754, %and3A_3757 : vector<4x128x128xi1>
    %and3A_3759 = arith.constant 8192 : i32
    %and3A_3760 = vector.broadcast %and3A_3759 : i32 to vector<4x128x128xi32>
    %and3A_3761 = arith.andi %add3A, %and3A_3760 : vector<4x128x128xi32>
    %eq3A_3762 = arith.constant 0 : i32
    %eq3A_3763 = vector.broadcast %eq3A_3762 : i32 to vector<4x128x128xi32>
    %eq3A_3764 = arith.cmpi eq, %and3A_3761, %eq3A_3763 : vector<4x128x128xi32>
    %and3A_3765 = arith.constant 512 : i32
    %and3A_3766 = vector.broadcast %and3A_3765 : i32 to vector<4x128x128xi32>
    %and3A_3767 = arith.andi %add3A, %and3A_3766 : vector<4x128x128xi32>
    %eq3A_3768 = arith.constant 0 : i32
    %eq3A_3769 = vector.broadcast %eq3A_3768 : i32 to vector<4x128x128xi32>
    %eq3A_3770 = arith.cmpi eq, %and3A_3767, %eq3A_3769 : vector<4x128x128xi32>
    %eq3A_3771 = arith.xori %eq3A_3764, %eq3A_3770 : vector<4x128x128xi1>
    %eq3A_3772 = arith.constant dense<true> : vector<4x128x128xi1>
    %eq3A_3773 = arith.xori %eq3A_3771, %eq3A_3772 : vector<4x128x128xi1>
    %xor3A_3774 = arith.xori %or3A_3758, %eq3A_3773 : vector<4x128x128xi1>
    %select_n3A_3775 = arith.select %xor3A_3774, %select_n3A_3746, %select_n3A_3732 : vector<4x128x128xi1>, vector<4x128x128xf32>
    %select_n3A_3776 = arith.select %xor3A_3774, %select_n3A_3753, %select_n3A_3733 : vector<4x128x128xi1>, vector<4x128x128xi32>
    %and3A_3777 = arith.constant 2 : i32
    %and3A_3778 = vector.broadcast %and3A_3777 : i32 to vector<4x128x128xi32>
    %and3A_3779 = arith.andi %iota3A, %and3A_3778 : vector<4x128x128xi32>
    %ne3A_3780 = arith.constant 0 : i32
    %ne3A_3781 = vector.broadcast %ne3A_3780 : i32 to vector<4x128x128xi32>
    %ne3A_3782 = arith.cmpi ne, %and3A_3779, %ne3A_3781 : vector<4x128x128xi32>
    %slice3A_3783 = vector.extract_strided_slice %select_n3A_3775 {offsets = [0, 126, 0], sizes = [4, 2, 128], strides = [1, 1, 1]} : vector<4x128x128xf32> to vector<4x2x128xf32>
    %slice3A_3784 = vector.extract_strided_slice %select_n3A_3775 {offsets = [0, 0, 0], sizes = [4, 126, 128], strides = [1, 1, 1]} : vector<4x128x128xf32> to vector<4x126x128xf32>
    %concatenate3A_3785 = tpu.concatenate %slice3A_3783, %slice3A_3784 in 1 : vector<4x2x128xf32>, vector<4x126x128xf32> -> vector<4x128x128xf32>
    %slice3A_3786 = vector.extract_strided_slice %select_n3A_3775 {offsets = [0, 2, 0], sizes = [4, 126, 128], strides = [1, 1, 1]} : vector<4x128x128xf32> to vector<4x126x128xf32>
    %slice3A_3787 = vector.extract_strided_slice %select_n3A_3775 {offsets = [0, 0, 0], sizes = [4, 2, 128], strides = [1, 1, 1]} : vector<4x128x128xf32> to vector<4x2x128xf32>
    %concatenate3A_3788 = tpu.concatenate %slice3A_3786, %slice3A_3787 in 1 : vector<4x126x128xf32>, vector<4x2x128xf32> -> vector<4x128x128xf32>
    %select_n3A_3789 = arith.select %ne3A_3782, %concatenate3A_3785, %concatenate3A_3788 : vector<4x128x128xi1>, vector<4x128x128xf32>
    %slice3A_3790 = vector.extract_strided_slice %select_n3A_3776 {offsets = [0, 126, 0], sizes = [4, 2, 128], strides = [1, 1, 1]} : vector<4x128x128xi32> to vector<4x2x128xi32>
    %slice3A_3791 = vector.extract_strided_slice %select_n3A_3776 {offsets = [0, 0, 0], sizes = [4, 126, 128], strides = [1, 1, 1]} : vector<4x128x128xi32> to vector<4x126x128xi32>
    %concatenate3A_3792 = tpu.concatenate %slice3A_3790, %slice3A_3791 in 1 : vector<4x2x128xi32>, vector<4x126x128xi32> -> vector<4x128x128xi32>
    %slice3A_3793 = vector.extract_strided_slice %select_n3A_3776 {offsets = [0, 2, 0], sizes = [4, 126, 128], strides = [1, 1, 1]} : vector<4x128x128xi32> to vector<4x126x128xi32>
    %slice3A_3794 = vector.extract_strided_slice %select_n3A_3776 {offsets = [0, 0, 0], sizes = [4, 2, 128], strides = [1, 1, 1]} : vector<4x128x128xi32> to vector<4x2x128xi32>
    %concatenate3A_3795 = tpu.concatenate %slice3A_3793, %slice3A_3794 in 1 : vector<4x126x128xi32>, vector<4x2x128xi32> -> vector<4x128x128xi32>
    %select_n3A_3796 = arith.select %ne3A_3782, %concatenate3A_3792, %concatenate3A_3795 : vector<4x128x128xi1>, vector<4x128x128xi32>
    %lt3A_3797 = arith.cmpf olt, %select_n3A_3775, %select_n3A_3789 : vector<4x128x128xf32>
    %eq3A_3798 = arith.cmpf oeq, %select_n3A_3775, %select_n3A_3789 : vector<4x128x128xf32>
    %lt3A_3799 = arith.cmpi slt, %select_n3A_3776, %select_n3A_3796 : vector<4x128x128xi32>
    %and3A_3800 = arith.andi %eq3A_3798, %lt3A_3799 : vector<4x128x128xi1>
    %or3A_3801 = arith.ori %lt3A_3797, %and3A_3800 : vector<4x128x128xi1>
    %and3A_3802 = arith.constant 8192 : i32
    %and3A_3803 = vector.broadcast %and3A_3802 : i32 to vector<4x128x128xi32>
    %and3A_3804 = arith.andi %add3A, %and3A_3803 : vector<4x128x128xi32>
    %eq3A_3805 = arith.constant 0 : i32
    %eq3A_3806 = vector.broadcast %eq3A_3805 : i32 to vector<4x128x128xi32>
    %eq3A_3807 = arith.cmpi eq, %and3A_3804, %eq3A_3806 : vector<4x128x128xi32>
    %and3A_3808 = arith.constant 256 : i32
    %and3A_3809 = vector.broadcast %and3A_3808 : i32 to vector<4x128x128xi32>
    %and3A_3810 = arith.andi %add3A, %and3A_3809 : vector<4x128x128xi32>
    %eq3A_3811 = arith.constant 0 : i32
    %eq3A_3812 = vector.broadcast %eq3A_3811 : i32 to vector<4x128x128xi32>
    %eq3A_3813 = arith.cmpi eq, %and3A_3810, %eq3A_3812 : vector<4x128x128xi32>
    %eq3A_3814 = arith.xori %eq3A_3807, %eq3A_3813 : vector<4x128x128xi1>
    %eq3A_3815 = arith.constant dense<true> : vector<4x128x128xi1>
    %eq3A_3816 = arith.xori %eq3A_3814, %eq3A_3815 : vector<4x128x128xi1>
    %xor3A_3817 = arith.xori %or3A_3801, %eq3A_3816 : vector<4x128x128xi1>
    %select_n3A_3818 = arith.select %xor3A_3817, %select_n3A_3789, %select_n3A_3775 : vector<4x128x128xi1>, vector<4x128x128xf32>
    %select_n3A_3819 = arith.select %xor3A_3817, %select_n3A_3796, %select_n3A_3776 : vector<4x128x128xi1>, vector<4x128x128xi32>
    %and3A_3820 = arith.constant 1 : i32
    %and3A_3821 = vector.broadcast %and3A_3820 : i32 to vector<4x128x128xi32>
    %and3A_3822 = arith.andi %iota3A, %and3A_3821 : vector<4x128x128xi32>
    %ne3A_3823 = arith.constant 0 : i32
    %ne3A_3824 = vector.broadcast %ne3A_3823 : i32 to vector<4x128x128xi32>
    %ne3A_3825 = arith.cmpi ne, %and3A_3822, %ne3A_3824 : vector<4x128x128xi32>
    %slice3A_3826 = vector.extract_strided_slice %select_n3A_3818 {offsets = [0, 127, 0], sizes = [4, 1, 128], strides = [1, 1, 1]} : vector<4x128x128xf32> to vector<4x1x128xf32>
    %slice3A_3827 = vector.extract_strided_slice %select_n3A_3818 {offsets = [0, 0, 0], sizes = [4, 127, 128], strides = [1, 1, 1]} : vector<4x128x128xf32> to vector<4x127x128xf32>
    %concatenate3A_3828 = tpu.concatenate %slice3A_3826, %slice3A_3827 in 1 : vector<4x1x128xf32>, vector<4x127x128xf32> -> vector<4x128x128xf32>
    %slice3A_3829 = vector.extract_strided_slice %select_n3A_3818 {offsets = [0, 1, 0], sizes = [4, 127, 128], strides = [1, 1, 1]} : vector<4x128x128xf32> to vector<4x127x128xf32>
    %slice3A_3830 = vector.extract_strided_slice %select_n3A_3818 {offsets = [0, 0, 0], sizes = [4, 1, 128], strides = [1, 1, 1]} : vector<4x128x128xf32> to vector<4x1x128xf32>
    %concatenate3A_3831 = tpu.concatenate %slice3A_3829, %slice3A_3830 in 1 : vector<4x127x128xf32>, vector<4x1x128xf32> -> vector<4x128x128xf32>
    %select_n3A_3832 = arith.select %ne3A_3825, %concatenate3A_3828, %concatenate3A_3831 : vector<4x128x128xi1>, vector<4x128x128xf32>
    %slice3A_3833 = vector.extract_strided_slice %select_n3A_3819 {offsets = [0, 127, 0], sizes = [4, 1, 128], strides = [1, 1, 1]} : vector<4x128x128xi32> to vector<4x1x128xi32>
    %slice3A_3834 = vector.extract_strided_slice %select_n3A_3819 {offsets = [0, 0, 0], sizes = [4, 127, 128], strides = [1, 1, 1]} : vector<4x128x128xi32> to vector<4x127x128xi32>
    %concatenate3A_3835 = tpu.concatenate %slice3A_3833, %slice3A_3834 in 1 : vector<4x1x128xi32>, vector<4x127x128xi32> -> vector<4x128x128xi32>
    %slice3A_3836 = vector.extract_strided_slice %select_n3A_3819 {offsets = [0, 1, 0], sizes = [4, 127, 128], strides = [1, 1, 1]} : vector<4x128x128xi32> to vector<4x127x128xi32>
    %slice3A_3837 = vector.extract_strided_slice %select_n3A_3819 {offsets = [0, 0, 0], sizes = [4, 1, 128], strides = [1, 1, 1]} : vector<4x128x128xi32> to vector<4x1x128xi32>
    %concatenate3A_3838 = tpu.concatenate %slice3A_3836, %slice3A_3837 in 1 : vector<4x127x128xi32>, vector<4x1x128xi32> -> vector<4x128x128xi32>
    %select_n3A_3839 = arith.select %ne3A_3825, %concatenate3A_3835, %concatenate3A_3838 : vector<4x128x128xi1>, vector<4x128x128xi32>
    %lt3A_3840 = arith.cmpf olt, %select_n3A_3818, %select_n3A_3832 : vector<4x128x128xf32>
    %eq3A_3841 = arith.cmpf oeq, %select_n3A_3818, %select_n3A_3832 : vector<4x128x128xf32>
    %lt3A_3842 = arith.cmpi slt, %select_n3A_3819, %select_n3A_3839 : vector<4x128x128xi32>
    %and3A_3843 = arith.andi %eq3A_3841, %lt3A_3842 : vector<4x128x128xi1>
    %or3A_3844 = arith.ori %lt3A_3840, %and3A_3843 : vector<4x128x128xi1>
    %and3A_3845 = arith.constant 8192 : i32
    %and3A_3846 = vector.broadcast %and3A_3845 : i32 to vector<4x128x128xi32>
    %and3A_3847 = arith.andi %add3A, %and3A_3846 : vector<4x128x128xi32>
    %eq3A_3848 = arith.constant 0 : i32
    %eq3A_3849 = vector.broadcast %eq3A_3848 : i32 to vector<4x128x128xi32>
    %eq3A_3850 = arith.cmpi eq, %and3A_3847, %eq3A_3849 : vector<4x128x128xi32>
    %and3A_3851 = arith.constant 128 : i32
    %and3A_3852 = vector.broadcast %and3A_3851 : i32 to vector<4x128x128xi32>
    %and3A_3853 = arith.andi %add3A, %and3A_3852 : vector<4x128x128xi32>
    %eq3A_3854 = arith.constant 0 : i32
    %eq3A_3855 = vector.broadcast %eq3A_3854 : i32 to vector<4x128x128xi32>
    %eq3A_3856 = arith.cmpi eq, %and3A_3853, %eq3A_3855 : vector<4x128x128xi32>
    %eq3A_3857 = arith.xori %eq3A_3850, %eq3A_3856 : vector<4x128x128xi1>
    %eq3A_3858 = arith.constant dense<true> : vector<4x128x128xi1>
    %eq3A_3859 = arith.xori %eq3A_3857, %eq3A_3858 : vector<4x128x128xi1>
    %xor3A_3860 = arith.xori %or3A_3844, %eq3A_3859 : vector<4x128x128xi1>
    %select_n3A_3861 = arith.select %xor3A_3860, %select_n3A_3832, %select_n3A_3818 : vector<4x128x128xi1>, vector<4x128x128xf32>
    %select_n3A_3862 = arith.select %xor3A_3860, %select_n3A_3839, %select_n3A_3819 : vector<4x128x128xi1>, vector<4x128x128xi32>
    %xor3A_3863 = arith.constant 64 : i32
    %xor3A_3864 = vector.broadcast %xor3A_3863 : i32 to vector<4x128x128xi32>
    %xor3A_3865 = arith.xori %iota3A_7, %xor3A_3864 : vector<4x128x128xi32>
    %lt3A_3866 = arith.constant 0 : i32
    %lt3A_3867 = vector.broadcast %lt3A_3866 : i32 to vector<4x128x128xi32>
    %lt3A_3868 = arith.cmpi slt, %xor3A_3865, %lt3A_3867 : vector<4x128x128xi32>
    %add3A_3869 = arith.constant 128 : i32
    %add3A_3870 = vector.broadcast %add3A_3869 : i32 to vector<4x128x128xi32>
    %add3A_3871 = arith.addi %xor3A_3865, %add3A_3870 : vector<4x128x128xi32>
    %select_n3A_3872 = arith.select %lt3A_3868, %add3A_3871, %xor3A_3865 : vector<4x128x128xi1>, vector<4x128x128xi32>
    %reshape3A_3873 = vector.shape_cast %select_n3A_3872 : vector<4x128x128xi32> to vector<4x128x128x1xi32>
    %gather3A_3874 = vector.shape_cast %reshape3A_3873 : vector<4x128x128x1xi32> to vector<4x128x128xi32>
    %gather3A_3875 = tpu.dynamic_gather %select_n3A_3861[%gather3A_3874] in [2] : vector<4x128x128xf32>, vector<4x128x128xi32> -> vector<4x128x128xf32>
    %lt3A_3876 = arith.constant 0 : i32
    %lt3A_3877 = vector.broadcast %lt3A_3876 : i32 to vector<4x128x128xi32>
    %lt3A_3878 = arith.cmpi slt, %xor3A_3865, %lt3A_3877 : vector<4x128x128xi32>
    %add3A_3879 = arith.constant 128 : i32
    %add3A_3880 = vector.broadcast %add3A_3879 : i32 to vector<4x128x128xi32>
    %add3A_3881 = arith.addi %xor3A_3865, %add3A_3880 : vector<4x128x128xi32>
    %select_n3A_3882 = arith.select %lt3A_3878, %add3A_3881, %xor3A_3865 : vector<4x128x128xi1>, vector<4x128x128xi32>
    %reshape3A_3883 = vector.shape_cast %select_n3A_3882 : vector<4x128x128xi32> to vector<4x128x128x1xi32>
    %gather3A_3884 = vector.shape_cast %reshape3A_3883 : vector<4x128x128x1xi32> to vector<4x128x128xi32>
    %gather3A_3885 = tpu.dynamic_gather %select_n3A_3862[%gather3A_3884] in [2] : vector<4x128x128xi32>, vector<4x128x128xi32> -> vector<4x128x128xi32>
    %lt3A_3886 = arith.cmpf olt, %select_n3A_3861, %gather3A_3875 : vector<4x128x128xf32>
    %eq3A_3887 = arith.cmpf oeq, %select_n3A_3861, %gather3A_3875 : vector<4x128x128xf32>
    %lt3A_3888 = arith.cmpi slt, %select_n3A_3862, %gather3A_3885 : vector<4x128x128xi32>
    %and3A_3889 = arith.andi %eq3A_3887, %lt3A_3888 : vector<4x128x128xi1>
    %or3A_3890 = arith.ori %lt3A_3886, %and3A_3889 : vector<4x128x128xi1>
    %and3A_3891 = arith.constant 8192 : i32
    %and3A_3892 = vector.broadcast %and3A_3891 : i32 to vector<4x128x128xi32>
    %and3A_3893 = arith.andi %add3A, %and3A_3892 : vector<4x128x128xi32>
    %eq3A_3894 = arith.constant 0 : i32
    %eq3A_3895 = vector.broadcast %eq3A_3894 : i32 to vector<4x128x128xi32>
    %eq3A_3896 = arith.cmpi eq, %and3A_3893, %eq3A_3895 : vector<4x128x128xi32>
    %and3A_3897 = arith.constant 64 : i32
    %and3A_3898 = vector.broadcast %and3A_3897 : i32 to vector<4x128x128xi32>
    %and3A_3899 = arith.andi %add3A, %and3A_3898 : vector<4x128x128xi32>
    %eq3A_3900 = arith.constant 0 : i32
    %eq3A_3901 = vector.broadcast %eq3A_3900 : i32 to vector<4x128x128xi32>
    %eq3A_3902 = arith.cmpi eq, %and3A_3899, %eq3A_3901 : vector<4x128x128xi32>
    %eq3A_3903 = arith.xori %eq3A_3896, %eq3A_3902 : vector<4x128x128xi1>
    %eq3A_3904 = arith.constant dense<true> : vector<4x128x128xi1>
    %eq3A_3905 = arith.xori %eq3A_3903, %eq3A_3904 : vector<4x128x128xi1>
    %xor3A_3906 = arith.xori %or3A_3890, %eq3A_3905 : vector<4x128x128xi1>
    %select_n3A_3907 = arith.select %xor3A_3906, %gather3A_3875, %select_n3A_3861 : vector<4x128x128xi1>, vector<4x128x128xf32>
    %select_n3A_3908 = arith.select %xor3A_3906, %gather3A_3885, %select_n3A_3862 : vector<4x128x128xi1>, vector<4x128x128xi32>
    %xor3A_3909 = arith.constant 32 : i32
    %xor3A_3910 = vector.broadcast %xor3A_3909 : i32 to vector<4x128x128xi32>
    %xor3A_3911 = arith.xori %iota3A_7, %xor3A_3910 : vector<4x128x128xi32>
    %lt3A_3912 = arith.constant 0 : i32
    %lt3A_3913 = vector.broadcast %lt3A_3912 : i32 to vector<4x128x128xi32>
    %lt3A_3914 = arith.cmpi slt, %xor3A_3911, %lt3A_3913 : vector<4x128x128xi32>
    %add3A_3915 = arith.constant 128 : i32
    %add3A_3916 = vector.broadcast %add3A_3915 : i32 to vector<4x128x128xi32>
    %add3A_3917 = arith.addi %xor3A_3911, %add3A_3916 : vector<4x128x128xi32>
    %select_n3A_3918 = arith.select %lt3A_3914, %add3A_3917, %xor3A_3911 : vector<4x128x128xi1>, vector<4x128x128xi32>
    %reshape3A_3919 = vector.shape_cast %select_n3A_3918 : vector<4x128x128xi32> to vector<4x128x128x1xi32>
    %gather3A_3920 = vector.shape_cast %reshape3A_3919 : vector<4x128x128x1xi32> to vector<4x128x128xi32>
    %gather3A_3921 = tpu.dynamic_gather %select_n3A_3907[%gather3A_3920] in [2] : vector<4x128x128xf32>, vector<4x128x128xi32> -> vector<4x128x128xf32>
    %lt3A_3922 = arith.constant 0 : i32
    %lt3A_3923 = vector.broadcast %lt3A_3922 : i32 to vector<4x128x128xi32>
    %lt3A_3924 = arith.cmpi slt, %xor3A_3911, %lt3A_3923 : vector<4x128x128xi32>
    %add3A_3925 = arith.constant 128 : i32
    %add3A_3926 = vector.broadcast %add3A_3925 : i32 to vector<4x128x128xi32>
    %add3A_3927 = arith.addi %xor3A_3911, %add3A_3926 : vector<4x128x128xi32>
    %select_n3A_3928 = arith.select %lt3A_3924, %add3A_3927, %xor3A_3911 : vector<4x128x128xi1>, vector<4x128x128xi32>
    %reshape3A_3929 = vector.shape_cast %select_n3A_3928 : vector<4x128x128xi32> to vector<4x128x128x1xi32>
    %gather3A_3930 = vector.shape_cast %reshape3A_3929 : vector<4x128x128x1xi32> to vector<4x128x128xi32>
    %gather3A_3931 = tpu.dynamic_gather %select_n3A_3908[%gather3A_3930] in [2] : vector<4x128x128xi32>, vector<4x128x128xi32> -> vector<4x128x128xi32>
    %lt3A_3932 = arith.cmpf olt, %select_n3A_3907, %gather3A_3921 : vector<4x128x128xf32>
    %eq3A_3933 = arith.cmpf oeq, %select_n3A_3907, %gather3A_3921 : vector<4x128x128xf32>
    %lt3A_3934 = arith.cmpi slt, %select_n3A_3908, %gather3A_3931 : vector<4x128x128xi32>
    %and3A_3935 = arith.andi %eq3A_3933, %lt3A_3934 : vector<4x128x128xi1>
    %or3A_3936 = arith.ori %lt3A_3932, %and3A_3935 : vector<4x128x128xi1>
    %and3A_3937 = arith.constant 8192 : i32
    %and3A_3938 = vector.broadcast %and3A_3937 : i32 to vector<4x128x128xi32>
    %and3A_3939 = arith.andi %add3A, %and3A_3938 : vector<4x128x128xi32>
    %eq3A_3940 = arith.constant 0 : i32
    %eq3A_3941 = vector.broadcast %eq3A_3940 : i32 to vector<4x128x128xi32>
    %eq3A_3942 = arith.cmpi eq, %and3A_3939, %eq3A_3941 : vector<4x128x128xi32>
    %and3A_3943 = arith.constant 32 : i32
    %and3A_3944 = vector.broadcast %and3A_3943 : i32 to vector<4x128x128xi32>
    %and3A_3945 = arith.andi %add3A, %and3A_3944 : vector<4x128x128xi32>
    %eq3A_3946 = arith.constant 0 : i32
    %eq3A_3947 = vector.broadcast %eq3A_3946 : i32 to vector<4x128x128xi32>
    %eq3A_3948 = arith.cmpi eq, %and3A_3945, %eq3A_3947 : vector<4x128x128xi32>
    %eq3A_3949 = arith.xori %eq3A_3942, %eq3A_3948 : vector<4x128x128xi1>
    %eq3A_3950 = arith.constant dense<true> : vector<4x128x128xi1>
    %eq3A_3951 = arith.xori %eq3A_3949, %eq3A_3950 : vector<4x128x128xi1>
    %xor3A_3952 = arith.xori %or3A_3936, %eq3A_3951 : vector<4x128x128xi1>
    %select_n3A_3953 = arith.select %xor3A_3952, %gather3A_3921, %select_n3A_3907 : vector<4x128x128xi1>, vector<4x128x128xf32>
    %select_n3A_3954 = arith.select %xor3A_3952, %gather3A_3931, %select_n3A_3908 : vector<4x128x128xi1>, vector<4x128x128xi32>
    %xor3A_3955 = arith.constant 16 : i32
    %xor3A_3956 = vector.broadcast %xor3A_3955 : i32 to vector<4x128x128xi32>
    %xor3A_3957 = arith.xori %iota3A_7, %xor3A_3956 : vector<4x128x128xi32>
    %lt3A_3958 = arith.constant 0 : i32
    %lt3A_3959 = vector.broadcast %lt3A_3958 : i32 to vector<4x128x128xi32>
    %lt3A_3960 = arith.cmpi slt, %xor3A_3957, %lt3A_3959 : vector<4x128x128xi32>
    %add3A_3961 = arith.constant 128 : i32
    %add3A_3962 = vector.broadcast %add3A_3961 : i32 to vector<4x128x128xi32>
    %add3A_3963 = arith.addi %xor3A_3957, %add3A_3962 : vector<4x128x128xi32>
    %select_n3A_3964 = arith.select %lt3A_3960, %add3A_3963, %xor3A_3957 : vector<4x128x128xi1>, vector<4x128x128xi32>
    %reshape3A_3965 = vector.shape_cast %select_n3A_3964 : vector<4x128x128xi32> to vector<4x128x128x1xi32>
    %gather3A_3966 = vector.shape_cast %reshape3A_3965 : vector<4x128x128x1xi32> to vector<4x128x128xi32>
    %gather3A_3967 = tpu.dynamic_gather %select_n3A_3953[%gather3A_3966] in [2] : vector<4x128x128xf32>, vector<4x128x128xi32> -> vector<4x128x128xf32>
    %lt3A_3968 = arith.constant 0 : i32
    %lt3A_3969 = vector.broadcast %lt3A_3968 : i32 to vector<4x128x128xi32>
    %lt3A_3970 = arith.cmpi slt, %xor3A_3957, %lt3A_3969 : vector<4x128x128xi32>
    %add3A_3971 = arith.constant 128 : i32
    %add3A_3972 = vector.broadcast %add3A_3971 : i32 to vector<4x128x128xi32>
    %add3A_3973 = arith.addi %xor3A_3957, %add3A_3972 : vector<4x128x128xi32>
    %select_n3A_3974 = arith.select %lt3A_3970, %add3A_3973, %xor3A_3957 : vector<4x128x128xi1>, vector<4x128x128xi32>
    %reshape3A_3975 = vector.shape_cast %select_n3A_3974 : vector<4x128x128xi32> to vector<4x128x128x1xi32>
    %gather3A_3976 = vector.shape_cast %reshape3A_3975 : vector<4x128x128x1xi32> to vector<4x128x128xi32>
    %gather3A_3977 = tpu.dynamic_gather %select_n3A_3954[%gather3A_3976] in [2] : vector<4x128x128xi32>, vector<4x128x128xi32> -> vector<4x128x128xi32>
    %lt3A_3978 = arith.cmpf olt, %select_n3A_3953, %gather3A_3967 : vector<4x128x128xf32>
    %eq3A_3979 = arith.cmpf oeq, %select_n3A_3953, %gather3A_3967 : vector<4x128x128xf32>
    %lt3A_3980 = arith.cmpi slt, %select_n3A_3954, %gather3A_3977 : vector<4x128x128xi32>
    %and3A_3981 = arith.andi %eq3A_3979, %lt3A_3980 : vector<4x128x128xi1>
    %or3A_3982 = arith.ori %lt3A_3978, %and3A_3981 : vector<4x128x128xi1>
    %and3A_3983 = arith.constant 8192 : i32
    %and3A_3984 = vector.broadcast %and3A_3983 : i32 to vector<4x128x128xi32>
    %and3A_3985 = arith.andi %add3A, %and3A_3984 : vector<4x128x128xi32>
    %eq3A_3986 = arith.constant 0 : i32
    %eq3A_3987 = vector.broadcast %eq3A_3986 : i32 to vector<4x128x128xi32>
    %eq3A_3988 = arith.cmpi eq, %and3A_3985, %eq3A_3987 : vector<4x128x128xi32>
    %and3A_3989 = arith.constant 16 : i32
    %and3A_3990 = vector.broadcast %and3A_3989 : i32 to vector<4x128x128xi32>
    %and3A_3991 = arith.andi %add3A, %and3A_3990 : vector<4x128x128xi32>
    %eq3A_3992 = arith.constant 0 : i32
    %eq3A_3993 = vector.broadcast %eq3A_3992 : i32 to vector<4x128x128xi32>
    %eq3A_3994 = arith.cmpi eq, %and3A_3991, %eq3A_3993 : vector<4x128x128xi32>
    %eq3A_3995 = arith.xori %eq3A_3988, %eq3A_3994 : vector<4x128x128xi1>
    %eq3A_3996 = arith.constant dense<true> : vector<4x128x128xi1>
    %eq3A_3997 = arith.xori %eq3A_3995, %eq3A_3996 : vector<4x128x128xi1>
    %xor3A_3998 = arith.xori %or3A_3982, %eq3A_3997 : vector<4x128x128xi1>
    %select_n3A_3999 = arith.select %xor3A_3998, %gather3A_3967, %select_n3A_3953 : vector<4x128x128xi1>, vector<4x128x128xf32>
    %select_n3A_4000 = arith.select %xor3A_3998, %gather3A_3977, %select_n3A_3954 : vector<4x128x128xi1>, vector<4x128x128xi32>
    %xor3A_4001 = arith.constant 8 : i32
    %xor3A_4002 = vector.broadcast %xor3A_4001 : i32 to vector<4x128x128xi32>
    %xor3A_4003 = arith.xori %iota3A_7, %xor3A_4002 : vector<4x128x128xi32>
    %lt3A_4004 = arith.constant 0 : i32
    %lt3A_4005 = vector.broadcast %lt3A_4004 : i32 to vector<4x128x128xi32>
    %lt3A_4006 = arith.cmpi slt, %xor3A_4003, %lt3A_4005 : vector<4x128x128xi32>
    %add3A_4007 = arith.constant 128 : i32
    %add3A_4008 = vector.broadcast %add3A_4007 : i32 to vector<4x128x128xi32>
    %add3A_4009 = arith.addi %xor3A_4003, %add3A_4008 : vector<4x128x128xi32>
    %select_n3A_4010 = arith.select %lt3A_4006, %add3A_4009, %xor3A_4003 : vector<4x128x128xi1>, vector<4x128x128xi32>
    %reshape3A_4011 = vector.shape_cast %select_n3A_4010 : vector<4x128x128xi32> to vector<4x128x128x1xi32>
    %gather3A_4012 = vector.shape_cast %reshape3A_4011 : vector<4x128x128x1xi32> to vector<4x128x128xi32>
    %gather3A_4013 = tpu.dynamic_gather %select_n3A_3999[%gather3A_4012] in [2] : vector<4x128x128xf32>, vector<4x128x128xi32> -> vector<4x128x128xf32>
    %lt3A_4014 = arith.constant 0 : i32
    %lt3A_4015 = vector.broadcast %lt3A_4014 : i32 to vector<4x128x128xi32>
    %lt3A_4016 = arith.cmpi slt, %xor3A_4003, %lt3A_4015 : vector<4x128x128xi32>
    %add3A_4017 = arith.constant 128 : i32
    %add3A_4018 = vector.broadcast %add3A_4017 : i32 to vector<4x128x128xi32>
    %add3A_4019 = arith.addi %xor3A_4003, %add3A_4018 : vector<4x128x128xi32>
    %select_n3A_4020 = arith.select %lt3A_4016, %add3A_4019, %xor3A_4003 : vector<4x128x128xi1>, vector<4x128x128xi32>
    %reshape3A_4021 = vector.shape_cast %select_n3A_4020 : vector<4x128x128xi32> to vector<4x128x128x1xi32>
    %gather3A_4022 = vector.shape_cast %reshape3A_4021 : vector<4x128x128x1xi32> to vector<4x128x128xi32>
    %gather3A_4023 = tpu.dynamic_gather %select_n3A_4000[%gather3A_4022] in [2] : vector<4x128x128xi32>, vector<4x128x128xi32> -> vector<4x128x128xi32>
    %lt3A_4024 = arith.cmpf olt, %select_n3A_3999, %gather3A_4013 : vector<4x128x128xf32>
    %eq3A_4025 = arith.cmpf oeq, %select_n3A_3999, %gather3A_4013 : vector<4x128x128xf32>
    %lt3A_4026 = arith.cmpi slt, %select_n3A_4000, %gather3A_4023 : vector<4x128x128xi32>
    %and3A_4027 = arith.andi %eq3A_4025, %lt3A_4026 : vector<4x128x128xi1>
    %or3A_4028 = arith.ori %lt3A_4024, %and3A_4027 : vector<4x128x128xi1>
    %and3A_4029 = arith.constant 8192 : i32
    %and3A_4030 = vector.broadcast %and3A_4029 : i32 to vector<4x128x128xi32>
    %and3A_4031 = arith.andi %add3A, %and3A_4030 : vector<4x128x128xi32>
    %eq3A_4032 = arith.constant 0 : i32
    %eq3A_4033 = vector.broadcast %eq3A_4032 : i32 to vector<4x128x128xi32>
    %eq3A_4034 = arith.cmpi eq, %and3A_4031, %eq3A_4033 : vector<4x128x128xi32>
    %and3A_4035 = arith.constant 8 : i32
    %and3A_4036 = vector.broadcast %and3A_4035 : i32 to vector<4x128x128xi32>
    %and3A_4037 = arith.andi %add3A, %and3A_4036 : vector<4x128x128xi32>
    %eq3A_4038 = arith.constant 0 : i32
    %eq3A_4039 = vector.broadcast %eq3A_4038 : i32 to vector<4x128x128xi32>
    %eq3A_4040 = arith.cmpi eq, %and3A_4037, %eq3A_4039 : vector<4x128x128xi32>
    %eq3A_4041 = arith.xori %eq3A_4034, %eq3A_4040 : vector<4x128x128xi1>
    %eq3A_4042 = arith.constant dense<true> : vector<4x128x128xi1>
    %eq3A_4043 = arith.xori %eq3A_4041, %eq3A_4042 : vector<4x128x128xi1>
    %xor3A_4044 = arith.xori %or3A_4028, %eq3A_4043 : vector<4x128x128xi1>
    %select_n3A_4045 = arith.select %xor3A_4044, %gather3A_4013, %select_n3A_3999 : vector<4x128x128xi1>, vector<4x128x128xf32>
    %select_n3A_4046 = arith.select %xor3A_4044, %gather3A_4023, %select_n3A_4000 : vector<4x128x128xi1>, vector<4x128x128xi32>
    %xor3A_4047 = arith.constant 4 : i32
    %xor3A_4048 = vector.broadcast %xor3A_4047 : i32 to vector<4x128x128xi32>
    %xor3A_4049 = arith.xori %iota3A_7, %xor3A_4048 : vector<4x128x128xi32>
    %lt3A_4050 = arith.constant 0 : i32
    %lt3A_4051 = vector.broadcast %lt3A_4050 : i32 to vector<4x128x128xi32>
    %lt3A_4052 = arith.cmpi slt, %xor3A_4049, %lt3A_4051 : vector<4x128x128xi32>
    %add3A_4053 = arith.constant 128 : i32
    %add3A_4054 = vector.broadcast %add3A_4053 : i32 to vector<4x128x128xi32>
    %add3A_4055 = arith.addi %xor3A_4049, %add3A_4054 : vector<4x128x128xi32>
    %select_n3A_4056 = arith.select %lt3A_4052, %add3A_4055, %xor3A_4049 : vector<4x128x128xi1>, vector<4x128x128xi32>
    %reshape3A_4057 = vector.shape_cast %select_n3A_4056 : vector<4x128x128xi32> to vector<4x128x128x1xi32>
    %gather3A_4058 = vector.shape_cast %reshape3A_4057 : vector<4x128x128x1xi32> to vector<4x128x128xi32>
    %gather3A_4059 = tpu.dynamic_gather %select_n3A_4045[%gather3A_4058] in [2] : vector<4x128x128xf32>, vector<4x128x128xi32> -> vector<4x128x128xf32>
    %lt3A_4060 = arith.constant 0 : i32
    %lt3A_4061 = vector.broadcast %lt3A_4060 : i32 to vector<4x128x128xi32>
    %lt3A_4062 = arith.cmpi slt, %xor3A_4049, %lt3A_4061 : vector<4x128x128xi32>
    %add3A_4063 = arith.constant 128 : i32
    %add3A_4064 = vector.broadcast %add3A_4063 : i32 to vector<4x128x128xi32>
    %add3A_4065 = arith.addi %xor3A_4049, %add3A_4064 : vector<4x128x128xi32>
    %select_n3A_4066 = arith.select %lt3A_4062, %add3A_4065, %xor3A_4049 : vector<4x128x128xi1>, vector<4x128x128xi32>
    %reshape3A_4067 = vector.shape_cast %select_n3A_4066 : vector<4x128x128xi32> to vector<4x128x128x1xi32>
    %gather3A_4068 = vector.shape_cast %reshape3A_4067 : vector<4x128x128x1xi32> to vector<4x128x128xi32>
    %gather3A_4069 = tpu.dynamic_gather %select_n3A_4046[%gather3A_4068] in [2] : vector<4x128x128xi32>, vector<4x128x128xi32> -> vector<4x128x128xi32>
    %lt3A_4070 = arith.cmpf olt, %select_n3A_4045, %gather3A_4059 : vector<4x128x128xf32>
    %eq3A_4071 = arith.cmpf oeq, %select_n3A_4045, %gather3A_4059 : vector<4x128x128xf32>
    %lt3A_4072 = arith.cmpi slt, %select_n3A_4046, %gather3A_4069 : vector<4x128x128xi32>
    %and3A_4073 = arith.andi %eq3A_4071, %lt3A_4072 : vector<4x128x128xi1>
    %or3A_4074 = arith.ori %lt3A_4070, %and3A_4073 : vector<4x128x128xi1>
    %and3A_4075 = arith.constant 8192 : i32
    %and3A_4076 = vector.broadcast %and3A_4075 : i32 to vector<4x128x128xi32>
    %and3A_4077 = arith.andi %add3A, %and3A_4076 : vector<4x128x128xi32>
    %eq3A_4078 = arith.constant 0 : i32
    %eq3A_4079 = vector.broadcast %eq3A_4078 : i32 to vector<4x128x128xi32>
    %eq3A_4080 = arith.cmpi eq, %and3A_4077, %eq3A_4079 : vector<4x128x128xi32>
    %and3A_4081 = arith.constant 4 : i32
    %and3A_4082 = vector.broadcast %and3A_4081 : i32 to vector<4x128x128xi32>
    %and3A_4083 = arith.andi %add3A, %and3A_4082 : vector<4x128x128xi32>
    %eq3A_4084 = arith.constant 0 : i32
    %eq3A_4085 = vector.broadcast %eq3A_4084 : i32 to vector<4x128x128xi32>
    %eq3A_4086 = arith.cmpi eq, %and3A_4083, %eq3A_4085 : vector<4x128x128xi32>
    %eq3A_4087 = arith.xori %eq3A_4080, %eq3A_4086 : vector<4x128x128xi1>
    %eq3A_4088 = arith.constant dense<true> : vector<4x128x128xi1>
    %eq3A_4089 = arith.xori %eq3A_4087, %eq3A_4088 : vector<4x128x128xi1>
    %xor3A_4090 = arith.xori %or3A_4074, %eq3A_4089 : vector<4x128x128xi1>
    %select_n3A_4091 = arith.select %xor3A_4090, %gather3A_4059, %select_n3A_4045 : vector<4x128x128xi1>, vector<4x128x128xf32>
    %select_n3A_4092 = arith.select %xor3A_4090, %gather3A_4069, %select_n3A_4046 : vector<4x128x128xi1>, vector<4x128x128xi32>
    %xor3A_4093 = arith.constant 2 : i32
    %xor3A_4094 = vector.broadcast %xor3A_4093 : i32 to vector<4x128x128xi32>
    %xor3A_4095 = arith.xori %iota3A_7, %xor3A_4094 : vector<4x128x128xi32>
    %lt3A_4096 = arith.constant 0 : i32
    %lt3A_4097 = vector.broadcast %lt3A_4096 : i32 to vector<4x128x128xi32>
    %lt3A_4098 = arith.cmpi slt, %xor3A_4095, %lt3A_4097 : vector<4x128x128xi32>
    %add3A_4099 = arith.constant 128 : i32
    %add3A_4100 = vector.broadcast %add3A_4099 : i32 to vector<4x128x128xi32>
    %add3A_4101 = arith.addi %xor3A_4095, %add3A_4100 : vector<4x128x128xi32>
    %select_n3A_4102 = arith.select %lt3A_4098, %add3A_4101, %xor3A_4095 : vector<4x128x128xi1>, vector<4x128x128xi32>
    %reshape3A_4103 = vector.shape_cast %select_n3A_4102 : vector<4x128x128xi32> to vector<4x128x128x1xi32>
    %gather3A_4104 = vector.shape_cast %reshape3A_4103 : vector<4x128x128x1xi32> to vector<4x128x128xi32>
    %gather3A_4105 = tpu.dynamic_gather %select_n3A_4091[%gather3A_4104] in [2] : vector<4x128x128xf32>, vector<4x128x128xi32> -> vector<4x128x128xf32>
    %lt3A_4106 = arith.constant 0 : i32
    %lt3A_4107 = vector.broadcast %lt3A_4106 : i32 to vector<4x128x128xi32>
    %lt3A_4108 = arith.cmpi slt, %xor3A_4095, %lt3A_4107 : vector<4x128x128xi32>
    %add3A_4109 = arith.constant 128 : i32
    %add3A_4110 = vector.broadcast %add3A_4109 : i32 to vector<4x128x128xi32>
    %add3A_4111 = arith.addi %xor3A_4095, %add3A_4110 : vector<4x128x128xi32>
    %select_n3A_4112 = arith.select %lt3A_4108, %add3A_4111, %xor3A_4095 : vector<4x128x128xi1>, vector<4x128x128xi32>
    %reshape3A_4113 = vector.shape_cast %select_n3A_4112 : vector<4x128x128xi32> to vector<4x128x128x1xi32>
    %gather3A_4114 = vector.shape_cast %reshape3A_4113 : vector<4x128x128x1xi32> to vector<4x128x128xi32>
    %gather3A_4115 = tpu.dynamic_gather %select_n3A_4092[%gather3A_4114] in [2] : vector<4x128x128xi32>, vector<4x128x128xi32> -> vector<4x128x128xi32>
    %lt3A_4116 = arith.cmpf olt, %select_n3A_4091, %gather3A_4105 : vector<4x128x128xf32>
    %eq3A_4117 = arith.cmpf oeq, %select_n3A_4091, %gather3A_4105 : vector<4x128x128xf32>
    %lt3A_4118 = arith.cmpi slt, %select_n3A_4092, %gather3A_4115 : vector<4x128x128xi32>
    %and3A_4119 = arith.andi %eq3A_4117, %lt3A_4118 : vector<4x128x128xi1>
    %or3A_4120 = arith.ori %lt3A_4116, %and3A_4119 : vector<4x128x128xi1>
    %and3A_4121 = arith.constant 8192 : i32
    %and3A_4122 = vector.broadcast %and3A_4121 : i32 to vector<4x128x128xi32>
    %and3A_4123 = arith.andi %add3A, %and3A_4122 : vector<4x128x128xi32>
    %eq3A_4124 = arith.constant 0 : i32
    %eq3A_4125 = vector.broadcast %eq3A_4124 : i32 to vector<4x128x128xi32>
    %eq3A_4126 = arith.cmpi eq, %and3A_4123, %eq3A_4125 : vector<4x128x128xi32>
    %and3A_4127 = arith.constant 2 : i32
    %and3A_4128 = vector.broadcast %and3A_4127 : i32 to vector<4x128x128xi32>
    %and3A_4129 = arith.andi %add3A, %and3A_4128 : vector<4x128x128xi32>
    %eq3A_4130 = arith.constant 0 : i32
    %eq3A_4131 = vector.broadcast %eq3A_4130 : i32 to vector<4x128x128xi32>
    %eq3A_4132 = arith.cmpi eq, %and3A_4129, %eq3A_4131 : vector<4x128x128xi32>
    %eq3A_4133 = arith.xori %eq3A_4126, %eq3A_4132 : vector<4x128x128xi1>
    %eq3A_4134 = arith.constant dense<true> : vector<4x128x128xi1>
    %eq3A_4135 = arith.xori %eq3A_4133, %eq3A_4134 : vector<4x128x128xi1>
    %xor3A_4136 = arith.xori %or3A_4120, %eq3A_4135 : vector<4x128x128xi1>
    %select_n3A_4137 = arith.select %xor3A_4136, %gather3A_4105, %select_n3A_4091 : vector<4x128x128xi1>, vector<4x128x128xf32>
    %select_n3A_4138 = arith.select %xor3A_4136, %gather3A_4115, %select_n3A_4092 : vector<4x128x128xi1>, vector<4x128x128xi32>
    %xor3A_4139 = arith.constant 1 : i32
    %xor3A_4140 = vector.broadcast %xor3A_4139 : i32 to vector<4x128x128xi32>
    %xor3A_4141 = arith.xori %iota3A_7, %xor3A_4140 : vector<4x128x128xi32>
    %lt3A_4142 = arith.constant 0 : i32
    %lt3A_4143 = vector.broadcast %lt3A_4142 : i32 to vector<4x128x128xi32>
    %lt3A_4144 = arith.cmpi slt, %xor3A_4141, %lt3A_4143 : vector<4x128x128xi32>
    %add3A_4145 = arith.constant 128 : i32
    %add3A_4146 = vector.broadcast %add3A_4145 : i32 to vector<4x128x128xi32>
    %add3A_4147 = arith.addi %xor3A_4141, %add3A_4146 : vector<4x128x128xi32>
    %select_n3A_4148 = arith.select %lt3A_4144, %add3A_4147, %xor3A_4141 : vector<4x128x128xi1>, vector<4x128x128xi32>
    %reshape3A_4149 = vector.shape_cast %select_n3A_4148 : vector<4x128x128xi32> to vector<4x128x128x1xi32>
    %gather3A_4150 = vector.shape_cast %reshape3A_4149 : vector<4x128x128x1xi32> to vector<4x128x128xi32>
    %gather3A_4151 = tpu.dynamic_gather %select_n3A_4137[%gather3A_4150] in [2] : vector<4x128x128xf32>, vector<4x128x128xi32> -> vector<4x128x128xf32>
    %lt3A_4152 = arith.constant 0 : i32
    %lt3A_4153 = vector.broadcast %lt3A_4152 : i32 to vector<4x128x128xi32>
    %lt3A_4154 = arith.cmpi slt, %xor3A_4141, %lt3A_4153 : vector<4x128x128xi32>
    %add3A_4155 = arith.constant 128 : i32
    %add3A_4156 = vector.broadcast %add3A_4155 : i32 to vector<4x128x128xi32>
    %add3A_4157 = arith.addi %xor3A_4141, %add3A_4156 : vector<4x128x128xi32>
    %select_n3A_4158 = arith.select %lt3A_4154, %add3A_4157, %xor3A_4141 : vector<4x128x128xi1>, vector<4x128x128xi32>
    %reshape3A_4159 = vector.shape_cast %select_n3A_4158 : vector<4x128x128xi32> to vector<4x128x128x1xi32>
    %gather3A_4160 = vector.shape_cast %reshape3A_4159 : vector<4x128x128x1xi32> to vector<4x128x128xi32>
    %gather3A_4161 = tpu.dynamic_gather %select_n3A_4138[%gather3A_4160] in [2] : vector<4x128x128xi32>, vector<4x128x128xi32> -> vector<4x128x128xi32>
    %lt3A_4162 = arith.cmpf olt, %select_n3A_4137, %gather3A_4151 : vector<4x128x128xf32>
    %eq3A_4163 = arith.cmpf oeq, %select_n3A_4137, %gather3A_4151 : vector<4x128x128xf32>
    %lt3A_4164 = arith.cmpi slt, %select_n3A_4138, %gather3A_4161 : vector<4x128x128xi32>
    %and3A_4165 = arith.andi %eq3A_4163, %lt3A_4164 : vector<4x128x128xi1>
    %or3A_4166 = arith.ori %lt3A_4162, %and3A_4165 : vector<4x128x128xi1>
    %and3A_4167 = arith.constant 8192 : i32
    %and3A_4168 = vector.broadcast %and3A_4167 : i32 to vector<4x128x128xi32>
    %and3A_4169 = arith.andi %add3A, %and3A_4168 : vector<4x128x128xi32>
    %eq3A_4170 = arith.constant 0 : i32
    %eq3A_4171 = vector.broadcast %eq3A_4170 : i32 to vector<4x128x128xi32>
    %eq3A_4172 = arith.cmpi eq, %and3A_4169, %eq3A_4171 : vector<4x128x128xi32>
    %and3A_4173 = arith.constant 1 : i32
    %and3A_4174 = vector.broadcast %and3A_4173 : i32 to vector<4x128x128xi32>
    %and3A_4175 = arith.andi %add3A, %and3A_4174 : vector<4x128x128xi32>
    %eq3A_4176 = arith.constant 0 : i32
    %eq3A_4177 = vector.broadcast %eq3A_4176 : i32 to vector<4x128x128xi32>
    %eq3A_4178 = arith.cmpi eq, %and3A_4175, %eq3A_4177 : vector<4x128x128xi32>
    %eq3A_4179 = arith.xori %eq3A_4172, %eq3A_4178 : vector<4x128x128xi1>
    %eq3A_4180 = arith.constant dense<true> : vector<4x128x128xi1>
    %eq3A_4181 = arith.xori %eq3A_4179, %eq3A_4180 : vector<4x128x128xi1>
    %xor3A_4182 = arith.xori %or3A_4166, %eq3A_4181 : vector<4x128x128xi1>
    %select_n3A_4183 = arith.select %xor3A_4182, %gather3A_4151, %select_n3A_4137 : vector<4x128x128xi1>, vector<4x128x128xf32>
    %select_n3A_4184 = arith.select %xor3A_4182, %gather3A_4161, %select_n3A_4138 : vector<4x128x128xi1>, vector<4x128x128xi32>
    %and3A_4185 = arith.constant 64 : i32
    %and3A_4186 = vector.broadcast %and3A_4185 : i32 to vector<4x128x128xi32>
    %and3A_4187 = arith.andi %iota3A, %and3A_4186 : vector<4x128x128xi32>
    %ne3A_4188 = arith.constant 0 : i32
    %ne3A_4189 = vector.broadcast %ne3A_4188 : i32 to vector<4x128x128xi32>
    %ne3A_4190 = arith.cmpi ne, %and3A_4187, %ne3A_4189 : vector<4x128x128xi32>
    %slice3A_4191 = vector.extract_strided_slice %select_n3A_4183 {offsets = [0, 64, 0], sizes = [4, 64, 128], strides = [1, 1, 1]} : vector<4x128x128xf32> to vector<4x64x128xf32>
    %slice3A_4192 = vector.extract_strided_slice %select_n3A_4183 {offsets = [0, 0, 0], sizes = [4, 64, 128], strides = [1, 1, 1]} : vector<4x128x128xf32> to vector<4x64x128xf32>
    %concatenate3A_4193 = tpu.concatenate %slice3A_4191, %slice3A_4192 in 1 : vector<4x64x128xf32>, vector<4x64x128xf32> -> vector<4x128x128xf32>
    %slice3A_4194 = vector.extract_strided_slice %select_n3A_4183 {offsets = [0, 64, 0], sizes = [4, 64, 128], strides = [1, 1, 1]} : vector<4x128x128xf32> to vector<4x64x128xf32>
    %slice3A_4195 = vector.extract_strided_slice %select_n3A_4183 {offsets = [0, 0, 0], sizes = [4, 64, 128], strides = [1, 1, 1]} : vector<4x128x128xf32> to vector<4x64x128xf32>
    %concatenate3A_4196 = tpu.concatenate %slice3A_4194, %slice3A_4195 in 1 : vector<4x64x128xf32>, vector<4x64x128xf32> -> vector<4x128x128xf32>
    %select_n3A_4197 = arith.select %ne3A_4190, %concatenate3A_4193, %concatenate3A_4196 : vector<4x128x128xi1>, vector<4x128x128xf32>
    %slice3A_4198 = vector.extract_strided_slice %select_n3A_4184 {offsets = [0, 64, 0], sizes = [4, 64, 128], strides = [1, 1, 1]} : vector<4x128x128xi32> to vector<4x64x128xi32>
    %slice3A_4199 = vector.extract_strided_slice %select_n3A_4184 {offsets = [0, 0, 0], sizes = [4, 64, 128], strides = [1, 1, 1]} : vector<4x128x128xi32> to vector<4x64x128xi32>
    %concatenate3A_4200 = tpu.concatenate %slice3A_4198, %slice3A_4199 in 1 : vector<4x64x128xi32>, vector<4x64x128xi32> -> vector<4x128x128xi32>
    %slice3A_4201 = vector.extract_strided_slice %select_n3A_4184 {offsets = [0, 64, 0], sizes = [4, 64, 128], strides = [1, 1, 1]} : vector<4x128x128xi32> to vector<4x64x128xi32>
    %slice3A_4202 = vector.extract_strided_slice %select_n3A_4184 {offsets = [0, 0, 0], sizes = [4, 64, 128], strides = [1, 1, 1]} : vector<4x128x128xi32> to vector<4x64x128xi32>
    %concatenate3A_4203 = tpu.concatenate %slice3A_4201, %slice3A_4202 in 1 : vector<4x64x128xi32>, vector<4x64x128xi32> -> vector<4x128x128xi32>
    %select_n3A_4204 = arith.select %ne3A_4190, %concatenate3A_4200, %concatenate3A_4203 : vector<4x128x128xi1>, vector<4x128x128xi32>
    %lt3A_4205 = arith.cmpf olt, %select_n3A_4183, %select_n3A_4197 : vector<4x128x128xf32>
    %eq3A_4206 = arith.cmpf oeq, %select_n3A_4183, %select_n3A_4197 : vector<4x128x128xf32>
    %lt3A_4207 = arith.cmpi slt, %select_n3A_4184, %select_n3A_4204 : vector<4x128x128xi32>
    %and3A_4208 = arith.andi %eq3A_4206, %lt3A_4207 : vector<4x128x128xi1>
    %or3A_4209 = arith.ori %lt3A_4205, %and3A_4208 : vector<4x128x128xi1>
    %and3A_4210 = arith.constant 16384 : i32
    %and3A_4211 = vector.broadcast %and3A_4210 : i32 to vector<4x128x128xi32>
    %and3A_4212 = arith.andi %add3A, %and3A_4211 : vector<4x128x128xi32>
    %eq3A_4213 = arith.constant 0 : i32
    %eq3A_4214 = vector.broadcast %eq3A_4213 : i32 to vector<4x128x128xi32>
    %eq3A_4215 = arith.cmpi eq, %and3A_4212, %eq3A_4214 : vector<4x128x128xi32>
    %and3A_4216 = arith.constant 8192 : i32
    %and3A_4217 = vector.broadcast %and3A_4216 : i32 to vector<4x128x128xi32>
    %and3A_4218 = arith.andi %add3A, %and3A_4217 : vector<4x128x128xi32>
    %eq3A_4219 = arith.constant 0 : i32
    %eq3A_4220 = vector.broadcast %eq3A_4219 : i32 to vector<4x128x128xi32>
    %eq3A_4221 = arith.cmpi eq, %and3A_4218, %eq3A_4220 : vector<4x128x128xi32>
    %eq3A_4222 = arith.xori %eq3A_4215, %eq3A_4221 : vector<4x128x128xi1>
    %eq3A_4223 = arith.constant dense<true> : vector<4x128x128xi1>
    %eq3A_4224 = arith.xori %eq3A_4222, %eq3A_4223 : vector<4x128x128xi1>
    %xor3A_4225 = arith.xori %or3A_4209, %eq3A_4224 : vector<4x128x128xi1>
    %select_n3A_4226 = arith.select %xor3A_4225, %select_n3A_4197, %select_n3A_4183 : vector<4x128x128xi1>, vector<4x128x128xf32>
    %select_n3A_4227 = arith.select %xor3A_4225, %select_n3A_4204, %select_n3A_4184 : vector<4x128x128xi1>, vector<4x128x128xi32>
    %and3A_4228 = arith.constant 32 : i32
    %and3A_4229 = vector.broadcast %and3A_4228 : i32 to vector<4x128x128xi32>
    %and3A_4230 = arith.andi %iota3A, %and3A_4229 : vector<4x128x128xi32>
    %ne3A_4231 = arith.constant 0 : i32
    %ne3A_4232 = vector.broadcast %ne3A_4231 : i32 to vector<4x128x128xi32>
    %ne3A_4233 = arith.cmpi ne, %and3A_4230, %ne3A_4232 : vector<4x128x128xi32>
    %slice3A_4234 = vector.extract_strided_slice %select_n3A_4226 {offsets = [0, 96, 0], sizes = [4, 32, 128], strides = [1, 1, 1]} : vector<4x128x128xf32> to vector<4x32x128xf32>
    %slice3A_4235 = vector.extract_strided_slice %select_n3A_4226 {offsets = [0, 0, 0], sizes = [4, 96, 128], strides = [1, 1, 1]} : vector<4x128x128xf32> to vector<4x96x128xf32>
    %concatenate3A_4236 = tpu.concatenate %slice3A_4234, %slice3A_4235 in 1 : vector<4x32x128xf32>, vector<4x96x128xf32> -> vector<4x128x128xf32>
    %slice3A_4237 = vector.extract_strided_slice %select_n3A_4226 {offsets = [0, 32, 0], sizes = [4, 96, 128], strides = [1, 1, 1]} : vector<4x128x128xf32> to vector<4x96x128xf32>
    %slice3A_4238 = vector.extract_strided_slice %select_n3A_4226 {offsets = [0, 0, 0], sizes = [4, 32, 128], strides = [1, 1, 1]} : vector<4x128x128xf32> to vector<4x32x128xf32>
    %concatenate3A_4239 = tpu.concatenate %slice3A_4237, %slice3A_4238 in 1 : vector<4x96x128xf32>, vector<4x32x128xf32> -> vector<4x128x128xf32>
    %select_n3A_4240 = arith.select %ne3A_4233, %concatenate3A_4236, %concatenate3A_4239 : vector<4x128x128xi1>, vector<4x128x128xf32>
    %slice3A_4241 = vector.extract_strided_slice %select_n3A_4227 {offsets = [0, 96, 0], sizes = [4, 32, 128], strides = [1, 1, 1]} : vector<4x128x128xi32> to vector<4x32x128xi32>
    %slice3A_4242 = vector.extract_strided_slice %select_n3A_4227 {offsets = [0, 0, 0], sizes = [4, 96, 128], strides = [1, 1, 1]} : vector<4x128x128xi32> to vector<4x96x128xi32>
    %concatenate3A_4243 = tpu.concatenate %slice3A_4241, %slice3A_4242 in 1 : vector<4x32x128xi32>, vector<4x96x128xi32> -> vector<4x128x128xi32>
    %slice3A_4244 = vector.extract_strided_slice %select_n3A_4227 {offsets = [0, 32, 0], sizes = [4, 96, 128], strides = [1, 1, 1]} : vector<4x128x128xi32> to vector<4x96x128xi32>
    %slice3A_4245 = vector.extract_strided_slice %select_n3A_4227 {offsets = [0, 0, 0], sizes = [4, 32, 128], strides = [1, 1, 1]} : vector<4x128x128xi32> to vector<4x32x128xi32>
    %concatenate3A_4246 = tpu.concatenate %slice3A_4244, %slice3A_4245 in 1 : vector<4x96x128xi32>, vector<4x32x128xi32> -> vector<4x128x128xi32>
    %select_n3A_4247 = arith.select %ne3A_4233, %concatenate3A_4243, %concatenate3A_4246 : vector<4x128x128xi1>, vector<4x128x128xi32>
    %lt3A_4248 = arith.cmpf olt, %select_n3A_4226, %select_n3A_4240 : vector<4x128x128xf32>
    %eq3A_4249 = arith.cmpf oeq, %select_n3A_4226, %select_n3A_4240 : vector<4x128x128xf32>
    %lt3A_4250 = arith.cmpi slt, %select_n3A_4227, %select_n3A_4247 : vector<4x128x128xi32>
    %and3A_4251 = arith.andi %eq3A_4249, %lt3A_4250 : vector<4x128x128xi1>
    %or3A_4252 = arith.ori %lt3A_4248, %and3A_4251 : vector<4x128x128xi1>
    %and3A_4253 = arith.constant 16384 : i32
    %and3A_4254 = vector.broadcast %and3A_4253 : i32 to vector<4x128x128xi32>
    %and3A_4255 = arith.andi %add3A, %and3A_4254 : vector<4x128x128xi32>
    %eq3A_4256 = arith.constant 0 : i32
    %eq3A_4257 = vector.broadcast %eq3A_4256 : i32 to vector<4x128x128xi32>
    %eq3A_4258 = arith.cmpi eq, %and3A_4255, %eq3A_4257 : vector<4x128x128xi32>
    %and3A_4259 = arith.constant 4096 : i32
    %and3A_4260 = vector.broadcast %and3A_4259 : i32 to vector<4x128x128xi32>
    %and3A_4261 = arith.andi %add3A, %and3A_4260 : vector<4x128x128xi32>
    %eq3A_4262 = arith.constant 0 : i32
    %eq3A_4263 = vector.broadcast %eq3A_4262 : i32 to vector<4x128x128xi32>
    %eq3A_4264 = arith.cmpi eq, %and3A_4261, %eq3A_4263 : vector<4x128x128xi32>
    %eq3A_4265 = arith.xori %eq3A_4258, %eq3A_4264 : vector<4x128x128xi1>
    %eq3A_4266 = arith.constant dense<true> : vector<4x128x128xi1>
    %eq3A_4267 = arith.xori %eq3A_4265, %eq3A_4266 : vector<4x128x128xi1>
    %xor3A_4268 = arith.xori %or3A_4252, %eq3A_4267 : vector<4x128x128xi1>
    %select_n3A_4269 = arith.select %xor3A_4268, %select_n3A_4240, %select_n3A_4226 : vector<4x128x128xi1>, vector<4x128x128xf32>
    %select_n3A_4270 = arith.select %xor3A_4268, %select_n3A_4247, %select_n3A_4227 : vector<4x128x128xi1>, vector<4x128x128xi32>
    %and3A_4271 = arith.constant 16 : i32
    %and3A_4272 = vector.broadcast %and3A_4271 : i32 to vector<4x128x128xi32>
    %and3A_4273 = arith.andi %iota3A, %and3A_4272 : vector<4x128x128xi32>
    %ne3A_4274 = arith.constant 0 : i32
    %ne3A_4275 = vector.broadcast %ne3A_4274 : i32 to vector<4x128x128xi32>
    %ne3A_4276 = arith.cmpi ne, %and3A_4273, %ne3A_4275 : vector<4x128x128xi32>
    %slice3A_4277 = vector.extract_strided_slice %select_n3A_4269 {offsets = [0, 112, 0], sizes = [4, 16, 128], strides = [1, 1, 1]} : vector<4x128x128xf32> to vector<4x16x128xf32>
    %slice3A_4278 = vector.extract_strided_slice %select_n3A_4269 {offsets = [0, 0, 0], sizes = [4, 112, 128], strides = [1, 1, 1]} : vector<4x128x128xf32> to vector<4x112x128xf32>
    %concatenate3A_4279 = tpu.concatenate %slice3A_4277, %slice3A_4278 in 1 : vector<4x16x128xf32>, vector<4x112x128xf32> -> vector<4x128x128xf32>
    %slice3A_4280 = vector.extract_strided_slice %select_n3A_4269 {offsets = [0, 16, 0], sizes = [4, 112, 128], strides = [1, 1, 1]} : vector<4x128x128xf32> to vector<4x112x128xf32>
    %slice3A_4281 = vector.extract_strided_slice %select_n3A_4269 {offsets = [0, 0, 0], sizes = [4, 16, 128], strides = [1, 1, 1]} : vector<4x128x128xf32> to vector<4x16x128xf32>
    %concatenate3A_4282 = tpu.concatenate %slice3A_4280, %slice3A_4281 in 1 : vector<4x112x128xf32>, vector<4x16x128xf32> -> vector<4x128x128xf32>
    %select_n3A_4283 = arith.select %ne3A_4276, %concatenate3A_4279, %concatenate3A_4282 : vector<4x128x128xi1>, vector<4x128x128xf32>
    %slice3A_4284 = vector.extract_strided_slice %select_n3A_4270 {offsets = [0, 112, 0], sizes = [4, 16, 128], strides = [1, 1, 1]} : vector<4x128x128xi32> to vector<4x16x128xi32>
    %slice3A_4285 = vector.extract_strided_slice %select_n3A_4270 {offsets = [0, 0, 0], sizes = [4, 112, 128], strides = [1, 1, 1]} : vector<4x128x128xi32> to vector<4x112x128xi32>
    %concatenate3A_4286 = tpu.concatenate %slice3A_4284, %slice3A_4285 in 1 : vector<4x16x128xi32>, vector<4x112x128xi32> -> vector<4x128x128xi32>
    %slice3A_4287 = vector.extract_strided_slice %select_n3A_4270 {offsets = [0, 16, 0], sizes = [4, 112, 128], strides = [1, 1, 1]} : vector<4x128x128xi32> to vector<4x112x128xi32>
    %slice3A_4288 = vector.extract_strided_slice %select_n3A_4270 {offsets = [0, 0, 0], sizes = [4, 16, 128], strides = [1, 1, 1]} : vector<4x128x128xi32> to vector<4x16x128xi32>
    %concatenate3A_4289 = tpu.concatenate %slice3A_4287, %slice3A_4288 in 1 : vector<4x112x128xi32>, vector<4x16x128xi32> -> vector<4x128x128xi32>
    %select_n3A_4290 = arith.select %ne3A_4276, %concatenate3A_4286, %concatenate3A_4289 : vector<4x128x128xi1>, vector<4x128x128xi32>
    %lt3A_4291 = arith.cmpf olt, %select_n3A_4269, %select_n3A_4283 : vector<4x128x128xf32>
    %eq3A_4292 = arith.cmpf oeq, %select_n3A_4269, %select_n3A_4283 : vector<4x128x128xf32>
    %lt3A_4293 = arith.cmpi slt, %select_n3A_4270, %select_n3A_4290 : vector<4x128x128xi32>
    %and3A_4294 = arith.andi %eq3A_4292, %lt3A_4293 : vector<4x128x128xi1>
    %or3A_4295 = arith.ori %lt3A_4291, %and3A_4294 : vector<4x128x128xi1>
    %and3A_4296 = arith.constant 16384 : i32
    %and3A_4297 = vector.broadcast %and3A_4296 : i32 to vector<4x128x128xi32>
    %and3A_4298 = arith.andi %add3A, %and3A_4297 : vector<4x128x128xi32>
    %eq3A_4299 = arith.constant 0 : i32
    %eq3A_4300 = vector.broadcast %eq3A_4299 : i32 to vector<4x128x128xi32>
    %eq3A_4301 = arith.cmpi eq, %and3A_4298, %eq3A_4300 : vector<4x128x128xi32>
    %and3A_4302 = arith.constant 2048 : i32
    %and3A_4303 = vector.broadcast %and3A_4302 : i32 to vector<4x128x128xi32>
    %and3A_4304 = arith.andi %add3A, %and3A_4303 : vector<4x128x128xi32>
    %eq3A_4305 = arith.constant 0 : i32
    %eq3A_4306 = vector.broadcast %eq3A_4305 : i32 to vector<4x128x128xi32>
    %eq3A_4307 = arith.cmpi eq, %and3A_4304, %eq3A_4306 : vector<4x128x128xi32>
    %eq3A_4308 = arith.xori %eq3A_4301, %eq3A_4307 : vector<4x128x128xi1>
    %eq3A_4309 = arith.constant dense<true> : vector<4x128x128xi1>
    %eq3A_4310 = arith.xori %eq3A_4308, %eq3A_4309 : vector<4x128x128xi1>
    %xor3A_4311 = arith.xori %or3A_4295, %eq3A_4310 : vector<4x128x128xi1>
    %select_n3A_4312 = arith.select %xor3A_4311, %select_n3A_4283, %select_n3A_4269 : vector<4x128x128xi1>, vector<4x128x128xf32>
    %select_n3A_4313 = arith.select %xor3A_4311, %select_n3A_4290, %select_n3A_4270 : vector<4x128x128xi1>, vector<4x128x128xi32>
    %and3A_4314 = arith.constant 8 : i32
    %and3A_4315 = vector.broadcast %and3A_4314 : i32 to vector<4x128x128xi32>
    %and3A_4316 = arith.andi %iota3A, %and3A_4315 : vector<4x128x128xi32>
    %ne3A_4317 = arith.constant 0 : i32
    %ne3A_4318 = vector.broadcast %ne3A_4317 : i32 to vector<4x128x128xi32>
    %ne3A_4319 = arith.cmpi ne, %and3A_4316, %ne3A_4318 : vector<4x128x128xi32>
    %slice3A_4320 = vector.extract_strided_slice %select_n3A_4312 {offsets = [0, 120, 0], sizes = [4, 8, 128], strides = [1, 1, 1]} : vector<4x128x128xf32> to vector<4x8x128xf32>
    %slice3A_4321 = vector.extract_strided_slice %select_n3A_4312 {offsets = [0, 0, 0], sizes = [4, 120, 128], strides = [1, 1, 1]} : vector<4x128x128xf32> to vector<4x120x128xf32>
    %concatenate3A_4322 = tpu.concatenate %slice3A_4320, %slice3A_4321 in 1 : vector<4x8x128xf32>, vector<4x120x128xf32> -> vector<4x128x128xf32>
    %slice3A_4323 = vector.extract_strided_slice %select_n3A_4312 {offsets = [0, 8, 0], sizes = [4, 120, 128], strides = [1, 1, 1]} : vector<4x128x128xf32> to vector<4x120x128xf32>
    %slice3A_4324 = vector.extract_strided_slice %select_n3A_4312 {offsets = [0, 0, 0], sizes = [4, 8, 128], strides = [1, 1, 1]} : vector<4x128x128xf32> to vector<4x8x128xf32>
    %concatenate3A_4325 = tpu.concatenate %slice3A_4323, %slice3A_4324 in 1 : vector<4x120x128xf32>, vector<4x8x128xf32> -> vector<4x128x128xf32>
    %select_n3A_4326 = arith.select %ne3A_4319, %concatenate3A_4322, %concatenate3A_4325 : vector<4x128x128xi1>, vector<4x128x128xf32>
    %slice3A_4327 = vector.extract_strided_slice %select_n3A_4313 {offsets = [0, 120, 0], sizes = [4, 8, 128], strides = [1, 1, 1]} : vector<4x128x128xi32> to vector<4x8x128xi32>
    %slice3A_4328 = vector.extract_strided_slice %select_n3A_4313 {offsets = [0, 0, 0], sizes = [4, 120, 128], strides = [1, 1, 1]} : vector<4x128x128xi32> to vector<4x120x128xi32>
    %concatenate3A_4329 = tpu.concatenate %slice3A_4327, %slice3A_4328 in 1 : vector<4x8x128xi32>, vector<4x120x128xi32> -> vector<4x128x128xi32>
    %slice3A_4330 = vector.extract_strided_slice %select_n3A_4313 {offsets = [0, 8, 0], sizes = [4, 120, 128], strides = [1, 1, 1]} : vector<4x128x128xi32> to vector<4x120x128xi32>
    %slice3A_4331 = vector.extract_strided_slice %select_n3A_4313 {offsets = [0, 0, 0], sizes = [4, 8, 128], strides = [1, 1, 1]} : vector<4x128x128xi32> to vector<4x8x128xi32>
    %concatenate3A_4332 = tpu.concatenate %slice3A_4330, %slice3A_4331 in 1 : vector<4x120x128xi32>, vector<4x8x128xi32> -> vector<4x128x128xi32>
    %select_n3A_4333 = arith.select %ne3A_4319, %concatenate3A_4329, %concatenate3A_4332 : vector<4x128x128xi1>, vector<4x128x128xi32>
    %lt3A_4334 = arith.cmpf olt, %select_n3A_4312, %select_n3A_4326 : vector<4x128x128xf32>
    %eq3A_4335 = arith.cmpf oeq, %select_n3A_4312, %select_n3A_4326 : vector<4x128x128xf32>
    %lt3A_4336 = arith.cmpi slt, %select_n3A_4313, %select_n3A_4333 : vector<4x128x128xi32>
    %and3A_4337 = arith.andi %eq3A_4335, %lt3A_4336 : vector<4x128x128xi1>
    %or3A_4338 = arith.ori %lt3A_4334, %and3A_4337 : vector<4x128x128xi1>
    %and3A_4339 = arith.constant 16384 : i32
    %and3A_4340 = vector.broadcast %and3A_4339 : i32 to vector<4x128x128xi32>
    %and3A_4341 = arith.andi %add3A, %and3A_4340 : vector<4x128x128xi32>
    %eq3A_4342 = arith.constant 0 : i32
    %eq3A_4343 = vector.broadcast %eq3A_4342 : i32 to vector<4x128x128xi32>
    %eq3A_4344 = arith.cmpi eq, %and3A_4341, %eq3A_4343 : vector<4x128x128xi32>
    %and3A_4345 = arith.constant 1024 : i32
    %and3A_4346 = vector.broadcast %and3A_4345 : i32 to vector<4x128x128xi32>
    %and3A_4347 = arith.andi %add3A, %and3A_4346 : vector<4x128x128xi32>
    %eq3A_4348 = arith.constant 0 : i32
    %eq3A_4349 = vector.broadcast %eq3A_4348 : i32 to vector<4x128x128xi32>
    %eq3A_4350 = arith.cmpi eq, %and3A_4347, %eq3A_4349 : vector<4x128x128xi32>
    %eq3A_4351 = arith.xori %eq3A_4344, %eq3A_4350 : vector<4x128x128xi1>
    %eq3A_4352 = arith.constant dense<true> : vector<4x128x128xi1>
    %eq3A_4353 = arith.xori %eq3A_4351, %eq3A_4352 : vector<4x128x128xi1>
    %xor3A_4354 = arith.xori %or3A_4338, %eq3A_4353 : vector<4x128x128xi1>
    %select_n3A_4355 = arith.select %xor3A_4354, %select_n3A_4326, %select_n3A_4312 : vector<4x128x128xi1>, vector<4x128x128xf32>
    %select_n3A_4356 = arith.select %xor3A_4354, %select_n3A_4333, %select_n3A_4313 : vector<4x128x128xi1>, vector<4x128x128xi32>
    %and3A_4357 = arith.constant 4 : i32
    %and3A_4358 = vector.broadcast %and3A_4357 : i32 to vector<4x128x128xi32>
    %and3A_4359 = arith.andi %iota3A, %and3A_4358 : vector<4x128x128xi32>
    %ne3A_4360 = arith.constant 0 : i32
    %ne3A_4361 = vector.broadcast %ne3A_4360 : i32 to vector<4x128x128xi32>
    %ne3A_4362 = arith.cmpi ne, %and3A_4359, %ne3A_4361 : vector<4x128x128xi32>
    %slice3A_4363 = vector.extract_strided_slice %select_n3A_4355 {offsets = [0, 124, 0], sizes = [4, 4, 128], strides = [1, 1, 1]} : vector<4x128x128xf32> to vector<4x4x128xf32>
    %slice3A_4364 = vector.extract_strided_slice %select_n3A_4355 {offsets = [0, 0, 0], sizes = [4, 124, 128], strides = [1, 1, 1]} : vector<4x128x128xf32> to vector<4x124x128xf32>
    %concatenate3A_4365 = tpu.concatenate %slice3A_4363, %slice3A_4364 in 1 : vector<4x4x128xf32>, vector<4x124x128xf32> -> vector<4x128x128xf32>
    %slice3A_4366 = vector.extract_strided_slice %select_n3A_4355 {offsets = [0, 4, 0], sizes = [4, 124, 128], strides = [1, 1, 1]} : vector<4x128x128xf32> to vector<4x124x128xf32>
    %slice3A_4367 = vector.extract_strided_slice %select_n3A_4355 {offsets = [0, 0, 0], sizes = [4, 4, 128], strides = [1, 1, 1]} : vector<4x128x128xf32> to vector<4x4x128xf32>
    %concatenate3A_4368 = tpu.concatenate %slice3A_4366, %slice3A_4367 in 1 : vector<4x124x128xf32>, vector<4x4x128xf32> -> vector<4x128x128xf32>
    %select_n3A_4369 = arith.select %ne3A_4362, %concatenate3A_4365, %concatenate3A_4368 : vector<4x128x128xi1>, vector<4x128x128xf32>
    %slice3A_4370 = vector.extract_strided_slice %select_n3A_4356 {offsets = [0, 124, 0], sizes = [4, 4, 128], strides = [1, 1, 1]} : vector<4x128x128xi32> to vector<4x4x128xi32>
    %slice3A_4371 = vector.extract_strided_slice %select_n3A_4356 {offsets = [0, 0, 0], sizes = [4, 124, 128], strides = [1, 1, 1]} : vector<4x128x128xi32> to vector<4x124x128xi32>
    %concatenate3A_4372 = tpu.concatenate %slice3A_4370, %slice3A_4371 in 1 : vector<4x4x128xi32>, vector<4x124x128xi32> -> vector<4x128x128xi32>
    %slice3A_4373 = vector.extract_strided_slice %select_n3A_4356 {offsets = [0, 4, 0], sizes = [4, 124, 128], strides = [1, 1, 1]} : vector<4x128x128xi32> to vector<4x124x128xi32>
    %slice3A_4374 = vector.extract_strided_slice %select_n3A_4356 {offsets = [0, 0, 0], sizes = [4, 4, 128], strides = [1, 1, 1]} : vector<4x128x128xi32> to vector<4x4x128xi32>
    %concatenate3A_4375 = tpu.concatenate %slice3A_4373, %slice3A_4374 in 1 : vector<4x124x128xi32>, vector<4x4x128xi32> -> vector<4x128x128xi32>
    %select_n3A_4376 = arith.select %ne3A_4362, %concatenate3A_4372, %concatenate3A_4375 : vector<4x128x128xi1>, vector<4x128x128xi32>
    %lt3A_4377 = arith.cmpf olt, %select_n3A_4355, %select_n3A_4369 : vector<4x128x128xf32>
    %eq3A_4378 = arith.cmpf oeq, %select_n3A_4355, %select_n3A_4369 : vector<4x128x128xf32>
    %lt3A_4379 = arith.cmpi slt, %select_n3A_4356, %select_n3A_4376 : vector<4x128x128xi32>
    %and3A_4380 = arith.andi %eq3A_4378, %lt3A_4379 : vector<4x128x128xi1>
    %or3A_4381 = arith.ori %lt3A_4377, %and3A_4380 : vector<4x128x128xi1>
    %and3A_4382 = arith.constant 16384 : i32
    %and3A_4383 = vector.broadcast %and3A_4382 : i32 to vector<4x128x128xi32>
    %and3A_4384 = arith.andi %add3A, %and3A_4383 : vector<4x128x128xi32>
    %eq3A_4385 = arith.constant 0 : i32
    %eq3A_4386 = vector.broadcast %eq3A_4385 : i32 to vector<4x128x128xi32>
    %eq3A_4387 = arith.cmpi eq, %and3A_4384, %eq3A_4386 : vector<4x128x128xi32>
    %and3A_4388 = arith.constant 512 : i32
    %and3A_4389 = vector.broadcast %and3A_4388 : i32 to vector<4x128x128xi32>
    %and3A_4390 = arith.andi %add3A, %and3A_4389 : vector<4x128x128xi32>
    %eq3A_4391 = arith.constant 0 : i32
    %eq3A_4392 = vector.broadcast %eq3A_4391 : i32 to vector<4x128x128xi32>
    %eq3A_4393 = arith.cmpi eq, %and3A_4390, %eq3A_4392 : vector<4x128x128xi32>
    %eq3A_4394 = arith.xori %eq3A_4387, %eq3A_4393 : vector<4x128x128xi1>
    %eq3A_4395 = arith.constant dense<true> : vector<4x128x128xi1>
    %eq3A_4396 = arith.xori %eq3A_4394, %eq3A_4395 : vector<4x128x128xi1>
    %xor3A_4397 = arith.xori %or3A_4381, %eq3A_4396 : vector<4x128x128xi1>
    %select_n3A_4398 = arith.select %xor3A_4397, %select_n3A_4369, %select_n3A_4355 : vector<4x128x128xi1>, vector<4x128x128xf32>
    %select_n3A_4399 = arith.select %xor3A_4397, %select_n3A_4376, %select_n3A_4356 : vector<4x128x128xi1>, vector<4x128x128xi32>
    %and3A_4400 = arith.constant 2 : i32
    %and3A_4401 = vector.broadcast %and3A_4400 : i32 to vector<4x128x128xi32>
    %and3A_4402 = arith.andi %iota3A, %and3A_4401 : vector<4x128x128xi32>
    %ne3A_4403 = arith.constant 0 : i32
    %ne3A_4404 = vector.broadcast %ne3A_4403 : i32 to vector<4x128x128xi32>
    %ne3A_4405 = arith.cmpi ne, %and3A_4402, %ne3A_4404 : vector<4x128x128xi32>
    %slice3A_4406 = vector.extract_strided_slice %select_n3A_4398 {offsets = [0, 126, 0], sizes = [4, 2, 128], strides = [1, 1, 1]} : vector<4x128x128xf32> to vector<4x2x128xf32>
    %slice3A_4407 = vector.extract_strided_slice %select_n3A_4398 {offsets = [0, 0, 0], sizes = [4, 126, 128], strides = [1, 1, 1]} : vector<4x128x128xf32> to vector<4x126x128xf32>
    %concatenate3A_4408 = tpu.concatenate %slice3A_4406, %slice3A_4407 in 1 : vector<4x2x128xf32>, vector<4x126x128xf32> -> vector<4x128x128xf32>
    %slice3A_4409 = vector.extract_strided_slice %select_n3A_4398 {offsets = [0, 2, 0], sizes = [4, 126, 128], strides = [1, 1, 1]} : vector<4x128x128xf32> to vector<4x126x128xf32>
    %slice3A_4410 = vector.extract_strided_slice %select_n3A_4398 {offsets = [0, 0, 0], sizes = [4, 2, 128], strides = [1, 1, 1]} : vector<4x128x128xf32> to vector<4x2x128xf32>
    %concatenate3A_4411 = tpu.concatenate %slice3A_4409, %slice3A_4410 in 1 : vector<4x126x128xf32>, vector<4x2x128xf32> -> vector<4x128x128xf32>
    %select_n3A_4412 = arith.select %ne3A_4405, %concatenate3A_4408, %concatenate3A_4411 : vector<4x128x128xi1>, vector<4x128x128xf32>
    %slice3A_4413 = vector.extract_strided_slice %select_n3A_4399 {offsets = [0, 126, 0], sizes = [4, 2, 128], strides = [1, 1, 1]} : vector<4x128x128xi32> to vector<4x2x128xi32>
    %slice3A_4414 = vector.extract_strided_slice %select_n3A_4399 {offsets = [0, 0, 0], sizes = [4, 126, 128], strides = [1, 1, 1]} : vector<4x128x128xi32> to vector<4x126x128xi32>
    %concatenate3A_4415 = tpu.concatenate %slice3A_4413, %slice3A_4414 in 1 : vector<4x2x128xi32>, vector<4x126x128xi32> -> vector<4x128x128xi32>
    %slice3A_4416 = vector.extract_strided_slice %select_n3A_4399 {offsets = [0, 2, 0], sizes = [4, 126, 128], strides = [1, 1, 1]} : vector<4x128x128xi32> to vector<4x126x128xi32>
    %slice3A_4417 = vector.extract_strided_slice %select_n3A_4399 {offsets = [0, 0, 0], sizes = [4, 2, 128], strides = [1, 1, 1]} : vector<4x128x128xi32> to vector<4x2x128xi32>
    %concatenate3A_4418 = tpu.concatenate %slice3A_4416, %slice3A_4417 in 1 : vector<4x126x128xi32>, vector<4x2x128xi32> -> vector<4x128x128xi32>
    %select_n3A_4419 = arith.select %ne3A_4405, %concatenate3A_4415, %concatenate3A_4418 : vector<4x128x128xi1>, vector<4x128x128xi32>
    %lt3A_4420 = arith.cmpf olt, %select_n3A_4398, %select_n3A_4412 : vector<4x128x128xf32>
    %eq3A_4421 = arith.cmpf oeq, %select_n3A_4398, %select_n3A_4412 : vector<4x128x128xf32>
    %lt3A_4422 = arith.cmpi slt, %select_n3A_4399, %select_n3A_4419 : vector<4x128x128xi32>
    %and3A_4423 = arith.andi %eq3A_4421, %lt3A_4422 : vector<4x128x128xi1>
    %or3A_4424 = arith.ori %lt3A_4420, %and3A_4423 : vector<4x128x128xi1>
    %and3A_4425 = arith.constant 16384 : i32
    %and3A_4426 = vector.broadcast %and3A_4425 : i32 to vector<4x128x128xi32>
    %and3A_4427 = arith.andi %add3A, %and3A_4426 : vector<4x128x128xi32>
    %eq3A_4428 = arith.constant 0 : i32
    %eq3A_4429 = vector.broadcast %eq3A_4428 : i32 to vector<4x128x128xi32>
    %eq3A_4430 = arith.cmpi eq, %and3A_4427, %eq3A_4429 : vector<4x128x128xi32>
    %and3A_4431 = arith.constant 256 : i32
    %and3A_4432 = vector.broadcast %and3A_4431 : i32 to vector<4x128x128xi32>
    %and3A_4433 = arith.andi %add3A, %and3A_4432 : vector<4x128x128xi32>
    %eq3A_4434 = arith.constant 0 : i32
    %eq3A_4435 = vector.broadcast %eq3A_4434 : i32 to vector<4x128x128xi32>
    %eq3A_4436 = arith.cmpi eq, %and3A_4433, %eq3A_4435 : vector<4x128x128xi32>
    %eq3A_4437 = arith.xori %eq3A_4430, %eq3A_4436 : vector<4x128x128xi1>
    %eq3A_4438 = arith.constant dense<true> : vector<4x128x128xi1>
    %eq3A_4439 = arith.xori %eq3A_4437, %eq3A_4438 : vector<4x128x128xi1>
    %xor3A_4440 = arith.xori %or3A_4424, %eq3A_4439 : vector<4x128x128xi1>
    %select_n3A_4441 = arith.select %xor3A_4440, %select_n3A_4412, %select_n3A_4398 : vector<4x128x128xi1>, vector<4x128x128xf32>
    %select_n3A_4442 = arith.select %xor3A_4440, %select_n3A_4419, %select_n3A_4399 : vector<4x128x128xi1>, vector<4x128x128xi32>
    %and3A_4443 = arith.constant 1 : i32
    %and3A_4444 = vector.broadcast %and3A_4443 : i32 to vector<4x128x128xi32>
    %and3A_4445 = arith.andi %iota3A, %and3A_4444 : vector<4x128x128xi32>
    %ne3A_4446 = arith.constant 0 : i32
    %ne3A_4447 = vector.broadcast %ne3A_4446 : i32 to vector<4x128x128xi32>
    %ne3A_4448 = arith.cmpi ne, %and3A_4445, %ne3A_4447 : vector<4x128x128xi32>
    %slice3A_4449 = vector.extract_strided_slice %select_n3A_4441 {offsets = [0, 127, 0], sizes = [4, 1, 128], strides = [1, 1, 1]} : vector<4x128x128xf32> to vector<4x1x128xf32>
    %slice3A_4450 = vector.extract_strided_slice %select_n3A_4441 {offsets = [0, 0, 0], sizes = [4, 127, 128], strides = [1, 1, 1]} : vector<4x128x128xf32> to vector<4x127x128xf32>
    %concatenate3A_4451 = tpu.concatenate %slice3A_4449, %slice3A_4450 in 1 : vector<4x1x128xf32>, vector<4x127x128xf32> -> vector<4x128x128xf32>
    %slice3A_4452 = vector.extract_strided_slice %select_n3A_4441 {offsets = [0, 1, 0], sizes = [4, 127, 128], strides = [1, 1, 1]} : vector<4x128x128xf32> to vector<4x127x128xf32>
    %slice3A_4453 = vector.extract_strided_slice %select_n3A_4441 {offsets = [0, 0, 0], sizes = [4, 1, 128], strides = [1, 1, 1]} : vector<4x128x128xf32> to vector<4x1x128xf32>
    %concatenate3A_4454 = tpu.concatenate %slice3A_4452, %slice3A_4453 in 1 : vector<4x127x128xf32>, vector<4x1x128xf32> -> vector<4x128x128xf32>
    %select_n3A_4455 = arith.select %ne3A_4448, %concatenate3A_4451, %concatenate3A_4454 : vector<4x128x128xi1>, vector<4x128x128xf32>
    %slice3A_4456 = vector.extract_strided_slice %select_n3A_4442 {offsets = [0, 127, 0], sizes = [4, 1, 128], strides = [1, 1, 1]} : vector<4x128x128xi32> to vector<4x1x128xi32>
    %slice3A_4457 = vector.extract_strided_slice %select_n3A_4442 {offsets = [0, 0, 0], sizes = [4, 127, 128], strides = [1, 1, 1]} : vector<4x128x128xi32> to vector<4x127x128xi32>
    %concatenate3A_4458 = tpu.concatenate %slice3A_4456, %slice3A_4457 in 1 : vector<4x1x128xi32>, vector<4x127x128xi32> -> vector<4x128x128xi32>
    %slice3A_4459 = vector.extract_strided_slice %select_n3A_4442 {offsets = [0, 1, 0], sizes = [4, 127, 128], strides = [1, 1, 1]} : vector<4x128x128xi32> to vector<4x127x128xi32>
    %slice3A_4460 = vector.extract_strided_slice %select_n3A_4442 {offsets = [0, 0, 0], sizes = [4, 1, 128], strides = [1, 1, 1]} : vector<4x128x128xi32> to vector<4x1x128xi32>
    %concatenate3A_4461 = tpu.concatenate %slice3A_4459, %slice3A_4460 in 1 : vector<4x127x128xi32>, vector<4x1x128xi32> -> vector<4x128x128xi32>
    %select_n3A_4462 = arith.select %ne3A_4448, %concatenate3A_4458, %concatenate3A_4461 : vector<4x128x128xi1>, vector<4x128x128xi32>
    %lt3A_4463 = arith.cmpf olt, %select_n3A_4441, %select_n3A_4455 : vector<4x128x128xf32>
    %eq3A_4464 = arith.cmpf oeq, %select_n3A_4441, %select_n3A_4455 : vector<4x128x128xf32>
    %lt3A_4465 = arith.cmpi slt, %select_n3A_4442, %select_n3A_4462 : vector<4x128x128xi32>
    %and3A_4466 = arith.andi %eq3A_4464, %lt3A_4465 : vector<4x128x128xi1>
    %or3A_4467 = arith.ori %lt3A_4463, %and3A_4466 : vector<4x128x128xi1>
    %and3A_4468 = arith.constant 16384 : i32
    %and3A_4469 = vector.broadcast %and3A_4468 : i32 to vector<4x128x128xi32>
    %and3A_4470 = arith.andi %add3A, %and3A_4469 : vector<4x128x128xi32>
    %eq3A_4471 = arith.constant 0 : i32
    %eq3A_4472 = vector.broadcast %eq3A_4471 : i32 to vector<4x128x128xi32>
    %eq3A_4473 = arith.cmpi eq, %and3A_4470, %eq3A_4472 : vector<4x128x128xi32>
    %and3A_4474 = arith.constant 128 : i32
    %and3A_4475 = vector.broadcast %and3A_4474 : i32 to vector<4x128x128xi32>
    %and3A_4476 = arith.andi %add3A, %and3A_4475 : vector<4x128x128xi32>
    %eq3A_4477 = arith.constant 0 : i32
    %eq3A_4478 = vector.broadcast %eq3A_4477 : i32 to vector<4x128x128xi32>
    %eq3A_4479 = arith.cmpi eq, %and3A_4476, %eq3A_4478 : vector<4x128x128xi32>
    %eq3A_4480 = arith.xori %eq3A_4473, %eq3A_4479 : vector<4x128x128xi1>
    %eq3A_4481 = arith.constant dense<true> : vector<4x128x128xi1>
    %eq3A_4482 = arith.xori %eq3A_4480, %eq3A_4481 : vector<4x128x128xi1>
    %xor3A_4483 = arith.xori %or3A_4467, %eq3A_4482 : vector<4x128x128xi1>
    %select_n3A_4484 = arith.select %xor3A_4483, %select_n3A_4455, %select_n3A_4441 : vector<4x128x128xi1>, vector<4x128x128xf32>
    %select_n3A_4485 = arith.select %xor3A_4483, %select_n3A_4462, %select_n3A_4442 : vector<4x128x128xi1>, vector<4x128x128xi32>
    %xor3A_4486 = arith.constant 64 : i32
    %xor3A_4487 = vector.broadcast %xor3A_4486 : i32 to vector<4x128x128xi32>
    %xor3A_4488 = arith.xori %iota3A_7, %xor3A_4487 : vector<4x128x128xi32>
    %lt3A_4489 = arith.constant 0 : i32
    %lt3A_4490 = vector.broadcast %lt3A_4489 : i32 to vector<4x128x128xi32>
    %lt3A_4491 = arith.cmpi slt, %xor3A_4488, %lt3A_4490 : vector<4x128x128xi32>
    %add3A_4492 = arith.constant 128 : i32
    %add3A_4493 = vector.broadcast %add3A_4492 : i32 to vector<4x128x128xi32>
    %add3A_4494 = arith.addi %xor3A_4488, %add3A_4493 : vector<4x128x128xi32>
    %select_n3A_4495 = arith.select %lt3A_4491, %add3A_4494, %xor3A_4488 : vector<4x128x128xi1>, vector<4x128x128xi32>
    %reshape3A_4496 = vector.shape_cast %select_n3A_4495 : vector<4x128x128xi32> to vector<4x128x128x1xi32>
    %gather3A_4497 = vector.shape_cast %reshape3A_4496 : vector<4x128x128x1xi32> to vector<4x128x128xi32>
    %gather3A_4498 = tpu.dynamic_gather %select_n3A_4484[%gather3A_4497] in [2] : vector<4x128x128xf32>, vector<4x128x128xi32> -> vector<4x128x128xf32>
    %lt3A_4499 = arith.constant 0 : i32
    %lt3A_4500 = vector.broadcast %lt3A_4499 : i32 to vector<4x128x128xi32>
    %lt3A_4501 = arith.cmpi slt, %xor3A_4488, %lt3A_4500 : vector<4x128x128xi32>
    %add3A_4502 = arith.constant 128 : i32
    %add3A_4503 = vector.broadcast %add3A_4502 : i32 to vector<4x128x128xi32>
    %add3A_4504 = arith.addi %xor3A_4488, %add3A_4503 : vector<4x128x128xi32>
    %select_n3A_4505 = arith.select %lt3A_4501, %add3A_4504, %xor3A_4488 : vector<4x128x128xi1>, vector<4x128x128xi32>
    %reshape3A_4506 = vector.shape_cast %select_n3A_4505 : vector<4x128x128xi32> to vector<4x128x128x1xi32>
    %gather3A_4507 = vector.shape_cast %reshape3A_4506 : vector<4x128x128x1xi32> to vector<4x128x128xi32>
    %gather3A_4508 = tpu.dynamic_gather %select_n3A_4485[%gather3A_4507] in [2] : vector<4x128x128xi32>, vector<4x128x128xi32> -> vector<4x128x128xi32>
    %lt3A_4509 = arith.cmpf olt, %select_n3A_4484, %gather3A_4498 : vector<4x128x128xf32>
    %eq3A_4510 = arith.cmpf oeq, %select_n3A_4484, %gather3A_4498 : vector<4x128x128xf32>
    %lt3A_4511 = arith.cmpi slt, %select_n3A_4485, %gather3A_4508 : vector<4x128x128xi32>
    %and3A_4512 = arith.andi %eq3A_4510, %lt3A_4511 : vector<4x128x128xi1>
    %or3A_4513 = arith.ori %lt3A_4509, %and3A_4512 : vector<4x128x128xi1>
    %and3A_4514 = arith.constant 16384 : i32
    %and3A_4515 = vector.broadcast %and3A_4514 : i32 to vector<4x128x128xi32>
    %and3A_4516 = arith.andi %add3A, %and3A_4515 : vector<4x128x128xi32>
    %eq3A_4517 = arith.constant 0 : i32
    %eq3A_4518 = vector.broadcast %eq3A_4517 : i32 to vector<4x128x128xi32>
    %eq3A_4519 = arith.cmpi eq, %and3A_4516, %eq3A_4518 : vector<4x128x128xi32>
    %and3A_4520 = arith.constant 64 : i32
    %and3A_4521 = vector.broadcast %and3A_4520 : i32 to vector<4x128x128xi32>
    %and3A_4522 = arith.andi %add3A, %and3A_4521 : vector<4x128x128xi32>
    %eq3A_4523 = arith.constant 0 : i32
    %eq3A_4524 = vector.broadcast %eq3A_4523 : i32 to vector<4x128x128xi32>
    %eq3A_4525 = arith.cmpi eq, %and3A_4522, %eq3A_4524 : vector<4x128x128xi32>
    %eq3A_4526 = arith.xori %eq3A_4519, %eq3A_4525 : vector<4x128x128xi1>
    %eq3A_4527 = arith.constant dense<true> : vector<4x128x128xi1>
    %eq3A_4528 = arith.xori %eq3A_4526, %eq3A_4527 : vector<4x128x128xi1>
    %xor3A_4529 = arith.xori %or3A_4513, %eq3A_4528 : vector<4x128x128xi1>
    %select_n3A_4530 = arith.select %xor3A_4529, %gather3A_4498, %select_n3A_4484 : vector<4x128x128xi1>, vector<4x128x128xf32>
    %select_n3A_4531 = arith.select %xor3A_4529, %gather3A_4508, %select_n3A_4485 : vector<4x128x128xi1>, vector<4x128x128xi32>
    %xor3A_4532 = arith.constant 32 : i32
    %xor3A_4533 = vector.broadcast %xor3A_4532 : i32 to vector<4x128x128xi32>
    %xor3A_4534 = arith.xori %iota3A_7, %xor3A_4533 : vector<4x128x128xi32>
    %lt3A_4535 = arith.constant 0 : i32
    %lt3A_4536 = vector.broadcast %lt3A_4535 : i32 to vector<4x128x128xi32>
    %lt3A_4537 = arith.cmpi slt, %xor3A_4534, %lt3A_4536 : vector<4x128x128xi32>
    %add3A_4538 = arith.constant 128 : i32
    %add3A_4539 = vector.broadcast %add3A_4538 : i32 to vector<4x128x128xi32>
    %add3A_4540 = arith.addi %xor3A_4534, %add3A_4539 : vector<4x128x128xi32>
    %select_n3A_4541 = arith.select %lt3A_4537, %add3A_4540, %xor3A_4534 : vector<4x128x128xi1>, vector<4x128x128xi32>
    %reshape3A_4542 = vector.shape_cast %select_n3A_4541 : vector<4x128x128xi32> to vector<4x128x128x1xi32>
    %gather3A_4543 = vector.shape_cast %reshape3A_4542 : vector<4x128x128x1xi32> to vector<4x128x128xi32>
    %gather3A_4544 = tpu.dynamic_gather %select_n3A_4530[%gather3A_4543] in [2] : vector<4x128x128xf32>, vector<4x128x128xi32> -> vector<4x128x128xf32>
    %lt3A_4545 = arith.constant 0 : i32
    %lt3A_4546 = vector.broadcast %lt3A_4545 : i32 to vector<4x128x128xi32>
    %lt3A_4547 = arith.cmpi slt, %xor3A_4534, %lt3A_4546 : vector<4x128x128xi32>
    %add3A_4548 = arith.constant 128 : i32
    %add3A_4549 = vector.broadcast %add3A_4548 : i32 to vector<4x128x128xi32>
    %add3A_4550 = arith.addi %xor3A_4534, %add3A_4549 : vector<4x128x128xi32>
    %select_n3A_4551 = arith.select %lt3A_4547, %add3A_4550, %xor3A_4534 : vector<4x128x128xi1>, vector<4x128x128xi32>
    %reshape3A_4552 = vector.shape_cast %select_n3A_4551 : vector<4x128x128xi32> to vector<4x128x128x1xi32>
    %gather3A_4553 = vector.shape_cast %reshape3A_4552 : vector<4x128x128x1xi32> to vector<4x128x128xi32>
    %gather3A_4554 = tpu.dynamic_gather %select_n3A_4531[%gather3A_4553] in [2] : vector<4x128x128xi32>, vector<4x128x128xi32> -> vector<4x128x128xi32>
    %lt3A_4555 = arith.cmpf olt, %select_n3A_4530, %gather3A_4544 : vector<4x128x128xf32>
    %eq3A_4556 = arith.cmpf oeq, %select_n3A_4530, %gather3A_4544 : vector<4x128x128xf32>
    %lt3A_4557 = arith.cmpi slt, %select_n3A_4531, %gather3A_4554 : vector<4x128x128xi32>
    %and3A_4558 = arith.andi %eq3A_4556, %lt3A_4557 : vector<4x128x128xi1>
    %or3A_4559 = arith.ori %lt3A_4555, %and3A_4558 : vector<4x128x128xi1>
    %and3A_4560 = arith.constant 16384 : i32
    %and3A_4561 = vector.broadcast %and3A_4560 : i32 to vector<4x128x128xi32>
    %and3A_4562 = arith.andi %add3A, %and3A_4561 : vector<4x128x128xi32>
    %eq3A_4563 = arith.constant 0 : i32
    %eq3A_4564 = vector.broadcast %eq3A_4563 : i32 to vector<4x128x128xi32>
    %eq3A_4565 = arith.cmpi eq, %and3A_4562, %eq3A_4564 : vector<4x128x128xi32>
    %and3A_4566 = arith.constant 32 : i32
    %and3A_4567 = vector.broadcast %and3A_4566 : i32 to vector<4x128x128xi32>
    %and3A_4568 = arith.andi %add3A, %and3A_4567 : vector<4x128x128xi32>
    %eq3A_4569 = arith.constant 0 : i32
    %eq3A_4570 = vector.broadcast %eq3A_4569 : i32 to vector<4x128x128xi32>
    %eq3A_4571 = arith.cmpi eq, %and3A_4568, %eq3A_4570 : vector<4x128x128xi32>
    %eq3A_4572 = arith.xori %eq3A_4565, %eq3A_4571 : vector<4x128x128xi1>
    %eq3A_4573 = arith.constant dense<true> : vector<4x128x128xi1>
    %eq3A_4574 = arith.xori %eq3A_4572, %eq3A_4573 : vector<4x128x128xi1>
    %xor3A_4575 = arith.xori %or3A_4559, %eq3A_4574 : vector<4x128x128xi1>
    %select_n3A_4576 = arith.select %xor3A_4575, %gather3A_4544, %select_n3A_4530 : vector<4x128x128xi1>, vector<4x128x128xf32>
    %select_n3A_4577 = arith.select %xor3A_4575, %gather3A_4554, %select_n3A_4531 : vector<4x128x128xi1>, vector<4x128x128xi32>
    %xor3A_4578 = arith.constant 16 : i32
    %xor3A_4579 = vector.broadcast %xor3A_4578 : i32 to vector<4x128x128xi32>
    %xor3A_4580 = arith.xori %iota3A_7, %xor3A_4579 : vector<4x128x128xi32>
    %lt3A_4581 = arith.constant 0 : i32
    %lt3A_4582 = vector.broadcast %lt3A_4581 : i32 to vector<4x128x128xi32>
    %lt3A_4583 = arith.cmpi slt, %xor3A_4580, %lt3A_4582 : vector<4x128x128xi32>
    %add3A_4584 = arith.constant 128 : i32
    %add3A_4585 = vector.broadcast %add3A_4584 : i32 to vector<4x128x128xi32>
    %add3A_4586 = arith.addi %xor3A_4580, %add3A_4585 : vector<4x128x128xi32>
    %select_n3A_4587 = arith.select %lt3A_4583, %add3A_4586, %xor3A_4580 : vector<4x128x128xi1>, vector<4x128x128xi32>
    %reshape3A_4588 = vector.shape_cast %select_n3A_4587 : vector<4x128x128xi32> to vector<4x128x128x1xi32>
    %gather3A_4589 = vector.shape_cast %reshape3A_4588 : vector<4x128x128x1xi32> to vector<4x128x128xi32>
    %gather3A_4590 = tpu.dynamic_gather %select_n3A_4576[%gather3A_4589] in [2] : vector<4x128x128xf32>, vector<4x128x128xi32> -> vector<4x128x128xf32>
    %lt3A_4591 = arith.constant 0 : i32
    %lt3A_4592 = vector.broadcast %lt3A_4591 : i32 to vector<4x128x128xi32>
    %lt3A_4593 = arith.cmpi slt, %xor3A_4580, %lt3A_4592 : vector<4x128x128xi32>
    %add3A_4594 = arith.constant 128 : i32
    %add3A_4595 = vector.broadcast %add3A_4594 : i32 to vector<4x128x128xi32>
    %add3A_4596 = arith.addi %xor3A_4580, %add3A_4595 : vector<4x128x128xi32>
    %select_n3A_4597 = arith.select %lt3A_4593, %add3A_4596, %xor3A_4580 : vector<4x128x128xi1>, vector<4x128x128xi32>
    %reshape3A_4598 = vector.shape_cast %select_n3A_4597 : vector<4x128x128xi32> to vector<4x128x128x1xi32>
    %gather3A_4599 = vector.shape_cast %reshape3A_4598 : vector<4x128x128x1xi32> to vector<4x128x128xi32>
    %gather3A_4600 = tpu.dynamic_gather %select_n3A_4577[%gather3A_4599] in [2] : vector<4x128x128xi32>, vector<4x128x128xi32> -> vector<4x128x128xi32>
    %lt3A_4601 = arith.cmpf olt, %select_n3A_4576, %gather3A_4590 : vector<4x128x128xf32>
    %eq3A_4602 = arith.cmpf oeq, %select_n3A_4576, %gather3A_4590 : vector<4x128x128xf32>
    %lt3A_4603 = arith.cmpi slt, %select_n3A_4577, %gather3A_4600 : vector<4x128x128xi32>
    %and3A_4604 = arith.andi %eq3A_4602, %lt3A_4603 : vector<4x128x128xi1>
    %or3A_4605 = arith.ori %lt3A_4601, %and3A_4604 : vector<4x128x128xi1>
    %and3A_4606 = arith.constant 16384 : i32
    %and3A_4607 = vector.broadcast %and3A_4606 : i32 to vector<4x128x128xi32>
    %and3A_4608 = arith.andi %add3A, %and3A_4607 : vector<4x128x128xi32>
    %eq3A_4609 = arith.constant 0 : i32
    %eq3A_4610 = vector.broadcast %eq3A_4609 : i32 to vector<4x128x128xi32>
    %eq3A_4611 = arith.cmpi eq, %and3A_4608, %eq3A_4610 : vector<4x128x128xi32>
    %and3A_4612 = arith.constant 16 : i32
    %and3A_4613 = vector.broadcast %and3A_4612 : i32 to vector<4x128x128xi32>
    %and3A_4614 = arith.andi %add3A, %and3A_4613 : vector<4x128x128xi32>
    %eq3A_4615 = arith.constant 0 : i32
    %eq3A_4616 = vector.broadcast %eq3A_4615 : i32 to vector<4x128x128xi32>
    %eq3A_4617 = arith.cmpi eq, %and3A_4614, %eq3A_4616 : vector<4x128x128xi32>
    %eq3A_4618 = arith.xori %eq3A_4611, %eq3A_4617 : vector<4x128x128xi1>
    %eq3A_4619 = arith.constant dense<true> : vector<4x128x128xi1>
    %eq3A_4620 = arith.xori %eq3A_4618, %eq3A_4619 : vector<4x128x128xi1>
    %xor3A_4621 = arith.xori %or3A_4605, %eq3A_4620 : vector<4x128x128xi1>
    %select_n3A_4622 = arith.select %xor3A_4621, %gather3A_4590, %select_n3A_4576 : vector<4x128x128xi1>, vector<4x128x128xf32>
    %select_n3A_4623 = arith.select %xor3A_4621, %gather3A_4600, %select_n3A_4577 : vector<4x128x128xi1>, vector<4x128x128xi32>
    %xor3A_4624 = arith.constant 8 : i32
    %xor3A_4625 = vector.broadcast %xor3A_4624 : i32 to vector<4x128x128xi32>
    %xor3A_4626 = arith.xori %iota3A_7, %xor3A_4625 : vector<4x128x128xi32>
    %lt3A_4627 = arith.constant 0 : i32
    %lt3A_4628 = vector.broadcast %lt3A_4627 : i32 to vector<4x128x128xi32>
    %lt3A_4629 = arith.cmpi slt, %xor3A_4626, %lt3A_4628 : vector<4x128x128xi32>
    %add3A_4630 = arith.constant 128 : i32
    %add3A_4631 = vector.broadcast %add3A_4630 : i32 to vector<4x128x128xi32>
    %add3A_4632 = arith.addi %xor3A_4626, %add3A_4631 : vector<4x128x128xi32>
    %select_n3A_4633 = arith.select %lt3A_4629, %add3A_4632, %xor3A_4626 : vector<4x128x128xi1>, vector<4x128x128xi32>
    %reshape3A_4634 = vector.shape_cast %select_n3A_4633 : vector<4x128x128xi32> to vector<4x128x128x1xi32>
    %gather3A_4635 = vector.shape_cast %reshape3A_4634 : vector<4x128x128x1xi32> to vector<4x128x128xi32>
    %gather3A_4636 = tpu.dynamic_gather %select_n3A_4622[%gather3A_4635] in [2] : vector<4x128x128xf32>, vector<4x128x128xi32> -> vector<4x128x128xf32>
    %lt3A_4637 = arith.constant 0 : i32
    %lt3A_4638 = vector.broadcast %lt3A_4637 : i32 to vector<4x128x128xi32>
    %lt3A_4639 = arith.cmpi slt, %xor3A_4626, %lt3A_4638 : vector<4x128x128xi32>
    %add3A_4640 = arith.constant 128 : i32
    %add3A_4641 = vector.broadcast %add3A_4640 : i32 to vector<4x128x128xi32>
    %add3A_4642 = arith.addi %xor3A_4626, %add3A_4641 : vector<4x128x128xi32>
    %select_n3A_4643 = arith.select %lt3A_4639, %add3A_4642, %xor3A_4626 : vector<4x128x128xi1>, vector<4x128x128xi32>
    %reshape3A_4644 = vector.shape_cast %select_n3A_4643 : vector<4x128x128xi32> to vector<4x128x128x1xi32>
    %gather3A_4645 = vector.shape_cast %reshape3A_4644 : vector<4x128x128x1xi32> to vector<4x128x128xi32>
    %gather3A_4646 = tpu.dynamic_gather %select_n3A_4623[%gather3A_4645] in [2] : vector<4x128x128xi32>, vector<4x128x128xi32> -> vector<4x128x128xi32>
    %lt3A_4647 = arith.cmpf olt, %select_n3A_4622, %gather3A_4636 : vector<4x128x128xf32>
    %eq3A_4648 = arith.cmpf oeq, %select_n3A_4622, %gather3A_4636 : vector<4x128x128xf32>
    %lt3A_4649 = arith.cmpi slt, %select_n3A_4623, %gather3A_4646 : vector<4x128x128xi32>
    %and3A_4650 = arith.andi %eq3A_4648, %lt3A_4649 : vector<4x128x128xi1>
    %or3A_4651 = arith.ori %lt3A_4647, %and3A_4650 : vector<4x128x128xi1>
    %and3A_4652 = arith.constant 16384 : i32
    %and3A_4653 = vector.broadcast %and3A_4652 : i32 to vector<4x128x128xi32>
    %and3A_4654 = arith.andi %add3A, %and3A_4653 : vector<4x128x128xi32>
    %eq3A_4655 = arith.constant 0 : i32
    %eq3A_4656 = vector.broadcast %eq3A_4655 : i32 to vector<4x128x128xi32>
    %eq3A_4657 = arith.cmpi eq, %and3A_4654, %eq3A_4656 : vector<4x128x128xi32>
    %and3A_4658 = arith.constant 8 : i32
    %and3A_4659 = vector.broadcast %and3A_4658 : i32 to vector<4x128x128xi32>
    %and3A_4660 = arith.andi %add3A, %and3A_4659 : vector<4x128x128xi32>
    %eq3A_4661 = arith.constant 0 : i32
    %eq3A_4662 = vector.broadcast %eq3A_4661 : i32 to vector<4x128x128xi32>
    %eq3A_4663 = arith.cmpi eq, %and3A_4660, %eq3A_4662 : vector<4x128x128xi32>
    %eq3A_4664 = arith.xori %eq3A_4657, %eq3A_4663 : vector<4x128x128xi1>
    %eq3A_4665 = arith.constant dense<true> : vector<4x128x128xi1>
    %eq3A_4666 = arith.xori %eq3A_4664, %eq3A_4665 : vector<4x128x128xi1>
    %xor3A_4667 = arith.xori %or3A_4651, %eq3A_4666 : vector<4x128x128xi1>
    %select_n3A_4668 = arith.select %xor3A_4667, %gather3A_4636, %select_n3A_4622 : vector<4x128x128xi1>, vector<4x128x128xf32>
    %select_n3A_4669 = arith.select %xor3A_4667, %gather3A_4646, %select_n3A_4623 : vector<4x128x128xi1>, vector<4x128x128xi32>
    %xor3A_4670 = arith.constant 4 : i32
    %xor3A_4671 = vector.broadcast %xor3A_4670 : i32 to vector<4x128x128xi32>
    %xor3A_4672 = arith.xori %iota3A_7, %xor3A_4671 : vector<4x128x128xi32>
    %lt3A_4673 = arith.constant 0 : i32
    %lt3A_4674 = vector.broadcast %lt3A_4673 : i32 to vector<4x128x128xi32>
    %lt3A_4675 = arith.cmpi slt, %xor3A_4672, %lt3A_4674 : vector<4x128x128xi32>
    %add3A_4676 = arith.constant 128 : i32
    %add3A_4677 = vector.broadcast %add3A_4676 : i32 to vector<4x128x128xi32>
    %add3A_4678 = arith.addi %xor3A_4672, %add3A_4677 : vector<4x128x128xi32>
    %select_n3A_4679 = arith.select %lt3A_4675, %add3A_4678, %xor3A_4672 : vector<4x128x128xi1>, vector<4x128x128xi32>
    %reshape3A_4680 = vector.shape_cast %select_n3A_4679 : vector<4x128x128xi32> to vector<4x128x128x1xi32>
    %gather3A_4681 = vector.shape_cast %reshape3A_4680 : vector<4x128x128x1xi32> to vector<4x128x128xi32>
    %gather3A_4682 = tpu.dynamic_gather %select_n3A_4668[%gather3A_4681] in [2] : vector<4x128x128xf32>, vector<4x128x128xi32> -> vector<4x128x128xf32>
    %lt3A_4683 = arith.constant 0 : i32
    %lt3A_4684 = vector.broadcast %lt3A_4683 : i32 to vector<4x128x128xi32>
    %lt3A_4685 = arith.cmpi slt, %xor3A_4672, %lt3A_4684 : vector<4x128x128xi32>
    %add3A_4686 = arith.constant 128 : i32
    %add3A_4687 = vector.broadcast %add3A_4686 : i32 to vector<4x128x128xi32>
    %add3A_4688 = arith.addi %xor3A_4672, %add3A_4687 : vector<4x128x128xi32>
    %select_n3A_4689 = arith.select %lt3A_4685, %add3A_4688, %xor3A_4672 : vector<4x128x128xi1>, vector<4x128x128xi32>
    %reshape3A_4690 = vector.shape_cast %select_n3A_4689 : vector<4x128x128xi32> to vector<4x128x128x1xi32>
    %gather3A_4691 = vector.shape_cast %reshape3A_4690 : vector<4x128x128x1xi32> to vector<4x128x128xi32>
    %gather3A_4692 = tpu.dynamic_gather %select_n3A_4669[%gather3A_4691] in [2] : vector<4x128x128xi32>, vector<4x128x128xi32> -> vector<4x128x128xi32>
    %lt3A_4693 = arith.cmpf olt, %select_n3A_4668, %gather3A_4682 : vector<4x128x128xf32>
    %eq3A_4694 = arith.cmpf oeq, %select_n3A_4668, %gather3A_4682 : vector<4x128x128xf32>
    %lt3A_4695 = arith.cmpi slt, %select_n3A_4669, %gather3A_4692 : vector<4x128x128xi32>
    %and3A_4696 = arith.andi %eq3A_4694, %lt3A_4695 : vector<4x128x128xi1>
    %or3A_4697 = arith.ori %lt3A_4693, %and3A_4696 : vector<4x128x128xi1>
    %and3A_4698 = arith.constant 16384 : i32
    %and3A_4699 = vector.broadcast %and3A_4698 : i32 to vector<4x128x128xi32>
    %and3A_4700 = arith.andi %add3A, %and3A_4699 : vector<4x128x128xi32>
    %eq3A_4701 = arith.constant 0 : i32
    %eq3A_4702 = vector.broadcast %eq3A_4701 : i32 to vector<4x128x128xi32>
    %eq3A_4703 = arith.cmpi eq, %and3A_4700, %eq3A_4702 : vector<4x128x128xi32>
    %and3A_4704 = arith.constant 4 : i32
    %and3A_4705 = vector.broadcast %and3A_4704 : i32 to vector<4x128x128xi32>
    %and3A_4706 = arith.andi %add3A, %and3A_4705 : vector<4x128x128xi32>
    %eq3A_4707 = arith.constant 0 : i32
    %eq3A_4708 = vector.broadcast %eq3A_4707 : i32 to vector<4x128x128xi32>
    %eq3A_4709 = arith.cmpi eq, %and3A_4706, %eq3A_4708 : vector<4x128x128xi32>
    %eq3A_4710 = arith.xori %eq3A_4703, %eq3A_4709 : vector<4x128x128xi1>
    %eq3A_4711 = arith.constant dense<true> : vector<4x128x128xi1>
    %eq3A_4712 = arith.xori %eq3A_4710, %eq3A_4711 : vector<4x128x128xi1>
    %xor3A_4713 = arith.xori %or3A_4697, %eq3A_4712 : vector<4x128x128xi1>
    %select_n3A_4714 = arith.select %xor3A_4713, %gather3A_4682, %select_n3A_4668 : vector<4x128x128xi1>, vector<4x128x128xf32>
    %select_n3A_4715 = arith.select %xor3A_4713, %gather3A_4692, %select_n3A_4669 : vector<4x128x128xi1>, vector<4x128x128xi32>
    %xor3A_4716 = arith.constant 2 : i32
    %xor3A_4717 = vector.broadcast %xor3A_4716 : i32 to vector<4x128x128xi32>
    %xor3A_4718 = arith.xori %iota3A_7, %xor3A_4717 : vector<4x128x128xi32>
    %lt3A_4719 = arith.constant 0 : i32
    %lt3A_4720 = vector.broadcast %lt3A_4719 : i32 to vector<4x128x128xi32>
    %lt3A_4721 = arith.cmpi slt, %xor3A_4718, %lt3A_4720 : vector<4x128x128xi32>
    %add3A_4722 = arith.constant 128 : i32
    %add3A_4723 = vector.broadcast %add3A_4722 : i32 to vector<4x128x128xi32>
    %add3A_4724 = arith.addi %xor3A_4718, %add3A_4723 : vector<4x128x128xi32>
    %select_n3A_4725 = arith.select %lt3A_4721, %add3A_4724, %xor3A_4718 : vector<4x128x128xi1>, vector<4x128x128xi32>
    %reshape3A_4726 = vector.shape_cast %select_n3A_4725 : vector<4x128x128xi32> to vector<4x128x128x1xi32>
    %gather3A_4727 = vector.shape_cast %reshape3A_4726 : vector<4x128x128x1xi32> to vector<4x128x128xi32>
    %gather3A_4728 = tpu.dynamic_gather %select_n3A_4714[%gather3A_4727] in [2] : vector<4x128x128xf32>, vector<4x128x128xi32> -> vector<4x128x128xf32>
    %lt3A_4729 = arith.constant 0 : i32
    %lt3A_4730 = vector.broadcast %lt3A_4729 : i32 to vector<4x128x128xi32>
    %lt3A_4731 = arith.cmpi slt, %xor3A_4718, %lt3A_4730 : vector<4x128x128xi32>
    %add3A_4732 = arith.constant 128 : i32
    %add3A_4733 = vector.broadcast %add3A_4732 : i32 to vector<4x128x128xi32>
    %add3A_4734 = arith.addi %xor3A_4718, %add3A_4733 : vector<4x128x128xi32>
    %select_n3A_4735 = arith.select %lt3A_4731, %add3A_4734, %xor3A_4718 : vector<4x128x128xi1>, vector<4x128x128xi32>
    %reshape3A_4736 = vector.shape_cast %select_n3A_4735 : vector<4x128x128xi32> to vector<4x128x128x1xi32>
    %gather3A_4737 = vector.shape_cast %reshape3A_4736 : vector<4x128x128x1xi32> to vector<4x128x128xi32>
    %gather3A_4738 = tpu.dynamic_gather %select_n3A_4715[%gather3A_4737] in [2] : vector<4x128x128xi32>, vector<4x128x128xi32> -> vector<4x128x128xi32>
    %lt3A_4739 = arith.cmpf olt, %select_n3A_4714, %gather3A_4728 : vector<4x128x128xf32>
    %eq3A_4740 = arith.cmpf oeq, %select_n3A_4714, %gather3A_4728 : vector<4x128x128xf32>
    %lt3A_4741 = arith.cmpi slt, %select_n3A_4715, %gather3A_4738 : vector<4x128x128xi32>
    %and3A_4742 = arith.andi %eq3A_4740, %lt3A_4741 : vector<4x128x128xi1>
    %or3A_4743 = arith.ori %lt3A_4739, %and3A_4742 : vector<4x128x128xi1>
    %and3A_4744 = arith.constant 16384 : i32
    %and3A_4745 = vector.broadcast %and3A_4744 : i32 to vector<4x128x128xi32>
    %and3A_4746 = arith.andi %add3A, %and3A_4745 : vector<4x128x128xi32>
    %eq3A_4747 = arith.constant 0 : i32
    %eq3A_4748 = vector.broadcast %eq3A_4747 : i32 to vector<4x128x128xi32>
    %eq3A_4749 = arith.cmpi eq, %and3A_4746, %eq3A_4748 : vector<4x128x128xi32>
    %and3A_4750 = arith.constant 2 : i32
    %and3A_4751 = vector.broadcast %and3A_4750 : i32 to vector<4x128x128xi32>
    %and3A_4752 = arith.andi %add3A, %and3A_4751 : vector<4x128x128xi32>
    %eq3A_4753 = arith.constant 0 : i32
    %eq3A_4754 = vector.broadcast %eq3A_4753 : i32 to vector<4x128x128xi32>
    %eq3A_4755 = arith.cmpi eq, %and3A_4752, %eq3A_4754 : vector<4x128x128xi32>
    %eq3A_4756 = arith.xori %eq3A_4749, %eq3A_4755 : vector<4x128x128xi1>
    %eq3A_4757 = arith.constant dense<true> : vector<4x128x128xi1>
    %eq3A_4758 = arith.xori %eq3A_4756, %eq3A_4757 : vector<4x128x128xi1>
    %xor3A_4759 = arith.xori %or3A_4743, %eq3A_4758 : vector<4x128x128xi1>
    %select_n3A_4760 = arith.select %xor3A_4759, %gather3A_4728, %select_n3A_4714 : vector<4x128x128xi1>, vector<4x128x128xf32>
    %select_n3A_4761 = arith.select %xor3A_4759, %gather3A_4738, %select_n3A_4715 : vector<4x128x128xi1>, vector<4x128x128xi32>
    %xor3A_4762 = arith.constant 1 : i32
    %xor3A_4763 = vector.broadcast %xor3A_4762 : i32 to vector<4x128x128xi32>
    %xor3A_4764 = arith.xori %iota3A_7, %xor3A_4763 : vector<4x128x128xi32>
    %lt3A_4765 = arith.constant 0 : i32
    %lt3A_4766 = vector.broadcast %lt3A_4765 : i32 to vector<4x128x128xi32>
    %lt3A_4767 = arith.cmpi slt, %xor3A_4764, %lt3A_4766 : vector<4x128x128xi32>
    %add3A_4768 = arith.constant 128 : i32
    %add3A_4769 = vector.broadcast %add3A_4768 : i32 to vector<4x128x128xi32>
    %add3A_4770 = arith.addi %xor3A_4764, %add3A_4769 : vector<4x128x128xi32>
    %select_n3A_4771 = arith.select %lt3A_4767, %add3A_4770, %xor3A_4764 : vector<4x128x128xi1>, vector<4x128x128xi32>
    %reshape3A_4772 = vector.shape_cast %select_n3A_4771 : vector<4x128x128xi32> to vector<4x128x128x1xi32>
    %gather3A_4773 = vector.shape_cast %reshape3A_4772 : vector<4x128x128x1xi32> to vector<4x128x128xi32>
    %gather3A_4774 = tpu.dynamic_gather %select_n3A_4760[%gather3A_4773] in [2] : vector<4x128x128xf32>, vector<4x128x128xi32> -> vector<4x128x128xf32>
    %lt3A_4775 = arith.constant 0 : i32
    %lt3A_4776 = vector.broadcast %lt3A_4775 : i32 to vector<4x128x128xi32>
    %lt3A_4777 = arith.cmpi slt, %xor3A_4764, %lt3A_4776 : vector<4x128x128xi32>
    %add3A_4778 = arith.constant 128 : i32
    %add3A_4779 = vector.broadcast %add3A_4778 : i32 to vector<4x128x128xi32>
    %add3A_4780 = arith.addi %xor3A_4764, %add3A_4779 : vector<4x128x128xi32>
    %select_n3A_4781 = arith.select %lt3A_4777, %add3A_4780, %xor3A_4764 : vector<4x128x128xi1>, vector<4x128x128xi32>
    %reshape3A_4782 = vector.shape_cast %select_n3A_4781 : vector<4x128x128xi32> to vector<4x128x128x1xi32>
    %gather3A_4783 = vector.shape_cast %reshape3A_4782 : vector<4x128x128x1xi32> to vector<4x128x128xi32>
    %gather3A_4784 = tpu.dynamic_gather %select_n3A_4761[%gather3A_4783] in [2] : vector<4x128x128xi32>, vector<4x128x128xi32> -> vector<4x128x128xi32>
    %lt3A_4785 = arith.cmpf olt, %select_n3A_4760, %gather3A_4774 : vector<4x128x128xf32>
    %eq3A_4786 = arith.cmpf oeq, %select_n3A_4760, %gather3A_4774 : vector<4x128x128xf32>
    %lt3A_4787 = arith.cmpi slt, %select_n3A_4761, %gather3A_4784 : vector<4x128x128xi32>
    %and3A_4788 = arith.andi %eq3A_4786, %lt3A_4787 : vector<4x128x128xi1>
    %or3A_4789 = arith.ori %lt3A_4785, %and3A_4788 : vector<4x128x128xi1>
    %and3A_4790 = arith.constant 16384 : i32
    %and3A_4791 = vector.broadcast %and3A_4790 : i32 to vector<4x128x128xi32>
    %and3A_4792 = arith.andi %add3A, %and3A_4791 : vector<4x128x128xi32>
    %eq3A_4793 = arith.constant 0 : i32
    %eq3A_4794 = vector.broadcast %eq3A_4793 : i32 to vector<4x128x128xi32>
    %eq3A_4795 = arith.cmpi eq, %and3A_4792, %eq3A_4794 : vector<4x128x128xi32>
    %and3A_4796 = arith.constant 1 : i32
    %and3A_4797 = vector.broadcast %and3A_4796 : i32 to vector<4x128x128xi32>
    %and3A_4798 = arith.andi %add3A, %and3A_4797 : vector<4x128x128xi32>
    %eq3A_4799 = arith.constant 0 : i32
    %eq3A_4800 = vector.broadcast %eq3A_4799 : i32 to vector<4x128x128xi32>
    %eq3A_4801 = arith.cmpi eq, %and3A_4798, %eq3A_4800 : vector<4x128x128xi32>
    %eq3A_4802 = arith.xori %eq3A_4795, %eq3A_4801 : vector<4x128x128xi1>
    %eq3A_4803 = arith.constant dense<true> : vector<4x128x128xi1>
    %eq3A_4804 = arith.xori %eq3A_4802, %eq3A_4803 : vector<4x128x128xi1>
    %xor3A_4805 = arith.xori %or3A_4789, %eq3A_4804 : vector<4x128x128xi1>
    %select_n3A_4806 = arith.select %xor3A_4805, %gather3A_4774, %select_n3A_4760 : vector<4x128x128xi1>, vector<4x128x128xf32>
    %select_n3A_4807 = arith.select %xor3A_4805, %gather3A_4784, %select_n3A_4761 : vector<4x128x128xi1>, vector<4x128x128xi32>
    %swap3A = arith.constant 0 : index
    %swap3A_4808 = arith.constant 0 : index
    %swap3A_4809 = arith.constant 0 : index
    %swap3A_4810 = vector.load %arg4[%swap3A, %swap3A_4808, %swap3A_4809] : memref<4x128x128xi32, #tpu.memory_space<vmem>>, vector<4x128x128xi32>
    tpu.vector_store %arg4[%swap3A, %swap3A_4808, %swap3A_4809], %select_n3A_4807 {strides = array<i32>} : memref<4x128x128xi32, #tpu.memory_space<vmem>>, vector<4x128x128xi32>,
    %lt3A_4811 = arith.constant 5.000000e+06 : f32
    %lt3A_4812 = vector.broadcast %lt3A_4811 : f32 to vector<4x128x128xf32>
    %lt3A_4813 = arith.cmpf olt, %select_n3A_4806, %lt3A_4812 : vector<4x128x128xf32>
    %jit3A_4814 = arith.constant 1.000000e+00 : f32
    %jit3A_4815 = arith.constant 0.000000e+00 : f32
    %broadcast_in_dim3A_4816 = vector.broadcast %jit3A_4814 : f32 to vector<4x128x128xf32>
    %broadcast_in_dim3A_4817 = vector.broadcast %jit3A_4815 : f32 to vector<4x128x128xf32>
    %select_n3A_4818 = arith.select %lt3A_4813, %broadcast_in_dim3A_4816, %broadcast_in_dim3A_4817 : vector<4x128x128xi1>, vector<4x128x128xf32>
    %swap3A_4819 = arith.constant 0 : index
    %swap3A_4820 = arith.constant 0 : index
    %swap3A_4821 = arith.constant 0 : index
    %swap3A_4822 = vector.load %arg3[%swap3A_4819, %swap3A_4820, %swap3A_4821] : memref<4x128x128xf32, #tpu.memory_space<vmem>>, vector<4x128x128xf32>
    tpu.vector_store %arg3[%swap3A_4819, %swap3A_4820, %swap3A_4821], %select_n3A_4818 {strides = array<i32>} : memref<4x128x128xf32, #tpu.memory_space<vmem>>, vector<4x128x128xf32>,
    return
  }
  func.func @transform_0(%arg0: i32) -> (i32, i32, i32) {
    %c0_i32 = arith.constant 0 : i32
    %c0_i32_0 = arith.constant 0 : i32
    %c0_i32_1 = arith.constant 0 : i32
    return %arg0, %c0_i32, %c0_i32_0 : i32, i32, i32
  }
  func.func @transform_1(%arg0: i32) -> (i32, i32, i32) {
    %c0_i32 = arith.constant 0 : i32
    %c0_i32_0 = arith.constant 0 : i32
    %c0_i32_1 = arith.constant 0 : i32
    return %arg0, %c0_i32, %c0_i32_0 : i32, i32, i32
  }
  func.func @transform_2(%arg0: i32) -> (i32, i32, i32) {
    %c0_i32 = arith.constant 0 : i32
    %c0_i32_0 = arith.constant 0 : i32
    %c0_i32_1 = arith.constant 0 : i32
    return %arg0, %c0_i32, %c0_i32_0 : i32, i32, i32
  }
  func.func @transform_3(%arg0: i32) -> (i32, i32, i32) {
    %c0_i32 = arith.constant 0 : i32
    %c0_i32_0 = arith.constant 0 : i32
    %c0_i32_1 = arith.constant 0 : i32
    return %arg0, %c0_i32, %c0_i32_0 : i32, i32, i32
  }
}

module attributes {stable_mosaic.version = 14 : i64} {
  func.func @_film_body(%arg0: i32, %arg1: i32, %arg2: memref<1x1x1x2048xf32, #tpu.memory_space<vmem>>, %arg3: memref<1x1x1x2048xf32, #tpu.memory_space<vmem>>, %arg4: memref<1x1x1x2048xi32, #tpu.memory_space<vmem>>, %arg5: memref<192x200xf32, #tpu.memory_space<vmem>>, %arg6: memref<1x2048x64xf32, #tpu.memory_space<vmem>>) attributes {dimension_semantics = [#tpu.dimension_semantics<arbitrary>, #tpu.dimension_semantics<arbitrary>], iteration_bounds = array<i64: 16, 6>, scalar_prefetch = 0 : i64, scratch_operands = 0 : i64, tpu.core_type = #tpu.core_type<tc>, window_params = [{transform_indices = @transform_0, window_bounds = array<i64: 1, 1, 1, 2048>}, {transform_indices = @transform_1, window_bounds = array<i64: 1, 1, 1, 2048>}, {transform_indices = @transform_2, window_bounds = array<i64: 1, 1, 1, 2048>}, {pipeline_mode = #tpu.pipeline_mode<synchronous>, transform_indices = @transform_3, window_bounds = array<i64: 192, 200>}, {transform_indices = @transform_4, window_bounds = array<i64: 1, 2048, 64>}]} {
    %get3A = arith.constant 0 : index
    %get3A_0 = arith.constant 0 : index
    %get3A_1 = arith.constant 0 : index
    %get3A_2 = arith.constant 0 : index
    %get3A_3 = vector.load %arg2[%get3A, %get3A_0, %get3A_1, %get3A_2] : memref<1x1x1x2048xf32, #tpu.memory_space<vmem>>, vector<1x1x1x2048xf32>
    %get3A_4 = vector.shape_cast %get3A_3 : vector<1x1x1x2048xf32> to vector<1x2048xf32>
    %get3A_5 = arith.constant 0 : index
    %get3A_6 = arith.constant 0 : index
    %get3A_7 = arith.constant 0 : index
    %get3A_8 = arith.constant 0 : index
    %get3A_9 = vector.load %arg3[%get3A_5, %get3A_6, %get3A_7, %get3A_8] : memref<1x1x1x2048xf32, #tpu.memory_space<vmem>>, vector<1x1x1x2048xf32>
    %get3A_10 = vector.shape_cast %get3A_9 : vector<1x1x1x2048xf32> to vector<1x2048xf32>
    %get3A_11 = arith.constant 0 : index
    %get3A_12 = arith.constant 0 : index
    %get3A_13 = arith.constant 0 : index
    %get3A_14 = arith.constant 0 : index
    %get3A_15 = vector.load %arg4[%get3A_11, %get3A_12, %get3A_13, %get3A_14] : memref<1x1x1x2048xi32, #tpu.memory_space<vmem>>, vector<1x1x1x2048xi32>
    %get3A_16 = vector.shape_cast %get3A_15 : vector<1x1x1x2048xi32> to vector<1x2048xi32>
    %shift_right_arithmetic3A = arith.constant 11 : i32
    %shift_right_arithmetic3A_17 = vector.broadcast %shift_right_arithmetic3A : i32 to vector<1x2048xi32>
    %shift_right_arithmetic3A_18 = arith.shrsi %get3A_16, %shift_right_arithmetic3A_17 : vector<1x2048xi32>
    %iota3A = tpu.iota {dimensions = array<i32: 0>} : vector<32x2048xi32>
    %jit3A = arith.constant 16 : i32
    %eq3A = arith.constant 0 : i32
    %eq3A_19 = arith.cmpi eq, %jit3A, %eq3A : i32
    %jit3A_20 = arith.constant 1 : i32
    %select_n3A = arith.select %eq3A_19, %jit3A_20, %jit3A : i32
    %rem3A = vector.broadcast %select_n3A : i32 to vector<32x2048xi32>
    %rem3A_21 = arith.remsi %iota3A, %rem3A : vector<32x2048xi32>
    %ne3A = arith.constant 0 : i32
    %ne3A_22 = vector.broadcast %ne3A : i32 to vector<32x2048xi32>
    %ne3A_23 = arith.cmpi ne, %rem3A_21, %ne3A_22 : vector<32x2048xi32>
    %lt3A = arith.constant 0 : i32
    %lt3A_24 = vector.broadcast %lt3A : i32 to vector<32x2048xi32>
    %lt3A_25 = arith.cmpi slt, %rem3A_21, %lt3A_24 : vector<32x2048xi32>
    %lt3A_26 = arith.constant 0 : i32
    %lt3A_27 = arith.cmpi slt, %select_n3A, %lt3A_26 : i32
    %ne3A_28 = vector.broadcast %lt3A_27 : i1 to vector<32x2048xi1>
    %ne3A_29 = vector.broadcast %ne3A_28 : vector<32x2048xi1> to vector<32x2048xi1>
    %ne3A_30 = arith.xori %lt3A_25, %ne3A_29 : vector<32x2048xi1>
    %and3A = arith.andi %ne3A_30, %ne3A_23 : vector<32x2048xi1>
    %add3A = vector.broadcast %select_n3A : i32 to vector<32x2048xi32>
    %add3A_31 = arith.addi %rem3A_21, %add3A : vector<32x2048xi32>
    %select_n3A_32 = arith.select %and3A, %add3A_31, %rem3A_21 : vector<32x2048xi1>, vector<32x2048xi32>
    %add3A_33 = arith.constant 1 : i32
    %add3A_34 = vector.broadcast %add3A_33 : i32 to vector<32x2048xi32>
    %add3A_35 = arith.addi %select_n3A_32, %add3A_34 : vector<32x2048xi32>
    %convert_element_type3A = arith.sitofp %add3A_35 : vector<32x2048xi32> to vector<32x2048xf32>
    %mul3A = arith.constant 4.188790e-03 : f32
    %mul3A_36 = vector.broadcast %mul3A : f32 to vector<32x2048xf32>
    %mul3A_37 = arith.mulf %convert_element_type3A, %mul3A_36 : vector<32x2048xf32>
    %mul3A_38 = vector.broadcast %get3A_4 : vector<1x2048xf32> to vector<32x2048xf32>
    %mul3A_39 = arith.mulf %mul3A_38, %mul3A_37 : vector<32x2048xf32>
    %lt3A_40 = arith.constant 16 : i32
    %lt3A_41 = vector.broadcast %lt3A_40 : i32 to vector<32x2048xi32>
    %lt3A_42 = arith.cmpi slt, %iota3A, %lt3A_41 : vector<32x2048xi32>
    %jit3A_43 = arith.constant 0.000000e+00 : f32
    %jit3A_44 = arith.constant 1.57079637 : f32
    %broadcast_in_dim3A = vector.broadcast %jit3A_43 : f32 to vector<32x2048xf32>
    %broadcast_in_dim3A_45 = vector.broadcast %jit3A_44 : f32 to vector<32x2048xf32>
    %select_n3A_46 = arith.select %lt3A_42, %broadcast_in_dim3A, %broadcast_in_dim3A_45 : vector<32x2048xi1>, vector<32x2048xf32>
    %add3A_47 = arith.addf %mul3A_39, %select_n3A_46 : vector<32x2048xf32>
    %sin3A = math.sin %add3A_47 : vector<32x2048xf32>
    %iota3A_48 = tpu.iota {dimensions = array<i32: 0>} : vector<8x2048xi32>
    %eq3A_49 = vector.broadcast %shift_right_arithmetic3A_18 : vector<1x2048xi32> to vector<8x2048xi32>
    %eq3A_50 = arith.cmpi eq, %eq3A_49, %iota3A_48 : vector<8x2048xi32>
    %convert_element_type3A_51 = arith.extui %eq3A_50 : vector<8x2048xi1> to vector<8x2048xi32>
    %convert_element_type3A_52 = arith.sitofp %convert_element_type3A_51 : vector<8x2048xi32> to vector<8x2048xf32>
    %eq3A_53 = arith.constant 0 : i32
    %eq3A_54 = vector.broadcast %eq3A_53 : i32 to vector<1x2048xi32>
    %eq3A_55 = arith.cmpi eq, %shift_right_arithmetic3A_18, %eq3A_54 : vector<1x2048xi32>
    %convert_element_type3A_56 = arith.extui %eq3A_55 : vector<1x2048xi1> to vector<1x2048xi32>
    %convert_element_type3A_57 = arith.sitofp %convert_element_type3A_56 : vector<1x2048xi32> to vector<1x2048xf32>
    %mul3A_58 = vector.broadcast %convert_element_type3A_57 : vector<1x2048xf32> to vector<32x2048xf32>
    %mul3A_59 = arith.mulf %sin3A, %mul3A_58 : vector<32x2048xf32>
    %eq3A_60 = arith.constant 1 : i32
    %eq3A_61 = vector.broadcast %eq3A_60 : i32 to vector<1x2048xi32>
    %eq3A_62 = arith.cmpi eq, %shift_right_arithmetic3A_18, %eq3A_61 : vector<1x2048xi32>
    %convert_element_type3A_63 = arith.extui %eq3A_62 : vector<1x2048xi1> to vector<1x2048xi32>
    %convert_element_type3A_64 = arith.sitofp %convert_element_type3A_63 : vector<1x2048xi32> to vector<1x2048xf32>
    %mul3A_65 = vector.broadcast %convert_element_type3A_64 : vector<1x2048xf32> to vector<32x2048xf32>
    %mul3A_66 = arith.mulf %sin3A, %mul3A_65 : vector<32x2048xf32>
    %eq3A_67 = arith.constant 2 : i32
    %eq3A_68 = vector.broadcast %eq3A_67 : i32 to vector<1x2048xi32>
    %eq3A_69 = arith.cmpi eq, %shift_right_arithmetic3A_18, %eq3A_68 : vector<1x2048xi32>
    %convert_element_type3A_70 = arith.extui %eq3A_69 : vector<1x2048xi1> to vector<1x2048xi32>
    %convert_element_type3A_71 = arith.sitofp %convert_element_type3A_70 : vector<1x2048xi32> to vector<1x2048xf32>
    %mul3A_72 = vector.broadcast %convert_element_type3A_71 : vector<1x2048xf32> to vector<32x2048xf32>
    %mul3A_73 = arith.mulf %sin3A, %mul3A_72 : vector<32x2048xf32>
    %eq3A_74 = arith.constant 3 : i32
    %eq3A_75 = vector.broadcast %eq3A_74 : i32 to vector<1x2048xi32>
    %eq3A_76 = arith.cmpi eq, %shift_right_arithmetic3A_18, %eq3A_75 : vector<1x2048xi32>
    %convert_element_type3A_77 = arith.extui %eq3A_76 : vector<1x2048xi1> to vector<1x2048xi32>
    %convert_element_type3A_78 = arith.sitofp %convert_element_type3A_77 : vector<1x2048xi32> to vector<1x2048xf32>
    %mul3A_79 = vector.broadcast %convert_element_type3A_78 : vector<1x2048xf32> to vector<32x2048xf32>
    %mul3A_80 = arith.mulf %sin3A, %mul3A_79 : vector<32x2048xf32>
    %eq3A_81 = arith.constant 4 : i32
    %eq3A_82 = vector.broadcast %eq3A_81 : i32 to vector<1x2048xi32>
    %eq3A_83 = arith.cmpi eq, %shift_right_arithmetic3A_18, %eq3A_82 : vector<1x2048xi32>
    %convert_element_type3A_84 = arith.extui %eq3A_83 : vector<1x2048xi1> to vector<1x2048xi32>
    %convert_element_type3A_85 = arith.sitofp %convert_element_type3A_84 : vector<1x2048xi32> to vector<1x2048xf32>
    %mul3A_86 = vector.broadcast %convert_element_type3A_85 : vector<1x2048xf32> to vector<32x2048xf32>
    %mul3A_87 = arith.mulf %sin3A, %mul3A_86 : vector<32x2048xf32>
    %eq3A_88 = arith.constant 5 : i32
    %eq3A_89 = vector.broadcast %eq3A_88 : i32 to vector<1x2048xi32>
    %eq3A_90 = arith.cmpi eq, %shift_right_arithmetic3A_18, %eq3A_89 : vector<1x2048xi32>
    %convert_element_type3A_91 = arith.extui %eq3A_90 : vector<1x2048xi1> to vector<1x2048xi32>
    %convert_element_type3A_92 = arith.sitofp %convert_element_type3A_91 : vector<1x2048xi32> to vector<1x2048xf32>
    %mul3A_93 = vector.broadcast %convert_element_type3A_92 : vector<1x2048xf32> to vector<32x2048xf32>
    %mul3A_94 = arith.mulf %sin3A, %mul3A_93 : vector<32x2048xf32>
    %concatenate3A = tpu.concatenate %mul3A_59, %mul3A_66, %mul3A_73, %mul3A_80, %mul3A_87, %mul3A_94, %convert_element_type3A_52 in 0 : vector<32x2048xf32>, vector<32x2048xf32>, vector<32x2048xf32>, vector<32x2048xf32>, vector<32x2048xf32>, vector<32x2048xf32>, vector<8x2048xf32> -> vector<200x2048xf32>
    %get3A_95 = arith.constant 0 : index
    %get3A_96 = arith.constant 0 : index
    %get3A_97 = vector.load %arg5[%get3A_95, %get3A_96] : memref<192x200xf32, #tpu.memory_space<vmem>>, vector<192x200xf32>
    %dot_general3A = arith.constant dense<0.000000e+00> : vector<192x2048xf32>
    %dot_general3A_98 = tpu.matmul %get3A_97, %concatenate3A, %dot_general3A {dimension_numbers = #tpu.dot_dimension_numbers<[1], [0], [0], [1], [0, 0, 1, 1], [], []>, transpose_lhs_hint = false} : vector<192x200xf32>, vector<200x2048xf32>, vector<192x2048xf32> -> vector<192x2048xf32>
    %slice3A = vector.extract_strided_slice %dot_general3A_98 {offsets = [128, 0], sizes = [64, 2048], strides = [1, 1]} : vector<192x2048xf32> to vector<64x2048xf32>
    %mul3A_99 = vector.broadcast %get3A_10 : vector<1x2048xf32> to vector<64x2048xf32>
    %mul3A_100 = arith.mulf %mul3A_99, %slice3A : vector<64x2048xf32>
    %slice3A_101 = vector.extract_strided_slice %dot_general3A_98 {offsets = [0, 0], sizes = [64, 2048], strides = [1, 1]} : vector<192x2048xf32> to vector<64x2048xf32>
    %mul3A_102 = arith.mulf %mul3A_100, %slice3A_101 : vector<64x2048xf32>
    %slice3A_103 = vector.extract_strided_slice %dot_general3A_98 {offsets = [64, 0], sizes = [64, 2048], strides = [1, 1]} : vector<192x2048xf32> to vector<64x2048xf32>
    %add3A_104 = arith.addf %mul3A_102, %slice3A_103 : vector<64x2048xf32>
    %transpose3A = tpu.transpose %add3A_104, [1, 0] : vector<64x2048xf32> -> vector<2048x64xf32>
    %swap3A = arith.constant 0 : index
    %swap3A_105 = arith.constant 0 : index
    %swap3A_106 = arith.constant 0 : index
    %swap3A_107 = vector.load %arg6[%swap3A, %swap3A_105, %swap3A_106] : memref<1x2048x64xf32, #tpu.memory_space<vmem>>, vector<1x2048x64xf32>
    %swap3A_108 = vector.shape_cast %swap3A_107 : vector<1x2048x64xf32> to vector<2048x64xf32>
    %swap3A_109 = vector.shape_cast %transpose3A : vector<2048x64xf32> to vector<1x2048x64xf32>
    tpu.vector_store %arg6[%swap3A, %swap3A_105, %swap3A_106], %swap3A_109 {strides = array<i32>} : memref<1x2048x64xf32, #tpu.memory_space<vmem>>, vector<1x2048x64xf32>,
    return
  }
  func.func @transform_0(%arg0: i32, %arg1: i32) -> (i32, i32, i32, i32) {
    %c0_i32 = arith.constant 0 : i32
    %c0_i32_0 = arith.constant 0 : i32
    %c0_i32_1 = arith.constant 0 : i32
    return %arg0, %arg1, %c0_i32, %c0_i32_0 : i32, i32, i32, i32
  }
  func.func @transform_1(%arg0: i32, %arg1: i32) -> (i32, i32, i32, i32) {
    %c0_i32 = arith.constant 0 : i32
    %c0_i32_0 = arith.constant 0 : i32
    %c0_i32_1 = arith.constant 0 : i32
    return %arg0, %arg1, %c0_i32, %c0_i32_0 : i32, i32, i32, i32
  }
  func.func @transform_2(%arg0: i32, %arg1: i32) -> (i32, i32, i32, i32) {
    %c0_i32 = arith.constant 0 : i32
    %c0_i32_0 = arith.constant 0 : i32
    %c0_i32_1 = arith.constant 0 : i32
    return %arg0, %arg1, %c0_i32, %c0_i32_0 : i32, i32, i32, i32
  }
  func.func @transform_3(%arg0: i32, %arg1: i32) -> (i32, i32) {
    %c0_i32 = arith.constant 0 : i32
    %c0_i32_0 = arith.constant 0 : i32
    %c0_i32_1 = arith.constant 0 : i32
    return %c0_i32, %c0_i32_0 : i32, i32
  }
  func.func @transform_4(%arg0: i32, %arg1: i32) -> (i32, i32, i32) {
    %c0_i32 = arith.constant 0 : i32
    %c0_i32_0 = arith.constant 0 : i32
    return %arg0, %arg1, %c0_i32 : i32, i32, i32
  }
}

</mosaic_0001>

<sc_bundles>
// kernel: kernel.5.cloned.1.call-start
scs
__scs_entry_jumppad:
0x0: {  	(pc) =	sbr.rel $0x88, $3  }
0x1: {  	(tag) =	ssettag $0x0;
	lr =	simm.s32 $0x1  }
0x2: {  	[smem:$0x3F99] =	sst lr;
	_ =	strace $0xD0000000  }
0x3: {  	_ = 	snop  }
0x4: {  	_ = 	snop  }
0x5: {  	_ = 	snop  }
0x6: {  	_ = 	snop  }
0x7: {  	_ = 	snop  }
__scs_overlays_trampoline_lowered:
0x8: {  	[smem:$0x3FA8] =	sst s0  }
0x9: {  	[smem:$0x3FA9] =	sst s1  }
0xa: {  	[smem:$0x3FAA] =	sst s2  }
0xb: {  	[smem:$0x3FAB] =	sst s3  }
0xc: {  	[smem:$0x3FAC] =	sst s4  }
0xd: {  	[smem:$0x3FAD] =	sst s5  }
0xe: {  	[smem:$0x3FAE] =	sst s6  }
0xf: {  	[smem:$0x3FAF] =	sst s7  }
0x10: {  	[smem:$0x3FB0] =	sst s8  }
0x11: {  	[smem:$0x3FB1] =	sst s9;
	s0 =	simm.s32 @!p0 $0x0  }
0x12: {  	s1 =	sld [smem:$0x3F97];
	s0 =	simm.s32 @p0 $0x1  }
0x13: {  	[smem:$0x3FB2] =	sst s0;
	s0 =	simm.s32 @!p1 $0x0  }
0x14: {  	s2 =	sld [smem:$0x3F96];
	s0 =	simm.s32 @p1 $0x1  }
0x15: {  	[smem:$0x3FB3] =	sst s0;
	s0 =	simm.s32 @!p2 $0x0  }
0x16: {  	s3 =	sld [smem:$0x3FDB];
	s0 =	simm.s32 @p2 $0x1  }
0x17: {  	s4 =	simm.s32 $0x1BF5;
	[smem:$0x3FB5] =	sst s0  }
0x18: {  	s0 =	sld [smem:$0x3F98];
	_ =	swait.ge [sflag:s4], $0x0  }
0x19: {  	s7 =	sld [smem:$0x3F99]  }
0x1a: {  	s8 =	sadd.s32 $0xFFFFE003, lr  }
0x1b: {  	s9 =	sadd.s32 $0xFFFFFEF7, lr;
	s5 =	simm.s32 $0xFFFFFFFF;
	p2 =	slt.u32 s8, $0xFFFFF086  }
0x1c: {  	p1 =	slt.u32 s9, $0xF7A;
	s5 =	simm.s32 @!p2 $0x0  }
0x1d: {  	s5 =	simm.s32 @p1 $0x1;
	p0 =	seq.s32 s7, s2  }
0x1e: {  	s7 =	smul.u32 @!p0 $0xF7A, s2;
	p2 =	seq.s32 @!p0 s5, $0x0  }
0x1f: {  	s9 =	smul.u32 $0xF7A, s1;
	s8 =	simm.s32 @!p0 $0x1BF5;
	p2 =	por !p2, p0  }
0x20: {  	[sflag:s8] =	ssyncset.s32 @!p0 $0xFFFFF086;
	s6 =	sadd.s32 @!p0 s3, s7;
	s7 =	simm.s32 @!p0 $0x108  }
0x21: {  	s3 =	sadd.s32 s3, s9;
	s6 =	sadd.s32 @!p0 $0x88, s6;
	s7 =	simm.s32 @p2 $0x1082  }
0x22: {  	[simem:s7], [sflag:s8] =	dma.local @!p0 [hbm:s6], $0xF7A  }
0x23: {  	s9 =	sor.u32 $0xD0000000, s2;
	s6 =	simm.s32 $0x108;
	_ =	swait.ge @!p0 [sflag:s8], $0x0  }
0x24: {  	s3 =	sadd.s32 $0x88, s3;
	s6 =	simm.s32 @!p1 $0x1082;
	[sflag:s4] =	ssyncset.s32 $0xFFFFF086  }
0x25: {  	[simem:s6], [sflag:s4] =	dma.local [hbm:s3], $0xF7A  }
0x26: {  	[smem:$0x3F99] =	sst s1;
	(tag) =	ssettag s2;
	_ =	strace s9  }
0x27: {  	s1 =	sld [smem:$0x3FA9]  }
0x28: {  	s2 =	sld [smem:$0x3FAA]  }
0x29: {  	s4 =	sld [smem:$0x3FAC]  }
0x2a: {  	p0 =	seq.s32 s5, $0x0;
	s5 =	sld [smem:$0x3FAD]  }
0x2b: {  	s6 =	sld [smem:$0x3FAE]  }
0x2c: {  	s7 =	sld [smem:$0x3FAF]  }
0x2d: {  	s3 =	simm.s32 $0x108;
	s8 =	sld [smem:$0x3FB0]  }
0x2e: {  	s3 =	simm.s32 @!p0 $0x1082;
	s9 =	sld [smem:$0x3FB1]  }
0x2f: {  	lr =	sadd.s32 s0, s3;
	s0 =	sld [smem:$0x3FA8]  }
0x30: {  	s3 =	sld [smem:$0x3FAB]  }
0x31: {  	[smem:$0x3FB4] =	sst s10  }
0x32: {  	s10 =	sld [smem:$0x3FB2];
	_ =	sdelay $0x3  }
0x33: {  	p0 =	seq.s32 s10, $0x1;
	s10 =	sld [smem:$0x3FB4];
	_ =	sdelay $0x3  }
0x34: {  	[smem:$0x3FB4] =	sst s10  }
0x35: {  	s10 =	sld [smem:$0x3FB3];
	_ =	sdelay $0x3  }
0x36: {  	p1 =	seq.s32 s10, $0x1;
	s10 =	sld [smem:$0x3FB4];
	_ =	sdelay $0x3  }
0x37: {  	[smem:$0x3FB4] =	sst s10  }
0x38: {  	s10 =	sld [smem:$0x3FB5]  }
0x39: {  	_ = 	snop;
	(pc) =	sbr.ind lr, $3  }
0x3a: {  	_ = 	snop  }
0x3b: {  	_ = 	snop  }
0x3c: {  	p2 =	seq.s32 s10, $0x1;
	s10 =	sld [smem:$0x3FB4]  }
0x3d: {  	_ =	shalt  }
0x3e: {  	_ =	shalt  }
0x3f: {  	_ =	shalt  }
0x40: {  	_ =	shalt  }
0x41: {  	_ =	shalt  }
0x42: {  	_ =	shalt  }
0x43: {  	_ =	shalt  }
0x44: {  	_ =	shalt  }
0x45: {  	_ =	shalt  }
0x46: {  	_ =	shalt  }
0x47: {  	_ =	shalt  }
0x48: {  	_ =	shalt  }
0x49: {  	_ =	shalt  }
0x4a: {  	_ =	shalt  }
0x4b: {  	_ =	shalt  }
0x4c: {  	_ =	shalt  }
0x4d: {  	_ =	shalt  }
0x4e: {  	_ =	shalt  }
0x4f: {  	_ =	shalt  }
0x50: {  	_ =	shalt  }
0x51: {  	_ =	shalt  }
0x52: {  	_ =	shalt  }
0x53: {  	_ =	shalt  }
0x54: {  	_ =	shalt  }
0x55: {  	_ =	shalt  }
0x56: {  	_ =	shalt  }
0x57: {  	_ =	shalt  }
0x58: {  	_ =	shalt  }
0x59: {  	_ =	shalt  }
0x5a: {  	_ =	shalt  }
0x5b: {  	_ =	shalt  }
0x5c: {  	_ =	shalt  }
0x5d: {  	_ =	shalt  }
0x5e: {  	_ =	shalt  }
0x5f: {  	_ =	shalt  }
0x60: {  	_ =	shalt  }
0x61: {  	_ =	shalt  }
0x62: {  	_ =	shalt  }
0x63: {  	_ =	shalt  }
0x64: {  	_ =	shalt  }
0x65: {  	_ =	shalt  }
0x66: {  	_ =	shalt  }
0x67: {  	_ =	shalt  }
0x68: {  	_ =	shalt  }
0x69: {  	_ =	shalt  }
0x6a: {  	_ =	shalt  }
0x6b: {  	_ =	shalt  }
0x6c: {  	_ =	shalt  }
0x6d: {  	_ =	shalt  }
0x6e: {  	_ =	shalt  }
0x6f: {  	_ =	shalt  }
0x70: {  	_ =	shalt  }
0x71: {  	_ =	shalt  }
0x72: {  	_ =	shalt  }
0x73: {  	_ =	shalt  }
0x74: {  	_ =	shalt  }
0x75: {  	_ =	shalt  }
0x76: {  	_ =	shalt  }
0x77: {  	_ =	shalt  }
0x78: {  	_ =	shalt  }
0x79: {  	_ =	shalt  }
0x7a: {  	_ =	shalt  }
0x7b: {  	_ =	shalt  }
0x7c: {  	_ =	shalt  }
0x7d: {  	_ =	shalt  }
0x7e: {  	_ =	shalt  }
0x7f: {  	_ =	shalt  }
0x80: {  	_ =	shalt  }
0x81: {  	_ =	shalt  }
0x82: {  	_ =	shalt  }
0x83: {  	_ =	shalt  }
0x84: {  	_ =	shalt  }
0x85: {  	_ =	shalt  }
0x86: {  	_ =	shalt  }
0x87: {  	_ =	shalt  }
.Lfunc_end0:
.L_simem_size_0:
called_computation_lowered:
.L_overlay_start_0:
0x88: {  	s2 =	sld [smem:$0x3FD9]  }
0x89: {  	s3 =	sld [smem:$0x3FFE];
	_ =	sdelay $0x1  }
0x8a: {  	s1 =	srdreg.scid  }
0x8b: {  	s0 =	sand.u32 $0x1, s1  }
0x8c: {  	s14 =	sshll.u32 s0, $0xA;
	s2 =	sadd.s32 s3, s2  }
0x8d: {  	s2 =	sadd.s32 s2, s14  }
0x8e: {  	[smem:$0x3FC0] =	sst s2  }
0x8f: {  	_ = 	snop  }
0x90: {  	s2 =	sld [smem:$0x3FD0];
	_ =	sdelay $0x2  }
0x91: {  	s15 =	simm.s32 $0xA;
	s4 =	simm.s32 $0x10  }
0x92: {  	[smem:s4], [sflag:s15] =	dma.local [hbm:s2], $0x1  }
0x93: {  	_ =	swait.eq [sflag:s15], $0x1  }
0x94: {  	[sflag:s15] =	ssyncset.done $0x0  }
0x95: {  	s16 =	sld [smem:$0x10];
	[sflag:s15] =	ssyncadd.s32 $0xFFFFFFFF  }
0x96: {  	s17 =	sld [smem:$0x12];
	(tm) =	ssettm $0x1  }
0x97: {  	s18 =	sld [smem:$0x3FFB];
	_ =	sdelay $0x3  }
0x98: {  	_ =	strace s18  }
0x99: {  	s4 =	sld [smem:$0x3FFC];
	_ =	sdelay $0x3  }
0x9a: {  	_ =	strace s4  }
0x9b: {  	s4 =	sld [smem:$0x3FFD];
	_ =	sdelay $0x3  }
0x9c: {  	_ =	strace s4  }
0x9d: {  	_ =	strace $0x8FFFFFFF  }
0x9e: {  	s19 =	sld [smem:$0x3FDB];
	_ =	sdelay $0x1  }
0x9f: {  	s5 =	simm.s32 $_scs_section_size  }
0xa0: {  	s6 =	simm.s32 $_size__tile_overlayer_lowered;
	s7 =	simm.s32 $_tile_overlayer_lowered  }
0xa1: {  	s22 =	simm.s32 $0x1BFF;
	s21 =	sshll.u32 s7, $0x1;
	s4 =	sadd.s32 s5, s19  }
0xa2: {  	s8 =	simm.s32 $0x0;
	s20 =	sshll.u32 s6, $0x1;
	s6 =	sadd.s32 s21, s4  }
0xa3: {  	[timem:s8], [sflag:s22] =	dma.local [hbm:s6], s20  }
0xa4: {  	_ =	swait.ge [sflag:s22], s20  }
0xa5: {  	s5 =	ssub.s32 $0x0, s20;
	[sflag:s22] =	ssyncset.done $0x0  }
0xa6: {  	[sflag:s22] =	ssyncadd.s32 s5;
	_ =	sdelay $0x1  }
0xa7: {  	s23 =	simm.s32 $0x1B8B  }
0xa8: {  	_ =	swait.ge [sflag:s23], $0x1  }
0xa9: {  	[sflag:s23] =	ssyncset.done $0x0  }
0xaa: {  	s25 =	simm.s32 $0x1B8E;
	s24 =	sld [smem:$0x3FFE];
	[sflag:s23] =	ssyncadd.s32 $0xFFFFFFFF  }
0xab: {  	s26 =	simm.s32 $execute0_lowered;
	[smem:$0x3FD2] =	sst s25  }
0xac: {  	s6 =	sshll.u32 s26, $0x1;
	_ =	strace $0x80000046;
	[dreg:$0x1] =	wrdreg $0xFFFFFFFF  }
0xad: {  	s28 =	simm.s32 $_size_execute0_lowered;
	s4 =	sadd.s32 s4, s6;
	[dreg:$0x0] =	wrdreg $0x0  }
0xae: {  	s6 =	sshll.u32 s28, $0x1;
	[dreg:$0x2] =	wrdreg s4  }
0xaf: {  	[dreg:$0x3] =	wrdreg s6  }
0xb0: {  	[dreg:$0x4] =	wrdreg $0xC0  }
0xb1: {  	_ =	task [dreg:s8], $0x5FFFF  }
0xb2: {  	[dreg:$0x1] =	wrdreg $0xFFFFFFFF  }
0xb3: {  	[dreg:$0x0] =	wrdreg $0x60  }
0xb4: {  	[dreg:$0x2] =	wrdreg s24  }
0xb5: {  	[dreg:$0x3] =	wrdreg s16  }
0xb6: {  	[dreg:$0x4] =	wrdreg s17  }
0xb7: {  	[dreg:$0x5] =	wrdreg $0x9  }
0xb8: {  	_ =	task.clear_ibuf [dreg:s8], $0x6FFFF;
	_ =	strace $0x90000046  }
0xb9: {  	s29 =	simm.s32 $0x9;
	_ =	strace $0x80000048  }
0xba: {  	_ =	swait.ge [sflag:s29], $0x1  }
0xbb: {  	[sflag:s29] =	ssyncadd.s32 $0xFFFFFFFF  }
0xbc: {  	_ =	strace $0x90000048  }
0xbd: {  	_ =	sfence  }
0xbe: {  	s30 =	sld [smem:$0x0];
	_ =	sdelay $0x2  }
0xbf: {  	s31 =	sshll.u32 s1, $0xD;
	s1 =	sshrl.u32 s1, $0x2  }
0xc0: {  	s3 =	sand.u32 $0x4000, s31;
	s1 =	sadd.s32 s1, s30  }
0xc1: {  	s0 =	sor.u32 s3, s0;
	s1 =	sshll.u32 s1, $0x11  }
0xc2: {  	s0 =	sor.u32 s1, s0  }
0xc3: {  	s0 =	sadd.s32 $0x8F2B, s0  }
0xc4: {  	[sflag:s0] =	ssyncadd.remote.s32 $0x1  }
0xc5: {  	_ =	sfence.sel $0xFFFF  }
0xc6: {  	[dreg:$0x0] =	wrdreg $0xFFFFFFFF;
	(pc) =	sbr.abs _section_cstart, $3  }
0xc7: {  	[dreg:$0x1] =	wrdreg $0xFFFFFFFF  }
0xc8: {  	_ =	task.clear_ibuf [dreg:s8], $0x2FFFF;
	_ =	strace $0x9FFFFFFF  }
0xc9: {  	(tm) =	ssettm $0x7FFFFFFF  }
tec
execute0_lowered:
.L_overlay_start_1:
0x0: {  	(tag) =	ssettag $0x1  }
0x1: {  	s1 =	srdreg.scid;
	s0 =	stileid.u32  }
0x2: {  	s4 =	sand.u32 $0x1, s1;
	s30 =	sshll.u32 s0, $0x1  }
0x3: {  	s5 =	rddreg [dreg:$0x0];
	s3 =	sor.u32 s4, s30  }
0x4: {  	s6 =	rddreg [dreg:$0x1];
	p1 =	seq.s32 s4, $0x1;
	p0 =	seq.s32 s3, $0x0  }
0x5: {  	s7 =	simm.s32 $0x1;
	s8 =	rddreg [dreg:$0x2];
	p0 =	por !p0, !p1  }
0x6: {  	s2 =	simm.s32 $0x0;
	s13 =	simm.s32 $0x9000;
	p0 =	por !p0, !p0  }
0x7: {  	s14 =	simm.s32 $0x0;
	s1 =	rddreg [dreg:$0x3];
	s7 =	simm.s32 @!p0 $0x0  }
0x8: {  	s4 =	ssub.s32 $0x2, s4;
	s9 =	smul.u32 $0x300, s3;
	s7 =	ssub.s32 s0, s7  }
0x9: {  	[smem:$0x7FF] =	sst s2;
	s31 =	sshrl.u32 s4, $0x1;
	s7 =	smul.u32 $0x3000, s7  }
0xa: {  	_ =	strace $0x80000047;
	s3 =	simm.s32 $0x1;
	s12 =	ssub.s32 s4, s31  }
0xb: {  	s11 =	sadd.s32 s9, s5;
	s8 =	sadd.s32 s8, s9;
	s7 =	sshrl.u32 s7, $0x3  }
0xc: {  	s9 =	smax.u32 s12, $0x1;
	s12 =	simm.s32 $0x7800;
	s10 =	sadd.s32 s7, s5  }
0xd: {  	s5 =	sadd.s32 s6, s7;
	s6 =	sadd.s32 $0x1E00, s11;
	s7 =	sadd.s32 $0xDE00, s11  }
0xe: {  	s11 =	simm.s32 $0x6000;
	s4 =	sadd.s32 $0x7E00, s10;
	s10 =	simm.s32 $0x3000  }
.LBB2_1:
0xf: {  	[tilespmem:s2], [sflag:$0x1] =	stream.linear.gather [hbm4b:s4+s2], $0x3000, $0x38;
	[tilespmem:$0xA800] =	vst v63  }
0x10: {  	_ =	swait.ge [sflag:s3], $0x3000  }
0x11: {  	[sflag:s3] =	ssyncset.done $0x0  }
0x12: {  	[sflag:s3] =	ssyncadd.s32 $0xFFFFD000  }
0x13: {  	[tilespmem:s10], [sflag:$0x1] =	stream.linear.gather [hbm4b:s5+s2], $0x3000, $0x38;
	[tilespmem:$0xA800] =	vst v63  }
0x14: {  	_ =	swait.ge [sflag:s3], $0x3000  }
0x15: {  	[sflag:s3] =	ssyncset.done $0x0  }
0x16: {  	[sflag:s3] =	ssyncadd.s32 $0xFFFFD000  }
0x17: {  	[tilespmem:s11], [sflag:$0x1] =	stream.linear.gather [hbm4b:s6+s2], $0x1800, $0x38;
	[tilespmem:$0xA800] =	vst v63  }
0x18: {  	_ =	swait.ge [sflag:s3], $0x1800  }
0x19: {  	[sflag:s3] =	ssyncset.done $0x0  }
0x1a: {  	s15 =	simm.s32 $0x6040;
	[sflag:s3] =	ssyncadd.s32 $0xFFFFE800  }
0x1b: {  	v0 =	vld [tilespmem:s15+$0xFFFFFFC0]  }
0x1c: {  	v1 =	vld [tilespmem:s15+$0x30]  }
0x1d: {  	v2 =	vld [tilespmem:s15+$0x20];
	_ =	sdelay $0x1  }
0x1e: {  	v8 =	vld [tilespmem:s15+$0xFFFFFFD0]  }
0x1f: {  	v3 =	vand.u32 $0x7FF, v0  }
0x20: {  	v6 =	vld [tilespmem:s15+$0x10];
	v3 =	vmul.u32 $0x6, v3  }
0x21: {  	v4 =	vand.u32 $0x7FF, v1;
	v0 =	vshra.s32 v0, $0xB;
	v5 =	vand.u32 $0x7FF, v2  }
0x22: {  	v4 =	vmul.u32 $0x6, v4;
	v3 =	vadd.s32 v0, v3;
	v0 =	vmul.u32 $0x6, v5;
	v5 =	vld [tilespmem:s15+$0x0]  }
0x23: {  	v7 =	vld [tilespmem:s15+$0xFFFFFFE0];
	v1 =	vshra.s32 v1, $0xB;
	v16 =	vand.u32 $0x7FF, v8  }
0x24: {  	s16 =	simm.s32 $0x60C0;
	v2 =	vshra.s32 v2, $0xB;
	v16 =	vmul.u32 $0x6, v16;
	v1 =	vadd.s32 v1, v4;
	v4 =	vld [tilespmem:s15+$0xFFFFFFF0]  }
0x25: {  	v15 =	vld [tilespmem:s16+$0x30];
	v8 =	vshra.s32 v8, $0xB;
	v2 =	vadd.s32 v2, v0;
	v0 =	vand.u32 $0x7FF, v6  }
0x26: {  	v59 =	vld [tilespmem:s16+$0x20];
	v8 =	vadd.s32 v8, v16;
	v10 =	vmul.u32 $0x6, v0  }
0x27: {  	v60 =	vld [tilespmem:s16+$0xFFFFFFC0];
	v6 =	vshra.s32 v6, $0xB;
	v0 =	vand.u32 $0x7FF, v5  }
0x28: {  	v9 =	vld.idx.msk [tilespmem:v3+s2+$0x0], $0xffff;
	v6 =	vadd.s32 v6, v10;
	v14 =	vmul.u32 $0x6, v0  }
0x29: {  	v17 =	vld [tilespmem:s16+$0x10];
	v5 =	vshra.s32 v5, $0xB;
	v13 =	vand.u32 $0x7FF, v4  }
0x2a: {  	v11 =	vld.idx.msk [tilespmem:v1+s2+$0x0], $0xffff;
	v10 =	vand.u32 $0x7FF, v7;
	v13 =	vmul.u32 $0x6, v13;
	v5 =	vadd.s32 v5, v14  }
0x2b: {  	v4 =	vshra.s32 v4, $0xB;
	v62 =	vld.idx.msk [tilespmem:v8+s2+$0x0], $0xffff;
	v10 =	vmul.u32 $0x6, v10  }
0x2c: {  	s15 =	simm.s32 $0x7840;
	v7 =	vshra.s32 v7, $0xB;
	v12 =	vld.idx.msk [tilespmem:v2+s2+$0x0], $0xffff;
	v4 =	vadd.s32 v4, v13  }
0x2d: {  	v7 =	vadd.s32 v7, v10;
	[tilespmem:s15+$0xFFFFFFC0] =	vst v9;
	v9 =	vld.idx.msk [tilespmem:v6+s2+$0x0], $0xffff  }
0x2e: {  	v3 =	vld.idx.msk [tilespmem:v3+s10+$0x0], $0xffff  }
0x2f: {  	[tilespmem:s15+$0x30] =	vst v11;
	v10 =	vld.idx.msk [tilespmem:v5+s2+$0x0], $0xffff  }
0x30: {  	[tilespmem:s15+$0xFFFFFFD0] =	vst v62;
	v1 =	vld.idx.msk [tilespmem:v1+s10+$0x0], $0xffff  }
0x31: {  	[tilespmem:s15+$0x20] =	vst v12;
	v11 =	vld.idx.msk [tilespmem:v4+s2+$0x0], $0xffff  }
0x32: {  	s17 =	simm.s32 $0x9040;
	v61 =	vld.idx.msk [tilespmem:v7+s2+$0x0], $0xffff;
	[tilespmem:s15+$0x10] =	vst v9  }
0x33: {  	[tilespmem:s17+$0xFFFFFFC0] =	vst v3;
	v3 =	vld.idx.msk [tilespmem:v6+s10+$0x0], $0xffff  }
0x34: {  	[tilespmem:s15+$0x0] =	vst v10;
	v10 =	vld.idx.msk [tilespmem:v2+s10+$0x0], $0xffff  }
0x35: {  	v0 =	vld [tilespmem:s16+$0x0];
	v6 =	vand.u32 $0x7FF, v60;
	[tilespmem:s17+$0x30] =	vst v1  }
0x36: {  	v2 =	vmul.u32 $0x6, v6;
	[tilespmem:s15+$0xFFFFFFF0] =	vst v11;
	v6 =	vand.u32 $0x7FF, v15;
	v11 =	vld.idx.msk [tilespmem:v5+s10+$0x0], $0xffff  }
0x37: {  	[tilespmem:s15+$0xFFFFFFE0] =	vst v61;
	v5 =	vshra.s32 v60, $0xB;
	v63 =	vld.idx.msk [tilespmem:v4+s10+$0x0], $0xffff;
	v1 =	vmul.u32 $0x6, v6;
	v6 =	vand.u32 $0x7FF, v59  }
0x38: {  	v4 =	vld.idx.msk [tilespmem:v8+s10+$0x0], $0xffff;
	v2 =	vadd.s32 v5, v2;
	v8 =	vmul.u32 $0x6, v6;
	[tilespmem:s17+$0x10] =	vst v3;
	v3 =	vshra.s32 v15, $0xB  }
0x39: {  	v5 =	vld.idx.msk [tilespmem:v7+s10+$0x0], $0xffff;
	v3 =	vadd.s32 v3, v1;
	[tilespmem:s17+$0x20] =	vst v10;
	v10 =	vshra.s32 v59, $0xB  }
0x3a: {  	v9 =	vld [tilespmem:s16+$0xFFFFFFF0];
	v1 =	vadd.s32 v10, v8  }
0x3b: {  	v6 =	vld [tilespmem:s16+$0xFFFFFFE0]  }
0x3c: {  	v7 =	vld [tilespmem:s16+$0xFFFFFFD0];
	[tilespmem:s17+$0x0] =	vst v11  }
0x3d: {  	s19 =	simm.s32 $0x8;
	s18 =	simm.s32 $0x9040;
	v11 =	vand.u32 $0x7FF, v17;
	v10 =	vshra.s32 v17, $0xB;
	[tilespmem:s17+$0xFFFFFFF0] =	vst v63;
	v8 =	vld.idx.msk [tilespmem:v2+s2+$0x0], $0xffff  }
.LBB2_2:
0x3e: {  	s19 =	sadd.s32 $0x8, s19;
	v12 =	vand.u32 $0x7FF, v0;
	v13 =	vshra.s32 v0, $0xB;
	v11 =	vmul.u32 $0x6, v11;
	v14 =	vld.idx.msk [tilespmem:v3+s2+$0x0], $0xffff;
	[tilespmem:s17+$0xFFFFFFE0] =	vst v5;
	s15 =	sadd.s32 $0x80, s15;
	s18 =	sadd.s32 $0x80, s18  }
0x3f: {  	s16 =	sadd.s32 $0x80, s16;
	p0 =	slt.u32 s19, $0x178;
	v5 =	vand.u32 $0x7FF, v9;
	v9 =	vshra.s32 v9, $0xB;
	v12 =	vmul.u32 $0x6, v12;
	v15 =	vld.idx.msk [tilespmem:v1+s2+$0x0], $0xffff;
	[tilespmem:s17+$0xFFFFFFD0] =	vst v4;
	s17 =	smov.u32 s18  }
0x40: {  	v0 =	vld [tilespmem:s16+$0x0];
	v4 =	vand.u32 $0x7FF, v6;
	v5 =	vmul.u32 $0x6, v5;
	v10 =	vadd.s32 v10, v11  }
0x41: {  	v11 =	vld [tilespmem:s16+$0x30];
	v16 =	vand.u32 $0x7FF, v7;
	v4 =	vmul.u32 $0x6, v4;
	v12 =	vadd.s32 v13, v12  }
0x42: {  	v6 =	vshra.s32 v6, $0xB;
	v13 =	vld [tilespmem:s16+$0x20];
	v16 =	vmul.u32 $0x6, v16;
	v5 =	vadd.s32 v9, v5  }
0x43: {  	v7 =	vshra.s32 v7, $0xB;
	v9 =	vld [tilespmem:s16+$0xFFFFFFC0];
	[tilespmem:s15+$0xFFFFFFC0] =	vst v8;
	v4 =	vadd.s32 v6, v4  }
0x44: {  	v2 =	vld.idx.msk [tilespmem:v2+s10+$0x0], $0xffff;
	v6 =	vadd.s32 v7, v16;
	[tilespmem:s15+$0x30] =	vst v14  }
0x45: {  	v7 =	vld.idx.msk [tilespmem:v10+s2+$0x0], $0xffff;
	[tilespmem:s15+$0x20] =	vst v15  }
0x46: {  	v8 =	vand.u32 $0x7FF, v11;
	v3 =	vld.idx.msk [tilespmem:v3+s10+$0x0], $0xffff  }
0x47: {  	v8 =	vmul.u32 $0x6, v8;
	v14 =	vld.idx.msk [tilespmem:v12+s2+$0x0], $0xffff  }
0x48: {  	v15 =	vand.u32 $0x7FF, v9;
	v16 =	vld.idx.msk [tilespmem:v5+s2+$0x0], $0xffff  }
0x49: {  	v15 =	vmul.u32 $0x6, v15;
	v17 =	vld.idx.msk [tilespmem:v4+s2+$0x0], $0xffff  }
0x4a: {  	[tilespmem:s18+$0xFFFFFFC0] =	vst v2;
	v18 =	vld.idx.msk [tilespmem:v6+s2+$0x0], $0xffff  }
0x4b: {  	v19 =	vld [tilespmem:s16+$0x10];
	[tilespmem:s15+$0x10] =	vst v7  }
0x4c: {  	v7 =	vld.idx.msk [tilespmem:v10+s10+$0x0], $0xffff;
	[tilespmem:s18+$0x30] =	vst v3  }
0x4d: {  	[tilespmem:s15+$0x0] =	vst v14;
	v10 =	vld.idx.msk [tilespmem:v1+s10+$0x0], $0xffff  }
0x4e: {  	[tilespmem:s15+$0xFFFFFFF0] =	vst v16;
	v12 =	vld.idx.msk [tilespmem:v12+s10+$0x0], $0xffff  }
0x4f: {  	v3 =	vand.u32 $0x7FF, v13;
	v1 =	vshra.s32 v9, $0xB;
	[tilespmem:s15+$0xFFFFFFE0] =	vst v17;
	v14 =	vld.idx.msk [tilespmem:v5+s10+$0x0], $0xffff  }
0x50: {  	v2 =	vadd.s32 v1, v15;
	v1 =	vmul.u32 $0x6, v3;
	v3 =	vshra.s32 v11, $0xB;
	[tilespmem:s15+$0xFFFFFFD0] =	vst v18;
	v5 =	vld.idx.msk [tilespmem:v4+s10+$0x0], $0xffff  }
.Ltmp0:
0x51: {  	v11 =	vshra.s32 v13, $0xB;
	v3 =	vadd.s32 v3, v8;
	v4 =	vld.idx.msk [tilespmem:v6+s10+$0x0], $0xffff;
	(pc) =	sbr.rel @p0 .LBB2_2-.Ltmp0, $4  }
0x52: {  	v1 =	vadd.s32 v11, v1;
	v9 =	vld [tilespmem:s16+$0xFFFFFFF0];
	[tilespmem:s18+$0x10] =	vst v7  }
0x53: {  	v6 =	vld [tilespmem:s16+$0xFFFFFFE0];
	[tilespmem:s18+$0x20] =	vst v10  }
0x54: {  	v7 =	vld [tilespmem:s16+$0xFFFFFFD0];
	[tilespmem:s18+$0x0] =	vst v12  }
0x55: {  	v11 =	vand.u32 $0x7FF, v19;
	v10 =	vshra.s32 v19, $0xB;
	v8 =	vld.idx.msk [tilespmem:v2+s2+$0x0], $0xffff;
	[tilespmem:s18+$0xFFFFFFF0] =	vst v14  }
0x56: {  	_ =	sdelay $0x3  }
0x57: {  	v11 =	vmul.u32 $0x6, v11;
	v12 =	vand.u32 $0x7FF, v0;
	v48 =	vshra.s32 v0, $0xB;
	v13 =	vld.idx.msk [tilespmem:v3+s2+$0x0], $0xffff  }
0x58: {  	v14 =	vand.u32 $0x7FF, v9;
	v12 =	vmul.u32 $0x6, v12;
	v49 =	vshra.s32 v9, $0xB  }
0x59: {  	v10 =	vadd.s32 v10, v11;
	v50 =	vand.u32 $0x7FF, v6;
	v14 =	vmul.u32 $0x6, v14  }
0x5a: {  	s15 =	sadd.s32 $0x80, s15;
	v0 =	vadd.s32 v48, v12;
	v51 =	vand.u32 $0x7FF, v7;
	v11 =	vmul.u32 $0x6, v50  }
0x5b: {  	v52 =	vld.idx.msk [tilespmem:v1+s2+$0x0], $0xffff;
	v53 =	vshra.s32 v6, $0xB;
	v9 =	vadd.s32 v49, v14;
	v12 =	vmul.u32 $0x6, v51;
	[tilespmem:s15+$0xFFFFFFC0] =	vst v8  }
0x5c: {  	v54 =	vshra.s32 v7, $0xB;
	v6 =	vadd.s32 v53, v11;
	v2 =	vld.idx.msk [tilespmem:v2+s10+$0x0], $0xffff;
	[tilespmem:s15+$0x30] =	vst v13  }
0x5d: {  	v7 =	vadd.s32 v54, v12;
	v56 =	vld.idx.msk [tilespmem:v3+s10+$0x0], $0xffff  }
0x5e: {  	[tilespmem:s17+$0xFFFFFFE0] =	vst v5;
	v55 =	vld.idx.msk [tilespmem:v10+s2+$0x0], $0xffff  }
0x5f: {  	[tilespmem:s17+$0xFFFFFFD0] =	vst v4;
	v57 =	vld.idx.msk [tilespmem:v0+s2+$0x0], $0xffff  }
0x60: {  	s16 =	sadd.s32 $0x80, s18;
	[tilespmem:s15+$0x20] =	vst v52;
	v58 =	vld.idx.msk [tilespmem:v9+s2+$0x0], $0xffff  }
0x61: {  	v11 =	vld.idx.msk [tilespmem:v6+s2+$0x0], $0xffff;
	[tilespmem:s16+$0xFFFFFFC0] =	vst v2  }
0x62: {  	v59 =	vld.idx.msk [tilespmem:v7+s2+$0x0], $0xffff;
	[tilespmem:s16+$0x30] =	vst v56  }
0x63: {  	v60 =	vld.idx.msk [tilespmem:v1+s10+$0x0], $0xffff;
	[tilespmem:s15+$0x10] =	vst v55  }
0x64: {  	v8 =	vld.idx.msk [tilespmem:v10+s10+$0x0], $0xffff;
	[tilespmem:s15+$0x0] =	vst v57  }
0x65: {  	[tilespmem:s15+$0xFFFFFFF0] =	vst v58;
	v0 =	vld.idx.msk [tilespmem:v0+s10+$0x0], $0xffff  }
0x66: {  	[tilespmem:s15+$0xFFFFFFE0] =	vst v11;
	v61 =	vld.idx.msk [tilespmem:v9+s10+$0x0], $0xffff  }
0x67: {  	[tilespmem:s15+$0xFFFFFFD0] =	vst v59;
	v62 =	vld.idx.msk [tilespmem:v6+s10+$0x0], $0xffff  }
0x68: {  	[tilespmem:s16+$0x20] =	vst v60;
	v63 =	vld.idx.msk [tilespmem:v7+s10+$0x0], $0xffff  }
0x69: {  	[tilespmem:s16+$0x10] =	vst v8  }
0x6a: {  	[tilespmem:s16+$0x0] =	vst v0  }
0x6b: {  	[tilespmem:s16+$0xFFFFFFF0] =	vst v61  }
0x6c: {  	[tilespmem:s16+$0xFFFFFFE0] =	vst v62  }
0x6d: {  	[tilespmem:s16+$0xFFFFFFD0] =	vst v63  }
0x6e: {  	[hbm4b:s7+s2] =	stream.linear.scatter [tilespmem:s12], [sflag:$0x1], $0x1800, $0x38;
	[tilespmem:$0xA800] =	vst v63  }
0x6f: {  	s14 =	sadd.s32 $0x1, s14;
	_ =	swait.ge [sflag:s3], $0x1800  }
0x70: {  	p0 =	sne.s32 s14, s9;
	[sflag:s3] =	ssyncset.done $0x0  }
.Ltmp1:
0x71: {  	[sflag:s3] =	ssyncadd.s32 $0xFFFFE800;
	(pc) =	sbr.rel @p0 .LBB2_1-.Ltmp1, $4  }
0x72: {  	[hbm4b:s8+s2] =	stream.linear.scatter [tilespmem:s13], [sflag:$0x1], $0x1800, $0x38;
	[tilespmem:$0xA800] =	vst v63  }
0x73: {  	_ =	swait.ge [sflag:s3], $0x1800  }
0x74: {  	[sflag:s3] =	ssyncset.done $0x0  }
0x75: {  	[sflag:s3] =	ssyncadd.s32 $0xFFFFE800  }
0x76: {  	_ =	sfence.sel $0x180000  }
0x77: {  	[bflag:$0x0] =	sbarrier.arrive $0xFFFF  }
0x78: {  	p0 =	sne.s32 s0, $0x0;
	_ =	strace $0x90000047  }
0x79: {  	s0 =	sadd.s32 @!p0 $0x100000, s1;
	[bflag:$0x2] =	sbarrier.arrive $0xFFFF  }
0x7a: {  	[sflag:s0] =	ssyncadd.tile.s32 @!p0 $0x1;
	_ =	shalt  }
.Lfunc_end2:
_tile_overlayer_lowered:
.L_overlay_start_2:
0x7b: {  	(tag) =	ssettag $0x2  }
0x7c: {  	s0 =	rddreg [dreg:$0x0];
	s2 =	stileid.u32  }
0x7d: {  	s1 =	rddreg [dreg:$0x1];
	p0 =	sne.s32 s2, $0x0  }
0x7e: {  	s3 =	rddreg [dreg:$0x2];
	[bflag:$0x3] =	sbarrier.arrive $0xFFFF;
	s2 =	simm.s32 @!p0 $0x1C01  }
0x7f: {  	[timem:s3], [sflag:s2] =	dma.local @!p0 [hbm:s0], s1  }
0x80: {  	s0 =	simm.s32 @!p0 $0x1  }
0x81: {  	_ =	swait.ge @!p0 [sflag:s0], s1  }
0x82: {  	s1 =	ssub.s32 @!p0 $0x0, s1;
	[sflag:s0] =	ssyncset.done @!p0 $0x0  }
0x83: {  	[sflag:s0] =	ssyncadd.s32 @!p0 s1  }
0x84: {  	[bflag:$0x3] =	sbarrier.arrive $0xFFFF  }
0x85: {  	_ =	shalt  }

</sc_bundles>
